<compile_context>
chip_gen: v7x
topology: tpu7x:2x2x1
jax: 0.10.2.dev20260603
libtpu: 0.0.44.dev20260713+nightly
codegen_flags: <defaults>
</compile_context>

<pallas_src>
import functools

import jax
import jax.numpy as jnp
from jax import lax
from jax.experimental import pallas as pl
from jax.experimental.pallas import tpu as pltpu
from jax.experimental.pallas import tpu_sc as plsc

NUM_ITEMS = 100000
NUM_META = 1000
DM = 64
MT = 4
B = 16384
KNEG = 5
SLOTS = KNEG + 1

NC, NS, L = 2, 16, 16
NW = NC * NS
BPW = B // NW
SPT = BPW * SLOTS
CH = 64
NCHUNK = SPT // CH
GPC = CH // L

_mesh = plsc.VectorSubcoreMesh(core_axis_name="c", subcore_axis_name="s")


@functools.partial(
    pl.kernel,
    out_type=jax.ShapeDtypeStruct((B * SLOTS,), jnp.float32),
    mesh=_mesh,
    scratch_types=[
        pltpu.VMEM((BPW * DM,), jnp.float32),
        pltpu.VMEM((NUM_META * DM,), jnp.float32),
        pltpu.VMEM((SPT,), jnp.int32),
        pltpu.VMEM((SPT,), jnp.int32),
        pltpu.VMEM((CH, DM), jnp.float32),
        pltpu.VMEM((CH, DM), jnp.float32),
        pltpu.VMEM((CH, DM), jnp.float32),
        pltpu.VMEM((CH, DM), jnp.float32),
        pltpu.VMEM((SPT,), jnp.float32),
    ] + [pltpu.SemaphoreType.DMA] * 4,
    compiler_params=pltpu.CompilerParams(
        use_tc_tiling_on_sc=False, needs_layout_passes=False),
)
def _score_kernel(h_hbm, idx_hbm, item_hbm, meta_hbm, miw_hbm,
                  hrow_hbm, out_hbm,
                  h_v, meta_v, idx_v, hrow_v,
                  rows_a, miw_a, rows_b, miw_b,
                  out_v, *sems):
    wid = lax.axis_index("s") * NC + lax.axis_index("c")
    row0 = wid * BPW
    slot0 = row0 * SLOTS

    pltpu.sync_copy(h_hbm.at[pl.ds(row0 * DM, BPW * DM)], h_v)
    pltpu.sync_copy(meta_hbm, meta_v)
    pltpu.sync_copy(idx_hbm.at[pl.ds(slot0, SPT)], idx_v)
    pltpu.sync_copy(hrow_hbm, hrow_v)

    lanes = lax.iota(jnp.int32, L)

    bufs = ((rows_a, miw_a, sems[0:2]),
            (rows_b, miw_b, sems[2:4]))

    def issue(c, buf):
        rows_v, miw_v, s = buf
        idx_c = idx_v.at[pl.ds(c * CH, CH)]
        pltpu.async_copy(item_hbm.at[idx_c], rows_v, s[0])
        pltpu.async_copy(miw_hbm.at[idx_c], miw_v, s[1])

    def drain(buf):
        rows_v, miw_v, s = buf
        pltpu.make_async_copy(
            item_hbm.at[pl.ds(0, CH)], rows_v, s[0]).wait()
        pltpu.make_async_copy(
            miw_hbm.at[pl.ds(0, CH)], miw_v, s[1]).wait()

    def compute(c, buf):
        rows_v, miw_v, s = buf

        @pl.loop(0, GPC)
        def _group(g):
            sl = g * L + lanes
            off = c * CH + g * L
            hbase = hrow_v[pl.ds(off, L)]
            mbases = []
            ws = []
            for m in range(MT):
                msp = jnp.full((L,), m, jnp.int32)
                mi_m = plsc.load_gather(miw_v, [sl, msp]).astype(jnp.int32)
                mi_m = jnp.minimum(jnp.maximum(mi_m, 0), NUM_META - 1)
                mbases.append(mi_m * DM)
                ws.append(plsc.load_gather(miw_v, [sl, msp + MT]))

            accs = [jnp.zeros((L,), jnp.float32) for _ in range(4)]
            for d in range(DM):
                dl = (lanes + d) & (DM - 1)
                hv = plsc.load_gather(h_v, [hbase + dl])
                ev = plsc.load_gather(rows_v, [sl, dl])
                for m in range(MT):
                    ev = ev + ws[m] * plsc.load_gather(meta_v, [mbases[m] + dl])
                accs[d % 4] = accs[d % 4] + hv * ev
            acc = (accs[0] + accs[1]) + (accs[2] + accs[3])
            score = acc * (1.0 / (MT + 1))
            out_v[pl.ds(off, L)] = 1.0 / (1.0 + jnp.exp(-score))

    issue(0, bufs[0])

    @pl.loop(0, NCHUNK, step=2)
    def _chunk(c):
        issue(c + 1, bufs[1])
        drain(bufs[0])
        compute(c, bufs[0])

        @pl.when(c + 2 < NCHUNK)
        def _():
            issue(c + 2, bufs[0])
        drain(bufs[1])
        compute(c + 1, bufs[1])

    pltpu.sync_copy(out_v, out_hbm.at[pl.ds(slot0, SPT)])


def kernel(h, target_index, negative_sample, item_emb, meta_emb,
           item_meta_indicies, item_meta_weights):
    idx_all = jnp.concatenate(
        [target_index[:, None], negative_sample], axis=1
    ).astype(jnp.int32).reshape(-1)
    hrow_map = ((jnp.arange(SPT, dtype=jnp.int32) // SLOTS) * DM).astype(jnp.int32)
    miw = jnp.concatenate(
        [
            item_meta_indicies.astype(jnp.float32),
            item_meta_weights,
            jnp.zeros((NUM_ITEMS, DM - 2 * MT), jnp.float32),
        ],
        axis=1,
    )

    scores = _score_kernel(
        h.reshape(-1), idx_all, item_emb, meta_emb.reshape(-1), miw, hrow_map,
    ).reshape(B, SLOTS)

    pos_out = scores[:, :1]
    neg_out = scores[:, 1:]
    pos_label = jnp.ones((B, 1), dtype=jnp.float32)
    neg_label = jnp.zeros((B, KNEG), dtype=jnp.float32)
    return pos_out, pos_label, neg_out, neg_label

# --- scband reference (transcript-rebuilt; emitter-appended) ---
"""Pipeline reference for scband-weight-shared-negative-sampling-20366734917937 (READ-ONLY COPY).

The authoritative reference and input builder live on the scoring server;
editing this copy changes nothing except your own understanding.
"""

import jax, jax.numpy as jnp
import numpy as np

NUM_ITEMS = 100000
NUM_META = 1000
D_MODEL = 64
NUM_META_TYPES = 4
BATCH = 16384
NEG_K = 5


def setup_inputs(seed: int = 0) -> dict:
    key = jax.random.key(seed)
    k_h, k_ti, k_ns, k_ie, k_me, k_mi, k_mw = jax.random.split(key, 7)
    h = jax.random.normal(k_h, (BATCH, D_MODEL), dtype=jnp.float32)
    target_index = jax.random.randint(k_ti, (BATCH,), 0, NUM_ITEMS, dtype=jnp.int64 if jax.config.jax_enable_x64 else jnp.int32)
    negative_sample = jax.random.randint(k_ns, (BATCH, NEG_K), 0, NUM_ITEMS, dtype=jnp.int64 if jax.config.jax_enable_x64 else jnp.int32)
    # learned params (nn.Embedding weights, init normal std=0.1)
    item_emb = 0.1 * jax.random.normal(k_ie, (NUM_ITEMS, D_MODEL), dtype=jnp.float32)
    meta_emb = 0.1 * jax.random.normal(k_me, (NUM_META, D_MODEL), dtype=jnp.float32)
    # fixed buffers registered at construction time
    item_meta_indicies = jax.random.randint(k_mi, (NUM_ITEMS, NUM_META_TYPES), 0, NUM_META, dtype=jnp.int64 if jax.config.jax_enable_x64 else jnp.int32)
    item_meta_weights = jax.random.uniform(k_mw, (NUM_ITEMS, NUM_META_TYPES), dtype=jnp.float32)
    return {
        "h": h,
        "target_index": target_index,
        "negative_sample": negative_sample,
        "item_emb": item_emb,
        "meta_emb": meta_emb,
        "item_meta_indicies": item_meta_indicies,
        "item_meta_weights": item_meta_weights,
    }


def reference(h, target_index, negative_sample, item_emb, meta_emb, item_meta_indicies, item_meta_weights):
    batch_size = target_index.shape[0]
    d_model = h.shape[-1]
    denom = NUM_META_TYPES + 1

    # ---- positive branch ----
    mi = jnp.take(item_meta_indicies, target_index, axis=0)      # (B, M)
    mw = jnp.take(item_meta_weights, target_index, axis=0)        # (B, M)
    h_items = jnp.take(item_emb, target_index, axis=0)            # (B, d)
    h_item_meta = jnp.take(meta_emb, mi, axis=0)                  # (B, M, d)
    # calc_weighted_meta: h_meta.mT @ w  -> (B, d)
    h_meta_weighted = jnp.einsum("bmd,bm->bd", h_item_meta, mw)
    h_items = (h_items + h_meta_weighted) / denom
    pos_out = jax.nn.sigmoid(jnp.einsum("bd,bd->b", h, h_items)).reshape(batch_size, 1)
    pos_label = jnp.ones((batch_size, 1), dtype=jnp.float32)

    # ---- negative branch ----
    mi_n = jnp.take(item_meta_indicies, negative_sample, axis=0)  # (B, K, M)
    mw_n = jnp.take(item_meta_weights, negative_sample, axis=0)   # (B, K, M)
    h_items_n = jnp.take(item_emb, negative_sample, axis=0)       # (B, K, d)
    h_item_meta_n = jnp.take(meta_emb, mi_n, axis=0)              # (B, K, M, d)
    h_meta_weighted_n = jnp.einsum("bkmd,bkm->bkd", h_item_meta_n, mw_n)
    h_items_n = (h_items_n + h_meta_weighted_n) / denom           # (B, K, d)
    neg_out = jax.nn.sigmoid(jnp.einsum("bd,bkd->bk", h, h_items_n))
    neg_label = jnp.zeros((batch_size, NEG_K), dtype=jnp.float32)

    return pos_out, pos_label, neg_out, neg_label

if __name__ == "__main__":
    import jax
    _d = setup_inputs()
    print(jax.jit(kernel)(*tuple(_d.values())))

</pallas_src>

<mosaic_0001>
#map = affine_map<(d0, d1) -> (0)>
#map1 = affine_map<(d0, d1) -> (0, 0)>
module attributes {stable_mosaic.version = 14 : i64} {
  func.func @_score_kernel(%arg0: i32, %arg1: i32, %arg2: memref<1048576xf32, #tpu.memory_space<hbm>>, %arg3: memref<98304xi32, #tpu.memory_space<hbm>>, %arg4: memref<100000x64xf32, #tpu.memory_space<hbm>>, %arg5: memref<64000xf32, #tpu.memory_space<hbm>>, %arg6: memref<100000x64xf32, #tpu.memory_space<hbm>>, %arg7: memref<3072xi32, #tpu.memory_space<hbm>>, %arg8: memref<98304xf32, #tpu.memory_space<hbm>>, %arg9: memref<32768xf32, #tpu.memory_space<vmem>>, %arg10: memref<64000xf32, #tpu.memory_space<vmem>>, %arg11: memref<3072xi32, #tpu.memory_space<vmem>>, %arg12: memref<3072xi32, #tpu.memory_space<vmem>>, %arg13: memref<64x64xf32, #tpu.memory_space<vmem>>, %arg14: memref<64x64xf32, #tpu.memory_space<vmem>>, %arg15: memref<64x64xf32, #tpu.memory_space<vmem>>, %arg16: memref<64x64xf32, #tpu.memory_space<vmem>>, %arg17: memref<3072xf32, #tpu.memory_space<vmem>>, %arg18: memref<!tpu.dma_semaphore, #tpu.memory_space<semaphore_mem>>, %arg19: memref<!tpu.dma_semaphore, #tpu.memory_space<semaphore_mem>>, %arg20: memref<!tpu.dma_semaphore, #tpu.memory_space<semaphore_mem>>, %arg21: memref<!tpu.dma_semaphore, #tpu.memory_space<semaphore_mem>>) attributes {dimension_semantics = [#tpu.dimension_semantics<core_parallel>, #tpu.dimension_semantics<subcore_parallel>], iteration_bounds = array<i64: 2, 16>, scalar_prefetch = 0 : i64, scratch_operands = 13 : i64, tpu.core_type = #tpu.core_type<sc_vector_subcore>, window_params = [{transform_indices = #map}, {transform_indices = #map}, {transform_indices = #map1}, {transform_indices = #map}, {transform_indices = #map1}, {transform_indices = #map}, {transform_indices = #map}]} {
    %mul3A = arith.constant 2 : i32
    %mul3A_0 = arith.muli %arg1, %mul3A : i32
    %add3A = arith.addi %mul3A_0, %arg0 : i32
    %mul3A_1 = arith.constant 512 : i32
    %mul3A_2 = arith.muli %add3A, %mul3A_1 : i32
    %mul3A_3 = arith.constant 6 : i32
    %mul3A_4 = arith.muli %mul3A_2, %mul3A_3 : i32
    %mul3A_5 = arith.constant 64 : i32
    %mul3A_6 = arith.muli %mul3A_2, %mul3A_5 : i32
    "tpu.region"() ({
      %run_scoped3A = tpu.sem_alloc : memref<!tpu.dma_semaphore, #tpu.memory_space<semaphore_mem>>
      %dma_start3A_20 = tpu.memref_slice %arg2[%mul3A_6] : memref<1048576xf32, #tpu.memory_space<hbm>> -> memref<32768xf32, #tpu.memory_space<hbm>>
      %dma_start3A_21 = tpu.memref_slice %arg2[%mul3A_6] : memref<1048576xf32, #tpu.memory_space<hbm>> -> memref<32768xf32, #tpu.memory_space<hbm>>
      tpu.enqueue_dma source(%dma_start3A_21 : memref<32768xf32, #tpu.memory_space<hbm>>) target(%arg9 : memref<32768xf32, #tpu.memory_space<vmem>>) target_semaphore(%run_scoped3A : memref<!tpu.dma_semaphore, #tpu.memory_space<semaphore_mem>>)
      %dma_wait3A = tpu.memref_slice %arg2[%mul3A_6] : memref<1048576xf32, #tpu.memory_space<hbm>> -> memref<32768xf32, #tpu.memory_space<hbm>>
      %dma_wait3A_22 = tpu.memref_slice %arg2[%mul3A_6] : memref<1048576xf32, #tpu.memory_space<hbm>> -> memref<32768xf32, #tpu.memory_space<hbm>>
      tpu.wait_dma2 semaphore(%run_scoped3A : memref<!tpu.dma_semaphore, #tpu.memory_space<semaphore_mem>>) src(%dma_wait3A_22 : memref<32768xf32, #tpu.memory_space<hbm>>) dst(%arg9 : memref<32768xf32, #tpu.memory_space<vmem>>)
      tpu.yield
    }) : () -> ()
    "tpu.region"() ({
      %run_scoped3A = tpu.sem_alloc : memref<!tpu.dma_semaphore, #tpu.memory_space<semaphore_mem>>
      tpu.enqueue_dma source(%arg5 : memref<64000xf32, #tpu.memory_space<hbm>>) target(%arg10 : memref<64000xf32, #tpu.memory_space<vmem>>) target_semaphore(%run_scoped3A : memref<!tpu.dma_semaphore, #tpu.memory_space<semaphore_mem>>)
      tpu.wait_dma2 semaphore(%run_scoped3A : memref<!tpu.dma_semaphore, #tpu.memory_space<semaphore_mem>>) src(%arg5 : memref<64000xf32, #tpu.memory_space<hbm>>) dst(%arg10 : memref<64000xf32, #tpu.memory_space<vmem>>)
      tpu.yield
    }) : () -> ()
    "tpu.region"() ({
      %run_scoped3A = tpu.sem_alloc : memref<!tpu.dma_semaphore, #tpu.memory_space<semaphore_mem>>
      %dma_start3A_20 = tpu.memref_slice %arg3[%mul3A_4] : memref<98304xi32, #tpu.memory_space<hbm>> -> memref<3072xi32, #tpu.memory_space<hbm>>
      %dma_start3A_21 = tpu.memref_slice %arg3[%mul3A_4] : memref<98304xi32, #tpu.memory_space<hbm>> -> memref<3072xi32, #tpu.memory_space<hbm>>
      tpu.enqueue_dma source(%dma_start3A_21 : memref<3072xi32, #tpu.memory_space<hbm>>) target(%arg11 : memref<3072xi32, #tpu.memory_space<vmem>>) target_semaphore(%run_scoped3A : memref<!tpu.dma_semaphore, #tpu.memory_space<semaphore_mem>>)
      %dma_wait3A = tpu.memref_slice %arg3[%mul3A_4] : memref<98304xi32, #tpu.memory_space<hbm>> -> memref<3072xi32, #tpu.memory_space<hbm>>
      %dma_wait3A_22 = tpu.memref_slice %arg3[%mul3A_4] : memref<98304xi32, #tpu.memory_space<hbm>> -> memref<3072xi32, #tpu.memory_space<hbm>>
      tpu.wait_dma2 semaphore(%run_scoped3A : memref<!tpu.dma_semaphore, #tpu.memory_space<semaphore_mem>>) src(%dma_wait3A_22 : memref<3072xi32, #tpu.memory_space<hbm>>) dst(%arg11 : memref<3072xi32, #tpu.memory_space<vmem>>)
      tpu.yield
    }) : () -> ()
    "tpu.region"() ({
      %run_scoped3A = tpu.sem_alloc : memref<!tpu.dma_semaphore, #tpu.memory_space<semaphore_mem>>
      tpu.enqueue_dma source(%arg7 : memref<3072xi32, #tpu.memory_space<hbm>>) target(%arg12 : memref<3072xi32, #tpu.memory_space<vmem>>) target_semaphore(%run_scoped3A : memref<!tpu.dma_semaphore, #tpu.memory_space<semaphore_mem>>)
      tpu.wait_dma2 semaphore(%run_scoped3A : memref<!tpu.dma_semaphore, #tpu.memory_space<semaphore_mem>>) src(%arg7 : memref<3072xi32, #tpu.memory_space<hbm>>) dst(%arg12 : memref<3072xi32, #tpu.memory_space<vmem>>)
      tpu.yield
    }) : () -> ()
    %iota3A = tpu.iota {dimensions = array<i32: 0>} : vector<16xi32>
    %dma_start3A = arith.constant 0 : i32
    %dma_start3A_7 = tpu.memref_slice %arg11[%dma_start3A] : memref<3072xi32, #tpu.memory_space<vmem>> -> memref<64xi32, #tpu.memory_space<vmem>>
    %dma_start3A_8 = arith.constant 0 : i32
    %dma_start3A_9 = arith.constant 0 : i32
    %dma_start3A_10 = tpu.memref_slice %arg4[%dma_start3A_8, %dma_start3A_9] : memref<100000x64xf32, #tpu.memory_space<hbm>> -> memref<100000x64xf32, #tpu.memory_space<hbm>>
    tpu.enqueue_indirect_dma source(%dma_start3A_10 : memref<100000x64xf32, #tpu.memory_space<hbm>>) target(%arg13 : memref<64x64xf32, #tpu.memory_space<vmem>>) offsets(%dma_start3A_7 : memref<64xi32, #tpu.memory_space<vmem>>) semaphore(%arg18 : memref<!tpu.dma_semaphore, #tpu.memory_space<semaphore_mem>>)
    %dma_start3A_11 = arith.constant 0 : i32
    %dma_start3A_12 = tpu.memref_slice %arg11[%dma_start3A_11] : memref<3072xi32, #tpu.memory_space<vmem>> -> memref<64xi32, #tpu.memory_space<vmem>>
    %dma_start3A_13 = arith.constant 0 : i32
    %dma_start3A_14 = arith.constant 0 : i32
    %dma_start3A_15 = tpu.memref_slice %arg6[%dma_start3A_13, %dma_start3A_14] : memref<100000x64xf32, #tpu.memory_space<hbm>> -> memref<100000x64xf32, #tpu.memory_space<hbm>>
    tpu.enqueue_indirect_dma source(%dma_start3A_15 : memref<100000x64xf32, #tpu.memory_space<hbm>>) target(%arg14 : memref<64x64xf32, #tpu.memory_space<vmem>>) offsets(%dma_start3A_12 : memref<64xi32, #tpu.memory_space<vmem>>) semaphore(%arg19 : memref<!tpu.dma_semaphore, #tpu.memory_space<semaphore_mem>>)
    %scan3A = arith.constant 0 : i32
    %scan3A_16 = arith.constant 24 : i32
    %scan3A_17 = arith.addi %scan3A, %scan3A_16 : i32
    %scan3A_18 = arith.constant 1 : i32
    scf.for %scan3A_20 = %scan3A to %scan3A_17 step %scan3A_18  : i32 {
      %mul3A_21 = arith.constant 2 : i32
      %mul3A_22 = arith.muli %scan3A_20, %mul3A_21 : i32
      %add3A_23 = arith.constant 0 : i32
      %add3A_24 = arith.addi %add3A_23, %mul3A_22 : i32
      %add3A_25 = arith.constant 1 : i32
      %add3A_26 = arith.addi %add3A_24, %add3A_25 : i32
      %mul3A_27 = arith.constant 64 : i32
      %mul3A_28 = arith.muli %add3A_26, %mul3A_27 : i32
      %dma_start3A_29 = tpu.memref_slice %arg11[%mul3A_28] : memref<3072xi32, #tpu.memory_space<vmem>> -> memref<64xi32, #tpu.memory_space<vmem>>
      %dma_start3A_30 = arith.constant 0 : i32
      %dma_start3A_31 = arith.constant 0 : i32
      %dma_start3A_32 = tpu.memref_slice %arg4[%dma_start3A_30, %dma_start3A_31] : memref<100000x64xf32, #tpu.memory_space<hbm>> -> memref<100000x64xf32, #tpu.memory_space<hbm>>
      tpu.enqueue_indirect_dma source(%dma_start3A_32 : memref<100000x64xf32, #tpu.memory_space<hbm>>) target(%arg15 : memref<64x64xf32, #tpu.memory_space<vmem>>) offsets(%dma_start3A_29 : memref<64xi32, #tpu.memory_space<vmem>>) semaphore(%arg20 : memref<!tpu.dma_semaphore, #tpu.memory_space<semaphore_mem>>)
      %dma_start3A_33 = tpu.memref_slice %arg11[%mul3A_28] : memref<3072xi32, #tpu.memory_space<vmem>> -> memref<64xi32, #tpu.memory_space<vmem>>
      %dma_start3A_34 = arith.constant 0 : i32
      %dma_start3A_35 = arith.constant 0 : i32
      %dma_start3A_36 = tpu.memref_slice %arg6[%dma_start3A_34, %dma_start3A_35] : memref<100000x64xf32, #tpu.memory_space<hbm>> -> memref<100000x64xf32, #tpu.memory_space<hbm>>
      tpu.enqueue_indirect_dma source(%dma_start3A_36 : memref<100000x64xf32, #tpu.memory_space<hbm>>) target(%arg16 : memref<64x64xf32, #tpu.memory_space<vmem>>) offsets(%dma_start3A_33 : memref<64xi32, #tpu.memory_space<vmem>>) semaphore(%arg21 : memref<!tpu.dma_semaphore, #tpu.memory_space<semaphore_mem>>)
      %dma_wait3A = arith.constant 0 : i32
      %dma_wait3A_37 = arith.constant 0 : i32
      %dma_wait3A_38 = tpu.memref_slice %arg4[%dma_wait3A, %dma_wait3A_37] : memref<100000x64xf32, #tpu.memory_space<hbm>> -> memref<64x64xf32, #tpu.memory_space<hbm>>
      %dma_wait3A_39 = arith.constant 0 : i32
      %dma_wait3A_40 = arith.constant 0 : i32
      %dma_wait3A_41 = tpu.memref_slice %arg4[%dma_wait3A_39, %dma_wait3A_40] : memref<100000x64xf32, #tpu.memory_space<hbm>> -> memref<64x64xf32, #tpu.memory_space<hbm>>
      tpu.wait_dma2 semaphore(%arg18 : memref<!tpu.dma_semaphore, #tpu.memory_space<semaphore_mem>>) src(%dma_wait3A_41 : memref<64x64xf32, #tpu.memory_space<hbm>>) dst(%arg13 : memref<64x64xf32, #tpu.memory_space<vmem>>)
      %dma_wait3A_42 = arith.constant 0 : i32
      %dma_wait3A_43 = arith.constant 0 : i32
      %dma_wait3A_44 = tpu.memref_slice %arg6[%dma_wait3A_42, %dma_wait3A_43] : memref<100000x64xf32, #tpu.memory_space<hbm>> -> memref<64x64xf32, #tpu.memory_space<hbm>>
      %dma_wait3A_45 = arith.constant 0 : i32
      %dma_wait3A_46 = arith.constant 0 : i32
      %dma_wait3A_47 = tpu.memref_slice %arg6[%dma_wait3A_45, %dma_wait3A_46] : memref<100000x64xf32, #tpu.memory_space<hbm>> -> memref<64x64xf32, #tpu.memory_space<hbm>>
      tpu.wait_dma2 semaphore(%arg19 : memref<!tpu.dma_semaphore, #tpu.memory_space<semaphore_mem>>) src(%dma_wait3A_47 : memref<64x64xf32, #tpu.memory_space<hbm>>) dst(%arg14 : memref<64x64xf32, #tpu.memory_space<vmem>>)
      %scan3A_48 = arith.constant 0 : i32
      %scan3A_49 = arith.constant 4 : i32
      %scan3A_50 = arith.addi %scan3A_48, %scan3A_49 : i32
      %scan3A_51 = arith.constant 1 : i32
      scf.for %scan3A_76 = %scan3A_48 to %scan3A_50 step %scan3A_51  : i32 {
        %mul3A_77 = arith.constant 1 : i32
        %mul3A_78 = arith.muli %scan3A_76, %mul3A_77 : i32
        %add3A_79 = arith.constant 0 : i32
        %add3A_80 = arith.addi %add3A_79, %mul3A_78 : i32
        %mul3A_81 = arith.constant 16 : i32
        %mul3A_82 = arith.muli %add3A_80, %mul3A_81 : i32
        %add3A_83 = vector.broadcast %mul3A_82 : i32 to vector<16xi32>
        %add3A_84 = arith.addi %add3A_83, %iota3A : vector<16xi32>
        %mul3A_85 = arith.constant 64 : i32
        %mul3A_86 = arith.muli %add3A_24, %mul3A_85 : i32
        %mul3A_87 = arith.constant 16 : i32
        %mul3A_88 = arith.muli %add3A_80, %mul3A_87 : i32
        %add3A_89 = arith.addi %mul3A_86, %mul3A_88 : i32
        %get3A = arith.index_cast %add3A_89 : i32 to index
        %get3A_90 = tpu.vector_load %arg12[%get3A] {strides = array<i32>} : memref<3072xi32, #tpu.memory_space<vmem>>, vector<16xi32>,
        %broadcast_in_dim3A = arith.constant 0 : i32
        %broadcast_in_dim3A_91 = vector.broadcast %broadcast_in_dim3A : i32 to vector<16xi32>
        %gather3A = tpu.vector_load_idx %arg14[%add3A_84, %broadcast_in_dim3A_91] : memref<64x64xf32, #tpu.memory_space<vmem>>[vector<16xi32>, vector<16xi32>], vector<16xf32>,
        %convert_element_type3A_92 = arith.fptosi %gather3A : vector<16xf32> to vector<16xi32>
        %max3A = arith.constant 0 : i32
        %max3A_93 = vector.broadcast %max3A : i32 to vector<16xi32>
        %max3A_94 = arith.maxsi %convert_element_type3A_92, %max3A_93 : vector<16xi32>
        %min3A = arith.constant 999 : i32
        %min3A_95 = vector.broadcast %min3A : i32 to vector<16xi32>
        %min3A_96 = arith.minsi %max3A_94, %min3A_95 : vector<16xi32>
        %mul3A_97 = arith.constant 64 : i32
        %mul3A_98 = vector.broadcast %mul3A_97 : i32 to vector<16xi32>
        %mul3A_99 = arith.muli %min3A_96, %mul3A_98 : vector<16xi32>
        %add3A_100 = arith.constant 4 : i32
        %add3A_101 = vector.broadcast %add3A_100 : i32 to vector<16xi32>
        %add3A_102 = arith.addi %broadcast_in_dim3A_91, %add3A_101 : vector<16xi32>
        %gather3A_103 = tpu.vector_load_idx %arg14[%add3A_84, %add3A_102] : memref<64x64xf32, #tpu.memory_space<vmem>>[vector<16xi32>, vector<16xi32>], vector<16xf32>,
        %broadcast_in_dim3A_104 = arith.constant 1 : i32
        %broadcast_in_dim3A_105 = vector.broadcast %broadcast_in_dim3A_104 : i32 to vector<16xi32>
        %gather3A_106 = tpu.vector_load_idx %arg14[%add3A_84, %broadcast_in_dim3A_105] : memref<64x64xf32, #tpu.memory_space<vmem>>[vector<16xi32>, vector<16xi32>], vector<16xf32>,
        %convert_element_type3A_107 = arith.fptosi %gather3A_106 : vector<16xf32> to vector<16xi32>
        %max3A_108 = arith.constant 0 : i32
        %max3A_109 = vector.broadcast %max3A_108 : i32 to vector<16xi32>
        %max3A_110 = arith.maxsi %convert_element_type3A_107, %max3A_109 : vector<16xi32>
        %min3A_111 = arith.constant 999 : i32
        %min3A_112 = vector.broadcast %min3A_111 : i32 to vector<16xi32>
        %min3A_113 = arith.minsi %max3A_110, %min3A_112 : vector<16xi32>
        %mul3A_114 = arith.constant 64 : i32
        %mul3A_115 = vector.broadcast %mul3A_114 : i32 to vector<16xi32>
        %mul3A_116 = arith.muli %min3A_113, %mul3A_115 : vector<16xi32>
        %add3A_117 = arith.constant 4 : i32
        %add3A_118 = vector.broadcast %add3A_117 : i32 to vector<16xi32>
        %add3A_119 = arith.addi %broadcast_in_dim3A_105, %add3A_118 : vector<16xi32>
        %gather3A_120 = tpu.vector_load_idx %arg14[%add3A_84, %add3A_119] : memref<64x64xf32, #tpu.memory_space<vmem>>[vector<16xi32>, vector<16xi32>], vector<16xf32>,
        %broadcast_in_dim3A_121 = arith.constant 2 : i32
        %broadcast_in_dim3A_122 = vector.broadcast %broadcast_in_dim3A_121 : i32 to vector<16xi32>
        %gather3A_123 = tpu.vector_load_idx %arg14[%add3A_84, %broadcast_in_dim3A_122] : memref<64x64xf32, #tpu.memory_space<vmem>>[vector<16xi32>, vector<16xi32>], vector<16xf32>,
        %convert_element_type3A_124 = arith.fptosi %gather3A_123 : vector<16xf32> to vector<16xi32>
        %max3A_125 = arith.constant 0 : i32
        %max3A_126 = vector.broadcast %max3A_125 : i32 to vector<16xi32>
        %max3A_127 = arith.maxsi %convert_element_type3A_124, %max3A_126 : vector<16xi32>
        %min3A_128 = arith.constant 999 : i32
        %min3A_129 = vector.broadcast %min3A_128 : i32 to vector<16xi32>
        %min3A_130 = arith.minsi %max3A_127, %min3A_129 : vector<16xi32>
        %mul3A_131 = arith.constant 64 : i32
        %mul3A_132 = vector.broadcast %mul3A_131 : i32 to vector<16xi32>
        %mul3A_133 = arith.muli %min3A_130, %mul3A_132 : vector<16xi32>
        %add3A_134 = arith.constant 4 : i32
        %add3A_135 = vector.broadcast %add3A_134 : i32 to vector<16xi32>
        %add3A_136 = arith.addi %broadcast_in_dim3A_122, %add3A_135 : vector<16xi32>
        %gather3A_137 = tpu.vector_load_idx %arg14[%add3A_84, %add3A_136] : memref<64x64xf32, #tpu.memory_space<vmem>>[vector<16xi32>, vector<16xi32>], vector<16xf32>,
        %broadcast_in_dim3A_138 = arith.constant 3 : i32
        %broadcast_in_dim3A_139 = vector.broadcast %broadcast_in_dim3A_138 : i32 to vector<16xi32>
        %gather3A_140 = tpu.vector_load_idx %arg14[%add3A_84, %broadcast_in_dim3A_139] : memref<64x64xf32, #tpu.memory_space<vmem>>[vector<16xi32>, vector<16xi32>], vector<16xf32>,
        %convert_element_type3A_141 = arith.fptosi %gather3A_140 : vector<16xf32> to vector<16xi32>
        %max3A_142 = arith.constant 0 : i32
        %max3A_143 = vector.broadcast %max3A_142 : i32 to vector<16xi32>
        %max3A_144 = arith.maxsi %convert_element_type3A_141, %max3A_143 : vector<16xi32>
        %min3A_145 = arith.constant 999 : i32
        %min3A_146 = vector.broadcast %min3A_145 : i32 to vector<16xi32>
        %min3A_147 = arith.minsi %max3A_144, %min3A_146 : vector<16xi32>
        %mul3A_148 = arith.constant 64 : i32
        %mul3A_149 = vector.broadcast %mul3A_148 : i32 to vector<16xi32>
        %mul3A_150 = arith.muli %min3A_147, %mul3A_149 : vector<16xi32>
        %add3A_151 = arith.constant 4 : i32
        %add3A_152 = vector.broadcast %add3A_151 : i32 to vector<16xi32>
        %add3A_153 = arith.addi %broadcast_in_dim3A_139, %add3A_152 : vector<16xi32>
        %gather3A_154 = tpu.vector_load_idx %arg14[%add3A_84, %add3A_153] : memref<64x64xf32, #tpu.memory_space<vmem>>[vector<16xi32>, vector<16xi32>], vector<16xf32>,
        %broadcast_in_dim3A_155 = arith.constant 0.000000e+00 : f32
        %broadcast_in_dim3A_156 = vector.broadcast %broadcast_in_dim3A_155 : f32 to vector<16xf32>
        %broadcast_in_dim3A_157 = arith.constant 0.000000e+00 : f32
        %broadcast_in_dim3A_158 = vector.broadcast %broadcast_in_dim3A_157 : f32 to vector<16xf32>
        %broadcast_in_dim3A_159 = arith.constant 0.000000e+00 : f32
        %broadcast_in_dim3A_160 = vector.broadcast %broadcast_in_dim3A_159 : f32 to vector<16xf32>
        %broadcast_in_dim3A_161 = arith.constant 0.000000e+00 : f32
        %broadcast_in_dim3A_162 = vector.broadcast %broadcast_in_dim3A_161 : f32 to vector<16xf32>
        %add3A_163 = arith.constant 0 : i32
        %add3A_164 = vector.broadcast %add3A_163 : i32 to vector<16xi32>
        %add3A_165 = arith.addi %iota3A, %add3A_164 : vector<16xi32>
        %and3A = arith.constant 63 : i32
        %and3A_166 = vector.broadcast %and3A : i32 to vector<16xi32>
        %and3A_167 = arith.andi %add3A_165, %and3A_166 : vector<16xi32>
        %add3A_168 = arith.addi %get3A_90, %and3A_167 : vector<16xi32>
        %gather3A_169 = tpu.vector_load_idx %arg9[%add3A_168] : memref<32768xf32, #tpu.memory_space<vmem>>[vector<16xi32>], vector<16xf32>,
        %gather3A_170 = tpu.vector_load_idx %arg13[%add3A_84, %and3A_167] : memref<64x64xf32, #tpu.memory_space<vmem>>[vector<16xi32>, vector<16xi32>], vector<16xf32>,
        %add3A_171 = arith.addi %mul3A_99, %and3A_167 : vector<16xi32>
        %gather3A_172 = tpu.vector_load_idx %arg10[%add3A_171] : memref<64000xf32, #tpu.memory_space<vmem>>[vector<16xi32>], vector<16xf32>,
        %mul3A_173 = arith.mulf %gather3A_103, %gather3A_172 : vector<16xf32>
        %add3A_174 = arith.addf %gather3A_170, %mul3A_173 : vector<16xf32>
        %add3A_175 = arith.addi %mul3A_116, %and3A_167 : vector<16xi32>
        %gather3A_176 = tpu.vector_load_idx %arg10[%add3A_175] : memref<64000xf32, #tpu.memory_space<vmem>>[vector<16xi32>], vector<16xf32>,
        %mul3A_177 = arith.mulf %gather3A_120, %gather3A_176 : vector<16xf32>
        %add3A_178 = arith.addf %add3A_174, %mul3A_177 : vector<16xf32>
        %add3A_179 = arith.addi %mul3A_133, %and3A_167 : vector<16xi32>
        %gather3A_180 = tpu.vector_load_idx %arg10[%add3A_179] : memref<64000xf32, #tpu.memory_space<vmem>>[vector<16xi32>], vector<16xf32>,
        %mul3A_181 = arith.mulf %gather3A_137, %gather3A_180 : vector<16xf32>
        %add3A_182 = arith.addf %add3A_178, %mul3A_181 : vector<16xf32>
        %add3A_183 = arith.addi %mul3A_150, %and3A_167 : vector<16xi32>
        %gather3A_184 = tpu.vector_load_idx %arg10[%add3A_183] : memref<64000xf32, #tpu.memory_space<vmem>>[vector<16xi32>], vector<16xf32>,
        %mul3A_185 = arith.mulf %gather3A_154, %gather3A_184 : vector<16xf32>
        %add3A_186 = arith.addf %add3A_182, %mul3A_185 : vector<16xf32>
        %mul3A_187 = arith.mulf %gather3A_169, %add3A_186 : vector<16xf32>
        %add3A_188 = arith.addf %broadcast_in_dim3A_156, %mul3A_187 : vector<16xf32>
        %add3A_189 = arith.constant 1 : i32
        %add3A_190 = vector.broadcast %add3A_189 : i32 to vector<16xi32>
        %add3A_191 = arith.addi %iota3A, %add3A_190 : vector<16xi32>
        %and3A_192 = arith.constant 63 : i32
        %and3A_193 = vector.broadcast %and3A_192 : i32 to vector<16xi32>
        %and3A_194 = arith.andi %add3A_191, %and3A_193 : vector<16xi32>
        %add3A_195 = arith.addi %get3A_90, %and3A_194 : vector<16xi32>
        %gather3A_196 = tpu.vector_load_idx %arg9[%add3A_195] : memref<32768xf32, #tpu.memory_space<vmem>>[vector<16xi32>], vector<16xf32>,
        %gather3A_197 = tpu.vector_load_idx %arg13[%add3A_84, %and3A_194] : memref<64x64xf32, #tpu.memory_space<vmem>>[vector<16xi32>, vector<16xi32>], vector<16xf32>,
        %add3A_198 = arith.addi %mul3A_99, %and3A_194 : vector<16xi32>
        %gather3A_199 = tpu.vector_load_idx %arg10[%add3A_198] : memref<64000xf32, #tpu.memory_space<vmem>>[vector<16xi32>], vector<16xf32>,
        %mul3A_200 = arith.mulf %gather3A_103, %gather3A_199 : vector<16xf32>
        %add3A_201 = arith.addf %gather3A_197, %mul3A_200 : vector<16xf32>
        %add3A_202 = arith.addi %mul3A_116, %and3A_194 : vector<16xi32>
        %gather3A_203 = tpu.vector_load_idx %arg10[%add3A_202] : memref<64000xf32, #tpu.memory_space<vmem>>[vector<16xi32>], vector<16xf32>,
        %mul3A_204 = arith.mulf %gather3A_120, %gather3A_203 : vector<16xf32>
        %add3A_205 = arith.addf %add3A_201, %mul3A_204 : vector<16xf32>
        %add3A_206 = arith.addi %mul3A_133, %and3A_194 : vector<16xi32>
        %gather3A_207 = tpu.vector_load_idx %arg10[%add3A_206] : memref<64000xf32, #tpu.memory_space<vmem>>[vector<16xi32>], vector<16xf32>,
        %mul3A_208 = arith.mulf %gather3A_137, %gather3A_207 : vector<16xf32>
        %add3A_209 = arith.addf %add3A_205, %mul3A_208 : vector<16xf32>
        %add3A_210 = arith.addi %mul3A_150, %and3A_194 : vector<16xi32>
        %gather3A_211 = tpu.vector_load_idx %arg10[%add3A_210] : memref<64000xf32, #tpu.memory_space<vmem>>[vector<16xi32>], vector<16xf32>,
        %mul3A_212 = arith.mulf %gather3A_154, %gather3A_211 : vector<16xf32>
        %add3A_213 = arith.addf %add3A_209, %mul3A_212 : vector<16xf32>
        %mul3A_214 = arith.mulf %gather3A_196, %add3A_213 : vector<16xf32>
        %add3A_215 = arith.addf %broadcast_in_dim3A_158, %mul3A_214 : vector<16xf32>
        %add3A_216 = arith.constant 2 : i32
        %add3A_217 = vector.broadcast %add3A_216 : i32 to vector<16xi32>
        %add3A_218 = arith.addi %iota3A, %add3A_217 : vector<16xi32>
        %and3A_219 = arith.constant 63 : i32
        %and3A_220 = vector.broadcast %and3A_219 : i32 to vector<16xi32>
        %and3A_221 = arith.andi %add3A_218, %and3A_220 : vector<16xi32>
        %add3A_222 = arith.addi %get3A_90, %and3A_221 : vector<16xi32>
        %gather3A_223 = tpu.vector_load_idx %arg9[%add3A_222] : memref<32768xf32, #tpu.memory_space<vmem>>[vector<16xi32>], vector<16xf32>,
        %gather3A_224 = tpu.vector_load_idx %arg13[%add3A_84, %and3A_221] : memref<64x64xf32, #tpu.memory_space<vmem>>[vector<16xi32>, vector<16xi32>], vector<16xf32>,
        %add3A_225 = arith.addi %mul3A_99, %and3A_221 : vector<16xi32>
        %gather3A_226 = tpu.vector_load_idx %arg10[%add3A_225] : memref<64000xf32, #tpu.memory_space<vmem>>[vector<16xi32>], vector<16xf32>,
        %mul3A_227 = arith.mulf %gather3A_103, %gather3A_226 : vector<16xf32>
        %add3A_228 = arith.addf %gather3A_224, %mul3A_227 : vector<16xf32>
        %add3A_229 = arith.addi %mul3A_116, %and3A_221 : vector<16xi32>
        %gather3A_230 = tpu.vector_load_idx %arg10[%add3A_229] : memref<64000xf32, #tpu.memory_space<vmem>>[vector<16xi32>], vector<16xf32>,
        %mul3A_231 = arith.mulf %gather3A_120, %gather3A_230 : vector<16xf32>
        %add3A_232 = arith.addf %add3A_228, %mul3A_231 : vector<16xf32>
        %add3A_233 = arith.addi %mul3A_133, %and3A_221 : vector<16xi32>
        %gather3A_234 = tpu.vector_load_idx %arg10[%add3A_233] : memref<64000xf32, #tpu.memory_space<vmem>>[vector<16xi32>], vector<16xf32>,
        %mul3A_235 = arith.mulf %gather3A_137, %gather3A_234 : vector<16xf32>
        %add3A_236 = arith.addf %add3A_232, %mul3A_235 : vector<16xf32>
        %add3A_237 = arith.addi %mul3A_150, %and3A_221 : vector<16xi32>
        %gather3A_238 = tpu.vector_load_idx %arg10[%add3A_237] : memref<64000xf32, #tpu.memory_space<vmem>>[vector<16xi32>], vector<16xf32>,
        %mul3A_239 = arith.mulf %gather3A_154, %gather3A_238 : vector<16xf32>
        %add3A_240 = arith.addf %add3A_236, %mul3A_239 : vector<16xf32>
        %mul3A_241 = arith.mulf %gather3A_223, %add3A_240 : vector<16xf32>
        %add3A_242 = arith.addf %broadcast_in_dim3A_160, %mul3A_241 : vector<16xf32>
        %add3A_243 = arith.constant 3 : i32
        %add3A_244 = vector.broadcast %add3A_243 : i32 to vector<16xi32>
        %add3A_245 = arith.addi %iota3A, %add3A_244 : vector<16xi32>
        %and3A_246 = arith.constant 63 : i32
        %and3A_247 = vector.broadcast %and3A_246 : i32 to vector<16xi32>
        %and3A_248 = arith.andi %add3A_245, %and3A_247 : vector<16xi32>
        %add3A_249 = arith.addi %get3A_90, %and3A_248 : vector<16xi32>
        %gather3A_250 = tpu.vector_load_idx %arg9[%add3A_249] : memref<32768xf32, #tpu.memory_space<vmem>>[vector<16xi32>], vector<16xf32>,
        %gather3A_251 = tpu.vector_load_idx %arg13[%add3A_84, %and3A_248] : memref<64x64xf32, #tpu.memory_space<vmem>>[vector<16xi32>, vector<16xi32>], vector<16xf32>,
        %add3A_252 = arith.addi %mul3A_99, %and3A_248 : vector<16xi32>
        %gather3A_253 = tpu.vector_load_idx %arg10[%add3A_252] : memref<64000xf32, #tpu.memory_space<vmem>>[vector<16xi32>], vector<16xf32>,
        %mul3A_254 = arith.mulf %gather3A_103, %gather3A_253 : vector<16xf32>
        %add3A_255 = arith.addf %gather3A_251, %mul3A_254 : vector<16xf32>
        %add3A_256 = arith.addi %mul3A_116, %and3A_248 : vector<16xi32>
        %gather3A_257 = tpu.vector_load_idx %arg10[%add3A_256] : memref<64000xf32, #tpu.memory_space<vmem>>[vector<16xi32>], vector<16xf32>,
        %mul3A_258 = arith.mulf %gather3A_120, %gather3A_257 : vector<16xf32>
        %add3A_259 = arith.addf %add3A_255, %mul3A_258 : vector<16xf32>
        %add3A_260 = arith.addi %mul3A_133, %and3A_248 : vector<16xi32>
        %gather3A_261 = tpu.vector_load_idx %arg10[%add3A_260] : memref<64000xf32, #tpu.memory_space<vmem>>[vector<16xi32>], vector<16xf32>,
        %mul3A_262 = arith.mulf %gather3A_137, %gather3A_261 : vector<16xf32>
        %add3A_263 = arith.addf %add3A_259, %mul3A_262 : vector<16xf32>
        %add3A_264 = arith.addi %mul3A_150, %and3A_248 : vector<16xi32>
        %gather3A_265 = tpu.vector_load_idx %arg10[%add3A_264] : memref<64000xf32, #tpu.memory_space<vmem>>[vector<16xi32>], vector<16xf32>,
        %mul3A_266 = arith.mulf %gather3A_154, %gather3A_265 : vector<16xf32>
        %add3A_267 = arith.addf %add3A_263, %mul3A_266 : vector<16xf32>
        %mul3A_268 = arith.mulf %gather3A_250, %add3A_267 : vector<16xf32>
        %add3A_269 = arith.addf %broadcast_in_dim3A_162, %mul3A_268 : vector<16xf32>
        %add3A_270 = arith.constant 4 : i32
        %add3A_271 = vector.broadcast %add3A_270 : i32 to vector<16xi32>
        %add3A_272 = arith.addi %iota3A, %add3A_271 : vector<16xi32>
        %and3A_273 = arith.constant 63 : i32
        %and3A_274 = vector.broadcast %and3A_273 : i32 to vector<16xi32>
        %and3A_275 = arith.andi %add3A_272, %and3A_274 : vector<16xi32>
        %add3A_276 = arith.addi %get3A_90, %and3A_275 : vector<16xi32>
        %gather3A_277 = tpu.vector_load_idx %arg9[%add3A_276] : memref<32768xf32, #tpu.memory_space<vmem>>[vector<16xi32>], vector<16xf32>,
        %gather3A_278 = tpu.vector_load_idx %arg13[%add3A_84, %and3A_275] : memref<64x64xf32, #tpu.memory_space<vmem>>[vector<16xi32>, vector<16xi32>], vector<16xf32>,
        %add3A_279 = arith.addi %mul3A_99, %and3A_275 : vector<16xi32>
        %gather3A_280 = tpu.vector_load_idx %arg10[%add3A_279] : memref<64000xf32, #tpu.memory_space<vmem>>[vector<16xi32>], vector<16xf32>,
        %mul3A_281 = arith.mulf %gather3A_103, %gather3A_280 : vector<16xf32>
        %add3A_282 = arith.addf %gather3A_278, %mul3A_281 : vector<16xf32>
        %add3A_283 = arith.addi %mul3A_116, %and3A_275 : vector<16xi32>
        %gather3A_284 = tpu.vector_load_idx %arg10[%add3A_283] : memref<64000xf32, #tpu.memory_space<vmem>>[vector<16xi32>], vector<16xf32>,
        %mul3A_285 = arith.mulf %gather3A_120, %gather3A_284 : vector<16xf32>
        %add3A_286 = arith.addf %add3A_282, %mul3A_285 : vector<16xf32>
        %add3A_287 = arith.addi %mul3A_133, %and3A_275 : vector<16xi32>
        %gather3A_288 = tpu.vector_load_idx %arg10[%add3A_287] : memref<64000xf32, #tpu.memory_space<vmem>>[vector<16xi32>], vector<16xf32>,
        %mul3A_289 = arith.mulf %gather3A_137, %gather3A_288 : vector<16xf32>
        %add3A_290 = arith.addf %add3A_286, %mul3A_289 : vector<16xf32>
        %add3A_291 = arith.addi %mul3A_150, %and3A_275 : vector<16xi32>
        %gather3A_292 = tpu.vector_load_idx %arg10[%add3A_291] : memref<64000xf32, #tpu.memory_space<vmem>>[vector<16xi32>], vector<16xf32>,
        %mul3A_293 = arith.mulf %gather3A_154, %gather3A_292 : vector<16xf32>
        %add3A_294 = arith.addf %add3A_290, %mul3A_293 : vector<16xf32>
        %mul3A_295 = arith.mulf %gather3A_277, %add3A_294 : vector<16xf32>
        %add3A_296 = arith.addf %add3A_188, %mul3A_295 : vector<16xf32>
        %add3A_297 = arith.constant 5 : i32
        %add3A_298 = vector.broadcast %add3A_297 : i32 to vector<16xi32>
        %add3A_299 = arith.addi %iota3A, %add3A_298 : vector<16xi32>
        %and3A_300 = arith.constant 63 : i32
        %and3A_301 = vector.broadcast %and3A_300 : i32 to vector<16xi32>
        %and3A_302 = arith.andi %add3A_299, %and3A_301 : vector<16xi32>
        %add3A_303 = arith.addi %get3A_90, %and3A_302 : vector<16xi32>
        %gather3A_304 = tpu.vector_load_idx %arg9[%add3A_303] : memref<32768xf32, #tpu.memory_space<vmem>>[vector<16xi32>], vector<16xf32>,
        %gather3A_305 = tpu.vector_load_idx %arg13[%add3A_84, %and3A_302] : memref<64x64xf32, #tpu.memory_space<vmem>>[vector<16xi32>, vector<16xi32>], vector<16xf32>,
        %add3A_306 = arith.addi %mul3A_99, %and3A_302 : vector<16xi32>
        %gather3A_307 = tpu.vector_load_idx %arg10[%add3A_306] : memref<64000xf32, #tpu.memory_space<vmem>>[vector<16xi32>], vector<16xf32>,
        %mul3A_308 = arith.mulf %gather3A_103, %gather3A_307 : vector<16xf32>
        %add3A_309 = arith.addf %gather3A_305, %mul3A_308 : vector<16xf32>
        %add3A_310 = arith.addi %mul3A_116, %and3A_302 : vector<16xi32>
        %gather3A_311 = tpu.vector_load_idx %arg10[%add3A_310] : memref<64000xf32, #tpu.memory_space<vmem>>[vector<16xi32>], vector<16xf32>,
        %mul3A_312 = arith.mulf %gather3A_120, %gather3A_311 : vector<16xf32>
        %add3A_313 = arith.addf %add3A_309, %mul3A_312 : vector<16xf32>
        %add3A_314 = arith.addi %mul3A_133, %and3A_302 : vector<16xi32>
        %gather3A_315 = tpu.vector_load_idx %arg10[%add3A_314] : memref<64000xf32, #tpu.memory_space<vmem>>[vector<16xi32>], vector<16xf32>,
        %mul3A_316 = arith.mulf %gather3A_137, %gather3A_315 : vector<16xf32>
        %add3A_317 = arith.addf %add3A_313, %mul3A_316 : vector<16xf32>
        %add3A_318 = arith.addi %mul3A_150, %and3A_302 : vector<16xi32>
        %gather3A_319 = tpu.vector_load_idx %arg10[%add3A_318] : memref<64000xf32, #tpu.memory_space<vmem>>[vector<16xi32>], vector<16xf32>,
        %mul3A_320 = arith.mulf %gather3A_154, %gather3A_319 : vector<16xf32>
        %add3A_321 = arith.addf %add3A_317, %mul3A_320 : vector<16xf32>
        %mul3A_322 = arith.mulf %gather3A_304, %add3A_321 : vector<16xf32>
        %add3A_323 = arith.addf %add3A_215, %mul3A_322 : vector<16xf32>
        %add3A_324 = arith.constant 6 : i32
        %add3A_325 = vector.broadcast %add3A_324 : i32 to vector<16xi32>
        %add3A_326 = arith.addi %iota3A, %add3A_325 : vector<16xi32>
        %and3A_327 = arith.constant 63 : i32
        %and3A_328 = vector.broadcast %and3A_327 : i32 to vector<16xi32>
        %and3A_329 = arith.andi %add3A_326, %and3A_328 : vector<16xi32>
        %add3A_330 = arith.addi %get3A_90, %and3A_329 : vector<16xi32>
        %gather3A_331 = tpu.vector_load_idx %arg9[%add3A_330] : memref<32768xf32, #tpu.memory_space<vmem>>[vector<16xi32>], vector<16xf32>,
        %gather3A_332 = tpu.vector_load_idx %arg13[%add3A_84, %and3A_329] : memref<64x64xf32, #tpu.memory_space<vmem>>[vector<16xi32>, vector<16xi32>], vector<16xf32>,
        %add3A_333 = arith.addi %mul3A_99, %and3A_329 : vector<16xi32>
        %gather3A_334 = tpu.vector_load_idx %arg10[%add3A_333] : memref<64000xf32, #tpu.memory_space<vmem>>[vector<16xi32>], vector<16xf32>,
        %mul3A_335 = arith.mulf %gather3A_103, %gather3A_334 : vector<16xf32>
        %add3A_336 = arith.addf %gather3A_332, %mul3A_335 : vector<16xf32>
        %add3A_337 = arith.addi %mul3A_116, %and3A_329 : vector<16xi32>
        %gather3A_338 = tpu.vector_load_idx %arg10[%add3A_337] : memref<64000xf32, #tpu.memory_space<vmem>>[vector<16xi32>], vector<16xf32>,
        %mul3A_339 = arith.mulf %gather3A_120, %gather3A_338 : vector<16xf32>
        %add3A_340 = arith.addf %add3A_336, %mul3A_339 : vector<16xf32>
        %add3A_341 = arith.addi %mul3A_133, %and3A_329 : vector<16xi32>
        %gather3A_342 = tpu.vector_load_idx %arg10[%add3A_341] : memref<64000xf32, #tpu.memory_space<vmem>>[vector<16xi32>], vector<16xf32>,
        %mul3A_343 = arith.mulf %gather3A_137, %gather3A_342 : vector<16xf32>
        %add3A_344 = arith.addf %add3A_340, %mul3A_343 : vector<16xf32>
        %add3A_345 = arith.addi %mul3A_150, %and3A_329 : vector<16xi32>
        %gather3A_346 = tpu.vector_load_idx %arg10[%add3A_345] : memref<64000xf32, #tpu.memory_space<vmem>>[vector<16xi32>], vector<16xf32>,
        %mul3A_347 = arith.mulf %gather3A_154, %gather3A_346 : vector<16xf32>
        %add3A_348 = arith.addf %add3A_344, %mul3A_347 : vector<16xf32>
        %mul3A_349 = arith.mulf %gather3A_331, %add3A_348 : vector<16xf32>
        %add3A_350 = arith.addf %add3A_242, %mul3A_349 : vector<16xf32>
        %add3A_351 = arith.constant 7 : i32
        %add3A_352 = vector.broadcast %add3A_351 : i32 to vector<16xi32>
        %add3A_353 = arith.addi %iota3A, %add3A_352 : vector<16xi32>
        %and3A_354 = arith.constant 63 : i32
        %and3A_355 = vector.broadcast %and3A_354 : i32 to vector<16xi32>
        %and3A_356 = arith.andi %add3A_353, %and3A_355 : vector<16xi32>
        %add3A_357 = arith.addi %get3A_90, %and3A_356 : vector<16xi32>
        %gather3A_358 = tpu.vector_load_idx %arg9[%add3A_357] : memref<32768xf32, #tpu.memory_space<vmem>>[vector<16xi32>], vector<16xf32>,
        %gather3A_359 = tpu.vector_load_idx %arg13[%add3A_84, %and3A_356] : memref<64x64xf32, #tpu.memory_space<vmem>>[vector<16xi32>, vector<16xi32>], vector<16xf32>,
        %add3A_360 = arith.addi %mul3A_99, %and3A_356 : vector<16xi32>
        %gather3A_361 = tpu.vector_load_idx %arg10[%add3A_360] : memref<64000xf32, #tpu.memory_space<vmem>>[vector<16xi32>], vector<16xf32>,
        %mul3A_362 = arith.mulf %gather3A_103, %gather3A_361 : vector<16xf32>
        %add3A_363 = arith.addf %gather3A_359, %mul3A_362 : vector<16xf32>
        %add3A_364 = arith.addi %mul3A_116, %and3A_356 : vector<16xi32>
        %gather3A_365 = tpu.vector_load_idx %arg10[%add3A_364] : memref<64000xf32, #tpu.memory_space<vmem>>[vector<16xi32>], vector<16xf32>,
        %mul3A_366 = arith.mulf %gather3A_120, %gather3A_365 : vector<16xf32>
        %add3A_367 = arith.addf %add3A_363, %mul3A_366 : vector<16xf32>
        %add3A_368 = arith.addi %mul3A_133, %and3A_356 : vector<16xi32>
        %gather3A_369 = tpu.vector_load_idx %arg10[%add3A_368] : memref<64000xf32, #tpu.memory_space<vmem>>[vector<16xi32>], vector<16xf32>,
        %mul3A_370 = arith.mulf %gather3A_137, %gather3A_369 : vector<16xf32>
        %add3A_371 = arith.addf %add3A_367, %mul3A_370 : vector<16xf32>
        %add3A_372 = arith.addi %mul3A_150, %and3A_356 : vector<16xi32>
        %gather3A_373 = tpu.vector_load_idx %arg10[%add3A_372] : memref<64000xf32, #tpu.memory_space<vmem>>[vector<16xi32>], vector<16xf32>,
        %mul3A_374 = arith.mulf %gather3A_154, %gather3A_373 : vector<16xf32>
        %add3A_375 = arith.addf %add3A_371, %mul3A_374 : vector<16xf32>
        %mul3A_376 = arith.mulf %gather3A_358, %add3A_375 : vector<16xf32>
        %add3A_377 = arith.addf %add3A_269, %mul3A_376 : vector<16xf32>
        %add3A_378 = arith.constant 8 : i32
        %add3A_379 = vector.broadcast %add3A_378 : i32 to vector<16xi32>
        %add3A_380 = arith.addi %iota3A, %add3A_379 : vector<16xi32>
        %and3A_381 = arith.constant 63 : i32
        %and3A_382 = vector.broadcast %and3A_381 : i32 to vector<16xi32>
        %and3A_383 = arith.andi %add3A_380, %and3A_382 : vector<16xi32>
        %add3A_384 = arith.addi %get3A_90, %and3A_383 : vector<16xi32>
        %gather3A_385 = tpu.vector_load_idx %arg9[%add3A_384] : memref<32768xf32, #tpu.memory_space<vmem>>[vector<16xi32>], vector<16xf32>,
        %gather3A_386 = tpu.vector_load_idx %arg13[%add3A_84, %and3A_383] : memref<64x64xf32, #tpu.memory_space<vmem>>[vector<16xi32>, vector<16xi32>], vector<16xf32>,
        %add3A_387 = arith.addi %mul3A_99, %and3A_383 : vector<16xi32>
        %gather3A_388 = tpu.vector_load_idx %arg10[%add3A_387] : memref<64000xf32, #tpu.memory_space<vmem>>[vector<16xi32>], vector<16xf32>,
        %mul3A_389 = arith.mulf %gather3A_103, %gather3A_388 : vector<16xf32>
        %add3A_390 = arith.addf %gather3A_386, %mul3A_389 : vector<16xf32>
        %add3A_391 = arith.addi %mul3A_116, %and3A_383 : vector<16xi32>
        %gather3A_392 = tpu.vector_load_idx %arg10[%add3A_391] : memref<64000xf32, #tpu.memory_space<vmem>>[vector<16xi32>], vector<16xf32>,
        %mul3A_393 = arith.mulf %gather3A_120, %gather3A_392 : vector<16xf32>
        %add3A_394 = arith.addf %add3A_390, %mul3A_393 : vector<16xf32>
        %add3A_395 = arith.addi %mul3A_133, %and3A_383 : vector<16xi32>
        %gather3A_396 = tpu.vector_load_idx %arg10[%add3A_395] : memref<64000xf32, #tpu.memory_space<vmem>>[vector<16xi32>], vector<16xf32>,
        %mul3A_397 = arith.mulf %gather3A_137, %gather3A_396 : vector<16xf32>
        %add3A_398 = arith.addf %add3A_394, %mul3A_397 : vector<16xf32>
        %add3A_399 = arith.addi %mul3A_150, %and3A_383 : vector<16xi32>
        %gather3A_400 = tpu.vector_load_idx %arg10[%add3A_399] : memref<64000xf32, #tpu.memory_space<vmem>>[vector<16xi32>], vector<16xf32>,
        %mul3A_401 = arith.mulf %gather3A_154, %gather3A_400 : vector<16xf32>
        %add3A_402 = arith.addf %add3A_398, %mul3A_401 : vector<16xf32>
        %mul3A_403 = arith.mulf %gather3A_385, %add3A_402 : vector<16xf32>
        %add3A_404 = arith.addf %add3A_296, %mul3A_403 : vector<16xf32>
        %add3A_405 = arith.constant 9 : i32
        %add3A_406 = vector.broadcast %add3A_405 : i32 to vector<16xi32>
        %add3A_407 = arith.addi %iota3A, %add3A_406 : vector<16xi32>
        %and3A_408 = arith.constant 63 : i32
        %and3A_409 = vector.broadcast %and3A_408 : i32 to vector<16xi32>
        %and3A_410 = arith.andi %add3A_407, %and3A_409 : vector<16xi32>
        %add3A_411 = arith.addi %get3A_90, %and3A_410 : vector<16xi32>
        %gather3A_412 = tpu.vector_load_idx %arg9[%add3A_411] : memref<32768xf32, #tpu.memory_space<vmem>>[vector<16xi32>], vector<16xf32>,
        %gather3A_413 = tpu.vector_load_idx %arg13[%add3A_84, %and3A_410] : memref<64x64xf32, #tpu.memory_space<vmem>>[vector<16xi32>, vector<16xi32>], vector<16xf32>,
        %add3A_414 = arith.addi %mul3A_99, %and3A_410 : vector<16xi32>
        %gather3A_415 = tpu.vector_load_idx %arg10[%add3A_414] : memref<64000xf32, #tpu.memory_space<vmem>>[vector<16xi32>], vector<16xf32>,
        %mul3A_416 = arith.mulf %gather3A_103, %gather3A_415 : vector<16xf32>
        %add3A_417 = arith.addf %gather3A_413, %mul3A_416 : vector<16xf32>
        %add3A_418 = arith.addi %mul3A_116, %and3A_410 : vector<16xi32>
        %gather3A_419 = tpu.vector_load_idx %arg10[%add3A_418] : memref<64000xf32, #tpu.memory_space<vmem>>[vector<16xi32>], vector<16xf32>,
        %mul3A_420 = arith.mulf %gather3A_120, %gather3A_419 : vector<16xf32>
        %add3A_421 = arith.addf %add3A_417, %mul3A_420 : vector<16xf32>
        %add3A_422 = arith.addi %mul3A_133, %and3A_410 : vector<16xi32>
        %gather3A_423 = tpu.vector_load_idx %arg10[%add3A_422] : memref<64000xf32, #tpu.memory_space<vmem>>[vector<16xi32>], vector<16xf32>,
        %mul3A_424 = arith.mulf %gather3A_137, %gather3A_423 : vector<16xf32>
        %add3A_425 = arith.addf %add3A_421, %mul3A_424 : vector<16xf32>
        %add3A_426 = arith.addi %mul3A_150, %and3A_410 : vector<16xi32>
        %gather3A_427 = tpu.vector_load_idx %arg10[%add3A_426] : memref<64000xf32, #tpu.memory_space<vmem>>[vector<16xi32>], vector<16xf32>,
        %mul3A_428 = arith.mulf %gather3A_154, %gather3A_427 : vector<16xf32>
        %add3A_429 = arith.addf %add3A_425, %mul3A_428 : vector<16xf32>
        %mul3A_430 = arith.mulf %gather3A_412, %add3A_429 : vector<16xf32>
        %add3A_431 = arith.addf %add3A_323, %mul3A_430 : vector<16xf32>
        %add3A_432 = arith.constant 10 : i32
        %add3A_433 = vector.broadcast %add3A_432 : i32 to vector<16xi32>
        %add3A_434 = arith.addi %iota3A, %add3A_433 : vector<16xi32>
        %and3A_435 = arith.constant 63 : i32
        %and3A_436 = vector.broadcast %and3A_435 : i32 to vector<16xi32>
        %and3A_437 = arith.andi %add3A_434, %and3A_436 : vector<16xi32>
        %add3A_438 = arith.addi %get3A_90, %and3A_437 : vector<16xi32>
        %gather3A_439 = tpu.vector_load_idx %arg9[%add3A_438] : memref<32768xf32, #tpu.memory_space<vmem>>[vector<16xi32>], vector<16xf32>,
        %gather3A_440 = tpu.vector_load_idx %arg13[%add3A_84, %and3A_437] : memref<64x64xf32, #tpu.memory_space<vmem>>[vector<16xi32>, vector<16xi32>], vector<16xf32>,
        %add3A_441 = arith.addi %mul3A_99, %and3A_437 : vector<16xi32>
        %gather3A_442 = tpu.vector_load_idx %arg10[%add3A_441] : memref<64000xf32, #tpu.memory_space<vmem>>[vector<16xi32>], vector<16xf32>,
        %mul3A_443 = arith.mulf %gather3A_103, %gather3A_442 : vector<16xf32>
        %add3A_444 = arith.addf %gather3A_440, %mul3A_443 : vector<16xf32>
        %add3A_445 = arith.addi %mul3A_116, %and3A_437 : vector<16xi32>
        %gather3A_446 = tpu.vector_load_idx %arg10[%add3A_445] : memref<64000xf32, #tpu.memory_space<vmem>>[vector<16xi32>], vector<16xf32>,
        %mul3A_447 = arith.mulf %gather3A_120, %gather3A_446 : vector<16xf32>
        %add3A_448 = arith.addf %add3A_444, %mul3A_447 : vector<16xf32>
        %add3A_449 = arith.addi %mul3A_133, %and3A_437 : vector<16xi32>
        %gather3A_450 = tpu.vector_load_idx %arg10[%add3A_449] : memref<64000xf32, #tpu.memory_space<vmem>>[vector<16xi32>], vector<16xf32>,
        %mul3A_451 = arith.mulf %gather3A_137, %gather3A_450 : vector<16xf32>
        %add3A_452 = arith.addf %add3A_448, %mul3A_451 : vector<16xf32>
        %add3A_453 = arith.addi %mul3A_150, %and3A_437 : vector<16xi32>
        %gather3A_454 = tpu.vector_load_idx %arg10[%add3A_453] : memref<64000xf32, #tpu.memory_space<vmem>>[vector<16xi32>], vector<16xf32>,
        %mul3A_455 = arith.mulf %gather3A_154, %gather3A_454 : vector<16xf32>
        %add3A_456 = arith.addf %add3A_452, %mul3A_455 : vector<16xf32>
        %mul3A_457 = arith.mulf %gather3A_439, %add3A_456 : vector<16xf32>
        %add3A_458 = arith.addf %add3A_350, %mul3A_457 : vector<16xf32>
        %add3A_459 = arith.constant 11 : i32
        %add3A_460 = vector.broadcast %add3A_459 : i32 to vector<16xi32>
        %add3A_461 = arith.addi %iota3A, %add3A_460 : vector<16xi32>
        %and3A_462 = arith.constant 63 : i32
        %and3A_463 = vector.broadcast %and3A_462 : i32 to vector<16xi32>
        %and3A_464 = arith.andi %add3A_461, %and3A_463 : vector<16xi32>
        %add3A_465 = arith.addi %get3A_90, %and3A_464 : vector<16xi32>
        %gather3A_466 = tpu.vector_load_idx %arg9[%add3A_465] : memref<32768xf32, #tpu.memory_space<vmem>>[vector<16xi32>], vector<16xf32>,
        %gather3A_467 = tpu.vector_load_idx %arg13[%add3A_84, %and3A_464] : memref<64x64xf32, #tpu.memory_space<vmem>>[vector<16xi32>, vector<16xi32>], vector<16xf32>,
        %add3A_468 = arith.addi %mul3A_99, %and3A_464 : vector<16xi32>
        %gather3A_469 = tpu.vector_load_idx %arg10[%add3A_468] : memref<64000xf32, #tpu.memory_space<vmem>>[vector<16xi32>], vector<16xf32>,
        %mul3A_470 = arith.mulf %gather3A_103, %gather3A_469 : vector<16xf32>
        %add3A_471 = arith.addf %gather3A_467, %mul3A_470 : vector<16xf32>
        %add3A_472 = arith.addi %mul3A_116, %and3A_464 : vector<16xi32>
        %gather3A_473 = tpu.vector_load_idx %arg10[%add3A_472] : memref<64000xf32, #tpu.memory_space<vmem>>[vector<16xi32>], vector<16xf32>,
        %mul3A_474 = arith.mulf %gather3A_120, %gather3A_473 : vector<16xf32>
        %add3A_475 = arith.addf %add3A_471, %mul3A_474 : vector<16xf32>
        %add3A_476 = arith.addi %mul3A_133, %and3A_464 : vector<16xi32>
        %gather3A_477 = tpu.vector_load_idx %arg10[%add3A_476] : memref<64000xf32, #tpu.memory_space<vmem>>[vector<16xi32>], vector<16xf32>,
        %mul3A_478 = arith.mulf %gather3A_137, %gather3A_477 : vector<16xf32>
        %add3A_479 = arith.addf %add3A_475, %mul3A_478 : vector<16xf32>
        %add3A_480 = arith.addi %mul3A_150, %and3A_464 : vector<16xi32>
        %gather3A_481 = tpu.vector_load_idx %arg10[%add3A_480] : memref<64000xf32, #tpu.memory_space<vmem>>[vector<16xi32>], vector<16xf32>,
        %mul3A_482 = arith.mulf %gather3A_154, %gather3A_481 : vector<16xf32>
        %add3A_483 = arith.addf %add3A_479, %mul3A_482 : vector<16xf32>
        %mul3A_484 = arith.mulf %gather3A_466, %add3A_483 : vector<16xf32>
        %add3A_485 = arith.addf %add3A_377, %mul3A_484 : vector<16xf32>
        %add3A_486 = arith.constant 12 : i32
        %add3A_487 = vector.broadcast %add3A_486 : i32 to vector<16xi32>
        %add3A_488 = arith.addi %iota3A, %add3A_487 : vector<16xi32>
        %and3A_489 = arith.constant 63 : i32
        %and3A_490 = vector.broadcast %and3A_489 : i32 to vector<16xi32>
        %and3A_491 = arith.andi %add3A_488, %and3A_490 : vector<16xi32>
        %add3A_492 = arith.addi %get3A_90, %and3A_491 : vector<16xi32>
        %gather3A_493 = tpu.vector_load_idx %arg9[%add3A_492] : memref<32768xf32, #tpu.memory_space<vmem>>[vector<16xi32>], vector<16xf32>,
        %gather3A_494 = tpu.vector_load_idx %arg13[%add3A_84, %and3A_491] : memref<64x64xf32, #tpu.memory_space<vmem>>[vector<16xi32>, vector<16xi32>], vector<16xf32>,
        %add3A_495 = arith.addi %mul3A_99, %and3A_491 : vector<16xi32>
        %gather3A_496 = tpu.vector_load_idx %arg10[%add3A_495] : memref<64000xf32, #tpu.memory_space<vmem>>[vector<16xi32>], vector<16xf32>,
        %mul3A_497 = arith.mulf %gather3A_103, %gather3A_496 : vector<16xf32>
        %add3A_498 = arith.addf %gather3A_494, %mul3A_497 : vector<16xf32>
        %add3A_499 = arith.addi %mul3A_116, %and3A_491 : vector<16xi32>
        %gather3A_500 = tpu.vector_load_idx %arg10[%add3A_499] : memref<64000xf32, #tpu.memory_space<vmem>>[vector<16xi32>], vector<16xf32>,
        %mul3A_501 = arith.mulf %gather3A_120, %gather3A_500 : vector<16xf32>
        %add3A_502 = arith.addf %add3A_498, %mul3A_501 : vector<16xf32>
        %add3A_503 = arith.addi %mul3A_133, %and3A_491 : vector<16xi32>
        %gather3A_504 = tpu.vector_load_idx %arg10[%add3A_503] : memref<64000xf32, #tpu.memory_space<vmem>>[vector<16xi32>], vector<16xf32>,
        %mul3A_505 = arith.mulf %gather3A_137, %gather3A_504 : vector<16xf32>
        %add3A_506 = arith.addf %add3A_502, %mul3A_505 : vector<16xf32>
        %add3A_507 = arith.addi %mul3A_150, %and3A_491 : vector<16xi32>
        %gather3A_508 = tpu.vector_load_idx %arg10[%add3A_507] : memref<64000xf32, #tpu.memory_space<vmem>>[vector<16xi32>], vector<16xf32>,
        %mul3A_509 = arith.mulf %gather3A_154, %gather3A_508 : vector<16xf32>
        %add3A_510 = arith.addf %add3A_506, %mul3A_509 : vector<16xf32>
        %mul3A_511 = arith.mulf %gather3A_493, %add3A_510 : vector<16xf32>
        %add3A_512 = arith.addf %add3A_404, %mul3A_511 : vector<16xf32>
        %add3A_513 = arith.constant 13 : i32
        %add3A_514 = vector.broadcast %add3A_513 : i32 to vector<16xi32>
        %add3A_515 = arith.addi %iota3A, %add3A_514 : vector<16xi32>
        %and3A_516 = arith.constant 63 : i32
        %and3A_517 = vector.broadcast %and3A_516 : i32 to vector<16xi32>
        %and3A_518 = arith.andi %add3A_515, %and3A_517 : vector<16xi32>
        %add3A_519 = arith.addi %get3A_90, %and3A_518 : vector<16xi32>
        %gather3A_520 = tpu.vector_load_idx %arg9[%add3A_519] : memref<32768xf32, #tpu.memory_space<vmem>>[vector<16xi32>], vector<16xf32>,
        %gather3A_521 = tpu.vector_load_idx %arg13[%add3A_84, %and3A_518] : memref<64x64xf32, #tpu.memory_space<vmem>>[vector<16xi32>, vector<16xi32>], vector<16xf32>,
        %add3A_522 = arith.addi %mul3A_99, %and3A_518 : vector<16xi32>
        %gather3A_523 = tpu.vector_load_idx %arg10[%add3A_522] : memref<64000xf32, #tpu.memory_space<vmem>>[vector<16xi32>], vector<16xf32>,
        %mul3A_524 = arith.mulf %gather3A_103, %gather3A_523 : vector<16xf32>
        %add3A_525 = arith.addf %gather3A_521, %mul3A_524 : vector<16xf32>
        %add3A_526 = arith.addi %mul3A_116, %and3A_518 : vector<16xi32>
        %gather3A_527 = tpu.vector_load_idx %arg10[%add3A_526] : memref<64000xf32, #tpu.memory_space<vmem>>[vector<16xi32>], vector<16xf32>,
        %mul3A_528 = arith.mulf %gather3A_120, %gather3A_527 : vector<16xf32>
        %add3A_529 = arith.addf %add3A_525, %mul3A_528 : vector<16xf32>
        %add3A_530 = arith.addi %mul3A_133, %and3A_518 : vector<16xi32>
        %gather3A_531 = tpu.vector_load_idx %arg10[%add3A_530] : memref<64000xf32, #tpu.memory_space<vmem>>[vector<16xi32>], vector<16xf32>,
        %mul3A_532 = arith.mulf %gather3A_137, %gather3A_531 : vector<16xf32>
        %add3A_533 = arith.addf %add3A_529, %mul3A_532 : vector<16xf32>
        %add3A_534 = arith.addi %mul3A_150, %and3A_518 : vector<16xi32>
        %gather3A_535 = tpu.vector_load_idx %arg10[%add3A_534] : memref<64000xf32, #tpu.memory_space<vmem>>[vector<16xi32>], vector<16xf32>,
        %mul3A_536 = arith.mulf %gather3A_154, %gather3A_535 : vector<16xf32>
        %add3A_537 = arith.addf %add3A_533, %mul3A_536 : vector<16xf32>
        %mul3A_538 = arith.mulf %gather3A_520, %add3A_537 : vector<16xf32>
        %add3A_539 = arith.addf %add3A_431, %mul3A_538 : vector<16xf32>
        %add3A_540 = arith.constant 14 : i32
        %add3A_541 = vector.broadcast %add3A_540 : i32 to vector<16xi32>
        %add3A_542 = arith.addi %iota3A, %add3A_541 : vector<16xi32>
        %and3A_543 = arith.constant 63 : i32
        %and3A_544 = vector.broadcast %and3A_543 : i32 to vector<16xi32>
        %and3A_545 = arith.andi %add3A_542, %and3A_544 : vector<16xi32>
        %add3A_546 = arith.addi %get3A_90, %and3A_545 : vector<16xi32>
        %gather3A_547 = tpu.vector_load_idx %arg9[%add3A_546] : memref<32768xf32, #tpu.memory_space<vmem>>[vector<16xi32>], vector<16xf32>,
        %gather3A_548 = tpu.vector_load_idx %arg13[%add3A_84, %and3A_545] : memref<64x64xf32, #tpu.memory_space<vmem>>[vector<16xi32>, vector<16xi32>], vector<16xf32>,
        %add3A_549 = arith.addi %mul3A_99, %and3A_545 : vector<16xi32>
        %gather3A_550 = tpu.vector_load_idx %arg10[%add3A_549] : memref<64000xf32, #tpu.memory_space<vmem>>[vector<16xi32>], vector<16xf32>,
        %mul3A_551 = arith.mulf %gather3A_103, %gather3A_550 : vector<16xf32>
        %add3A_552 = arith.addf %gather3A_548, %mul3A_551 : vector<16xf32>
        %add3A_553 = arith.addi %mul3A_116, %and3A_545 : vector<16xi32>
        %gather3A_554 = tpu.vector_load_idx %arg10[%add3A_553] : memref<64000xf32, #tpu.memory_space<vmem>>[vector<16xi32>], vector<16xf32>,
        %mul3A_555 = arith.mulf %gather3A_120, %gather3A_554 : vector<16xf32>
        %add3A_556 = arith.addf %add3A_552, %mul3A_555 : vector<16xf32>
        %add3A_557 = arith.addi %mul3A_133, %and3A_545 : vector<16xi32>
        %gather3A_558 = tpu.vector_load_idx %arg10[%add3A_557] : memref<64000xf32, #tpu.memory_space<vmem>>[vector<16xi32>], vector<16xf32>,
        %mul3A_559 = arith.mulf %gather3A_137, %gather3A_558 : vector<16xf32>
        %add3A_560 = arith.addf %add3A_556, %mul3A_559 : vector<16xf32>
        %add3A_561 = arith.addi %mul3A_150, %and3A_545 : vector<16xi32>
        %gather3A_562 = tpu.vector_load_idx %arg10[%add3A_561] : memref<64000xf32, #tpu.memory_space<vmem>>[vector<16xi32>], vector<16xf32>,
        %mul3A_563 = arith.mulf %gather3A_154, %gather3A_562 : vector<16xf32>
        %add3A_564 = arith.addf %add3A_560, %mul3A_563 : vector<16xf32>
        %mul3A_565 = arith.mulf %gather3A_547, %add3A_564 : vector<16xf32>
        %add3A_566 = arith.addf %add3A_458, %mul3A_565 : vector<16xf32>
        %add3A_567 = arith.constant 15 : i32
        %add3A_568 = vector.broadcast %add3A_567 : i32 to vector<16xi32>
        %add3A_569 = arith.addi %iota3A, %add3A_568 : vector<16xi32>
        %and3A_570 = arith.constant 63 : i32
        %and3A_571 = vector.broadcast %and3A_570 : i32 to vector<16xi32>
        %and3A_572 = arith.andi %add3A_569, %and3A_571 : vector<16xi32>
        %add3A_573 = arith.addi %get3A_90, %and3A_572 : vector<16xi32>
        %gather3A_574 = tpu.vector_load_idx %arg9[%add3A_573] : memref<32768xf32, #tpu.memory_space<vmem>>[vector<16xi32>], vector<16xf32>,
        %gather3A_575 = tpu.vector_load_idx %arg13[%add3A_84, %and3A_572] : memref<64x64xf32, #tpu.memory_space<vmem>>[vector<16xi32>, vector<16xi32>], vector<16xf32>,
        %add3A_576 = arith.addi %mul3A_99, %and3A_572 : vector<16xi32>
        %gather3A_577 = tpu.vector_load_idx %arg10[%add3A_576] : memref<64000xf32, #tpu.memory_space<vmem>>[vector<16xi32>], vector<16xf32>,
        %mul3A_578 = arith.mulf %gather3A_103, %gather3A_577 : vector<16xf32>
        %add3A_579 = arith.addf %gather3A_575, %mul3A_578 : vector<16xf32>
        %add3A_580 = arith.addi %mul3A_116, %and3A_572 : vector<16xi32>
        %gather3A_581 = tpu.vector_load_idx %arg10[%add3A_580] : memref<64000xf32, #tpu.memory_space<vmem>>[vector<16xi32>], vector<16xf32>,
        %mul3A_582 = arith.mulf %gather3A_120, %gather3A_581 : vector<16xf32>
        %add3A_583 = arith.addf %add3A_579, %mul3A_582 : vector<16xf32>
        %add3A_584 = arith.addi %mul3A_133, %and3A_572 : vector<16xi32>
        %gather3A_585 = tpu.vector_load_idx %arg10[%add3A_584] : memref<64000xf32, #tpu.memory_space<vmem>>[vector<16xi32>], vector<16xf32>,
        %mul3A_586 = arith.mulf %gather3A_137, %gather3A_585 : vector<16xf32>
        %add3A_587 = arith.addf %add3A_583, %mul3A_586 : vector<16xf32>
        %add3A_588 = arith.addi %mul3A_150, %and3A_572 : vector<16xi32>
        %gather3A_589 = tpu.vector_load_idx %arg10[%add3A_588] : memref<64000xf32, #tpu.memory_space<vmem>>[vector<16xi32>], vector<16xf32>,
        %mul3A_590 = arith.mulf %gather3A_154, %gather3A_589 : vector<16xf32>
        %add3A_591 = arith.addf %add3A_587, %mul3A_590 : vector<16xf32>
        %mul3A_592 = arith.mulf %gather3A_574, %add3A_591 : vector<16xf32>
        %add3A_593 = arith.addf %add3A_485, %mul3A_592 : vector<16xf32>
        %add3A_594 = arith.constant 16 : i32
        %add3A_595 = vector.broadcast %add3A_594 : i32 to vector<16xi32>
        %add3A_596 = arith.addi %iota3A, %add3A_595 : vector<16xi32>
        %and3A_597 = arith.constant 63 : i32
        %and3A_598 = vector.broadcast %and3A_597 : i32 to vector<16xi32>
        %and3A_599 = arith.andi %add3A_596, %and3A_598 : vector<16xi32>
        %add3A_600 = arith.addi %get3A_90, %and3A_599 : vector<16xi32>
        %gather3A_601 = tpu.vector_load_idx %arg9[%add3A_600] : memref<32768xf32, #tpu.memory_space<vmem>>[vector<16xi32>], vector<16xf32>,
        %gather3A_602 = tpu.vector_load_idx %arg13[%add3A_84, %and3A_599] : memref<64x64xf32, #tpu.memory_space<vmem>>[vector<16xi32>, vector<16xi32>], vector<16xf32>,
        %add3A_603 = arith.addi %mul3A_99, %and3A_599 : vector<16xi32>
        %gather3A_604 = tpu.vector_load_idx %arg10[%add3A_603] : memref<64000xf32, #tpu.memory_space<vmem>>[vector<16xi32>], vector<16xf32>,
        %mul3A_605 = arith.mulf %gather3A_103, %gather3A_604 : vector<16xf32>
        %add3A_606 = arith.addf %gather3A_602, %mul3A_605 : vector<16xf32>
        %add3A_607 = arith.addi %mul3A_116, %and3A_599 : vector<16xi32>
        %gather3A_608 = tpu.vector_load_idx %arg10[%add3A_607] : memref<64000xf32, #tpu.memory_space<vmem>>[vector<16xi32>], vector<16xf32>,
        %mul3A_609 = arith.mulf %gather3A_120, %gather3A_608 : vector<16xf32>
        %add3A_610 = arith.addf %add3A_606, %mul3A_609 : vector<16xf32>
        %add3A_611 = arith.addi %mul3A_133, %and3A_599 : vector<16xi32>
        %gather3A_612 = tpu.vector_load_idx %arg10[%add3A_611] : memref<64000xf32, #tpu.memory_space<vmem>>[vector<16xi32>], vector<16xf32>,
        %mul3A_613 = arith.mulf %gather3A_137, %gather3A_612 : vector<16xf32>
        %add3A_614 = arith.addf %add3A_610, %mul3A_613 : vector<16xf32>
        %add3A_615 = arith.addi %mul3A_150, %and3A_599 : vector<16xi32>
        %gather3A_616 = tpu.vector_load_idx %arg10[%add3A_615] : memref<64000xf32, #tpu.memory_space<vmem>>[vector<16xi32>], vector<16xf32>,
        %mul3A_617 = arith.mulf %gather3A_154, %gather3A_616 : vector<16xf32>
        %add3A_618 = arith.addf %add3A_614, %mul3A_617 : vector<16xf32>
        %mul3A_619 = arith.mulf %gather3A_601, %add3A_618 : vector<16xf32>
        %add3A_620 = arith.addf %add3A_512, %mul3A_619 : vector<16xf32>
        %add3A_621 = arith.constant 17 : i32
        %add3A_622 = vector.broadcast %add3A_621 : i32 to vector<16xi32>
        %add3A_623 = arith.addi %iota3A, %add3A_622 : vector<16xi32>
        %and3A_624 = arith.constant 63 : i32
        %and3A_625 = vector.broadcast %and3A_624 : i32 to vector<16xi32>
        %and3A_626 = arith.andi %add3A_623, %and3A_625 : vector<16xi32>
        %add3A_627 = arith.addi %get3A_90, %and3A_626 : vector<16xi32>
        %gather3A_628 = tpu.vector_load_idx %arg9[%add3A_627] : memref<32768xf32, #tpu.memory_space<vmem>>[vector<16xi32>], vector<16xf32>,
        %gather3A_629 = tpu.vector_load_idx %arg13[%add3A_84, %and3A_626] : memref<64x64xf32, #tpu.memory_space<vmem>>[vector<16xi32>, vector<16xi32>], vector<16xf32>,
        %add3A_630 = arith.addi %mul3A_99, %and3A_626 : vector<16xi32>
        %gather3A_631 = tpu.vector_load_idx %arg10[%add3A_630] : memref<64000xf32, #tpu.memory_space<vmem>>[vector<16xi32>], vector<16xf32>,
        %mul3A_632 = arith.mulf %gather3A_103, %gather3A_631 : vector<16xf32>
        %add3A_633 = arith.addf %gather3A_629, %mul3A_632 : vector<16xf32>
        %add3A_634 = arith.addi %mul3A_116, %and3A_626 : vector<16xi32>
        %gather3A_635 = tpu.vector_load_idx %arg10[%add3A_634] : memref<64000xf32, #tpu.memory_space<vmem>>[vector<16xi32>], vector<16xf32>,
        %mul3A_636 = arith.mulf %gather3A_120, %gather3A_635 : vector<16xf32>
        %add3A_637 = arith.addf %add3A_633, %mul3A_636 : vector<16xf32>
        %add3A_638 = arith.addi %mul3A_133, %and3A_626 : vector<16xi32>
        %gather3A_639 = tpu.vector_load_idx %arg10[%add3A_638] : memref<64000xf32, #tpu.memory_space<vmem>>[vector<16xi32>], vector<16xf32>,
        %mul3A_640 = arith.mulf %gather3A_137, %gather3A_639 : vector<16xf32>
        %add3A_641 = arith.addf %add3A_637, %mul3A_640 : vector<16xf32>
        %add3A_642 = arith.addi %mul3A_150, %and3A_626 : vector<16xi32>
        %gather3A_643 = tpu.vector_load_idx %arg10[%add3A_642] : memref<64000xf32, #tpu.memory_space<vmem>>[vector<16xi32>], vector<16xf32>,
        %mul3A_644 = arith.mulf %gather3A_154, %gather3A_643 : vector<16xf32>
        %add3A_645 = arith.addf %add3A_641, %mul3A_644 : vector<16xf32>
        %mul3A_646 = arith.mulf %gather3A_628, %add3A_645 : vector<16xf32>
        %add3A_647 = arith.addf %add3A_539, %mul3A_646 : vector<16xf32>
        %add3A_648 = arith.constant 18 : i32
        %add3A_649 = vector.broadcast %add3A_648 : i32 to vector<16xi32>
        %add3A_650 = arith.addi %iota3A, %add3A_649 : vector<16xi32>
        %and3A_651 = arith.constant 63 : i32
        %and3A_652 = vector.broadcast %and3A_651 : i32 to vector<16xi32>
        %and3A_653 = arith.andi %add3A_650, %and3A_652 : vector<16xi32>
        %add3A_654 = arith.addi %get3A_90, %and3A_653 : vector<16xi32>
        %gather3A_655 = tpu.vector_load_idx %arg9[%add3A_654] : memref<32768xf32, #tpu.memory_space<vmem>>[vector<16xi32>], vector<16xf32>,
        %gather3A_656 = tpu.vector_load_idx %arg13[%add3A_84, %and3A_653] : memref<64x64xf32, #tpu.memory_space<vmem>>[vector<16xi32>, vector<16xi32>], vector<16xf32>,
        %add3A_657 = arith.addi %mul3A_99, %and3A_653 : vector<16xi32>
        %gather3A_658 = tpu.vector_load_idx %arg10[%add3A_657] : memref<64000xf32, #tpu.memory_space<vmem>>[vector<16xi32>], vector<16xf32>,
        %mul3A_659 = arith.mulf %gather3A_103, %gather3A_658 : vector<16xf32>
        %add3A_660 = arith.addf %gather3A_656, %mul3A_659 : vector<16xf32>
        %add3A_661 = arith.addi %mul3A_116, %and3A_653 : vector<16xi32>
        %gather3A_662 = tpu.vector_load_idx %arg10[%add3A_661] : memref<64000xf32, #tpu.memory_space<vmem>>[vector<16xi32>], vector<16xf32>,
        %mul3A_663 = arith.mulf %gather3A_120, %gather3A_662 : vector<16xf32>
        %add3A_664 = arith.addf %add3A_660, %mul3A_663 : vector<16xf32>
        %add3A_665 = arith.addi %mul3A_133, %and3A_653 : vector<16xi32>
        %gather3A_666 = tpu.vector_load_idx %arg10[%add3A_665] : memref<64000xf32, #tpu.memory_space<vmem>>[vector<16xi32>], vector<16xf32>,
        %mul3A_667 = arith.mulf %gather3A_137, %gather3A_666 : vector<16xf32>
        %add3A_668 = arith.addf %add3A_664, %mul3A_667 : vector<16xf32>
        %add3A_669 = arith.addi %mul3A_150, %and3A_653 : vector<16xi32>
        %gather3A_670 = tpu.vector_load_idx %arg10[%add3A_669] : memref<64000xf32, #tpu.memory_space<vmem>>[vector<16xi32>], vector<16xf32>,
        %mul3A_671 = arith.mulf %gather3A_154, %gather3A_670 : vector<16xf32>
        %add3A_672 = arith.addf %add3A_668, %mul3A_671 : vector<16xf32>
        %mul3A_673 = arith.mulf %gather3A_655, %add3A_672 : vector<16xf32>
        %add3A_674 = arith.addf %add3A_566, %mul3A_673 : vector<16xf32>
        %add3A_675 = arith.constant 19 : i32
        %add3A_676 = vector.broadcast %add3A_675 : i32 to vector<16xi32>
        %add3A_677 = arith.addi %iota3A, %add3A_676 : vector<16xi32>
        %and3A_678 = arith.constant 63 : i32
        %and3A_679 = vector.broadcast %and3A_678 : i32 to vector<16xi32>
        %and3A_680 = arith.andi %add3A_677, %and3A_679 : vector<16xi32>
        %add3A_681 = arith.addi %get3A_90, %and3A_680 : vector<16xi32>
        %gather3A_682 = tpu.vector_load_idx %arg9[%add3A_681] : memref<32768xf32, #tpu.memory_space<vmem>>[vector<16xi32>], vector<16xf32>,
        %gather3A_683 = tpu.vector_load_idx %arg13[%add3A_84, %and3A_680] : memref<64x64xf32, #tpu.memory_space<vmem>>[vector<16xi32>, vector<16xi32>], vector<16xf32>,
        %add3A_684 = arith.addi %mul3A_99, %and3A_680 : vector<16xi32>
        %gather3A_685 = tpu.vector_load_idx %arg10[%add3A_684] : memref<64000xf32, #tpu.memory_space<vmem>>[vector<16xi32>], vector<16xf32>,
        %mul3A_686 = arith.mulf %gather3A_103, %gather3A_685 : vector<16xf32>
        %add3A_687 = arith.addf %gather3A_683, %mul3A_686 : vector<16xf32>
        %add3A_688 = arith.addi %mul3A_116, %and3A_680 : vector<16xi32>
        %gather3A_689 = tpu.vector_load_idx %arg10[%add3A_688] : memref<64000xf32, #tpu.memory_space<vmem>>[vector<16xi32>], vector<16xf32>,
        %mul3A_690 = arith.mulf %gather3A_120, %gather3A_689 : vector<16xf32>
        %add3A_691 = arith.addf %add3A_687, %mul3A_690 : vector<16xf32>
        %add3A_692 = arith.addi %mul3A_133, %and3A_680 : vector<16xi32>
        %gather3A_693 = tpu.vector_load_idx %arg10[%add3A_692] : memref<64000xf32, #tpu.memory_space<vmem>>[vector<16xi32>], vector<16xf32>,
        %mul3A_694 = arith.mulf %gather3A_137, %gather3A_693 : vector<16xf32>
        %add3A_695 = arith.addf %add3A_691, %mul3A_694 : vector<16xf32>
        %add3A_696 = arith.addi %mul3A_150, %and3A_680 : vector<16xi32>
        %gather3A_697 = tpu.vector_load_idx %arg10[%add3A_696] : memref<64000xf32, #tpu.memory_space<vmem>>[vector<16xi32>], vector<16xf32>,
        %mul3A_698 = arith.mulf %gather3A_154, %gather3A_697 : vector<16xf32>
        %add3A_699 = arith.addf %add3A_695, %mul3A_698 : vector<16xf32>
        %mul3A_700 = arith.mulf %gather3A_682, %add3A_699 : vector<16xf32>
        %add3A_701 = arith.addf %add3A_593, %mul3A_700 : vector<16xf32>
        %add3A_702 = arith.constant 20 : i32
        %add3A_703 = vector.broadcast %add3A_702 : i32 to vector<16xi32>
        %add3A_704 = arith.addi %iota3A, %add3A_703 : vector<16xi32>
        %and3A_705 = arith.constant 63 : i32
        %and3A_706 = vector.broadcast %and3A_705 : i32 to vector<16xi32>
        %and3A_707 = arith.andi %add3A_704, %and3A_706 : vector<16xi32>
        %add3A_708 = arith.addi %get3A_90, %and3A_707 : vector<16xi32>
        %gather3A_709 = tpu.vector_load_idx %arg9[%add3A_708] : memref<32768xf32, #tpu.memory_space<vmem>>[vector<16xi32>], vector<16xf32>,
        %gather3A_710 = tpu.vector_load_idx %arg13[%add3A_84, %and3A_707] : memref<64x64xf32, #tpu.memory_space<vmem>>[vector<16xi32>, vector<16xi32>], vector<16xf32>,
        %add3A_711 = arith.addi %mul3A_99, %and3A_707 : vector<16xi32>
        %gather3A_712 = tpu.vector_load_idx %arg10[%add3A_711] : memref<64000xf32, #tpu.memory_space<vmem>>[vector<16xi32>], vector<16xf32>,
        %mul3A_713 = arith.mulf %gather3A_103, %gather3A_712 : vector<16xf32>
        %add3A_714 = arith.addf %gather3A_710, %mul3A_713 : vector<16xf32>
        %add3A_715 = arith.addi %mul3A_116, %and3A_707 : vector<16xi32>
        %gather3A_716 = tpu.vector_load_idx %arg10[%add3A_715] : memref<64000xf32, #tpu.memory_space<vmem>>[vector<16xi32>], vector<16xf32>,
        %mul3A_717 = arith.mulf %gather3A_120, %gather3A_716 : vector<16xf32>
        %add3A_718 = arith.addf %add3A_714, %mul3A_717 : vector<16xf32>
        %add3A_719 = arith.addi %mul3A_133, %and3A_707 : vector<16xi32>
        %gather3A_720 = tpu.vector_load_idx %arg10[%add3A_719] : memref<64000xf32, #tpu.memory_space<vmem>>[vector<16xi32>], vector<16xf32>,
        %mul3A_721 = arith.mulf %gather3A_137, %gather3A_720 : vector<16xf32>
        %add3A_722 = arith.addf %add3A_718, %mul3A_721 : vector<16xf32>
        %add3A_723 = arith.addi %mul3A_150, %and3A_707 : vector<16xi32>
        %gather3A_724 = tpu.vector_load_idx %arg10[%add3A_723] : memref<64000xf32, #tpu.memory_space<vmem>>[vector<16xi32>], vector<16xf32>,
        %mul3A_725 = arith.mulf %gather3A_154, %gather3A_724 : vector<16xf32>
        %add3A_726 = arith.addf %add3A_722, %mul3A_725 : vector<16xf32>
        %mul3A_727 = arith.mulf %gather3A_709, %add3A_726 : vector<16xf32>
        %add3A_728 = arith.addf %add3A_620, %mul3A_727 : vector<16xf32>
        %add3A_729 = arith.constant 21 : i32
        %add3A_730 = vector.broadcast %add3A_729 : i32 to vector<16xi32>
        %add3A_731 = arith.addi %iota3A, %add3A_730 : vector<16xi32>
        %and3A_732 = arith.constant 63 : i32
        %and3A_733 = vector.broadcast %and3A_732 : i32 to vector<16xi32>
        %and3A_734 = arith.andi %add3A_731, %and3A_733 : vector<16xi32>
        %add3A_735 = arith.addi %get3A_90, %and3A_734 : vector<16xi32>
        %gather3A_736 = tpu.vector_load_idx %arg9[%add3A_735] : memref<32768xf32, #tpu.memory_space<vmem>>[vector<16xi32>], vector<16xf32>,
        %gather3A_737 = tpu.vector_load_idx %arg13[%add3A_84, %and3A_734] : memref<64x64xf32, #tpu.memory_space<vmem>>[vector<16xi32>, vector<16xi32>], vector<16xf32>,
        %add3A_738 = arith.addi %mul3A_99, %and3A_734 : vector<16xi32>
        %gather3A_739 = tpu.vector_load_idx %arg10[%add3A_738] : memref<64000xf32, #tpu.memory_space<vmem>>[vector<16xi32>], vector<16xf32>,
        %mul3A_740 = arith.mulf %gather3A_103, %gather3A_739 : vector<16xf32>
        %add3A_741 = arith.addf %gather3A_737, %mul3A_740 : vector<16xf32>
        %add3A_742 = arith.addi %mul3A_116, %and3A_734 : vector<16xi32>
        %gather3A_743 = tpu.vector_load_idx %arg10[%add3A_742] : memref<64000xf32, #tpu.memory_space<vmem>>[vector<16xi32>], vector<16xf32>,
        %mul3A_744 = arith.mulf %gather3A_120, %gather3A_743 : vector<16xf32>
        %add3A_745 = arith.addf %add3A_741, %mul3A_744 : vector<16xf32>
        %add3A_746 = arith.addi %mul3A_133, %and3A_734 : vector<16xi32>
        %gather3A_747 = tpu.vector_load_idx %arg10[%add3A_746] : memref<64000xf32, #tpu.memory_space<vmem>>[vector<16xi32>], vector<16xf32>,
        %mul3A_748 = arith.mulf %gather3A_137, %gather3A_747 : vector<16xf32>
        %add3A_749 = arith.addf %add3A_745, %mul3A_748 : vector<16xf32>
        %add3A_750 = arith.addi %mul3A_150, %and3A_734 : vector<16xi32>
        %gather3A_751 = tpu.vector_load_idx %arg10[%add3A_750] : memref<64000xf32, #tpu.memory_space<vmem>>[vector<16xi32>], vector<16xf32>,
        %mul3A_752 = arith.mulf %gather3A_154, %gather3A_751 : vector<16xf32>
        %add3A_753 = arith.addf %add3A_749, %mul3A_752 : vector<16xf32>
        %mul3A_754 = arith.mulf %gather3A_736, %add3A_753 : vector<16xf32>
        %add3A_755 = arith.addf %add3A_647, %mul3A_754 : vector<16xf32>
        %add3A_756 = arith.constant 22 : i32
        %add3A_757 = vector.broadcast %add3A_756 : i32 to vector<16xi32>
        %add3A_758 = arith.addi %iota3A, %add3A_757 : vector<16xi32>
        %and3A_759 = arith.constant 63 : i32
        %and3A_760 = vector.broadcast %and3A_759 : i32 to vector<16xi32>
        %and3A_761 = arith.andi %add3A_758, %and3A_760 : vector<16xi32>
        %add3A_762 = arith.addi %get3A_90, %and3A_761 : vector<16xi32>
        %gather3A_763 = tpu.vector_load_idx %arg9[%add3A_762] : memref<32768xf32, #tpu.memory_space<vmem>>[vector<16xi32>], vector<16xf32>,
        %gather3A_764 = tpu.vector_load_idx %arg13[%add3A_84, %and3A_761] : memref<64x64xf32, #tpu.memory_space<vmem>>[vector<16xi32>, vector<16xi32>], vector<16xf32>,
        %add3A_765 = arith.addi %mul3A_99, %and3A_761 : vector<16xi32>
        %gather3A_766 = tpu.vector_load_idx %arg10[%add3A_765] : memref<64000xf32, #tpu.memory_space<vmem>>[vector<16xi32>], vector<16xf32>,
        %mul3A_767 = arith.mulf %gather3A_103, %gather3A_766 : vector<16xf32>
        %add3A_768 = arith.addf %gather3A_764, %mul3A_767 : vector<16xf32>
        %add3A_769 = arith.addi %mul3A_116, %and3A_761 : vector<16xi32>
        %gather3A_770 = tpu.vector_load_idx %arg10[%add3A_769] : memref<64000xf32, #tpu.memory_space<vmem>>[vector<16xi32>], vector<16xf32>,
        %mul3A_771 = arith.mulf %gather3A_120, %gather3A_770 : vector<16xf32>
        %add3A_772 = arith.addf %add3A_768, %mul3A_771 : vector<16xf32>
        %add3A_773 = arith.addi %mul3A_133, %and3A_761 : vector<16xi32>
        %gather3A_774 = tpu.vector_load_idx %arg10[%add3A_773] : memref<64000xf32, #tpu.memory_space<vmem>>[vector<16xi32>], vector<16xf32>,
        %mul3A_775 = arith.mulf %gather3A_137, %gather3A_774 : vector<16xf32>
        %add3A_776 = arith.addf %add3A_772, %mul3A_775 : vector<16xf32>
        %add3A_777 = arith.addi %mul3A_150, %and3A_761 : vector<16xi32>
        %gather3A_778 = tpu.vector_load_idx %arg10[%add3A_777] : memref<64000xf32, #tpu.memory_space<vmem>>[vector<16xi32>], vector<16xf32>,
        %mul3A_779 = arith.mulf %gather3A_154, %gather3A_778 : vector<16xf32>
        %add3A_780 = arith.addf %add3A_776, %mul3A_779 : vector<16xf32>
        %mul3A_781 = arith.mulf %gather3A_763, %add3A_780 : vector<16xf32>
        %add3A_782 = arith.addf %add3A_674, %mul3A_781 : vector<16xf32>
        %add3A_783 = arith.constant 23 : i32
        %add3A_784 = vector.broadcast %add3A_783 : i32 to vector<16xi32>
        %add3A_785 = arith.addi %iota3A, %add3A_784 : vector<16xi32>
        %and3A_786 = arith.constant 63 : i32
        %and3A_787 = vector.broadcast %and3A_786 : i32 to vector<16xi32>
        %and3A_788 = arith.andi %add3A_785, %and3A_787 : vector<16xi32>
        %add3A_789 = arith.addi %get3A_90, %and3A_788 : vector<16xi32>
        %gather3A_790 = tpu.vector_load_idx %arg9[%add3A_789] : memref<32768xf32, #tpu.memory_space<vmem>>[vector<16xi32>], vector<16xf32>,
        %gather3A_791 = tpu.vector_load_idx %arg13[%add3A_84, %and3A_788] : memref<64x64xf32, #tpu.memory_space<vmem>>[vector<16xi32>, vector<16xi32>], vector<16xf32>,
        %add3A_792 = arith.addi %mul3A_99, %and3A_788 : vector<16xi32>
        %gather3A_793 = tpu.vector_load_idx %arg10[%add3A_792] : memref<64000xf32, #tpu.memory_space<vmem>>[vector<16xi32>], vector<16xf32>,
        %mul3A_794 = arith.mulf %gather3A_103, %gather3A_793 : vector<16xf32>
        %add3A_795 = arith.addf %gather3A_791, %mul3A_794 : vector<16xf32>
        %add3A_796 = arith.addi %mul3A_116, %and3A_788 : vector<16xi32>
        %gather3A_797 = tpu.vector_load_idx %arg10[%add3A_796] : memref<64000xf32, #tpu.memory_space<vmem>>[vector<16xi32>], vector<16xf32>,
        %mul3A_798 = arith.mulf %gather3A_120, %gather3A_797 : vector<16xf32>
        %add3A_799 = arith.addf %add3A_795, %mul3A_798 : vector<16xf32>
        %add3A_800 = arith.addi %mul3A_133, %and3A_788 : vector<16xi32>
        %gather3A_801 = tpu.vector_load_idx %arg10[%add3A_800] : memref<64000xf32, #tpu.memory_space<vmem>>[vector<16xi32>], vector<16xf32>,
        %mul3A_802 = arith.mulf %gather3A_137, %gather3A_801 : vector<16xf32>
        %add3A_803 = arith.addf %add3A_799, %mul3A_802 : vector<16xf32>
        %add3A_804 = arith.addi %mul3A_150, %and3A_788 : vector<16xi32>
        %gather3A_805 = tpu.vector_load_idx %arg10[%add3A_804] : memref<64000xf32, #tpu.memory_space<vmem>>[vector<16xi32>], vector<16xf32>,
        %mul3A_806 = arith.mulf %gather3A_154, %gather3A_805 : vector<16xf32>
        %add3A_807 = arith.addf %add3A_803, %mul3A_806 : vector<16xf32>
        %mul3A_808 = arith.mulf %gather3A_790, %add3A_807 : vector<16xf32>
        %add3A_809 = arith.addf %add3A_701, %mul3A_808 : vector<16xf32>
        %add3A_810 = arith.constant 24 : i32
        %add3A_811 = vector.broadcast %add3A_810 : i32 to vector<16xi32>
        %add3A_812 = arith.addi %iota3A, %add3A_811 : vector<16xi32>
        %and3A_813 = arith.constant 63 : i32
        %and3A_814 = vector.broadcast %and3A_813 : i32 to vector<16xi32>
        %and3A_815 = arith.andi %add3A_812, %and3A_814 : vector<16xi32>
        %add3A_816 = arith.addi %get3A_90, %and3A_815 : vector<16xi32>
        %gather3A_817 = tpu.vector_load_idx %arg9[%add3A_816] : memref<32768xf32, #tpu.memory_space<vmem>>[vector<16xi32>], vector<16xf32>,
        %gather3A_818 = tpu.vector_load_idx %arg13[%add3A_84, %and3A_815] : memref<64x64xf32, #tpu.memory_space<vmem>>[vector<16xi32>, vector<16xi32>], vector<16xf32>,
        %add3A_819 = arith.addi %mul3A_99, %and3A_815 : vector<16xi32>
        %gather3A_820 = tpu.vector_load_idx %arg10[%add3A_819] : memref<64000xf32, #tpu.memory_space<vmem>>[vector<16xi32>], vector<16xf32>,
        %mul3A_821 = arith.mulf %gather3A_103, %gather3A_820 : vector<16xf32>
        %add3A_822 = arith.addf %gather3A_818, %mul3A_821 : vector<16xf32>
        %add3A_823 = arith.addi %mul3A_116, %and3A_815 : vector<16xi32>
        %gather3A_824 = tpu.vector_load_idx %arg10[%add3A_823] : memref<64000xf32, #tpu.memory_space<vmem>>[vector<16xi32>], vector<16xf32>,
        %mul3A_825 = arith.mulf %gather3A_120, %gather3A_824 : vector<16xf32>
        %add3A_826 = arith.addf %add3A_822, %mul3A_825 : vector<16xf32>
        %add3A_827 = arith.addi %mul3A_133, %and3A_815 : vector<16xi32>
        %gather3A_828 = tpu.vector_load_idx %arg10[%add3A_827] : memref<64000xf32, #tpu.memory_space<vmem>>[vector<16xi32>], vector<16xf32>,
        %mul3A_829 = arith.mulf %gather3A_137, %gather3A_828 : vector<16xf32>
        %add3A_830 = arith.addf %add3A_826, %mul3A_829 : vector<16xf32>
        %add3A_831 = arith.addi %mul3A_150, %and3A_815 : vector<16xi32>
        %gather3A_832 = tpu.vector_load_idx %arg10[%add3A_831] : memref<64000xf32, #tpu.memory_space<vmem>>[vector<16xi32>], vector<16xf32>,
        %mul3A_833 = arith.mulf %gather3A_154, %gather3A_832 : vector<16xf32>
        %add3A_834 = arith.addf %add3A_830, %mul3A_833 : vector<16xf32>
        %mul3A_835 = arith.mulf %gather3A_817, %add3A_834 : vector<16xf32>
        %add3A_836 = arith.addf %add3A_728, %mul3A_835 : vector<16xf32>
        %add3A_837 = arith.constant 25 : i32
        %add3A_838 = vector.broadcast %add3A_837 : i32 to vector<16xi32>
        %add3A_839 = arith.addi %iota3A, %add3A_838 : vector<16xi32>
        %and3A_840 = arith.constant 63 : i32
        %and3A_841 = vector.broadcast %and3A_840 : i32 to vector<16xi32>
        %and3A_842 = arith.andi %add3A_839, %and3A_841 : vector<16xi32>
        %add3A_843 = arith.addi %get3A_90, %and3A_842 : vector<16xi32>
        %gather3A_844 = tpu.vector_load_idx %arg9[%add3A_843] : memref<32768xf32, #tpu.memory_space<vmem>>[vector<16xi32>], vector<16xf32>,
        %gather3A_845 = tpu.vector_load_idx %arg13[%add3A_84, %and3A_842] : memref<64x64xf32, #tpu.memory_space<vmem>>[vector<16xi32>, vector<16xi32>], vector<16xf32>,
        %add3A_846 = arith.addi %mul3A_99, %and3A_842 : vector<16xi32>
        %gather3A_847 = tpu.vector_load_idx %arg10[%add3A_846] : memref<64000xf32, #tpu.memory_space<vmem>>[vector<16xi32>], vector<16xf32>,
        %mul3A_848 = arith.mulf %gather3A_103, %gather3A_847 : vector<16xf32>
        %add3A_849 = arith.addf %gather3A_845, %mul3A_848 : vector<16xf32>
        %add3A_850 = arith.addi %mul3A_116, %and3A_842 : vector<16xi32>
        %gather3A_851 = tpu.vector_load_idx %arg10[%add3A_850] : memref<64000xf32, #tpu.memory_space<vmem>>[vector<16xi32>], vector<16xf32>,
        %mul3A_852 = arith.mulf %gather3A_120, %gather3A_851 : vector<16xf32>
        %add3A_853 = arith.addf %add3A_849, %mul3A_852 : vector<16xf32>
        %add3A_854 = arith.addi %mul3A_133, %and3A_842 : vector<16xi32>
        %gather3A_855 = tpu.vector_load_idx %arg10[%add3A_854] : memref<64000xf32, #tpu.memory_space<vmem>>[vector<16xi32>], vector<16xf32>,
        %mul3A_856 = arith.mulf %gather3A_137, %gather3A_855 : vector<16xf32>
        %add3A_857 = arith.addf %add3A_853, %mul3A_856 : vector<16xf32>
        %add3A_858 = arith.addi %mul3A_150, %and3A_842 : vector<16xi32>
        %gather3A_859 = tpu.vector_load_idx %arg10[%add3A_858] : memref<64000xf32, #tpu.memory_space<vmem>>[vector<16xi32>], vector<16xf32>,
        %mul3A_860 = arith.mulf %gather3A_154, %gather3A_859 : vector<16xf32>
        %add3A_861 = arith.addf %add3A_857, %mul3A_860 : vector<16xf32>
        %mul3A_862 = arith.mulf %gather3A_844, %add3A_861 : vector<16xf32>
        %add3A_863 = arith.addf %add3A_755, %mul3A_862 : vector<16xf32>
        %add3A_864 = arith.constant 26 : i32
        %add3A_865 = vector.broadcast %add3A_864 : i32 to vector<16xi32>
        %add3A_866 = arith.addi %iota3A, %add3A_865 : vector<16xi32>
        %and3A_867 = arith.constant 63 : i32
        %and3A_868 = vector.broadcast %and3A_867 : i32 to vector<16xi32>
        %and3A_869 = arith.andi %add3A_866, %and3A_868 : vector<16xi32>
        %add3A_870 = arith.addi %get3A_90, %and3A_869 : vector<16xi32>
        %gather3A_871 = tpu.vector_load_idx %arg9[%add3A_870] : memref<32768xf32, #tpu.memory_space<vmem>>[vector<16xi32>], vector<16xf32>,
        %gather3A_872 = tpu.vector_load_idx %arg13[%add3A_84, %and3A_869] : memref<64x64xf32, #tpu.memory_space<vmem>>[vector<16xi32>, vector<16xi32>], vector<16xf32>,
        %add3A_873 = arith.addi %mul3A_99, %and3A_869 : vector<16xi32>
        %gather3A_874 = tpu.vector_load_idx %arg10[%add3A_873] : memref<64000xf32, #tpu.memory_space<vmem>>[vector<16xi32>], vector<16xf32>,
        %mul3A_875 = arith.mulf %gather3A_103, %gather3A_874 : vector<16xf32>
        %add3A_876 = arith.addf %gather3A_872, %mul3A_875 : vector<16xf32>
        %add3A_877 = arith.addi %mul3A_116, %and3A_869 : vector<16xi32>
        %gather3A_878 = tpu.vector_load_idx %arg10[%add3A_877] : memref<64000xf32, #tpu.memory_space<vmem>>[vector<16xi32>], vector<16xf32>,
        %mul3A_879 = arith.mulf %gather3A_120, %gather3A_878 : vector<16xf32>
        %add3A_880 = arith.addf %add3A_876, %mul3A_879 : vector<16xf32>
        %add3A_881 = arith.addi %mul3A_133, %and3A_869 : vector<16xi32>
        %gather3A_882 = tpu.vector_load_idx %arg10[%add3A_881] : memref<64000xf32, #tpu.memory_space<vmem>>[vector<16xi32>], vector<16xf32>,
        %mul3A_883 = arith.mulf %gather3A_137, %gather3A_882 : vector<16xf32>
        %add3A_884 = arith.addf %add3A_880, %mul3A_883 : vector<16xf32>
        %add3A_885 = arith.addi %mul3A_150, %and3A_869 : vector<16xi32>
        %gather3A_886 = tpu.vector_load_idx %arg10[%add3A_885] : memref<64000xf32, #tpu.memory_space<vmem>>[vector<16xi32>], vector<16xf32>,
        %mul3A_887 = arith.mulf %gather3A_154, %gather3A_886 : vector<16xf32>
        %add3A_888 = arith.addf %add3A_884, %mul3A_887 : vector<16xf32>
        %mul3A_889 = arith.mulf %gather3A_871, %add3A_888 : vector<16xf32>
        %add3A_890 = arith.addf %add3A_782, %mul3A_889 : vector<16xf32>
        %add3A_891 = arith.constant 27 : i32
        %add3A_892 = vector.broadcast %add3A_891 : i32 to vector<16xi32>
        %add3A_893 = arith.addi %iota3A, %add3A_892 : vector<16xi32>
        %and3A_894 = arith.constant 63 : i32
        %and3A_895 = vector.broadcast %and3A_894 : i32 to vector<16xi32>
        %and3A_896 = arith.andi %add3A_893, %and3A_895 : vector<16xi32>
        %add3A_897 = arith.addi %get3A_90, %and3A_896 : vector<16xi32>
        %gather3A_898 = tpu.vector_load_idx %arg9[%add3A_897] : memref<32768xf32, #tpu.memory_space<vmem>>[vector<16xi32>], vector<16xf32>,
        %gather3A_899 = tpu.vector_load_idx %arg13[%add3A_84, %and3A_896] : memref<64x64xf32, #tpu.memory_space<vmem>>[vector<16xi32>, vector<16xi32>], vector<16xf32>,
        %add3A_900 = arith.addi %mul3A_99, %and3A_896 : vector<16xi32>
        %gather3A_901 = tpu.vector_load_idx %arg10[%add3A_900] : memref<64000xf32, #tpu.memory_space<vmem>>[vector<16xi32>], vector<16xf32>,
        %mul3A_902 = arith.mulf %gather3A_103, %gather3A_901 : vector<16xf32>
        %add3A_903 = arith.addf %gather3A_899, %mul3A_902 : vector<16xf32>
        %add3A_904 = arith.addi %mul3A_116, %and3A_896 : vector<16xi32>
        %gather3A_905 = tpu.vector_load_idx %arg10[%add3A_904] : memref<64000xf32, #tpu.memory_space<vmem>>[vector<16xi32>], vector<16xf32>,
        %mul3A_906 = arith.mulf %gather3A_120, %gather3A_905 : vector<16xf32>
        %add3A_907 = arith.addf %add3A_903, %mul3A_906 : vector<16xf32>
        %add3A_908 = arith.addi %mul3A_133, %and3A_896 : vector<16xi32>
        %gather3A_909 = tpu.vector_load_idx %arg10[%add3A_908] : memref<64000xf32, #tpu.memory_space<vmem>>[vector<16xi32>], vector<16xf32>,
        %mul3A_910 = arith.mulf %gather3A_137, %gather3A_909 : vector<16xf32>
        %add3A_911 = arith.addf %add3A_907, %mul3A_910 : vector<16xf32>
        %add3A_912 = arith.addi %mul3A_150, %and3A_896 : vector<16xi32>
        %gather3A_913 = tpu.vector_load_idx %arg10[%add3A_912] : memref<64000xf32, #tpu.memory_space<vmem>>[vector<16xi32>], vector<16xf32>,
        %mul3A_914 = arith.mulf %gather3A_154, %gather3A_913 : vector<16xf32>
        %add3A_915 = arith.addf %add3A_911, %mul3A_914 : vector<16xf32>
        %mul3A_916 = arith.mulf %gather3A_898, %add3A_915 : vector<16xf32>
        %add3A_917 = arith.addf %add3A_809, %mul3A_916 : vector<16xf32>
        %add3A_918 = arith.constant 28 : i32
        %add3A_919 = vector.broadcast %add3A_918 : i32 to vector<16xi32>
        %add3A_920 = arith.addi %iota3A, %add3A_919 : vector<16xi32>
        %and3A_921 = arith.constant 63 : i32
        %and3A_922 = vector.broadcast %and3A_921 : i32 to vector<16xi32>
        %and3A_923 = arith.andi %add3A_920, %and3A_922 : vector<16xi32>
        %add3A_924 = arith.addi %get3A_90, %and3A_923 : vector<16xi32>
        %gather3A_925 = tpu.vector_load_idx %arg9[%add3A_924] : memref<32768xf32, #tpu.memory_space<vmem>>[vector<16xi32>], vector<16xf32>,
        %gather3A_926 = tpu.vector_load_idx %arg13[%add3A_84, %and3A_923] : memref<64x64xf32, #tpu.memory_space<vmem>>[vector<16xi32>, vector<16xi32>], vector<16xf32>,
        %add3A_927 = arith.addi %mul3A_99, %and3A_923 : vector<16xi32>
        %gather3A_928 = tpu.vector_load_idx %arg10[%add3A_927] : memref<64000xf32, #tpu.memory_space<vmem>>[vector<16xi32>], vector<16xf32>,
        %mul3A_929 = arith.mulf %gather3A_103, %gather3A_928 : vector<16xf32>
        %add3A_930 = arith.addf %gather3A_926, %mul3A_929 : vector<16xf32>
        %add3A_931 = arith.addi %mul3A_116, %and3A_923 : vector<16xi32>
        %gather3A_932 = tpu.vector_load_idx %arg10[%add3A_931] : memref<64000xf32, #tpu.memory_space<vmem>>[vector<16xi32>], vector<16xf32>,
        %mul3A_933 = arith.mulf %gather3A_120, %gather3A_932 : vector<16xf32>
        %add3A_934 = arith.addf %add3A_930, %mul3A_933 : vector<16xf32>
        %add3A_935 = arith.addi %mul3A_133, %and3A_923 : vector<16xi32>
        %gather3A_936 = tpu.vector_load_idx %arg10[%add3A_935] : memref<64000xf32, #tpu.memory_space<vmem>>[vector<16xi32>], vector<16xf32>,
        %mul3A_937 = arith.mulf %gather3A_137, %gather3A_936 : vector<16xf32>
        %add3A_938 = arith.addf %add3A_934, %mul3A_937 : vector<16xf32>
        %add3A_939 = arith.addi %mul3A_150, %and3A_923 : vector<16xi32>
        %gather3A_940 = tpu.vector_load_idx %arg10[%add3A_939] : memref<64000xf32, #tpu.memory_space<vmem>>[vector<16xi32>], vector<16xf32>,
        %mul3A_941 = arith.mulf %gather3A_154, %gather3A_940 : vector<16xf32>
        %add3A_942 = arith.addf %add3A_938, %mul3A_941 : vector<16xf32>
        %mul3A_943 = arith.mulf %gather3A_925, %add3A_942 : vector<16xf32>
        %add3A_944 = arith.addf %add3A_836, %mul3A_943 : vector<16xf32>
        %add3A_945 = arith.constant 29 : i32
        %add3A_946 = vector.broadcast %add3A_945 : i32 to vector<16xi32>
        %add3A_947 = arith.addi %iota3A, %add3A_946 : vector<16xi32>
        %and3A_948 = arith.constant 63 : i32
        %and3A_949 = vector.broadcast %and3A_948 : i32 to vector<16xi32>
        %and3A_950 = arith.andi %add3A_947, %and3A_949 : vector<16xi32>
        %add3A_951 = arith.addi %get3A_90, %and3A_950 : vector<16xi32>
        %gather3A_952 = tpu.vector_load_idx %arg9[%add3A_951] : memref<32768xf32, #tpu.memory_space<vmem>>[vector<16xi32>], vector<16xf32>,
        %gather3A_953 = tpu.vector_load_idx %arg13[%add3A_84, %and3A_950] : memref<64x64xf32, #tpu.memory_space<vmem>>[vector<16xi32>, vector<16xi32>], vector<16xf32>,
        %add3A_954 = arith.addi %mul3A_99, %and3A_950 : vector<16xi32>
        %gather3A_955 = tpu.vector_load_idx %arg10[%add3A_954] : memref<64000xf32, #tpu.memory_space<vmem>>[vector<16xi32>], vector<16xf32>,
        %mul3A_956 = arith.mulf %gather3A_103, %gather3A_955 : vector<16xf32>
        %add3A_957 = arith.addf %gather3A_953, %mul3A_956 : vector<16xf32>
        %add3A_958 = arith.addi %mul3A_116, %and3A_950 : vector<16xi32>
        %gather3A_959 = tpu.vector_load_idx %arg10[%add3A_958] : memref<64000xf32, #tpu.memory_space<vmem>>[vector<16xi32>], vector<16xf32>,
        %mul3A_960 = arith.mulf %gather3A_120, %gather3A_959 : vector<16xf32>
        %add3A_961 = arith.addf %add3A_957, %mul3A_960 : vector<16xf32>
        %add3A_962 = arith.addi %mul3A_133, %and3A_950 : vector<16xi32>
        %gather3A_963 = tpu.vector_load_idx %arg10[%add3A_962] : memref<64000xf32, #tpu.memory_space<vmem>>[vector<16xi32>], vector<16xf32>,
        %mul3A_964 = arith.mulf %gather3A_137, %gather3A_963 : vector<16xf32>
        %add3A_965 = arith.addf %add3A_961, %mul3A_964 : vector<16xf32>
        %add3A_966 = arith.addi %mul3A_150, %and3A_950 : vector<16xi32>
        %gather3A_967 = tpu.vector_load_idx %arg10[%add3A_966] : memref<64000xf32, #tpu.memory_space<vmem>>[vector<16xi32>], vector<16xf32>,
        %mul3A_968 = arith.mulf %gather3A_154, %gather3A_967 : vector<16xf32>
        %add3A_969 = arith.addf %add3A_965, %mul3A_968 : vector<16xf32>
        %mul3A_970 = arith.mulf %gather3A_952, %add3A_969 : vector<16xf32>
        %add3A_971 = arith.addf %add3A_863, %mul3A_970 : vector<16xf32>
        %add3A_972 = arith.constant 30 : i32
        %add3A_973 = vector.broadcast %add3A_972 : i32 to vector<16xi32>
        %add3A_974 = arith.addi %iota3A, %add3A_973 : vector<16xi32>
        %and3A_975 = arith.constant 63 : i32
        %and3A_976 = vector.broadcast %and3A_975 : i32 to vector<16xi32>
        %and3A_977 = arith.andi %add3A_974, %and3A_976 : vector<16xi32>
        %add3A_978 = arith.addi %get3A_90, %and3A_977 : vector<16xi32>
        %gather3A_979 = tpu.vector_load_idx %arg9[%add3A_978] : memref<32768xf32, #tpu.memory_space<vmem>>[vector<16xi32>], vector<16xf32>,
        %gather3A_980 = tpu.vector_load_idx %arg13[%add3A_84, %and3A_977] : memref<64x64xf32, #tpu.memory_space<vmem>>[vector<16xi32>, vector<16xi32>], vector<16xf32>,
        %add3A_981 = arith.addi %mul3A_99, %and3A_977 : vector<16xi32>
        %gather3A_982 = tpu.vector_load_idx %arg10[%add3A_981] : memref<64000xf32, #tpu.memory_space<vmem>>[vector<16xi32>], vector<16xf32>,
        %mul3A_983 = arith.mulf %gather3A_103, %gather3A_982 : vector<16xf32>
        %add3A_984 = arith.addf %gather3A_980, %mul3A_983 : vector<16xf32>
        %add3A_985 = arith.addi %mul3A_116, %and3A_977 : vector<16xi32>
        %gather3A_986 = tpu.vector_load_idx %arg10[%add3A_985] : memref<64000xf32, #tpu.memory_space<vmem>>[vector<16xi32>], vector<16xf32>,
        %mul3A_987 = arith.mulf %gather3A_120, %gather3A_986 : vector<16xf32>
        %add3A_988 = arith.addf %add3A_984, %mul3A_987 : vector<16xf32>
        %add3A_989 = arith.addi %mul3A_133, %and3A_977 : vector<16xi32>
        %gather3A_990 = tpu.vector_load_idx %arg10[%add3A_989] : memref<64000xf32, #tpu.memory_space<vmem>>[vector<16xi32>], vector<16xf32>,
        %mul3A_991 = arith.mulf %gather3A_137, %gather3A_990 : vector<16xf32>
        %add3A_992 = arith.addf %add3A_988, %mul3A_991 : vector<16xf32>
        %add3A_993 = arith.addi %mul3A_150, %and3A_977 : vector<16xi32>
        %gather3A_994 = tpu.vector_load_idx %arg10[%add3A_993] : memref<64000xf32, #tpu.memory_space<vmem>>[vector<16xi32>], vector<16xf32>,
        %mul3A_995 = arith.mulf %gather3A_154, %gather3A_994 : vector<16xf32>
        %add3A_996 = arith.addf %add3A_992, %mul3A_995 : vector<16xf32>
        %mul3A_997 = arith.mulf %gather3A_979, %add3A_996 : vector<16xf32>
        %add3A_998 = arith.addf %add3A_890, %mul3A_997 : vector<16xf32>
        %add3A_999 = arith.constant 31 : i32
        %add3A_1000 = vector.broadcast %add3A_999 : i32 to vector<16xi32>
        %add3A_1001 = arith.addi %iota3A, %add3A_1000 : vector<16xi32>
        %and3A_1002 = arith.constant 63 : i32
        %and3A_1003 = vector.broadcast %and3A_1002 : i32 to vector<16xi32>
        %and3A_1004 = arith.andi %add3A_1001, %and3A_1003 : vector<16xi32>
        %add3A_1005 = arith.addi %get3A_90, %and3A_1004 : vector<16xi32>
        %gather3A_1006 = tpu.vector_load_idx %arg9[%add3A_1005] : memref<32768xf32, #tpu.memory_space<vmem>>[vector<16xi32>], vector<16xf32>,
        %gather3A_1007 = tpu.vector_load_idx %arg13[%add3A_84, %and3A_1004] : memref<64x64xf32, #tpu.memory_space<vmem>>[vector<16xi32>, vector<16xi32>], vector<16xf32>,
        %add3A_1008 = arith.addi %mul3A_99, %and3A_1004 : vector<16xi32>
        %gather3A_1009 = tpu.vector_load_idx %arg10[%add3A_1008] : memref<64000xf32, #tpu.memory_space<vmem>>[vector<16xi32>], vector<16xf32>,
        %mul3A_1010 = arith.mulf %gather3A_103, %gather3A_1009 : vector<16xf32>
        %add3A_1011 = arith.addf %gather3A_1007, %mul3A_1010 : vector<16xf32>
        %add3A_1012 = arith.addi %mul3A_116, %and3A_1004 : vector<16xi32>
        %gather3A_1013 = tpu.vector_load_idx %arg10[%add3A_1012] : memref<64000xf32, #tpu.memory_space<vmem>>[vector<16xi32>], vector<16xf32>,
        %mul3A_1014 = arith.mulf %gather3A_120, %gather3A_1013 : vector<16xf32>
        %add3A_1015 = arith.addf %add3A_1011, %mul3A_1014 : vector<16xf32>
        %add3A_1016 = arith.addi %mul3A_133, %and3A_1004 : vector<16xi32>
        %gather3A_1017 = tpu.vector_load_idx %arg10[%add3A_1016] : memref<64000xf32, #tpu.memory_space<vmem>>[vector<16xi32>], vector<16xf32>,
        %mul3A_1018 = arith.mulf %gather3A_137, %gather3A_1017 : vector<16xf32>
        %add3A_1019 = arith.addf %add3A_1015, %mul3A_1018 : vector<16xf32>
        %add3A_1020 = arith.addi %mul3A_150, %and3A_1004 : vector<16xi32>
        %gather3A_1021 = tpu.vector_load_idx %arg10[%add3A_1020] : memref<64000xf32, #tpu.memory_space<vmem>>[vector<16xi32>], vector<16xf32>,
        %mul3A_1022 = arith.mulf %gather3A_154, %gather3A_1021 : vector<16xf32>
        %add3A_1023 = arith.addf %add3A_1019, %mul3A_1022 : vector<16xf32>
        %mul3A_1024 = arith.mulf %gather3A_1006, %add3A_1023 : vector<16xf32>
        %add3A_1025 = arith.addf %add3A_917, %mul3A_1024 : vector<16xf32>
        %add3A_1026 = arith.constant 32 : i32
        %add3A_1027 = vector.broadcast %add3A_1026 : i32 to vector<16xi32>
        %add3A_1028 = arith.addi %iota3A, %add3A_1027 : vector<16xi32>
        %and3A_1029 = arith.constant 63 : i32
        %and3A_1030 = vector.broadcast %and3A_1029 : i32 to vector<16xi32>
        %and3A_1031 = arith.andi %add3A_1028, %and3A_1030 : vector<16xi32>
        %add3A_1032 = arith.addi %get3A_90, %and3A_1031 : vector<16xi32>
        %gather3A_1033 = tpu.vector_load_idx %arg9[%add3A_1032] : memref<32768xf32, #tpu.memory_space<vmem>>[vector<16xi32>], vector<16xf32>,
        %gather3A_1034 = tpu.vector_load_idx %arg13[%add3A_84, %and3A_1031] : memref<64x64xf32, #tpu.memory_space<vmem>>[vector<16xi32>, vector<16xi32>], vector<16xf32>,
        %add3A_1035 = arith.addi %mul3A_99, %and3A_1031 : vector<16xi32>
        %gather3A_1036 = tpu.vector_load_idx %arg10[%add3A_1035] : memref<64000xf32, #tpu.memory_space<vmem>>[vector<16xi32>], vector<16xf32>,
        %mul3A_1037 = arith.mulf %gather3A_103, %gather3A_1036 : vector<16xf32>
        %add3A_1038 = arith.addf %gather3A_1034, %mul3A_1037 : vector<16xf32>
        %add3A_1039 = arith.addi %mul3A_116, %and3A_1031 : vector<16xi32>
        %gather3A_1040 = tpu.vector_load_idx %arg10[%add3A_1039] : memref<64000xf32, #tpu.memory_space<vmem>>[vector<16xi32>], vector<16xf32>,
        %mul3A_1041 = arith.mulf %gather3A_120, %gather3A_1040 : vector<16xf32>
        %add3A_1042 = arith.addf %add3A_1038, %mul3A_1041 : vector<16xf32>
        %add3A_1043 = arith.addi %mul3A_133, %and3A_1031 : vector<16xi32>
        %gather3A_1044 = tpu.vector_load_idx %arg10[%add3A_1043] : memref<64000xf32, #tpu.memory_space<vmem>>[vector<16xi32>], vector<16xf32>,
        %mul3A_1045 = arith.mulf %gather3A_137, %gather3A_1044 : vector<16xf32>
        %add3A_1046 = arith.addf %add3A_1042, %mul3A_1045 : vector<16xf32>
        %add3A_1047 = arith.addi %mul3A_150, %and3A_1031 : vector<16xi32>
        %gather3A_1048 = tpu.vector_load_idx %arg10[%add3A_1047] : memref<64000xf32, #tpu.memory_space<vmem>>[vector<16xi32>], vector<16xf32>,
        %mul3A_1049 = arith.mulf %gather3A_154, %gather3A_1048 : vector<16xf32>
        %add3A_1050 = arith.addf %add3A_1046, %mul3A_1049 : vector<16xf32>
        %mul3A_1051 = arith.mulf %gather3A_1033, %add3A_1050 : vector<16xf32>
        %add3A_1052 = arith.addf %add3A_944, %mul3A_1051 : vector<16xf32>
        %add3A_1053 = arith.constant 33 : i32
        %add3A_1054 = vector.broadcast %add3A_1053 : i32 to vector<16xi32>
        %add3A_1055 = arith.addi %iota3A, %add3A_1054 : vector<16xi32>
        %and3A_1056 = arith.constant 63 : i32
        %and3A_1057 = vector.broadcast %and3A_1056 : i32 to vector<16xi32>
        %and3A_1058 = arith.andi %add3A_1055, %and3A_1057 : vector<16xi32>
        %add3A_1059 = arith.addi %get3A_90, %and3A_1058 : vector<16xi32>
        %gather3A_1060 = tpu.vector_load_idx %arg9[%add3A_1059] : memref<32768xf32, #tpu.memory_space<vmem>>[vector<16xi32>], vector<16xf32>,
        %gather3A_1061 = tpu.vector_load_idx %arg13[%add3A_84, %and3A_1058] : memref<64x64xf32, #tpu.memory_space<vmem>>[vector<16xi32>, vector<16xi32>], vector<16xf32>,
        %add3A_1062 = arith.addi %mul3A_99, %and3A_1058 : vector<16xi32>
        %gather3A_1063 = tpu.vector_load_idx %arg10[%add3A_1062] : memref<64000xf32, #tpu.memory_space<vmem>>[vector<16xi32>], vector<16xf32>,
        %mul3A_1064 = arith.mulf %gather3A_103, %gather3A_1063 : vector<16xf32>
        %add3A_1065 = arith.addf %gather3A_1061, %mul3A_1064 : vector<16xf32>
        %add3A_1066 = arith.addi %mul3A_116, %and3A_1058 : vector<16xi32>
        %gather3A_1067 = tpu.vector_load_idx %arg10[%add3A_1066] : memref<64000xf32, #tpu.memory_space<vmem>>[vector<16xi32>], vector<16xf32>,
        %mul3A_1068 = arith.mulf %gather3A_120, %gather3A_1067 : vector<16xf32>
        %add3A_1069 = arith.addf %add3A_1065, %mul3A_1068 : vector<16xf32>
        %add3A_1070 = arith.addi %mul3A_133, %and3A_1058 : vector<16xi32>
        %gather3A_1071 = tpu.vector_load_idx %arg10[%add3A_1070] : memref<64000xf32, #tpu.memory_space<vmem>>[vector<16xi32>], vector<16xf32>,
        %mul3A_1072 = arith.mulf %gather3A_137, %gather3A_1071 : vector<16xf32>
        %add3A_1073 = arith.addf %add3A_1069, %mul3A_1072 : vector<16xf32>
        %add3A_1074 = arith.addi %mul3A_150, %and3A_1058 : vector<16xi32>
        %gather3A_1075 = tpu.vector_load_idx %arg10[%add3A_1074] : memref<64000xf32, #tpu.memory_space<vmem>>[vector<16xi32>], vector<16xf32>,
        %mul3A_1076 = arith.mulf %gather3A_154, %gather3A_1075 : vector<16xf32>
        %add3A_1077 = arith.addf %add3A_1073, %mul3A_1076 : vector<16xf32>
        %mul3A_1078 = arith.mulf %gather3A_1060, %add3A_1077 : vector<16xf32>
        %add3A_1079 = arith.addf %add3A_971, %mul3A_1078 : vector<16xf32>
        %add3A_1080 = arith.constant 34 : i32
        %add3A_1081 = vector.broadcast %add3A_1080 : i32 to vector<16xi32>
        %add3A_1082 = arith.addi %iota3A, %add3A_1081 : vector<16xi32>
        %and3A_1083 = arith.constant 63 : i32
        %and3A_1084 = vector.broadcast %and3A_1083 : i32 to vector<16xi32>
        %and3A_1085 = arith.andi %add3A_1082, %and3A_1084 : vector<16xi32>
        %add3A_1086 = arith.addi %get3A_90, %and3A_1085 : vector<16xi32>
        %gather3A_1087 = tpu.vector_load_idx %arg9[%add3A_1086] : memref<32768xf32, #tpu.memory_space<vmem>>[vector<16xi32>], vector<16xf32>,
        %gather3A_1088 = tpu.vector_load_idx %arg13[%add3A_84, %and3A_1085] : memref<64x64xf32, #tpu.memory_space<vmem>>[vector<16xi32>, vector<16xi32>], vector<16xf32>,
        %add3A_1089 = arith.addi %mul3A_99, %and3A_1085 : vector<16xi32>
        %gather3A_1090 = tpu.vector_load_idx %arg10[%add3A_1089] : memref<64000xf32, #tpu.memory_space<vmem>>[vector<16xi32>], vector<16xf32>,
        %mul3A_1091 = arith.mulf %gather3A_103, %gather3A_1090 : vector<16xf32>
        %add3A_1092 = arith.addf %gather3A_1088, %mul3A_1091 : vector<16xf32>
        %add3A_1093 = arith.addi %mul3A_116, %and3A_1085 : vector<16xi32>
        %gather3A_1094 = tpu.vector_load_idx %arg10[%add3A_1093] : memref<64000xf32, #tpu.memory_space<vmem>>[vector<16xi32>], vector<16xf32>,
        %mul3A_1095 = arith.mulf %gather3A_120, %gather3A_1094 : vector<16xf32>
        %add3A_1096 = arith.addf %add3A_1092, %mul3A_1095 : vector<16xf32>
        %add3A_1097 = arith.addi %mul3A_133, %and3A_1085 : vector<16xi32>
        %gather3A_1098 = tpu.vector_load_idx %arg10[%add3A_1097] : memref<64000xf32, #tpu.memory_space<vmem>>[vector<16xi32>], vector<16xf32>,
        %mul3A_1099 = arith.mulf %gather3A_137, %gather3A_1098 : vector<16xf32>
        %add3A_1100 = arith.addf %add3A_1096, %mul3A_1099 : vector<16xf32>
        %add3A_1101 = arith.addi %mul3A_150, %and3A_1085 : vector<16xi32>
        %gather3A_1102 = tpu.vector_load_idx %arg10[%add3A_1101] : memref<64000xf32, #tpu.memory_space<vmem>>[vector<16xi32>], vector<16xf32>,
        %mul3A_1103 = arith.mulf %gather3A_154, %gather3A_1102 : vector<16xf32>
        %add3A_1104 = arith.addf %add3A_1100, %mul3A_1103 : vector<16xf32>
        %mul3A_1105 = arith.mulf %gather3A_1087, %add3A_1104 : vector<16xf32>
        %add3A_1106 = arith.addf %add3A_998, %mul3A_1105 : vector<16xf32>
        %add3A_1107 = arith.constant 35 : i32
        %add3A_1108 = vector.broadcast %add3A_1107 : i32 to vector<16xi32>
        %add3A_1109 = arith.addi %iota3A, %add3A_1108 : vector<16xi32>
        %and3A_1110 = arith.constant 63 : i32
        %and3A_1111 = vector.broadcast %and3A_1110 : i32 to vector<16xi32>
        %and3A_1112 = arith.andi %add3A_1109, %and3A_1111 : vector<16xi32>
        %add3A_1113 = arith.addi %get3A_90, %and3A_1112 : vector<16xi32>
        %gather3A_1114 = tpu.vector_load_idx %arg9[%add3A_1113] : memref<32768xf32, #tpu.memory_space<vmem>>[vector<16xi32>], vector<16xf32>,
        %gather3A_1115 = tpu.vector_load_idx %arg13[%add3A_84, %and3A_1112] : memref<64x64xf32, #tpu.memory_space<vmem>>[vector<16xi32>, vector<16xi32>], vector<16xf32>,
        %add3A_1116 = arith.addi %mul3A_99, %and3A_1112 : vector<16xi32>
        %gather3A_1117 = tpu.vector_load_idx %arg10[%add3A_1116] : memref<64000xf32, #tpu.memory_space<vmem>>[vector<16xi32>], vector<16xf32>,
        %mul3A_1118 = arith.mulf %gather3A_103, %gather3A_1117 : vector<16xf32>
        %add3A_1119 = arith.addf %gather3A_1115, %mul3A_1118 : vector<16xf32>
        %add3A_1120 = arith.addi %mul3A_116, %and3A_1112 : vector<16xi32>
        %gather3A_1121 = tpu.vector_load_idx %arg10[%add3A_1120] : memref<64000xf32, #tpu.memory_space<vmem>>[vector<16xi32>], vector<16xf32>,
        %mul3A_1122 = arith.mulf %gather3A_120, %gather3A_1121 : vector<16xf32>
        %add3A_1123 = arith.addf %add3A_1119, %mul3A_1122 : vector<16xf32>
        %add3A_1124 = arith.addi %mul3A_133, %and3A_1112 : vector<16xi32>
        %gather3A_1125 = tpu.vector_load_idx %arg10[%add3A_1124] : memref<64000xf32, #tpu.memory_space<vmem>>[vector<16xi32>], vector<16xf32>,
        %mul3A_1126 = arith.mulf %gather3A_137, %gather3A_1125 : vector<16xf32>
        %add3A_1127 = arith.addf %add3A_1123, %mul3A_1126 : vector<16xf32>
        %add3A_1128 = arith.addi %mul3A_150, %and3A_1112 : vector<16xi32>
        %gather3A_1129 = tpu.vector_load_idx %arg10[%add3A_1128] : memref<64000xf32, #tpu.memory_space<vmem>>[vector<16xi32>], vector<16xf32>,
        %mul3A_1130 = arith.mulf %gather3A_154, %gather3A_1129 : vector<16xf32>
        %add3A_1131 = arith.addf %add3A_1127, %mul3A_1130 : vector<16xf32>
        %mul3A_1132 = arith.mulf %gather3A_1114, %add3A_1131 : vector<16xf32>
        %add3A_1133 = arith.addf %add3A_1025, %mul3A_1132 : vector<16xf32>
        %add3A_1134 = arith.constant 36 : i32
        %add3A_1135 = vector.broadcast %add3A_1134 : i32 to vector<16xi32>
        %add3A_1136 = arith.addi %iota3A, %add3A_1135 : vector<16xi32>
        %and3A_1137 = arith.constant 63 : i32
        %and3A_1138 = vector.broadcast %and3A_1137 : i32 to vector<16xi32>
        %and3A_1139 = arith.andi %add3A_1136, %and3A_1138 : vector<16xi32>
        %add3A_1140 = arith.addi %get3A_90, %and3A_1139 : vector<16xi32>
        %gather3A_1141 = tpu.vector_load_idx %arg9[%add3A_1140] : memref<32768xf32, #tpu.memory_space<vmem>>[vector<16xi32>], vector<16xf32>,
        %gather3A_1142 = tpu.vector_load_idx %arg13[%add3A_84, %and3A_1139] : memref<64x64xf32, #tpu.memory_space<vmem>>[vector<16xi32>, vector<16xi32>], vector<16xf32>,
        %add3A_1143 = arith.addi %mul3A_99, %and3A_1139 : vector<16xi32>
        %gather3A_1144 = tpu.vector_load_idx %arg10[%add3A_1143] : memref<64000xf32, #tpu.memory_space<vmem>>[vector<16xi32>], vector<16xf32>,
        %mul3A_1145 = arith.mulf %gather3A_103, %gather3A_1144 : vector<16xf32>
        %add3A_1146 = arith.addf %gather3A_1142, %mul3A_1145 : vector<16xf32>
        %add3A_1147 = arith.addi %mul3A_116, %and3A_1139 : vector<16xi32>
        %gather3A_1148 = tpu.vector_load_idx %arg10[%add3A_1147] : memref<64000xf32, #tpu.memory_space<vmem>>[vector<16xi32>], vector<16xf32>,
        %mul3A_1149 = arith.mulf %gather3A_120, %gather3A_1148 : vector<16xf32>
        %add3A_1150 = arith.addf %add3A_1146, %mul3A_1149 : vector<16xf32>
        %add3A_1151 = arith.addi %mul3A_133, %and3A_1139 : vector<16xi32>
        %gather3A_1152 = tpu.vector_load_idx %arg10[%add3A_1151] : memref<64000xf32, #tpu.memory_space<vmem>>[vector<16xi32>], vector<16xf32>,
        %mul3A_1153 = arith.mulf %gather3A_137, %gather3A_1152 : vector<16xf32>
        %add3A_1154 = arith.addf %add3A_1150, %mul3A_1153 : vector<16xf32>
        %add3A_1155 = arith.addi %mul3A_150, %and3A_1139 : vector<16xi32>
        %gather3A_1156 = tpu.vector_load_idx %arg10[%add3A_1155] : memref<64000xf32, #tpu.memory_space<vmem>>[vector<16xi32>], vector<16xf32>,
        %mul3A_1157 = arith.mulf %gather3A_154, %gather3A_1156 : vector<16xf32>
        %add3A_1158 = arith.addf %add3A_1154, %mul3A_1157 : vector<16xf32>
        %mul3A_1159 = arith.mulf %gather3A_1141, %add3A_1158 : vector<16xf32>
        %add3A_1160 = arith.addf %add3A_1052, %mul3A_1159 : vector<16xf32>
        %add3A_1161 = arith.constant 37 : i32
        %add3A_1162 = vector.broadcast %add3A_1161 : i32 to vector<16xi32>
        %add3A_1163 = arith.addi %iota3A, %add3A_1162 : vector<16xi32>
        %and3A_1164 = arith.constant 63 : i32
        %and3A_1165 = vector.broadcast %and3A_1164 : i32 to vector<16xi32>
        %and3A_1166 = arith.andi %add3A_1163, %and3A_1165 : vector<16xi32>
        %add3A_1167 = arith.addi %get3A_90, %and3A_1166 : vector<16xi32>
        %gather3A_1168 = tpu.vector_load_idx %arg9[%add3A_1167] : memref<32768xf32, #tpu.memory_space<vmem>>[vector<16xi32>], vector<16xf32>,
        %gather3A_1169 = tpu.vector_load_idx %arg13[%add3A_84, %and3A_1166] : memref<64x64xf32, #tpu.memory_space<vmem>>[vector<16xi32>, vector<16xi32>], vector<16xf32>,
        %add3A_1170 = arith.addi %mul3A_99, %and3A_1166 : vector<16xi32>
        %gather3A_1171 = tpu.vector_load_idx %arg10[%add3A_1170] : memref<64000xf32, #tpu.memory_space<vmem>>[vector<16xi32>], vector<16xf32>,
        %mul3A_1172 = arith.mulf %gather3A_103, %gather3A_1171 : vector<16xf32>
        %add3A_1173 = arith.addf %gather3A_1169, %mul3A_1172 : vector<16xf32>
        %add3A_1174 = arith.addi %mul3A_116, %and3A_1166 : vector<16xi32>
        %gather3A_1175 = tpu.vector_load_idx %arg10[%add3A_1174] : memref<64000xf32, #tpu.memory_space<vmem>>[vector<16xi32>], vector<16xf32>,
        %mul3A_1176 = arith.mulf %gather3A_120, %gather3A_1175 : vector<16xf32>
        %add3A_1177 = arith.addf %add3A_1173, %mul3A_1176 : vector<16xf32>
        %add3A_1178 = arith.addi %mul3A_133, %and3A_1166 : vector<16xi32>
        %gather3A_1179 = tpu.vector_load_idx %arg10[%add3A_1178] : memref<64000xf32, #tpu.memory_space<vmem>>[vector<16xi32>], vector<16xf32>,
        %mul3A_1180 = arith.mulf %gather3A_137, %gather3A_1179 : vector<16xf32>
        %add3A_1181 = arith.addf %add3A_1177, %mul3A_1180 : vector<16xf32>
        %add3A_1182 = arith.addi %mul3A_150, %and3A_1166 : vector<16xi32>
        %gather3A_1183 = tpu.vector_load_idx %arg10[%add3A_1182] : memref<64000xf32, #tpu.memory_space<vmem>>[vector<16xi32>], vector<16xf32>,
        %mul3A_1184 = arith.mulf %gather3A_154, %gather3A_1183 : vector<16xf32>
        %add3A_1185 = arith.addf %add3A_1181, %mul3A_1184 : vector<16xf32>
        %mul3A_1186 = arith.mulf %gather3A_1168, %add3A_1185 : vector<16xf32>
        %add3A_1187 = arith.addf %add3A_1079, %mul3A_1186 : vector<16xf32>
        %add3A_1188 = arith.constant 38 : i32
        %add3A_1189 = vector.broadcast %add3A_1188 : i32 to vector<16xi32>
        %add3A_1190 = arith.addi %iota3A, %add3A_1189 : vector<16xi32>
        %and3A_1191 = arith.constant 63 : i32
        %and3A_1192 = vector.broadcast %and3A_1191 : i32 to vector<16xi32>
        %and3A_1193 = arith.andi %add3A_1190, %and3A_1192 : vector<16xi32>
        %add3A_1194 = arith.addi %get3A_90, %and3A_1193 : vector<16xi32>
        %gather3A_1195 = tpu.vector_load_idx %arg9[%add3A_1194] : memref<32768xf32, #tpu.memory_space<vmem>>[vector<16xi32>], vector<16xf32>,
        %gather3A_1196 = tpu.vector_load_idx %arg13[%add3A_84, %and3A_1193] : memref<64x64xf32, #tpu.memory_space<vmem>>[vector<16xi32>, vector<16xi32>], vector<16xf32>,
        %add3A_1197 = arith.addi %mul3A_99, %and3A_1193 : vector<16xi32>
        %gather3A_1198 = tpu.vector_load_idx %arg10[%add3A_1197] : memref<64000xf32, #tpu.memory_space<vmem>>[vector<16xi32>], vector<16xf32>,
        %mul3A_1199 = arith.mulf %gather3A_103, %gather3A_1198 : vector<16xf32>
        %add3A_1200 = arith.addf %gather3A_1196, %mul3A_1199 : vector<16xf32>
        %add3A_1201 = arith.addi %mul3A_116, %and3A_1193 : vector<16xi32>
        %gather3A_1202 = tpu.vector_load_idx %arg10[%add3A_1201] : memref<64000xf32, #tpu.memory_space<vmem>>[vector<16xi32>], vector<16xf32>,
        %mul3A_1203 = arith.mulf %gather3A_120, %gather3A_1202 : vector<16xf32>
        %add3A_1204 = arith.addf %add3A_1200, %mul3A_1203 : vector<16xf32>
        %add3A_1205 = arith.addi %mul3A_133, %and3A_1193 : vector<16xi32>
        %gather3A_1206 = tpu.vector_load_idx %arg10[%add3A_1205] : memref<64000xf32, #tpu.memory_space<vmem>>[vector<16xi32>], vector<16xf32>,
        %mul3A_1207 = arith.mulf %gather3A_137, %gather3A_1206 : vector<16xf32>
        %add3A_1208 = arith.addf %add3A_1204, %mul3A_1207 : vector<16xf32>
        %add3A_1209 = arith.addi %mul3A_150, %and3A_1193 : vector<16xi32>
        %gather3A_1210 = tpu.vector_load_idx %arg10[%add3A_1209] : memref<64000xf32, #tpu.memory_space<vmem>>[vector<16xi32>], vector<16xf32>,
        %mul3A_1211 = arith.mulf %gather3A_154, %gather3A_1210 : vector<16xf32>
        %add3A_1212 = arith.addf %add3A_1208, %mul3A_1211 : vector<16xf32>
        %mul3A_1213 = arith.mulf %gather3A_1195, %add3A_1212 : vector<16xf32>
        %add3A_1214 = arith.addf %add3A_1106, %mul3A_1213 : vector<16xf32>
        %add3A_1215 = arith.constant 39 : i32
        %add3A_1216 = vector.broadcast %add3A_1215 : i32 to vector<16xi32>
        %add3A_1217 = arith.addi %iota3A, %add3A_1216 : vector<16xi32>
        %and3A_1218 = arith.constant 63 : i32
        %and3A_1219 = vector.broadcast %and3A_1218 : i32 to vector<16xi32>
        %and3A_1220 = arith.andi %add3A_1217, %and3A_1219 : vector<16xi32>
        %add3A_1221 = arith.addi %get3A_90, %and3A_1220 : vector<16xi32>
        %gather3A_1222 = tpu.vector_load_idx %arg9[%add3A_1221] : memref<32768xf32, #tpu.memory_space<vmem>>[vector<16xi32>], vector<16xf32>,
        %gather3A_1223 = tpu.vector_load_idx %arg13[%add3A_84, %and3A_1220] : memref<64x64xf32, #tpu.memory_space<vmem>>[vector<16xi32>, vector<16xi32>], vector<16xf32>,
        %add3A_1224 = arith.addi %mul3A_99, %and3A_1220 : vector<16xi32>
        %gather3A_1225 = tpu.vector_load_idx %arg10[%add3A_1224] : memref<64000xf32, #tpu.memory_space<vmem>>[vector<16xi32>], vector<16xf32>,
        %mul3A_1226 = arith.mulf %gather3A_103, %gather3A_1225 : vector<16xf32>
        %add3A_1227 = arith.addf %gather3A_1223, %mul3A_1226 : vector<16xf32>
        %add3A_1228 = arith.addi %mul3A_116, %and3A_1220 : vector<16xi32>
        %gather3A_1229 = tpu.vector_load_idx %arg10[%add3A_1228] : memref<64000xf32, #tpu.memory_space<vmem>>[vector<16xi32>], vector<16xf32>,
        %mul3A_1230 = arith.mulf %gather3A_120, %gather3A_1229 : vector<16xf32>
        %add3A_1231 = arith.addf %add3A_1227, %mul3A_1230 : vector<16xf32>
        %add3A_1232 = arith.addi %mul3A_133, %and3A_1220 : vector<16xi32>
        %gather3A_1233 = tpu.vector_load_idx %arg10[%add3A_1232] : memref<64000xf32, #tpu.memory_space<vmem>>[vector<16xi32>], vector<16xf32>,
        %mul3A_1234 = arith.mulf %gather3A_137, %gather3A_1233 : vector<16xf32>
        %add3A_1235 = arith.addf %add3A_1231, %mul3A_1234 : vector<16xf32>
        %add3A_1236 = arith.addi %mul3A_150, %and3A_1220 : vector<16xi32>
        %gather3A_1237 = tpu.vector_load_idx %arg10[%add3A_1236] : memref<64000xf32, #tpu.memory_space<vmem>>[vector<16xi32>], vector<16xf32>,
        %mul3A_1238 = arith.mulf %gather3A_154, %gather3A_1237 : vector<16xf32>
        %add3A_1239 = arith.addf %add3A_1235, %mul3A_1238 : vector<16xf32>
        %mul3A_1240 = arith.mulf %gather3A_1222, %add3A_1239 : vector<16xf32>
        %add3A_1241 = arith.addf %add3A_1133, %mul3A_1240 : vector<16xf32>
        %add3A_1242 = arith.constant 40 : i32
        %add3A_1243 = vector.broadcast %add3A_1242 : i32 to vector<16xi32>
        %add3A_1244 = arith.addi %iota3A, %add3A_1243 : vector<16xi32>
        %and3A_1245 = arith.constant 63 : i32
        %and3A_1246 = vector.broadcast %and3A_1245 : i32 to vector<16xi32>
        %and3A_1247 = arith.andi %add3A_1244, %and3A_1246 : vector<16xi32>
        %add3A_1248 = arith.addi %get3A_90, %and3A_1247 : vector<16xi32>
        %gather3A_1249 = tpu.vector_load_idx %arg9[%add3A_1248] : memref<32768xf32, #tpu.memory_space<vmem>>[vector<16xi32>], vector<16xf32>,
        %gather3A_1250 = tpu.vector_load_idx %arg13[%add3A_84, %and3A_1247] : memref<64x64xf32, #tpu.memory_space<vmem>>[vector<16xi32>, vector<16xi32>], vector<16xf32>,
        %add3A_1251 = arith.addi %mul3A_99, %and3A_1247 : vector<16xi32>
        %gather3A_1252 = tpu.vector_load_idx %arg10[%add3A_1251] : memref<64000xf32, #tpu.memory_space<vmem>>[vector<16xi32>], vector<16xf32>,
        %mul3A_1253 = arith.mulf %gather3A_103, %gather3A_1252 : vector<16xf32>
        %add3A_1254 = arith.addf %gather3A_1250, %mul3A_1253 : vector<16xf32>
        %add3A_1255 = arith.addi %mul3A_116, %and3A_1247 : vector<16xi32>
        %gather3A_1256 = tpu.vector_load_idx %arg10[%add3A_1255] : memref<64000xf32, #tpu.memory_space<vmem>>[vector<16xi32>], vector<16xf32>,
        %mul3A_1257 = arith.mulf %gather3A_120, %gather3A_1256 : vector<16xf32>
        %add3A_1258 = arith.addf %add3A_1254, %mul3A_1257 : vector<16xf32>
        %add3A_1259 = arith.addi %mul3A_133, %and3A_1247 : vector<16xi32>
        %gather3A_1260 = tpu.vector_load_idx %arg10[%add3A_1259] : memref<64000xf32, #tpu.memory_space<vmem>>[vector<16xi32>], vector<16xf32>,
        %mul3A_1261 = arith.mulf %gather3A_137, %gather3A_1260 : vector<16xf32>
        %add3A_1262 = arith.addf %add3A_1258, %mul3A_1261 : vector<16xf32>
        %add3A_1263 = arith.addi %mul3A_150, %and3A_1247 : vector<16xi32>
        %gather3A_1264 = tpu.vector_load_idx %arg10[%add3A_1263] : memref<64000xf32, #tpu.memory_space<vmem>>[vector<16xi32>], vector<16xf32>,
        %mul3A_1265 = arith.mulf %gather3A_154, %gather3A_1264 : vector<16xf32>
        %add3A_1266 = arith.addf %add3A_1262, %mul3A_1265 : vector<16xf32>
        %mul3A_1267 = arith.mulf %gather3A_1249, %add3A_1266 : vector<16xf32>
        %add3A_1268 = arith.addf %add3A_1160, %mul3A_1267 : vector<16xf32>
        %add3A_1269 = arith.constant 41 : i32
        %add3A_1270 = vector.broadcast %add3A_1269 : i32 to vector<16xi32>
        %add3A_1271 = arith.addi %iota3A, %add3A_1270 : vector<16xi32>
        %and3A_1272 = arith.constant 63 : i32
        %and3A_1273 = vector.broadcast %and3A_1272 : i32 to vector<16xi32>
        %and3A_1274 = arith.andi %add3A_1271, %and3A_1273 : vector<16xi32>
        %add3A_1275 = arith.addi %get3A_90, %and3A_1274 : vector<16xi32>
        %gather3A_1276 = tpu.vector_load_idx %arg9[%add3A_1275] : memref<32768xf32, #tpu.memory_space<vmem>>[vector<16xi32>], vector<16xf32>,
        %gather3A_1277 = tpu.vector_load_idx %arg13[%add3A_84, %and3A_1274] : memref<64x64xf32, #tpu.memory_space<vmem>>[vector<16xi32>, vector<16xi32>], vector<16xf32>,
        %add3A_1278 = arith.addi %mul3A_99, %and3A_1274 : vector<16xi32>
        %gather3A_1279 = tpu.vector_load_idx %arg10[%add3A_1278] : memref<64000xf32, #tpu.memory_space<vmem>>[vector<16xi32>], vector<16xf32>,
        %mul3A_1280 = arith.mulf %gather3A_103, %gather3A_1279 : vector<16xf32>
        %add3A_1281 = arith.addf %gather3A_1277, %mul3A_1280 : vector<16xf32>
        %add3A_1282 = arith.addi %mul3A_116, %and3A_1274 : vector<16xi32>
        %gather3A_1283 = tpu.vector_load_idx %arg10[%add3A_1282] : memref<64000xf32, #tpu.memory_space<vmem>>[vector<16xi32>], vector<16xf32>,
        %mul3A_1284 = arith.mulf %gather3A_120, %gather3A_1283 : vector<16xf32>
        %add3A_1285 = arith.addf %add3A_1281, %mul3A_1284 : vector<16xf32>
        %add3A_1286 = arith.addi %mul3A_133, %and3A_1274 : vector<16xi32>
        %gather3A_1287 = tpu.vector_load_idx %arg10[%add3A_1286] : memref<64000xf32, #tpu.memory_space<vmem>>[vector<16xi32>], vector<16xf32>,
        %mul3A_1288 = arith.mulf %gather3A_137, %gather3A_1287 : vector<16xf32>
        %add3A_1289 = arith.addf %add3A_1285, %mul3A_1288 : vector<16xf32>
        %add3A_1290 = arith.addi %mul3A_150, %and3A_1274 : vector<16xi32>
        %gather3A_1291 = tpu.vector_load_idx %arg10[%add3A_1290] : memref<64000xf32, #tpu.memory_space<vmem>>[vector<16xi32>], vector<16xf32>,
        %mul3A_1292 = arith.mulf %gather3A_154, %gather3A_1291 : vector<16xf32>
        %add3A_1293 = arith.addf %add3A_1289, %mul3A_1292 : vector<16xf32>
        %mul3A_1294 = arith.mulf %gather3A_1276, %add3A_1293 : vector<16xf32>
        %add3A_1295 = arith.addf %add3A_1187, %mul3A_1294 : vector<16xf32>
        %add3A_1296 = arith.constant 42 : i32
        %add3A_1297 = vector.broadcast %add3A_1296 : i32 to vector<16xi32>
        %add3A_1298 = arith.addi %iota3A, %add3A_1297 : vector<16xi32>
        %and3A_1299 = arith.constant 63 : i32
        %and3A_1300 = vector.broadcast %and3A_1299 : i32 to vector<16xi32>
        %and3A_1301 = arith.andi %add3A_1298, %and3A_1300 : vector<16xi32>
        %add3A_1302 = arith.addi %get3A_90, %and3A_1301 : vector<16xi32>
        %gather3A_1303 = tpu.vector_load_idx %arg9[%add3A_1302] : memref<32768xf32, #tpu.memory_space<vmem>>[vector<16xi32>], vector<16xf32>,
        %gather3A_1304 = tpu.vector_load_idx %arg13[%add3A_84, %and3A_1301] : memref<64x64xf32, #tpu.memory_space<vmem>>[vector<16xi32>, vector<16xi32>], vector<16xf32>,
        %add3A_1305 = arith.addi %mul3A_99, %and3A_1301 : vector<16xi32>
        %gather3A_1306 = tpu.vector_load_idx %arg10[%add3A_1305] : memref<64000xf32, #tpu.memory_space<vmem>>[vector<16xi32>], vector<16xf32>,
        %mul3A_1307 = arith.mulf %gather3A_103, %gather3A_1306 : vector<16xf32>
        %add3A_1308 = arith.addf %gather3A_1304, %mul3A_1307 : vector<16xf32>
        %add3A_1309 = arith.addi %mul3A_116, %and3A_1301 : vector<16xi32>
        %gather3A_1310 = tpu.vector_load_idx %arg10[%add3A_1309] : memref<64000xf32, #tpu.memory_space<vmem>>[vector<16xi32>], vector<16xf32>,
        %mul3A_1311 = arith.mulf %gather3A_120, %gather3A_1310 : vector<16xf32>
        %add3A_1312 = arith.addf %add3A_1308, %mul3A_1311 : vector<16xf32>
        %add3A_1313 = arith.addi %mul3A_133, %and3A_1301 : vector<16xi32>
        %gather3A_1314 = tpu.vector_load_idx %arg10[%add3A_1313] : memref<64000xf32, #tpu.memory_space<vmem>>[vector<16xi32>], vector<16xf32>,
        %mul3A_1315 = arith.mulf %gather3A_137, %gather3A_1314 : vector<16xf32>
        %add3A_1316 = arith.addf %add3A_1312, %mul3A_1315 : vector<16xf32>
        %add3A_1317 = arith.addi %mul3A_150, %and3A_1301 : vector<16xi32>
        %gather3A_1318 = tpu.vector_load_idx %arg10[%add3A_1317] : memref<64000xf32, #tpu.memory_space<vmem>>[vector<16xi32>], vector<16xf32>,
        %mul3A_1319 = arith.mulf %gather3A_154, %gather3A_1318 : vector<16xf32>
        %add3A_1320 = arith.addf %add3A_1316, %mul3A_1319 : vector<16xf32>
        %mul3A_1321 = arith.mulf %gather3A_1303, %add3A_1320 : vector<16xf32>
        %add3A_1322 = arith.addf %add3A_1214, %mul3A_1321 : vector<16xf32>
        %add3A_1323 = arith.constant 43 : i32
        %add3A_1324 = vector.broadcast %add3A_1323 : i32 to vector<16xi32>
        %add3A_1325 = arith.addi %iota3A, %add3A_1324 : vector<16xi32>
        %and3A_1326 = arith.constant 63 : i32
        %and3A_1327 = vector.broadcast %and3A_1326 : i32 to vector<16xi32>
        %and3A_1328 = arith.andi %add3A_1325, %and3A_1327 : vector<16xi32>
        %add3A_1329 = arith.addi %get3A_90, %and3A_1328 : vector<16xi32>
        %gather3A_1330 = tpu.vector_load_idx %arg9[%add3A_1329] : memref<32768xf32, #tpu.memory_space<vmem>>[vector<16xi32>], vector<16xf32>,
        %gather3A_1331 = tpu.vector_load_idx %arg13[%add3A_84, %and3A_1328] : memref<64x64xf32, #tpu.memory_space<vmem>>[vector<16xi32>, vector<16xi32>], vector<16xf32>,
        %add3A_1332 = arith.addi %mul3A_99, %and3A_1328 : vector<16xi32>
        %gather3A_1333 = tpu.vector_load_idx %arg10[%add3A_1332] : memref<64000xf32, #tpu.memory_space<vmem>>[vector<16xi32>], vector<16xf32>,
        %mul3A_1334 = arith.mulf %gather3A_103, %gather3A_1333 : vector<16xf32>
        %add3A_1335 = arith.addf %gather3A_1331, %mul3A_1334 : vector<16xf32>
        %add3A_1336 = arith.addi %mul3A_116, %and3A_1328 : vector<16xi32>
        %gather3A_1337 = tpu.vector_load_idx %arg10[%add3A_1336] : memref<64000xf32, #tpu.memory_space<vmem>>[vector<16xi32>], vector<16xf32>,
        %mul3A_1338 = arith.mulf %gather3A_120, %gather3A_1337 : vector<16xf32>
        %add3A_1339 = arith.addf %add3A_1335, %mul3A_1338 : vector<16xf32>
        %add3A_1340 = arith.addi %mul3A_133, %and3A_1328 : vector<16xi32>
        %gather3A_1341 = tpu.vector_load_idx %arg10[%add3A_1340] : memref<64000xf32, #tpu.memory_space<vmem>>[vector<16xi32>], vector<16xf32>,
        %mul3A_1342 = arith.mulf %gather3A_137, %gather3A_1341 : vector<16xf32>
        %add3A_1343 = arith.addf %add3A_1339, %mul3A_1342 : vector<16xf32>
        %add3A_1344 = arith.addi %mul3A_150, %and3A_1328 : vector<16xi32>
        %gather3A_1345 = tpu.vector_load_idx %arg10[%add3A_1344] : memref<64000xf32, #tpu.memory_space<vmem>>[vector<16xi32>], vector<16xf32>,
        %mul3A_1346 = arith.mulf %gather3A_154, %gather3A_1345 : vector<16xf32>
        %add3A_1347 = arith.addf %add3A_1343, %mul3A_1346 : vector<16xf32>
        %mul3A_1348 = arith.mulf %gather3A_1330, %add3A_1347 : vector<16xf32>
        %add3A_1349 = arith.addf %add3A_1241, %mul3A_1348 : vector<16xf32>
        %add3A_1350 = arith.constant 44 : i32
        %add3A_1351 = vector.broadcast %add3A_1350 : i32 to vector<16xi32>
        %add3A_1352 = arith.addi %iota3A, %add3A_1351 : vector<16xi32>
        %and3A_1353 = arith.constant 63 : i32
        %and3A_1354 = vector.broadcast %and3A_1353 : i32 to vector<16xi32>
        %and3A_1355 = arith.andi %add3A_1352, %and3A_1354 : vector<16xi32>
        %add3A_1356 = arith.addi %get3A_90, %and3A_1355 : vector<16xi32>
        %gather3A_1357 = tpu.vector_load_idx %arg9[%add3A_1356] : memref<32768xf32, #tpu.memory_space<vmem>>[vector<16xi32>], vector<16xf32>,
        %gather3A_1358 = tpu.vector_load_idx %arg13[%add3A_84, %and3A_1355] : memref<64x64xf32, #tpu.memory_space<vmem>>[vector<16xi32>, vector<16xi32>], vector<16xf32>,
        %add3A_1359 = arith.addi %mul3A_99, %and3A_1355 : vector<16xi32>
        %gather3A_1360 = tpu.vector_load_idx %arg10[%add3A_1359] : memref<64000xf32, #tpu.memory_space<vmem>>[vector<16xi32>], vector<16xf32>,
        %mul3A_1361 = arith.mulf %gather3A_103, %gather3A_1360 : vector<16xf32>
        %add3A_1362 = arith.addf %gather3A_1358, %mul3A_1361 : vector<16xf32>
        %add3A_1363 = arith.addi %mul3A_116, %and3A_1355 : vector<16xi32>
        %gather3A_1364 = tpu.vector_load_idx %arg10[%add3A_1363] : memref<64000xf32, #tpu.memory_space<vmem>>[vector<16xi32>], vector<16xf32>,
        %mul3A_1365 = arith.mulf %gather3A_120, %gather3A_1364 : vector<16xf32>
        %add3A_1366 = arith.addf %add3A_1362, %mul3A_1365 : vector<16xf32>
        %add3A_1367 = arith.addi %mul3A_133, %and3A_1355 : vector<16xi32>
        %gather3A_1368 = tpu.vector_load_idx %arg10[%add3A_1367] : memref<64000xf32, #tpu.memory_space<vmem>>[vector<16xi32>], vector<16xf32>,
        %mul3A_1369 = arith.mulf %gather3A_137, %gather3A_1368 : vector<16xf32>
        %add3A_1370 = arith.addf %add3A_1366, %mul3A_1369 : vector<16xf32>
        %add3A_1371 = arith.addi %mul3A_150, %and3A_1355 : vector<16xi32>
        %gather3A_1372 = tpu.vector_load_idx %arg10[%add3A_1371] : memref<64000xf32, #tpu.memory_space<vmem>>[vector<16xi32>], vector<16xf32>,
        %mul3A_1373 = arith.mulf %gather3A_154, %gather3A_1372 : vector<16xf32>
        %add3A_1374 = arith.addf %add3A_1370, %mul3A_1373 : vector<16xf32>
        %mul3A_1375 = arith.mulf %gather3A_1357, %add3A_1374 : vector<16xf32>
        %add3A_1376 = arith.addf %add3A_1268, %mul3A_1375 : vector<16xf32>
        %add3A_1377 = arith.constant 45 : i32
        %add3A_1378 = vector.broadcast %add3A_1377 : i32 to vector<16xi32>
        %add3A_1379 = arith.addi %iota3A, %add3A_1378 : vector<16xi32>
        %and3A_1380 = arith.constant 63 : i32
        %and3A_1381 = vector.broadcast %and3A_1380 : i32 to vector<16xi32>
        %and3A_1382 = arith.andi %add3A_1379, %and3A_1381 : vector<16xi32>
        %add3A_1383 = arith.addi %get3A_90, %and3A_1382 : vector<16xi32>
        %gather3A_1384 = tpu.vector_load_idx %arg9[%add3A_1383] : memref<32768xf32, #tpu.memory_space<vmem>>[vector<16xi32>], vector<16xf32>,
        %gather3A_1385 = tpu.vector_load_idx %arg13[%add3A_84, %and3A_1382] : memref<64x64xf32, #tpu.memory_space<vmem>>[vector<16xi32>, vector<16xi32>], vector<16xf32>,
        %add3A_1386 = arith.addi %mul3A_99, %and3A_1382 : vector<16xi32>
        %gather3A_1387 = tpu.vector_load_idx %arg10[%add3A_1386] : memref<64000xf32, #tpu.memory_space<vmem>>[vector<16xi32>], vector<16xf32>,
        %mul3A_1388 = arith.mulf %gather3A_103, %gather3A_1387 : vector<16xf32>
        %add3A_1389 = arith.addf %gather3A_1385, %mul3A_1388 : vector<16xf32>
        %add3A_1390 = arith.addi %mul3A_116, %and3A_1382 : vector<16xi32>
        %gather3A_1391 = tpu.vector_load_idx %arg10[%add3A_1390] : memref<64000xf32, #tpu.memory_space<vmem>>[vector<16xi32>], vector<16xf32>,
        %mul3A_1392 = arith.mulf %gather3A_120, %gather3A_1391 : vector<16xf32>
        %add3A_1393 = arith.addf %add3A_1389, %mul3A_1392 : vector<16xf32>
        %add3A_1394 = arith.addi %mul3A_133, %and3A_1382 : vector<16xi32>
        %gather3A_1395 = tpu.vector_load_idx %arg10[%add3A_1394] : memref<64000xf32, #tpu.memory_space<vmem>>[vector<16xi32>], vector<16xf32>,
        %mul3A_1396 = arith.mulf %gather3A_137, %gather3A_1395 : vector<16xf32>
        %add3A_1397 = arith.addf %add3A_1393, %mul3A_1396 : vector<16xf32>
        %add3A_1398 = arith.addi %mul3A_150, %and3A_1382 : vector<16xi32>
        %gather3A_1399 = tpu.vector_load_idx %arg10[%add3A_1398] : memref<64000xf32, #tpu.memory_space<vmem>>[vector<16xi32>], vector<16xf32>,
        %mul3A_1400 = arith.mulf %gather3A_154, %gather3A_1399 : vector<16xf32>
        %add3A_1401 = arith.addf %add3A_1397, %mul3A_1400 : vector<16xf32>
        %mul3A_1402 = arith.mulf %gather3A_1384, %add3A_1401 : vector<16xf32>
        %add3A_1403 = arith.addf %add3A_1295, %mul3A_1402 : vector<16xf32>
        %add3A_1404 = arith.constant 46 : i32
        %add3A_1405 = vector.broadcast %add3A_1404 : i32 to vector<16xi32>
        %add3A_1406 = arith.addi %iota3A, %add3A_1405 : vector<16xi32>
        %and3A_1407 = arith.constant 63 : i32
        %and3A_1408 = vector.broadcast %and3A_1407 : i32 to vector<16xi32>
        %and3A_1409 = arith.andi %add3A_1406, %and3A_1408 : vector<16xi32>
        %add3A_1410 = arith.addi %get3A_90, %and3A_1409 : vector<16xi32>
        %gather3A_1411 = tpu.vector_load_idx %arg9[%add3A_1410] : memref<32768xf32, #tpu.memory_space<vmem>>[vector<16xi32>], vector<16xf32>,
        %gather3A_1412 = tpu.vector_load_idx %arg13[%add3A_84, %and3A_1409] : memref<64x64xf32, #tpu.memory_space<vmem>>[vector<16xi32>, vector<16xi32>], vector<16xf32>,
        %add3A_1413 = arith.addi %mul3A_99, %and3A_1409 : vector<16xi32>
        %gather3A_1414 = tpu.vector_load_idx %arg10[%add3A_1413] : memref<64000xf32, #tpu.memory_space<vmem>>[vector<16xi32>], vector<16xf32>,
        %mul3A_1415 = arith.mulf %gather3A_103, %gather3A_1414 : vector<16xf32>
        %add3A_1416 = arith.addf %gather3A_1412, %mul3A_1415 : vector<16xf32>
        %add3A_1417 = arith.addi %mul3A_116, %and3A_1409 : vector<16xi32>
        %gather3A_1418 = tpu.vector_load_idx %arg10[%add3A_1417] : memref<64000xf32, #tpu.memory_space<vmem>>[vector<16xi32>], vector<16xf32>,
        %mul3A_1419 = arith.mulf %gather3A_120, %gather3A_1418 : vector<16xf32>
        %add3A_1420 = arith.addf %add3A_1416, %mul3A_1419 : vector<16xf32>
        %add3A_1421 = arith.addi %mul3A_133, %and3A_1409 : vector<16xi32>
        %gather3A_1422 = tpu.vector_load_idx %arg10[%add3A_1421] : memref<64000xf32, #tpu.memory_space<vmem>>[vector<16xi32>], vector<16xf32>,
        %mul3A_1423 = arith.mulf %gather3A_137, %gather3A_1422 : vector<16xf32>
        %add3A_1424 = arith.addf %add3A_1420, %mul3A_1423 : vector<16xf32>
        %add3A_1425 = arith.addi %mul3A_150, %and3A_1409 : vector<16xi32>
        %gather3A_1426 = tpu.vector_load_idx %arg10[%add3A_1425] : memref<64000xf32, #tpu.memory_space<vmem>>[vector<16xi32>], vector<16xf32>,
        %mul3A_1427 = arith.mulf %gather3A_154, %gather3A_1426 : vector<16xf32>
        %add3A_1428 = arith.addf %add3A_1424, %mul3A_1427 : vector<16xf32>
        %mul3A_1429 = arith.mulf %gather3A_1411, %add3A_1428 : vector<16xf32>
        %add3A_1430 = arith.addf %add3A_1322, %mul3A_1429 : vector<16xf32>
        %add3A_1431 = arith.constant 47 : i32
        %add3A_1432 = vector.broadcast %add3A_1431 : i32 to vector<16xi32>
        %add3A_1433 = arith.addi %iota3A, %add3A_1432 : vector<16xi32>
        %and3A_1434 = arith.constant 63 : i32
        %and3A_1435 = vector.broadcast %and3A_1434 : i32 to vector<16xi32>
        %and3A_1436 = arith.andi %add3A_1433, %and3A_1435 : vector<16xi32>
        %add3A_1437 = arith.addi %get3A_90, %and3A_1436 : vector<16xi32>
        %gather3A_1438 = tpu.vector_load_idx %arg9[%add3A_1437] : memref<32768xf32, #tpu.memory_space<vmem>>[vector<16xi32>], vector<16xf32>,
        %gather3A_1439 = tpu.vector_load_idx %arg13[%add3A_84, %and3A_1436] : memref<64x64xf32, #tpu.memory_space<vmem>>[vector<16xi32>, vector<16xi32>], vector<16xf32>,
        %add3A_1440 = arith.addi %mul3A_99, %and3A_1436 : vector<16xi32>
        %gather3A_1441 = tpu.vector_load_idx %arg10[%add3A_1440] : memref<64000xf32, #tpu.memory_space<vmem>>[vector<16xi32>], vector<16xf32>,
        %mul3A_1442 = arith.mulf %gather3A_103, %gather3A_1441 : vector<16xf32>
        %add3A_1443 = arith.addf %gather3A_1439, %mul3A_1442 : vector<16xf32>
        %add3A_1444 = arith.addi %mul3A_116, %and3A_1436 : vector<16xi32>
        %gather3A_1445 = tpu.vector_load_idx %arg10[%add3A_1444] : memref<64000xf32, #tpu.memory_space<vmem>>[vector<16xi32>], vector<16xf32>,
        %mul3A_1446 = arith.mulf %gather3A_120, %gather3A_1445 : vector<16xf32>
        %add3A_1447 = arith.addf %add3A_1443, %mul3A_1446 : vector<16xf32>
        %add3A_1448 = arith.addi %mul3A_133, %and3A_1436 : vector<16xi32>
        %gather3A_1449 = tpu.vector_load_idx %arg10[%add3A_1448] : memref<64000xf32, #tpu.memory_space<vmem>>[vector<16xi32>], vector<16xf32>,
        %mul3A_1450 = arith.mulf %gather3A_137, %gather3A_1449 : vector<16xf32>
        %add3A_1451 = arith.addf %add3A_1447, %mul3A_1450 : vector<16xf32>
        %add3A_1452 = arith.addi %mul3A_150, %and3A_1436 : vector<16xi32>
        %gather3A_1453 = tpu.vector_load_idx %arg10[%add3A_1452] : memref<64000xf32, #tpu.memory_space<vmem>>[vector<16xi32>], vector<16xf32>,
        %mul3A_1454 = arith.mulf %gather3A_154, %gather3A_1453 : vector<16xf32>
        %add3A_1455 = arith.addf %add3A_1451, %mul3A_1454 : vector<16xf32>
        %mul3A_1456 = arith.mulf %gather3A_1438, %add3A_1455 : vector<16xf32>
        %add3A_1457 = arith.addf %add3A_1349, %mul3A_1456 : vector<16xf32>
        %add3A_1458 = arith.constant 48 : i32
        %add3A_1459 = vector.broadcast %add3A_1458 : i32 to vector<16xi32>
        %add3A_1460 = arith.addi %iota3A, %add3A_1459 : vector<16xi32>
        %and3A_1461 = arith.constant 63 : i32
        %and3A_1462 = vector.broadcast %and3A_1461 : i32 to vector<16xi32>
        %and3A_1463 = arith.andi %add3A_1460, %and3A_1462 : vector<16xi32>
        %add3A_1464 = arith.addi %get3A_90, %and3A_1463 : vector<16xi32>
        %gather3A_1465 = tpu.vector_load_idx %arg9[%add3A_1464] : memref<32768xf32, #tpu.memory_space<vmem>>[vector<16xi32>], vector<16xf32>,
        %gather3A_1466 = tpu.vector_load_idx %arg13[%add3A_84, %and3A_1463] : memref<64x64xf32, #tpu.memory_space<vmem>>[vector<16xi32>, vector<16xi32>], vector<16xf32>,
        %add3A_1467 = arith.addi %mul3A_99, %and3A_1463 : vector<16xi32>
        %gather3A_1468 = tpu.vector_load_idx %arg10[%add3A_1467] : memref<64000xf32, #tpu.memory_space<vmem>>[vector<16xi32>], vector<16xf32>,
        %mul3A_1469 = arith.mulf %gather3A_103, %gather3A_1468 : vector<16xf32>
        %add3A_1470 = arith.addf %gather3A_1466, %mul3A_1469 : vector<16xf32>
        %add3A_1471 = arith.addi %mul3A_116, %and3A_1463 : vector<16xi32>
        %gather3A_1472 = tpu.vector_load_idx %arg10[%add3A_1471] : memref<64000xf32, #tpu.memory_space<vmem>>[vector<16xi32>], vector<16xf32>,
        %mul3A_1473 = arith.mulf %gather3A_120, %gather3A_1472 : vector<16xf32>
        %add3A_1474 = arith.addf %add3A_1470, %mul3A_1473 : vector<16xf32>
        %add3A_1475 = arith.addi %mul3A_133, %and3A_1463 : vector<16xi32>
        %gather3A_1476 = tpu.vector_load_idx %arg10[%add3A_1475] : memref<64000xf32, #tpu.memory_space<vmem>>[vector<16xi32>], vector<16xf32>,
        %mul3A_1477 = arith.mulf %gather3A_137, %gather3A_1476 : vector<16xf32>
        %add3A_1478 = arith.addf %add3A_1474, %mul3A_1477 : vector<16xf32>
        %add3A_1479 = arith.addi %mul3A_150, %and3A_1463 : vector<16xi32>
        %gather3A_1480 = tpu.vector_load_idx %arg10[%add3A_1479] : memref<64000xf32, #tpu.memory_space<vmem>>[vector<16xi32>], vector<16xf32>,
        %mul3A_1481 = arith.mulf %gather3A_154, %gather3A_1480 : vector<16xf32>
        %add3A_1482 = arith.addf %add3A_1478, %mul3A_1481 : vector<16xf32>
        %mul3A_1483 = arith.mulf %gather3A_1465, %add3A_1482 : vector<16xf32>
        %add3A_1484 = arith.addf %add3A_1376, %mul3A_1483 : vector<16xf32>
        %add3A_1485 = arith.constant 49 : i32
        %add3A_1486 = vector.broadcast %add3A_1485 : i32 to vector<16xi32>
        %add3A_1487 = arith.addi %iota3A, %add3A_1486 : vector<16xi32>
        %and3A_1488 = arith.constant 63 : i32
        %and3A_1489 = vector.broadcast %and3A_1488 : i32 to vector<16xi32>
        %and3A_1490 = arith.andi %add3A_1487, %and3A_1489 : vector<16xi32>
        %add3A_1491 = arith.addi %get3A_90, %and3A_1490 : vector<16xi32>
        %gather3A_1492 = tpu.vector_load_idx %arg9[%add3A_1491] : memref<32768xf32, #tpu.memory_space<vmem>>[vector<16xi32>], vector<16xf32>,
        %gather3A_1493 = tpu.vector_load_idx %arg13[%add3A_84, %and3A_1490] : memref<64x64xf32, #tpu.memory_space<vmem>>[vector<16xi32>, vector<16xi32>], vector<16xf32>,
        %add3A_1494 = arith.addi %mul3A_99, %and3A_1490 : vector<16xi32>
        %gather3A_1495 = tpu.vector_load_idx %arg10[%add3A_1494] : memref<64000xf32, #tpu.memory_space<vmem>>[vector<16xi32>], vector<16xf32>,
        %mul3A_1496 = arith.mulf %gather3A_103, %gather3A_1495 : vector<16xf32>
        %add3A_1497 = arith.addf %gather3A_1493, %mul3A_1496 : vector<16xf32>
        %add3A_1498 = arith.addi %mul3A_116, %and3A_1490 : vector<16xi32>
        %gather3A_1499 = tpu.vector_load_idx %arg10[%add3A_1498] : memref<64000xf32, #tpu.memory_space<vmem>>[vector<16xi32>], vector<16xf32>,
        %mul3A_1500 = arith.mulf %gather3A_120, %gather3A_1499 : vector<16xf32>
        %add3A_1501 = arith.addf %add3A_1497, %mul3A_1500 : vector<16xf32>
        %add3A_1502 = arith.addi %mul3A_133, %and3A_1490 : vector<16xi32>
        %gather3A_1503 = tpu.vector_load_idx %arg10[%add3A_1502] : memref<64000xf32, #tpu.memory_space<vmem>>[vector<16xi32>], vector<16xf32>,
        %mul3A_1504 = arith.mulf %gather3A_137, %gather3A_1503 : vector<16xf32>
        %add3A_1505 = arith.addf %add3A_1501, %mul3A_1504 : vector<16xf32>
        %add3A_1506 = arith.addi %mul3A_150, %and3A_1490 : vector<16xi32>
        %gather3A_1507 = tpu.vector_load_idx %arg10[%add3A_1506] : memref<64000xf32, #tpu.memory_space<vmem>>[vector<16xi32>], vector<16xf32>,
        %mul3A_1508 = arith.mulf %gather3A_154, %gather3A_1507 : vector<16xf32>
        %add3A_1509 = arith.addf %add3A_1505, %mul3A_1508 : vector<16xf32>
        %mul3A_1510 = arith.mulf %gather3A_1492, %add3A_1509 : vector<16xf32>
        %add3A_1511 = arith.addf %add3A_1403, %mul3A_1510 : vector<16xf32>
        %add3A_1512 = arith.constant 50 : i32
        %add3A_1513 = vector.broadcast %add3A_1512 : i32 to vector<16xi32>
        %add3A_1514 = arith.addi %iota3A, %add3A_1513 : vector<16xi32>
        %and3A_1515 = arith.constant 63 : i32
        %and3A_1516 = vector.broadcast %and3A_1515 : i32 to vector<16xi32>
        %and3A_1517 = arith.andi %add3A_1514, %and3A_1516 : vector<16xi32>
        %add3A_1518 = arith.addi %get3A_90, %and3A_1517 : vector<16xi32>
        %gather3A_1519 = tpu.vector_load_idx %arg9[%add3A_1518] : memref<32768xf32, #tpu.memory_space<vmem>>[vector<16xi32>], vector<16xf32>,
        %gather3A_1520 = tpu.vector_load_idx %arg13[%add3A_84, %and3A_1517] : memref<64x64xf32, #tpu.memory_space<vmem>>[vector<16xi32>, vector<16xi32>], vector<16xf32>,
        %add3A_1521 = arith.addi %mul3A_99, %and3A_1517 : vector<16xi32>
        %gather3A_1522 = tpu.vector_load_idx %arg10[%add3A_1521] : memref<64000xf32, #tpu.memory_space<vmem>>[vector<16xi32>], vector<16xf32>,
        %mul3A_1523 = arith.mulf %gather3A_103, %gather3A_1522 : vector<16xf32>
        %add3A_1524 = arith.addf %gather3A_1520, %mul3A_1523 : vector<16xf32>
        %add3A_1525 = arith.addi %mul3A_116, %and3A_1517 : vector<16xi32>
        %gather3A_1526 = tpu.vector_load_idx %arg10[%add3A_1525] : memref<64000xf32, #tpu.memory_space<vmem>>[vector<16xi32>], vector<16xf32>,
        %mul3A_1527 = arith.mulf %gather3A_120, %gather3A_1526 : vector<16xf32>
        %add3A_1528 = arith.addf %add3A_1524, %mul3A_1527 : vector<16xf32>
        %add3A_1529 = arith.addi %mul3A_133, %and3A_1517 : vector<16xi32>
        %gather3A_1530 = tpu.vector_load_idx %arg10[%add3A_1529] : memref<64000xf32, #tpu.memory_space<vmem>>[vector<16xi32>], vector<16xf32>,
        %mul3A_1531 = arith.mulf %gather3A_137, %gather3A_1530 : vector<16xf32>
        %add3A_1532 = arith.addf %add3A_1528, %mul3A_1531 : vector<16xf32>
        %add3A_1533 = arith.addi %mul3A_150, %and3A_1517 : vector<16xi32>
        %gather3A_1534 = tpu.vector_load_idx %arg10[%add3A_1533] : memref<64000xf32, #tpu.memory_space<vmem>>[vector<16xi32>], vector<16xf32>,
        %mul3A_1535 = arith.mulf %gather3A_154, %gather3A_1534 : vector<16xf32>
        %add3A_1536 = arith.addf %add3A_1532, %mul3A_1535 : vector<16xf32>
        %mul3A_1537 = arith.mulf %gather3A_1519, %add3A_1536 : vector<16xf32>
        %add3A_1538 = arith.addf %add3A_1430, %mul3A_1537 : vector<16xf32>
        %add3A_1539 = arith.constant 51 : i32
        %add3A_1540 = vector.broadcast %add3A_1539 : i32 to vector<16xi32>
        %add3A_1541 = arith.addi %iota3A, %add3A_1540 : vector<16xi32>
        %and3A_1542 = arith.constant 63 : i32
        %and3A_1543 = vector.broadcast %and3A_1542 : i32 to vector<16xi32>
        %and3A_1544 = arith.andi %add3A_1541, %and3A_1543 : vector<16xi32>
        %add3A_1545 = arith.addi %get3A_90, %and3A_1544 : vector<16xi32>
        %gather3A_1546 = tpu.vector_load_idx %arg9[%add3A_1545] : memref<32768xf32, #tpu.memory_space<vmem>>[vector<16xi32>], vector<16xf32>,
        %gather3A_1547 = tpu.vector_load_idx %arg13[%add3A_84, %and3A_1544] : memref<64x64xf32, #tpu.memory_space<vmem>>[vector<16xi32>, vector<16xi32>], vector<16xf32>,
        %add3A_1548 = arith.addi %mul3A_99, %and3A_1544 : vector<16xi32>
        %gather3A_1549 = tpu.vector_load_idx %arg10[%add3A_1548] : memref<64000xf32, #tpu.memory_space<vmem>>[vector<16xi32>], vector<16xf32>,
        %mul3A_1550 = arith.mulf %gather3A_103, %gather3A_1549 : vector<16xf32>
        %add3A_1551 = arith.addf %gather3A_1547, %mul3A_1550 : vector<16xf32>
        %add3A_1552 = arith.addi %mul3A_116, %and3A_1544 : vector<16xi32>
        %gather3A_1553 = tpu.vector_load_idx %arg10[%add3A_1552] : memref<64000xf32, #tpu.memory_space<vmem>>[vector<16xi32>], vector<16xf32>,
        %mul3A_1554 = arith.mulf %gather3A_120, %gather3A_1553 : vector<16xf32>
        %add3A_1555 = arith.addf %add3A_1551, %mul3A_1554 : vector<16xf32>
        %add3A_1556 = arith.addi %mul3A_133, %and3A_1544 : vector<16xi32>
        %gather3A_1557 = tpu.vector_load_idx %arg10[%add3A_1556] : memref<64000xf32, #tpu.memory_space<vmem>>[vector<16xi32>], vector<16xf32>,
        %mul3A_1558 = arith.mulf %gather3A_137, %gather3A_1557 : vector<16xf32>
        %add3A_1559 = arith.addf %add3A_1555, %mul3A_1558 : vector<16xf32>
        %add3A_1560 = arith.addi %mul3A_150, %and3A_1544 : vector<16xi32>
        %gather3A_1561 = tpu.vector_load_idx %arg10[%add3A_1560] : memref<64000xf32, #tpu.memory_space<vmem>>[vector<16xi32>], vector<16xf32>,
        %mul3A_1562 = arith.mulf %gather3A_154, %gather3A_1561 : vector<16xf32>
        %add3A_1563 = arith.addf %add3A_1559, %mul3A_1562 : vector<16xf32>
        %mul3A_1564 = arith.mulf %gather3A_1546, %add3A_1563 : vector<16xf32>
        %add3A_1565 = arith.addf %add3A_1457, %mul3A_1564 : vector<16xf32>
        %add3A_1566 = arith.constant 52 : i32
        %add3A_1567 = vector.broadcast %add3A_1566 : i32 to vector<16xi32>
        %add3A_1568 = arith.addi %iota3A, %add3A_1567 : vector<16xi32>
        %and3A_1569 = arith.constant 63 : i32
        %and3A_1570 = vector.broadcast %and3A_1569 : i32 to vector<16xi32>
        %and3A_1571 = arith.andi %add3A_1568, %and3A_1570 : vector<16xi32>
        %add3A_1572 = arith.addi %get3A_90, %and3A_1571 : vector<16xi32>
        %gather3A_1573 = tpu.vector_load_idx %arg9[%add3A_1572] : memref<32768xf32, #tpu.memory_space<vmem>>[vector<16xi32>], vector<16xf32>,
        %gather3A_1574 = tpu.vector_load_idx %arg13[%add3A_84, %and3A_1571] : memref<64x64xf32, #tpu.memory_space<vmem>>[vector<16xi32>, vector<16xi32>], vector<16xf32>,
        %add3A_1575 = arith.addi %mul3A_99, %and3A_1571 : vector<16xi32>
        %gather3A_1576 = tpu.vector_load_idx %arg10[%add3A_1575] : memref<64000xf32, #tpu.memory_space<vmem>>[vector<16xi32>], vector<16xf32>,
        %mul3A_1577 = arith.mulf %gather3A_103, %gather3A_1576 : vector<16xf32>
        %add3A_1578 = arith.addf %gather3A_1574, %mul3A_1577 : vector<16xf32>
        %add3A_1579 = arith.addi %mul3A_116, %and3A_1571 : vector<16xi32>
        %gather3A_1580 = tpu.vector_load_idx %arg10[%add3A_1579] : memref<64000xf32, #tpu.memory_space<vmem>>[vector<16xi32>], vector<16xf32>,
        %mul3A_1581 = arith.mulf %gather3A_120, %gather3A_1580 : vector<16xf32>
        %add3A_1582 = arith.addf %add3A_1578, %mul3A_1581 : vector<16xf32>
        %add3A_1583 = arith.addi %mul3A_133, %and3A_1571 : vector<16xi32>
        %gather3A_1584 = tpu.vector_load_idx %arg10[%add3A_1583] : memref<64000xf32, #tpu.memory_space<vmem>>[vector<16xi32>], vector<16xf32>,
        %mul3A_1585 = arith.mulf %gather3A_137, %gather3A_1584 : vector<16xf32>
        %add3A_1586 = arith.addf %add3A_1582, %mul3A_1585 : vector<16xf32>
        %add3A_1587 = arith.addi %mul3A_150, %and3A_1571 : vector<16xi32>
        %gather3A_1588 = tpu.vector_load_idx %arg10[%add3A_1587] : memref<64000xf32, #tpu.memory_space<vmem>>[vector<16xi32>], vector<16xf32>,
        %mul3A_1589 = arith.mulf %gather3A_154, %gather3A_1588 : vector<16xf32>
        %add3A_1590 = arith.addf %add3A_1586, %mul3A_1589 : vector<16xf32>
        %mul3A_1591 = arith.mulf %gather3A_1573, %add3A_1590 : vector<16xf32>
        %add3A_1592 = arith.addf %add3A_1484, %mul3A_1591 : vector<16xf32>
        %add3A_1593 = arith.constant 53 : i32
        %add3A_1594 = vector.broadcast %add3A_1593 : i32 to vector<16xi32>
        %add3A_1595 = arith.addi %iota3A, %add3A_1594 : vector<16xi32>
        %and3A_1596 = arith.constant 63 : i32
        %and3A_1597 = vector.broadcast %and3A_1596 : i32 to vector<16xi32>
        %and3A_1598 = arith.andi %add3A_1595, %and3A_1597 : vector<16xi32>
        %add3A_1599 = arith.addi %get3A_90, %and3A_1598 : vector<16xi32>
        %gather3A_1600 = tpu.vector_load_idx %arg9[%add3A_1599] : memref<32768xf32, #tpu.memory_space<vmem>>[vector<16xi32>], vector<16xf32>,
        %gather3A_1601 = tpu.vector_load_idx %arg13[%add3A_84, %and3A_1598] : memref<64x64xf32, #tpu.memory_space<vmem>>[vector<16xi32>, vector<16xi32>], vector<16xf32>,
        %add3A_1602 = arith.addi %mul3A_99, %and3A_1598 : vector<16xi32>
        %gather3A_1603 = tpu.vector_load_idx %arg10[%add3A_1602] : memref<64000xf32, #tpu.memory_space<vmem>>[vector<16xi32>], vector<16xf32>,
        %mul3A_1604 = arith.mulf %gather3A_103, %gather3A_1603 : vector<16xf32>
        %add3A_1605 = arith.addf %gather3A_1601, %mul3A_1604 : vector<16xf32>
        %add3A_1606 = arith.addi %mul3A_116, %and3A_1598 : vector<16xi32>
        %gather3A_1607 = tpu.vector_load_idx %arg10[%add3A_1606] : memref<64000xf32, #tpu.memory_space<vmem>>[vector<16xi32>], vector<16xf32>,
        %mul3A_1608 = arith.mulf %gather3A_120, %gather3A_1607 : vector<16xf32>
        %add3A_1609 = arith.addf %add3A_1605, %mul3A_1608 : vector<16xf32>
        %add3A_1610 = arith.addi %mul3A_133, %and3A_1598 : vector<16xi32>
        %gather3A_1611 = tpu.vector_load_idx %arg10[%add3A_1610] : memref<64000xf32, #tpu.memory_space<vmem>>[vector<16xi32>], vector<16xf32>,
        %mul3A_1612 = arith.mulf %gather3A_137, %gather3A_1611 : vector<16xf32>
        %add3A_1613 = arith.addf %add3A_1609, %mul3A_1612 : vector<16xf32>
        %add3A_1614 = arith.addi %mul3A_150, %and3A_1598 : vector<16xi32>
        %gather3A_1615 = tpu.vector_load_idx %arg10[%add3A_1614] : memref<64000xf32, #tpu.memory_space<vmem>>[vector<16xi32>], vector<16xf32>,
        %mul3A_1616 = arith.mulf %gather3A_154, %gather3A_1615 : vector<16xf32>
        %add3A_1617 = arith.addf %add3A_1613, %mul3A_1616 : vector<16xf32>
        %mul3A_1618 = arith.mulf %gather3A_1600, %add3A_1617 : vector<16xf32>
        %add3A_1619 = arith.addf %add3A_1511, %mul3A_1618 : vector<16xf32>
        %add3A_1620 = arith.constant 54 : i32
        %add3A_1621 = vector.broadcast %add3A_1620 : i32 to vector<16xi32>
        %add3A_1622 = arith.addi %iota3A, %add3A_1621 : vector<16xi32>
        %and3A_1623 = arith.constant 63 : i32
        %and3A_1624 = vector.broadcast %and3A_1623 : i32 to vector<16xi32>
        %and3A_1625 = arith.andi %add3A_1622, %and3A_1624 : vector<16xi32>
        %add3A_1626 = arith.addi %get3A_90, %and3A_1625 : vector<16xi32>
        %gather3A_1627 = tpu.vector_load_idx %arg9[%add3A_1626] : memref<32768xf32, #tpu.memory_space<vmem>>[vector<16xi32>], vector<16xf32>,
        %gather3A_1628 = tpu.vector_load_idx %arg13[%add3A_84, %and3A_1625] : memref<64x64xf32, #tpu.memory_space<vmem>>[vector<16xi32>, vector<16xi32>], vector<16xf32>,
        %add3A_1629 = arith.addi %mul3A_99, %and3A_1625 : vector<16xi32>
        %gather3A_1630 = tpu.vector_load_idx %arg10[%add3A_1629] : memref<64000xf32, #tpu.memory_space<vmem>>[vector<16xi32>], vector<16xf32>,
        %mul3A_1631 = arith.mulf %gather3A_103, %gather3A_1630 : vector<16xf32>
        %add3A_1632 = arith.addf %gather3A_1628, %mul3A_1631 : vector<16xf32>
        %add3A_1633 = arith.addi %mul3A_116, %and3A_1625 : vector<16xi32>
        %gather3A_1634 = tpu.vector_load_idx %arg10[%add3A_1633] : memref<64000xf32, #tpu.memory_space<vmem>>[vector<16xi32>], vector<16xf32>,
        %mul3A_1635 = arith.mulf %gather3A_120, %gather3A_1634 : vector<16xf32>
        %add3A_1636 = arith.addf %add3A_1632, %mul3A_1635 : vector<16xf32>
        %add3A_1637 = arith.addi %mul3A_133, %and3A_1625 : vector<16xi32>
        %gather3A_1638 = tpu.vector_load_idx %arg10[%add3A_1637] : memref<64000xf32, #tpu.memory_space<vmem>>[vector<16xi32>], vector<16xf32>,
        %mul3A_1639 = arith.mulf %gather3A_137, %gather3A_1638 : vector<16xf32>
        %add3A_1640 = arith.addf %add3A_1636, %mul3A_1639 : vector<16xf32>
        %add3A_1641 = arith.addi %mul3A_150, %and3A_1625 : vector<16xi32>
        %gather3A_1642 = tpu.vector_load_idx %arg10[%add3A_1641] : memref<64000xf32, #tpu.memory_space<vmem>>[vector<16xi32>], vector<16xf32>,
        %mul3A_1643 = arith.mulf %gather3A_154, %gather3A_1642 : vector<16xf32>
        %add3A_1644 = arith.addf %add3A_1640, %mul3A_1643 : vector<16xf32>
        %mul3A_1645 = arith.mulf %gather3A_1627, %add3A_1644 : vector<16xf32>
        %add3A_1646 = arith.addf %add3A_1538, %mul3A_1645 : vector<16xf32>
        %add3A_1647 = arith.constant 55 : i32
        %add3A_1648 = vector.broadcast %add3A_1647 : i32 to vector<16xi32>
        %add3A_1649 = arith.addi %iota3A, %add3A_1648 : vector<16xi32>
        %and3A_1650 = arith.constant 63 : i32
        %and3A_1651 = vector.broadcast %and3A_1650 : i32 to vector<16xi32>
        %and3A_1652 = arith.andi %add3A_1649, %and3A_1651 : vector<16xi32>
        %add3A_1653 = arith.addi %get3A_90, %and3A_1652 : vector<16xi32>
        %gather3A_1654 = tpu.vector_load_idx %arg9[%add3A_1653] : memref<32768xf32, #tpu.memory_space<vmem>>[vector<16xi32>], vector<16xf32>,
        %gather3A_1655 = tpu.vector_load_idx %arg13[%add3A_84, %and3A_1652] : memref<64x64xf32, #tpu.memory_space<vmem>>[vector<16xi32>, vector<16xi32>], vector<16xf32>,
        %add3A_1656 = arith.addi %mul3A_99, %and3A_1652 : vector<16xi32>
        %gather3A_1657 = tpu.vector_load_idx %arg10[%add3A_1656] : memref<64000xf32, #tpu.memory_space<vmem>>[vector<16xi32>], vector<16xf32>,
        %mul3A_1658 = arith.mulf %gather3A_103, %gather3A_1657 : vector<16xf32>
        %add3A_1659 = arith.addf %gather3A_1655, %mul3A_1658 : vector<16xf32>
        %add3A_1660 = arith.addi %mul3A_116, %and3A_1652 : vector<16xi32>
        %gather3A_1661 = tpu.vector_load_idx %arg10[%add3A_1660] : memref<64000xf32, #tpu.memory_space<vmem>>[vector<16xi32>], vector<16xf32>,
        %mul3A_1662 = arith.mulf %gather3A_120, %gather3A_1661 : vector<16xf32>
        %add3A_1663 = arith.addf %add3A_1659, %mul3A_1662 : vector<16xf32>
        %add3A_1664 = arith.addi %mul3A_133, %and3A_1652 : vector<16xi32>
        %gather3A_1665 = tpu.vector_load_idx %arg10[%add3A_1664] : memref<64000xf32, #tpu.memory_space<vmem>>[vector<16xi32>], vector<16xf32>,
        %mul3A_1666 = arith.mulf %gather3A_137, %gather3A_1665 : vector<16xf32>
        %add3A_1667 = arith.addf %add3A_1663, %mul3A_1666 : vector<16xf32>
        %add3A_1668 = arith.addi %mul3A_150, %and3A_1652 : vector<16xi32>
        %gather3A_1669 = tpu.vector_load_idx %arg10[%add3A_1668] : memref<64000xf32, #tpu.memory_space<vmem>>[vector<16xi32>], vector<16xf32>,
        %mul3A_1670 = arith.mulf %gather3A_154, %gather3A_1669 : vector<16xf32>
        %add3A_1671 = arith.addf %add3A_1667, %mul3A_1670 : vector<16xf32>
        %mul3A_1672 = arith.mulf %gather3A_1654, %add3A_1671 : vector<16xf32>
        %add3A_1673 = arith.addf %add3A_1565, %mul3A_1672 : vector<16xf32>
        %add3A_1674 = arith.constant 56 : i32
        %add3A_1675 = vector.broadcast %add3A_1674 : i32 to vector<16xi32>
        %add3A_1676 = arith.addi %iota3A, %add3A_1675 : vector<16xi32>
        %and3A_1677 = arith.constant 63 : i32
        %and3A_1678 = vector.broadcast %and3A_1677 : i32 to vector<16xi32>
        %and3A_1679 = arith.andi %add3A_1676, %and3A_1678 : vector<16xi32>
        %add3A_1680 = arith.addi %get3A_90, %and3A_1679 : vector<16xi32>
        %gather3A_1681 = tpu.vector_load_idx %arg9[%add3A_1680] : memref<32768xf32, #tpu.memory_space<vmem>>[vector<16xi32>], vector<16xf32>,
        %gather3A_1682 = tpu.vector_load_idx %arg13[%add3A_84, %and3A_1679] : memref<64x64xf32, #tpu.memory_space<vmem>>[vector<16xi32>, vector<16xi32>], vector<16xf32>,
        %add3A_1683 = arith.addi %mul3A_99, %and3A_1679 : vector<16xi32>
        %gather3A_1684 = tpu.vector_load_idx %arg10[%add3A_1683] : memref<64000xf32, #tpu.memory_space<vmem>>[vector<16xi32>], vector<16xf32>,
        %mul3A_1685 = arith.mulf %gather3A_103, %gather3A_1684 : vector<16xf32>
        %add3A_1686 = arith.addf %gather3A_1682, %mul3A_1685 : vector<16xf32>
        %add3A_1687 = arith.addi %mul3A_116, %and3A_1679 : vector<16xi32>
        %gather3A_1688 = tpu.vector_load_idx %arg10[%add3A_1687] : memref<64000xf32, #tpu.memory_space<vmem>>[vector<16xi32>], vector<16xf32>,
        %mul3A_1689 = arith.mulf %gather3A_120, %gather3A_1688 : vector<16xf32>
        %add3A_1690 = arith.addf %add3A_1686, %mul3A_1689 : vector<16xf32>
        %add3A_1691 = arith.addi %mul3A_133, %and3A_1679 : vector<16xi32>
        %gather3A_1692 = tpu.vector_load_idx %arg10[%add3A_1691] : memref<64000xf32, #tpu.memory_space<vmem>>[vector<16xi32>], vector<16xf32>,
        %mul3A_1693 = arith.mulf %gather3A_137, %gather3A_1692 : vector<16xf32>
        %add3A_1694 = arith.addf %add3A_1690, %mul3A_1693 : vector<16xf32>
        %add3A_1695 = arith.addi %mul3A_150, %and3A_1679 : vector<16xi32>
        %gather3A_1696 = tpu.vector_load_idx %arg10[%add3A_1695] : memref<64000xf32, #tpu.memory_space<vmem>>[vector<16xi32>], vector<16xf32>,
        %mul3A_1697 = arith.mulf %gather3A_154, %gather3A_1696 : vector<16xf32>
        %add3A_1698 = arith.addf %add3A_1694, %mul3A_1697 : vector<16xf32>
        %mul3A_1699 = arith.mulf %gather3A_1681, %add3A_1698 : vector<16xf32>
        %add3A_1700 = arith.addf %add3A_1592, %mul3A_1699 : vector<16xf32>
        %add3A_1701 = arith.constant 57 : i32
        %add3A_1702 = vector.broadcast %add3A_1701 : i32 to vector<16xi32>
        %add3A_1703 = arith.addi %iota3A, %add3A_1702 : vector<16xi32>
        %and3A_1704 = arith.constant 63 : i32
        %and3A_1705 = vector.broadcast %and3A_1704 : i32 to vector<16xi32>
        %and3A_1706 = arith.andi %add3A_1703, %and3A_1705 : vector<16xi32>
        %add3A_1707 = arith.addi %get3A_90, %and3A_1706 : vector<16xi32>
        %gather3A_1708 = tpu.vector_load_idx %arg9[%add3A_1707] : memref<32768xf32, #tpu.memory_space<vmem>>[vector<16xi32>], vector<16xf32>,
        %gather3A_1709 = tpu.vector_load_idx %arg13[%add3A_84, %and3A_1706] : memref<64x64xf32, #tpu.memory_space<vmem>>[vector<16xi32>, vector<16xi32>], vector<16xf32>,
        %add3A_1710 = arith.addi %mul3A_99, %and3A_1706 : vector<16xi32>
        %gather3A_1711 = tpu.vector_load_idx %arg10[%add3A_1710] : memref<64000xf32, #tpu.memory_space<vmem>>[vector<16xi32>], vector<16xf32>,
        %mul3A_1712 = arith.mulf %gather3A_103, %gather3A_1711 : vector<16xf32>
        %add3A_1713 = arith.addf %gather3A_1709, %mul3A_1712 : vector<16xf32>
        %add3A_1714 = arith.addi %mul3A_116, %and3A_1706 : vector<16xi32>
        %gather3A_1715 = tpu.vector_load_idx %arg10[%add3A_1714] : memref<64000xf32, #tpu.memory_space<vmem>>[vector<16xi32>], vector<16xf32>,
        %mul3A_1716 = arith.mulf %gather3A_120, %gather3A_1715 : vector<16xf32>
        %add3A_1717 = arith.addf %add3A_1713, %mul3A_1716 : vector<16xf32>
        %add3A_1718 = arith.addi %mul3A_133, %and3A_1706 : vector<16xi32>
        %gather3A_1719 = tpu.vector_load_idx %arg10[%add3A_1718] : memref<64000xf32, #tpu.memory_space<vmem>>[vector<16xi32>], vector<16xf32>,
        %mul3A_1720 = arith.mulf %gather3A_137, %gather3A_1719 : vector<16xf32>
        %add3A_1721 = arith.addf %add3A_1717, %mul3A_1720 : vector<16xf32>
        %add3A_1722 = arith.addi %mul3A_150, %and3A_1706 : vector<16xi32>
        %gather3A_1723 = tpu.vector_load_idx %arg10[%add3A_1722] : memref<64000xf32, #tpu.memory_space<vmem>>[vector<16xi32>], vector<16xf32>,
        %mul3A_1724 = arith.mulf %gather3A_154, %gather3A_1723 : vector<16xf32>
        %add3A_1725 = arith.addf %add3A_1721, %mul3A_1724 : vector<16xf32>
        %mul3A_1726 = arith.mulf %gather3A_1708, %add3A_1725 : vector<16xf32>
        %add3A_1727 = arith.addf %add3A_1619, %mul3A_1726 : vector<16xf32>
        %add3A_1728 = arith.constant 58 : i32
        %add3A_1729 = vector.broadcast %add3A_1728 : i32 to vector<16xi32>
        %add3A_1730 = arith.addi %iota3A, %add3A_1729 : vector<16xi32>
        %and3A_1731 = arith.constant 63 : i32
        %and3A_1732 = vector.broadcast %and3A_1731 : i32 to vector<16xi32>
        %and3A_1733 = arith.andi %add3A_1730, %and3A_1732 : vector<16xi32>
        %add3A_1734 = arith.addi %get3A_90, %and3A_1733 : vector<16xi32>
        %gather3A_1735 = tpu.vector_load_idx %arg9[%add3A_1734] : memref<32768xf32, #tpu.memory_space<vmem>>[vector<16xi32>], vector<16xf32>,
        %gather3A_1736 = tpu.vector_load_idx %arg13[%add3A_84, %and3A_1733] : memref<64x64xf32, #tpu.memory_space<vmem>>[vector<16xi32>, vector<16xi32>], vector<16xf32>,
        %add3A_1737 = arith.addi %mul3A_99, %and3A_1733 : vector<16xi32>
        %gather3A_1738 = tpu.vector_load_idx %arg10[%add3A_1737] : memref<64000xf32, #tpu.memory_space<vmem>>[vector<16xi32>], vector<16xf32>,
        %mul3A_1739 = arith.mulf %gather3A_103, %gather3A_1738 : vector<16xf32>
        %add3A_1740 = arith.addf %gather3A_1736, %mul3A_1739 : vector<16xf32>
        %add3A_1741 = arith.addi %mul3A_116, %and3A_1733 : vector<16xi32>
        %gather3A_1742 = tpu.vector_load_idx %arg10[%add3A_1741] : memref<64000xf32, #tpu.memory_space<vmem>>[vector<16xi32>], vector<16xf32>,
        %mul3A_1743 = arith.mulf %gather3A_120, %gather3A_1742 : vector<16xf32>
        %add3A_1744 = arith.addf %add3A_1740, %mul3A_1743 : vector<16xf32>
        %add3A_1745 = arith.addi %mul3A_133, %and3A_1733 : vector<16xi32>
        %gather3A_1746 = tpu.vector_load_idx %arg10[%add3A_1745] : memref<64000xf32, #tpu.memory_space<vmem>>[vector<16xi32>], vector<16xf32>,
        %mul3A_1747 = arith.mulf %gather3A_137, %gather3A_1746 : vector<16xf32>
        %add3A_1748 = arith.addf %add3A_1744, %mul3A_1747 : vector<16xf32>
        %add3A_1749 = arith.addi %mul3A_150, %and3A_1733 : vector<16xi32>
        %gather3A_1750 = tpu.vector_load_idx %arg10[%add3A_1749] : memref<64000xf32, #tpu.memory_space<vmem>>[vector<16xi32>], vector<16xf32>,
        %mul3A_1751 = arith.mulf %gather3A_154, %gather3A_1750 : vector<16xf32>
        %add3A_1752 = arith.addf %add3A_1748, %mul3A_1751 : vector<16xf32>
        %mul3A_1753 = arith.mulf %gather3A_1735, %add3A_1752 : vector<16xf32>
        %add3A_1754 = arith.addf %add3A_1646, %mul3A_1753 : vector<16xf32>
        %add3A_1755 = arith.constant 59 : i32
        %add3A_1756 = vector.broadcast %add3A_1755 : i32 to vector<16xi32>
        %add3A_1757 = arith.addi %iota3A, %add3A_1756 : vector<16xi32>
        %and3A_1758 = arith.constant 63 : i32
        %and3A_1759 = vector.broadcast %and3A_1758 : i32 to vector<16xi32>
        %and3A_1760 = arith.andi %add3A_1757, %and3A_1759 : vector<16xi32>
        %add3A_1761 = arith.addi %get3A_90, %and3A_1760 : vector<16xi32>
        %gather3A_1762 = tpu.vector_load_idx %arg9[%add3A_1761] : memref<32768xf32, #tpu.memory_space<vmem>>[vector<16xi32>], vector<16xf32>,
        %gather3A_1763 = tpu.vector_load_idx %arg13[%add3A_84, %and3A_1760] : memref<64x64xf32, #tpu.memory_space<vmem>>[vector<16xi32>, vector<16xi32>], vector<16xf32>,
        %add3A_1764 = arith.addi %mul3A_99, %and3A_1760 : vector<16xi32>
        %gather3A_1765 = tpu.vector_load_idx %arg10[%add3A_1764] : memref<64000xf32, #tpu.memory_space<vmem>>[vector<16xi32>], vector<16xf32>,
        %mul3A_1766 = arith.mulf %gather3A_103, %gather3A_1765 : vector<16xf32>
        %add3A_1767 = arith.addf %gather3A_1763, %mul3A_1766 : vector<16xf32>
        %add3A_1768 = arith.addi %mul3A_116, %and3A_1760 : vector<16xi32>
        %gather3A_1769 = tpu.vector_load_idx %arg10[%add3A_1768] : memref<64000xf32, #tpu.memory_space<vmem>>[vector<16xi32>], vector<16xf32>,
        %mul3A_1770 = arith.mulf %gather3A_120, %gather3A_1769 : vector<16xf32>
        %add3A_1771 = arith.addf %add3A_1767, %mul3A_1770 : vector<16xf32>
        %add3A_1772 = arith.addi %mul3A_133, %and3A_1760 : vector<16xi32>
        %gather3A_1773 = tpu.vector_load_idx %arg10[%add3A_1772] : memref<64000xf32, #tpu.memory_space<vmem>>[vector<16xi32>], vector<16xf32>,
        %mul3A_1774 = arith.mulf %gather3A_137, %gather3A_1773 : vector<16xf32>
        %add3A_1775 = arith.addf %add3A_1771, %mul3A_1774 : vector<16xf32>
        %add3A_1776 = arith.addi %mul3A_150, %and3A_1760 : vector<16xi32>
        %gather3A_1777 = tpu.vector_load_idx %arg10[%add3A_1776] : memref<64000xf32, #tpu.memory_space<vmem>>[vector<16xi32>], vector<16xf32>,
        %mul3A_1778 = arith.mulf %gather3A_154, %gather3A_1777 : vector<16xf32>
        %add3A_1779 = arith.addf %add3A_1775, %mul3A_1778 : vector<16xf32>
        %mul3A_1780 = arith.mulf %gather3A_1762, %add3A_1779 : vector<16xf32>
        %add3A_1781 = arith.addf %add3A_1673, %mul3A_1780 : vector<16xf32>
        %add3A_1782 = arith.constant 60 : i32
        %add3A_1783 = vector.broadcast %add3A_1782 : i32 to vector<16xi32>
        %add3A_1784 = arith.addi %iota3A, %add3A_1783 : vector<16xi32>
        %and3A_1785 = arith.constant 63 : i32
        %and3A_1786 = vector.broadcast %and3A_1785 : i32 to vector<16xi32>
        %and3A_1787 = arith.andi %add3A_1784, %and3A_1786 : vector<16xi32>
        %add3A_1788 = arith.addi %get3A_90, %and3A_1787 : vector<16xi32>
        %gather3A_1789 = tpu.vector_load_idx %arg9[%add3A_1788] : memref<32768xf32, #tpu.memory_space<vmem>>[vector<16xi32>], vector<16xf32>,
        %gather3A_1790 = tpu.vector_load_idx %arg13[%add3A_84, %and3A_1787] : memref<64x64xf32, #tpu.memory_space<vmem>>[vector<16xi32>, vector<16xi32>], vector<16xf32>,
        %add3A_1791 = arith.addi %mul3A_99, %and3A_1787 : vector<16xi32>
        %gather3A_1792 = tpu.vector_load_idx %arg10[%add3A_1791] : memref<64000xf32, #tpu.memory_space<vmem>>[vector<16xi32>], vector<16xf32>,
        %mul3A_1793 = arith.mulf %gather3A_103, %gather3A_1792 : vector<16xf32>
        %add3A_1794 = arith.addf %gather3A_1790, %mul3A_1793 : vector<16xf32>
        %add3A_1795 = arith.addi %mul3A_116, %and3A_1787 : vector<16xi32>
        %gather3A_1796 = tpu.vector_load_idx %arg10[%add3A_1795] : memref<64000xf32, #tpu.memory_space<vmem>>[vector<16xi32>], vector<16xf32>,
        %mul3A_1797 = arith.mulf %gather3A_120, %gather3A_1796 : vector<16xf32>
        %add3A_1798 = arith.addf %add3A_1794, %mul3A_1797 : vector<16xf32>
        %add3A_1799 = arith.addi %mul3A_133, %and3A_1787 : vector<16xi32>
        %gather3A_1800 = tpu.vector_load_idx %arg10[%add3A_1799] : memref<64000xf32, #tpu.memory_space<vmem>>[vector<16xi32>], vector<16xf32>,
        %mul3A_1801 = arith.mulf %gather3A_137, %gather3A_1800 : vector<16xf32>
        %add3A_1802 = arith.addf %add3A_1798, %mul3A_1801 : vector<16xf32>
        %add3A_1803 = arith.addi %mul3A_150, %and3A_1787 : vector<16xi32>
        %gather3A_1804 = tpu.vector_load_idx %arg10[%add3A_1803] : memref<64000xf32, #tpu.memory_space<vmem>>[vector<16xi32>], vector<16xf32>,
        %mul3A_1805 = arith.mulf %gather3A_154, %gather3A_1804 : vector<16xf32>
        %add3A_1806 = arith.addf %add3A_1802, %mul3A_1805 : vector<16xf32>
        %mul3A_1807 = arith.mulf %gather3A_1789, %add3A_1806 : vector<16xf32>
        %add3A_1808 = arith.addf %add3A_1700, %mul3A_1807 : vector<16xf32>
        %add3A_1809 = arith.constant 61 : i32
        %add3A_1810 = vector.broadcast %add3A_1809 : i32 to vector<16xi32>
        %add3A_1811 = arith.addi %iota3A, %add3A_1810 : vector<16xi32>
        %and3A_1812 = arith.constant 63 : i32
        %and3A_1813 = vector.broadcast %and3A_1812 : i32 to vector<16xi32>
        %and3A_1814 = arith.andi %add3A_1811, %and3A_1813 : vector<16xi32>
        %add3A_1815 = arith.addi %get3A_90, %and3A_1814 : vector<16xi32>
        %gather3A_1816 = tpu.vector_load_idx %arg9[%add3A_1815] : memref<32768xf32, #tpu.memory_space<vmem>>[vector<16xi32>], vector<16xf32>,
        %gather3A_1817 = tpu.vector_load_idx %arg13[%add3A_84, %and3A_1814] : memref<64x64xf32, #tpu.memory_space<vmem>>[vector<16xi32>, vector<16xi32>], vector<16xf32>,
        %add3A_1818 = arith.addi %mul3A_99, %and3A_1814 : vector<16xi32>
        %gather3A_1819 = tpu.vector_load_idx %arg10[%add3A_1818] : memref<64000xf32, #tpu.memory_space<vmem>>[vector<16xi32>], vector<16xf32>,
        %mul3A_1820 = arith.mulf %gather3A_103, %gather3A_1819 : vector<16xf32>
        %add3A_1821 = arith.addf %gather3A_1817, %mul3A_1820 : vector<16xf32>
        %add3A_1822 = arith.addi %mul3A_116, %and3A_1814 : vector<16xi32>
        %gather3A_1823 = tpu.vector_load_idx %arg10[%add3A_1822] : memref<64000xf32, #tpu.memory_space<vmem>>[vector<16xi32>], vector<16xf32>,
        %mul3A_1824 = arith.mulf %gather3A_120, %gather3A_1823 : vector<16xf32>
        %add3A_1825 = arith.addf %add3A_1821, %mul3A_1824 : vector<16xf32>
        %add3A_1826 = arith.addi %mul3A_133, %and3A_1814 : vector<16xi32>
        %gather3A_1827 = tpu.vector_load_idx %arg10[%add3A_1826] : memref<64000xf32, #tpu.memory_space<vmem>>[vector<16xi32>], vector<16xf32>,
        %mul3A_1828 = arith.mulf %gather3A_137, %gather3A_1827 : vector<16xf32>
        %add3A_1829 = arith.addf %add3A_1825, %mul3A_1828 : vector<16xf32>
        %add3A_1830 = arith.addi %mul3A_150, %and3A_1814 : vector<16xi32>
        %gather3A_1831 = tpu.vector_load_idx %arg10[%add3A_1830] : memref<64000xf32, #tpu.memory_space<vmem>>[vector<16xi32>], vector<16xf32>,
        %mul3A_1832 = arith.mulf %gather3A_154, %gather3A_1831 : vector<16xf32>
        %add3A_1833 = arith.addf %add3A_1829, %mul3A_1832 : vector<16xf32>
        %mul3A_1834 = arith.mulf %gather3A_1816, %add3A_1833 : vector<16xf32>
        %add3A_1835 = arith.addf %add3A_1727, %mul3A_1834 : vector<16xf32>
        %add3A_1836 = arith.constant 62 : i32
        %add3A_1837 = vector.broadcast %add3A_1836 : i32 to vector<16xi32>
        %add3A_1838 = arith.addi %iota3A, %add3A_1837 : vector<16xi32>
        %and3A_1839 = arith.constant 63 : i32
        %and3A_1840 = vector.broadcast %and3A_1839 : i32 to vector<16xi32>
        %and3A_1841 = arith.andi %add3A_1838, %and3A_1840 : vector<16xi32>
        %add3A_1842 = arith.addi %get3A_90, %and3A_1841 : vector<16xi32>
        %gather3A_1843 = tpu.vector_load_idx %arg9[%add3A_1842] : memref<32768xf32, #tpu.memory_space<vmem>>[vector<16xi32>], vector<16xf32>,
        %gather3A_1844 = tpu.vector_load_idx %arg13[%add3A_84, %and3A_1841] : memref<64x64xf32, #tpu.memory_space<vmem>>[vector<16xi32>, vector<16xi32>], vector<16xf32>,
        %add3A_1845 = arith.addi %mul3A_99, %and3A_1841 : vector<16xi32>
        %gather3A_1846 = tpu.vector_load_idx %arg10[%add3A_1845] : memref<64000xf32, #tpu.memory_space<vmem>>[vector<16xi32>], vector<16xf32>,
        %mul3A_1847 = arith.mulf %gather3A_103, %gather3A_1846 : vector<16xf32>
        %add3A_1848 = arith.addf %gather3A_1844, %mul3A_1847 : vector<16xf32>
        %add3A_1849 = arith.addi %mul3A_116, %and3A_1841 : vector<16xi32>
        %gather3A_1850 = tpu.vector_load_idx %arg10[%add3A_1849] : memref<64000xf32, #tpu.memory_space<vmem>>[vector<16xi32>], vector<16xf32>,
        %mul3A_1851 = arith.mulf %gather3A_120, %gather3A_1850 : vector<16xf32>
        %add3A_1852 = arith.addf %add3A_1848, %mul3A_1851 : vector<16xf32>
        %add3A_1853 = arith.addi %mul3A_133, %and3A_1841 : vector<16xi32>
        %gather3A_1854 = tpu.vector_load_idx %arg10[%add3A_1853] : memref<64000xf32, #tpu.memory_space<vmem>>[vector<16xi32>], vector<16xf32>,
        %mul3A_1855 = arith.mulf %gather3A_137, %gather3A_1854 : vector<16xf32>
        %add3A_1856 = arith.addf %add3A_1852, %mul3A_1855 : vector<16xf32>
        %add3A_1857 = arith.addi %mul3A_150, %and3A_1841 : vector<16xi32>
        %gather3A_1858 = tpu.vector_load_idx %arg10[%add3A_1857] : memref<64000xf32, #tpu.memory_space<vmem>>[vector<16xi32>], vector<16xf32>,
        %mul3A_1859 = arith.mulf %gather3A_154, %gather3A_1858 : vector<16xf32>
        %add3A_1860 = arith.addf %add3A_1856, %mul3A_1859 : vector<16xf32>
        %mul3A_1861 = arith.mulf %gather3A_1843, %add3A_1860 : vector<16xf32>
        %add3A_1862 = arith.addf %add3A_1754, %mul3A_1861 : vector<16xf32>
        %add3A_1863 = arith.constant 63 : i32
        %add3A_1864 = vector.broadcast %add3A_1863 : i32 to vector<16xi32>
        %add3A_1865 = arith.addi %iota3A, %add3A_1864 : vector<16xi32>
        %and3A_1866 = arith.constant 63 : i32
        %and3A_1867 = vector.broadcast %and3A_1866 : i32 to vector<16xi32>
        %and3A_1868 = arith.andi %add3A_1865, %and3A_1867 : vector<16xi32>
        %add3A_1869 = arith.addi %get3A_90, %and3A_1868 : vector<16xi32>
        %gather3A_1870 = tpu.vector_load_idx %arg9[%add3A_1869] : memref<32768xf32, #tpu.memory_space<vmem>>[vector<16xi32>], vector<16xf32>,
        %gather3A_1871 = tpu.vector_load_idx %arg13[%add3A_84, %and3A_1868] : memref<64x64xf32, #tpu.memory_space<vmem>>[vector<16xi32>, vector<16xi32>], vector<16xf32>,
        %add3A_1872 = arith.addi %mul3A_99, %and3A_1868 : vector<16xi32>
        %gather3A_1873 = tpu.vector_load_idx %arg10[%add3A_1872] : memref<64000xf32, #tpu.memory_space<vmem>>[vector<16xi32>], vector<16xf32>,
        %mul3A_1874 = arith.mulf %gather3A_103, %gather3A_1873 : vector<16xf32>
        %add3A_1875 = arith.addf %gather3A_1871, %mul3A_1874 : vector<16xf32>
        %add3A_1876 = arith.addi %mul3A_116, %and3A_1868 : vector<16xi32>
        %gather3A_1877 = tpu.vector_load_idx %arg10[%add3A_1876] : memref<64000xf32, #tpu.memory_space<vmem>>[vector<16xi32>], vector<16xf32>,
        %mul3A_1878 = arith.mulf %gather3A_120, %gather3A_1877 : vector<16xf32>
        %add3A_1879 = arith.addf %add3A_1875, %mul3A_1878 : vector<16xf32>
        %add3A_1880 = arith.addi %mul3A_133, %and3A_1868 : vector<16xi32>
        %gather3A_1881 = tpu.vector_load_idx %arg10[%add3A_1880] : memref<64000xf32, #tpu.memory_space<vmem>>[vector<16xi32>], vector<16xf32>,
        %mul3A_1882 = arith.mulf %gather3A_137, %gather3A_1881 : vector<16xf32>
        %add3A_1883 = arith.addf %add3A_1879, %mul3A_1882 : vector<16xf32>
        %add3A_1884 = arith.addi %mul3A_150, %and3A_1868 : vector<16xi32>
        %gather3A_1885 = tpu.vector_load_idx %arg10[%add3A_1884] : memref<64000xf32, #tpu.memory_space<vmem>>[vector<16xi32>], vector<16xf32>,
        %mul3A_1886 = arith.mulf %gather3A_154, %gather3A_1885 : vector<16xf32>
        %add3A_1887 = arith.addf %add3A_1883, %mul3A_1886 : vector<16xf32>
        %mul3A_1888 = arith.mulf %gather3A_1870, %add3A_1887 : vector<16xf32>
        %add3A_1889 = arith.addf %add3A_1781, %mul3A_1888 : vector<16xf32>
        %add3A_1890 = arith.addf %add3A_1808, %add3A_1835 : vector<16xf32>
        %add3A_1891 = arith.addf %add3A_1862, %add3A_1889 : vector<16xf32>
        %add3A_1892 = arith.addf %add3A_1890, %add3A_1891 : vector<16xf32>
        %mul3A_1893 = arith.constant 2.000000e-01 : f32
        %mul3A_1894 = vector.broadcast %mul3A_1893 : f32 to vector<16xf32>
        %mul3A_1895 = arith.mulf %add3A_1892, %mul3A_1894 : vector<16xf32>
        %neg3A = arith.constant 0.000000e+00 : f32
        %neg3A_1896 = vector.broadcast %neg3A : f32 to vector<16xf32>
        %neg3A_1897 = arith.subf %neg3A_1896, %mul3A_1895 : vector<16xf32>
        %exp3A = math.exp %neg3A_1897 : vector<16xf32>
        %add3A_1898 = arith.constant 1.000000e+00 : f32
        %add3A_1899 = vector.broadcast %add3A_1898 : f32 to vector<16xf32>
        %add3A_1900 = arith.addf %add3A_1899, %exp3A : vector<16xf32>
        %div3A = arith.constant 1.000000e+00 : f32
        %div3A_1901 = vector.broadcast %div3A : f32 to vector<16xf32>
        %div3A_1902 = arith.divf %div3A_1901, %add3A_1900 : vector<16xf32>
        %swap3A = arith.index_cast %add3A_89 : i32 to index
        %swap3A_1903 = tpu.vector_load %arg17[%swap3A] {strides = array<i32>} : memref<3072xf32, #tpu.memory_space<vmem>>, vector<16xf32>,
        tpu.vector_store %arg17[%swap3A], %div3A_1902 {strides = array<i32>} : memref<3072xf32, #tpu.memory_space<vmem>>, vector<16xf32>,
      }
      %scan3A_52 = arith.constant 4 : i32
      %add3A_53 = arith.constant 2 : i32
      %add3A_54 = arith.addi %add3A_24, %add3A_53 : i32
      %lt3A = arith.constant 48 : i32
      %lt3A_55 = arith.cmpi slt, %add3A_54, %lt3A : i32
      %convert_element_type3A = arith.extui %lt3A_55 : i1 to i32
      %cond3A = arith.constant 0 : i32
      %cond3A_56 = arith.cmpi ne, %convert_element_type3A, %cond3A : i32
      scf.if %cond3A_56 {
        %add3A_76 = arith.constant 2 : i32
        %add3A_77 = arith.addi %add3A_24, %add3A_76 : i32
        %mul3A_78 = arith.constant 64 : i32
        %mul3A_79 = arith.muli %add3A_77, %mul3A_78 : i32
        %dma_start3A_80 = tpu.memref_slice %arg11[%mul3A_79] : memref<3072xi32, #tpu.memory_space<vmem>> -> memref<64xi32, #tpu.memory_space<vmem>>
        %dma_start3A_81 = arith.constant 0 : i32
        %dma_start3A_82 = arith.constant 0 : i32
        %dma_start3A_83 = tpu.memref_slice %arg4[%dma_start3A_81, %dma_start3A_82] : memref<100000x64xf32, #tpu.memory_space<hbm>> -> memref<100000x64xf32, #tpu.memory_space<hbm>>
        tpu.enqueue_indirect_dma source(%dma_start3A_83 : memref<100000x64xf32, #tpu.memory_space<hbm>>) target(%arg13 : memref<64x64xf32, #tpu.memory_space<vmem>>) offsets(%dma_start3A_80 : memref<64xi32, #tpu.memory_space<vmem>>) semaphore(%arg18 : memref<!tpu.dma_semaphore, #tpu.memory_space<semaphore_mem>>)
        %dma_start3A_84 = tpu.memref_slice %arg11[%mul3A_79] : memref<3072xi32, #tpu.memory_space<vmem>> -> memref<64xi32, #tpu.memory_space<vmem>>
        %dma_start3A_85 = arith.constant 0 : i32
        %dma_start3A_86 = arith.constant 0 : i32
        %dma_start3A_87 = tpu.memref_slice %arg6[%dma_start3A_85, %dma_start3A_86] : memref<100000x64xf32, #tpu.memory_space<hbm>> -> memref<100000x64xf32, #tpu.memory_space<hbm>>
        tpu.enqueue_indirect_dma source(%dma_start3A_87 : memref<100000x64xf32, #tpu.memory_space<hbm>>) target(%arg14 : memref<64x64xf32, #tpu.memory_space<vmem>>) offsets(%dma_start3A_84 : memref<64xi32, #tpu.memory_space<vmem>>) semaphore(%arg19 : memref<!tpu.dma_semaphore, #tpu.memory_space<semaphore_mem>>)
      } else {
      }
      %dma_wait3A_57 = arith.constant 0 : i32
      %dma_wait3A_58 = arith.constant 0 : i32
      %dma_wait3A_59 = tpu.memref_slice %arg4[%dma_wait3A_57, %dma_wait3A_58] : memref<100000x64xf32, #tpu.memory_space<hbm>> -> memref<64x64xf32, #tpu.memory_space<hbm>>
      %dma_wait3A_60 = arith.constant 0 : i32
      %dma_wait3A_61 = arith.constant 0 : i32
      %dma_wait3A_62 = tpu.memref_slice %arg4[%dma_wait3A_60, %dma_wait3A_61] : memref<100000x64xf32, #tpu.memory_space<hbm>> -> memref<64x64xf32, #tpu.memory_space<hbm>>
      tpu.wait_dma2 semaphore(%arg20 : memref<!tpu.dma_semaphore, #tpu.memory_space<semaphore_mem>>) src(%dma_wait3A_62 : memref<64x64xf32, #tpu.memory_space<hbm>>) dst(%arg15 : memref<64x64xf32, #tpu.memory_space<vmem>>)
      %dma_wait3A_63 = arith.constant 0 : i32
      %dma_wait3A_64 = arith.constant 0 : i32
      %dma_wait3A_65 = tpu.memref_slice %arg6[%dma_wait3A_63, %dma_wait3A_64] : memref<100000x64xf32, #tpu.memory_space<hbm>> -> memref<64x64xf32, #tpu.memory_space<hbm>>
      %dma_wait3A_66 = arith.constant 0 : i32
      %dma_wait3A_67 = arith.constant 0 : i32
      %dma_wait3A_68 = tpu.memref_slice %arg6[%dma_wait3A_66, %dma_wait3A_67] : memref<100000x64xf32, #tpu.memory_space<hbm>> -> memref<64x64xf32, #tpu.memory_space<hbm>>
      tpu.wait_dma2 semaphore(%arg21 : memref<!tpu.dma_semaphore, #tpu.memory_space<semaphore_mem>>) src(%dma_wait3A_68 : memref<64x64xf32, #tpu.memory_space<hbm>>) dst(%arg16 : memref<64x64xf32, #tpu.memory_space<vmem>>)
      %add3A_69 = arith.constant 1 : i32
      %add3A_70 = arith.addi %add3A_24, %add3A_69 : i32
      %scan3A_71 = arith.constant 0 : i32
      %scan3A_72 = arith.constant 4 : i32
      %scan3A_73 = arith.addi %scan3A_71, %scan3A_72 : i32
      %scan3A_74 = arith.constant 1 : i32
      scf.for %scan3A_76 = %scan3A_71 to %scan3A_73 step %scan3A_74  : i32 {
        %mul3A_77 = arith.constant 1 : i32
        %mul3A_78 = arith.muli %scan3A_76, %mul3A_77 : i32
        %add3A_79 = arith.constant 0 : i32
        %add3A_80 = arith.addi %add3A_79, %mul3A_78 : i32
        %mul3A_81 = arith.constant 16 : i32
        %mul3A_82 = arith.muli %add3A_80, %mul3A_81 : i32
        %add3A_83 = vector.broadcast %mul3A_82 : i32 to vector<16xi32>
        %add3A_84 = arith.addi %add3A_83, %iota3A : vector<16xi32>
        %mul3A_85 = arith.constant 64 : i32
        %mul3A_86 = arith.muli %add3A_70, %mul3A_85 : i32
        %mul3A_87 = arith.constant 16 : i32
        %mul3A_88 = arith.muli %add3A_80, %mul3A_87 : i32
        %add3A_89 = arith.addi %mul3A_86, %mul3A_88 : i32
        %get3A = arith.index_cast %add3A_89 : i32 to index
        %get3A_90 = tpu.vector_load %arg12[%get3A] {strides = array<i32>} : memref<3072xi32, #tpu.memory_space<vmem>>, vector<16xi32>,
        %broadcast_in_dim3A = arith.constant 0 : i32
        %broadcast_in_dim3A_91 = vector.broadcast %broadcast_in_dim3A : i32 to vector<16xi32>
        %gather3A = tpu.vector_load_idx %arg16[%add3A_84, %broadcast_in_dim3A_91] : memref<64x64xf32, #tpu.memory_space<vmem>>[vector<16xi32>, vector<16xi32>], vector<16xf32>,
        %convert_element_type3A_92 = arith.fptosi %gather3A : vector<16xf32> to vector<16xi32>
        %max3A = arith.constant 0 : i32
        %max3A_93 = vector.broadcast %max3A : i32 to vector<16xi32>
        %max3A_94 = arith.maxsi %convert_element_type3A_92, %max3A_93 : vector<16xi32>
        %min3A = arith.constant 999 : i32
        %min3A_95 = vector.broadcast %min3A : i32 to vector<16xi32>
        %min3A_96 = arith.minsi %max3A_94, %min3A_95 : vector<16xi32>
        %mul3A_97 = arith.constant 64 : i32
        %mul3A_98 = vector.broadcast %mul3A_97 : i32 to vector<16xi32>
        %mul3A_99 = arith.muli %min3A_96, %mul3A_98 : vector<16xi32>
        %add3A_100 = arith.constant 4 : i32
        %add3A_101 = vector.broadcast %add3A_100 : i32 to vector<16xi32>
        %add3A_102 = arith.addi %broadcast_in_dim3A_91, %add3A_101 : vector<16xi32>
        %gather3A_103 = tpu.vector_load_idx %arg16[%add3A_84, %add3A_102] : memref<64x64xf32, #tpu.memory_space<vmem>>[vector<16xi32>, vector<16xi32>], vector<16xf32>,
        %broadcast_in_dim3A_104 = arith.constant 1 : i32
        %broadcast_in_dim3A_105 = vector.broadcast %broadcast_in_dim3A_104 : i32 to vector<16xi32>
        %gather3A_106 = tpu.vector_load_idx %arg16[%add3A_84, %broadcast_in_dim3A_105] : memref<64x64xf32, #tpu.memory_space<vmem>>[vector<16xi32>, vector<16xi32>], vector<16xf32>,
        %convert_element_type3A_107 = arith.fptosi %gather3A_106 : vector<16xf32> to vector<16xi32>
        %max3A_108 = arith.constant 0 : i32
        %max3A_109 = vector.broadcast %max3A_108 : i32 to vector<16xi32>
        %max3A_110 = arith.maxsi %convert_element_type3A_107, %max3A_109 : vector<16xi32>
        %min3A_111 = arith.constant 999 : i32
        %min3A_112 = vector.broadcast %min3A_111 : i32 to vector<16xi32>
        %min3A_113 = arith.minsi %max3A_110, %min3A_112 : vector<16xi32>
        %mul3A_114 = arith.constant 64 : i32
        %mul3A_115 = vector.broadcast %mul3A_114 : i32 to vector<16xi32>
        %mul3A_116 = arith.muli %min3A_113, %mul3A_115 : vector<16xi32>
        %add3A_117 = arith.constant 4 : i32
        %add3A_118 = vector.broadcast %add3A_117 : i32 to vector<16xi32>
        %add3A_119 = arith.addi %broadcast_in_dim3A_105, %add3A_118 : vector<16xi32>
        %gather3A_120 = tpu.vector_load_idx %arg16[%add3A_84, %add3A_119] : memref<64x64xf32, #tpu.memory_space<vmem>>[vector<16xi32>, vector<16xi32>], vector<16xf32>,
        %broadcast_in_dim3A_121 = arith.constant 2 : i32
        %broadcast_in_dim3A_122 = vector.broadcast %broadcast_in_dim3A_121 : i32 to vector<16xi32>
        %gather3A_123 = tpu.vector_load_idx %arg16[%add3A_84, %broadcast_in_dim3A_122] : memref<64x64xf32, #tpu.memory_space<vmem>>[vector<16xi32>, vector<16xi32>], vector<16xf32>,
        %convert_element_type3A_124 = arith.fptosi %gather3A_123 : vector<16xf32> to vector<16xi32>
        %max3A_125 = arith.constant 0 : i32
        %max3A_126 = vector.broadcast %max3A_125 : i32 to vector<16xi32>
        %max3A_127 = arith.maxsi %convert_element_type3A_124, %max3A_126 : vector<16xi32>
        %min3A_128 = arith.constant 999 : i32
        %min3A_129 = vector.broadcast %min3A_128 : i32 to vector<16xi32>
        %min3A_130 = arith.minsi %max3A_127, %min3A_129 : vector<16xi32>
        %mul3A_131 = arith.constant 64 : i32
        %mul3A_132 = vector.broadcast %mul3A_131 : i32 to vector<16xi32>
        %mul3A_133 = arith.muli %min3A_130, %mul3A_132 : vector<16xi32>
        %add3A_134 = arith.constant 4 : i32
        %add3A_135 = vector.broadcast %add3A_134 : i32 to vector<16xi32>
        %add3A_136 = arith.addi %broadcast_in_dim3A_122, %add3A_135 : vector<16xi32>
        %gather3A_137 = tpu.vector_load_idx %arg16[%add3A_84, %add3A_136] : memref<64x64xf32, #tpu.memory_space<vmem>>[vector<16xi32>, vector<16xi32>], vector<16xf32>,
        %broadcast_in_dim3A_138 = arith.constant 3 : i32
        %broadcast_in_dim3A_139 = vector.broadcast %broadcast_in_dim3A_138 : i32 to vector<16xi32>
        %gather3A_140 = tpu.vector_load_idx %arg16[%add3A_84, %broadcast_in_dim3A_139] : memref<64x64xf32, #tpu.memory_space<vmem>>[vector<16xi32>, vector<16xi32>], vector<16xf32>,
        %convert_element_type3A_141 = arith.fptosi %gather3A_140 : vector<16xf32> to vector<16xi32>
        %max3A_142 = arith.constant 0 : i32
        %max3A_143 = vector.broadcast %max3A_142 : i32 to vector<16xi32>
        %max3A_144 = arith.maxsi %convert_element_type3A_141, %max3A_143 : vector<16xi32>
        %min3A_145 = arith.constant 999 : i32
        %min3A_146 = vector.broadcast %min3A_145 : i32 to vector<16xi32>
        %min3A_147 = arith.minsi %max3A_144, %min3A_146 : vector<16xi32>
        %mul3A_148 = arith.constant 64 : i32
        %mul3A_149 = vector.broadcast %mul3A_148 : i32 to vector<16xi32>
        %mul3A_150 = arith.muli %min3A_147, %mul3A_149 : vector<16xi32>
        %add3A_151 = arith.constant 4 : i32
        %add3A_152 = vector.broadcast %add3A_151 : i32 to vector<16xi32>
        %add3A_153 = arith.addi %broadcast_in_dim3A_139, %add3A_152 : vector<16xi32>
        %gather3A_154 = tpu.vector_load_idx %arg16[%add3A_84, %add3A_153] : memref<64x64xf32, #tpu.memory_space<vmem>>[vector<16xi32>, vector<16xi32>], vector<16xf32>,
        %broadcast_in_dim3A_155 = arith.constant 0.000000e+00 : f32
        %broadcast_in_dim3A_156 = vector.broadcast %broadcast_in_dim3A_155 : f32 to vector<16xf32>
        %broadcast_in_dim3A_157 = arith.constant 0.000000e+00 : f32
        %broadcast_in_dim3A_158 = vector.broadcast %broadcast_in_dim3A_157 : f32 to vector<16xf32>
        %broadcast_in_dim3A_159 = arith.constant 0.000000e+00 : f32
        %broadcast_in_dim3A_160 = vector.broadcast %broadcast_in_dim3A_159 : f32 to vector<16xf32>
        %broadcast_in_dim3A_161 = arith.constant 0.000000e+00 : f32
        %broadcast_in_dim3A_162 = vector.broadcast %broadcast_in_dim3A_161 : f32 to vector<16xf32>
        %add3A_163 = arith.constant 0 : i32
        %add3A_164 = vector.broadcast %add3A_163 : i32 to vector<16xi32>
        %add3A_165 = arith.addi %iota3A, %add3A_164 : vector<16xi32>
        %and3A = arith.constant 63 : i32
        %and3A_166 = vector.broadcast %and3A : i32 to vector<16xi32>
        %and3A_167 = arith.andi %add3A_165, %and3A_166 : vector<16xi32>
        %add3A_168 = arith.addi %get3A_90, %and3A_167 : vector<16xi32>
        %gather3A_169 = tpu.vector_load_idx %arg9[%add3A_168] : memref<32768xf32, #tpu.memory_space<vmem>>[vector<16xi32>], vector<16xf32>,
        %gather3A_170 = tpu.vector_load_idx %arg15[%add3A_84, %and3A_167] : memref<64x64xf32, #tpu.memory_space<vmem>>[vector<16xi32>, vector<16xi32>], vector<16xf32>,
        %add3A_171 = arith.addi %mul3A_99, %and3A_167 : vector<16xi32>
        %gather3A_172 = tpu.vector_load_idx %arg10[%add3A_171] : memref<64000xf32, #tpu.memory_space<vmem>>[vector<16xi32>], vector<16xf32>,
        %mul3A_173 = arith.mulf %gather3A_103, %gather3A_172 : vector<16xf32>
        %add3A_174 = arith.addf %gather3A_170, %mul3A_173 : vector<16xf32>
        %add3A_175 = arith.addi %mul3A_116, %and3A_167 : vector<16xi32>
        %gather3A_176 = tpu.vector_load_idx %arg10[%add3A_175] : memref<64000xf32, #tpu.memory_space<vmem>>[vector<16xi32>], vector<16xf32>,
        %mul3A_177 = arith.mulf %gather3A_120, %gather3A_176 : vector<16xf32>
        %add3A_178 = arith.addf %add3A_174, %mul3A_177 : vector<16xf32>
        %add3A_179 = arith.addi %mul3A_133, %and3A_167 : vector<16xi32>
        %gather3A_180 = tpu.vector_load_idx %arg10[%add3A_179] : memref<64000xf32, #tpu.memory_space<vmem>>[vector<16xi32>], vector<16xf32>,
        %mul3A_181 = arith.mulf %gather3A_137, %gather3A_180 : vector<16xf32>
        %add3A_182 = arith.addf %add3A_178, %mul3A_181 : vector<16xf32>
        %add3A_183 = arith.addi %mul3A_150, %and3A_167 : vector<16xi32>
        %gather3A_184 = tpu.vector_load_idx %arg10[%add3A_183] : memref<64000xf32, #tpu.memory_space<vmem>>[vector<16xi32>], vector<16xf32>,
        %mul3A_185 = arith.mulf %gather3A_154, %gather3A_184 : vector<16xf32>
        %add3A_186 = arith.addf %add3A_182, %mul3A_185 : vector<16xf32>
        %mul3A_187 = arith.mulf %gather3A_169, %add3A_186 : vector<16xf32>
        %add3A_188 = arith.addf %broadcast_in_dim3A_156, %mul3A_187 : vector<16xf32>
        %add3A_189 = arith.constant 1 : i32
        %add3A_190 = vector.broadcast %add3A_189 : i32 to vector<16xi32>
        %add3A_191 = arith.addi %iota3A, %add3A_190 : vector<16xi32>
        %and3A_192 = arith.constant 63 : i32
        %and3A_193 = vector.broadcast %and3A_192 : i32 to vector<16xi32>
        %and3A_194 = arith.andi %add3A_191, %and3A_193 : vector<16xi32>
        %add3A_195 = arith.addi %get3A_90, %and3A_194 : vector<16xi32>
        %gather3A_196 = tpu.vector_load_idx %arg9[%add3A_195] : memref<32768xf32, #tpu.memory_space<vmem>>[vector<16xi32>], vector<16xf32>,
        %gather3A_197 = tpu.vector_load_idx %arg15[%add3A_84, %and3A_194] : memref<64x64xf32, #tpu.memory_space<vmem>>[vector<16xi32>, vector<16xi32>], vector<16xf32>,
        %add3A_198 = arith.addi %mul3A_99, %and3A_194 : vector<16xi32>
        %gather3A_199 = tpu.vector_load_idx %arg10[%add3A_198] : memref<64000xf32, #tpu.memory_space<vmem>>[vector<16xi32>], vector<16xf32>,
        %mul3A_200 = arith.mulf %gather3A_103, %gather3A_199 : vector<16xf32>
        %add3A_201 = arith.addf %gather3A_197, %mul3A_200 : vector<16xf32>
        %add3A_202 = arith.addi %mul3A_116, %and3A_194 : vector<16xi32>
        %gather3A_203 = tpu.vector_load_idx %arg10[%add3A_202] : memref<64000xf32, #tpu.memory_space<vmem>>[vector<16xi32>], vector<16xf32>,
        %mul3A_204 = arith.mulf %gather3A_120, %gather3A_203 : vector<16xf32>
        %add3A_205 = arith.addf %add3A_201, %mul3A_204 : vector<16xf32>
        %add3A_206 = arith.addi %mul3A_133, %and3A_194 : vector<16xi32>
        %gather3A_207 = tpu.vector_load_idx %arg10[%add3A_206] : memref<64000xf32, #tpu.memory_space<vmem>>[vector<16xi32>], vector<16xf32>,
        %mul3A_208 = arith.mulf %gather3A_137, %gather3A_207 : vector<16xf32>
        %add3A_209 = arith.addf %add3A_205, %mul3A_208 : vector<16xf32>
        %add3A_210 = arith.addi %mul3A_150, %and3A_194 : vector<16xi32>
        %gather3A_211 = tpu.vector_load_idx %arg10[%add3A_210] : memref<64000xf32, #tpu.memory_space<vmem>>[vector<16xi32>], vector<16xf32>,
        %mul3A_212 = arith.mulf %gather3A_154, %gather3A_211 : vector<16xf32>
        %add3A_213 = arith.addf %add3A_209, %mul3A_212 : vector<16xf32>
        %mul3A_214 = arith.mulf %gather3A_196, %add3A_213 : vector<16xf32>
        %add3A_215 = arith.addf %broadcast_in_dim3A_158, %mul3A_214 : vector<16xf32>
        %add3A_216 = arith.constant 2 : i32
        %add3A_217 = vector.broadcast %add3A_216 : i32 to vector<16xi32>
        %add3A_218 = arith.addi %iota3A, %add3A_217 : vector<16xi32>
        %and3A_219 = arith.constant 63 : i32
        %and3A_220 = vector.broadcast %and3A_219 : i32 to vector<16xi32>
        %and3A_221 = arith.andi %add3A_218, %and3A_220 : vector<16xi32>
        %add3A_222 = arith.addi %get3A_90, %and3A_221 : vector<16xi32>
        %gather3A_223 = tpu.vector_load_idx %arg9[%add3A_222] : memref<32768xf32, #tpu.memory_space<vmem>>[vector<16xi32>], vector<16xf32>,
        %gather3A_224 = tpu.vector_load_idx %arg15[%add3A_84, %and3A_221] : memref<64x64xf32, #tpu.memory_space<vmem>>[vector<16xi32>, vector<16xi32>], vector<16xf32>,
        %add3A_225 = arith.addi %mul3A_99, %and3A_221 : vector<16xi32>
        %gather3A_226 = tpu.vector_load_idx %arg10[%add3A_225] : memref<64000xf32, #tpu.memory_space<vmem>>[vector<16xi32>], vector<16xf32>,
        %mul3A_227 = arith.mulf %gather3A_103, %gather3A_226 : vector<16xf32>
        %add3A_228 = arith.addf %gather3A_224, %mul3A_227 : vector<16xf32>
        %add3A_229 = arith.addi %mul3A_116, %and3A_221 : vector<16xi32>
        %gather3A_230 = tpu.vector_load_idx %arg10[%add3A_229] : memref<64000xf32, #tpu.memory_space<vmem>>[vector<16xi32>], vector<16xf32>,
        %mul3A_231 = arith.mulf %gather3A_120, %gather3A_230 : vector<16xf32>
        %add3A_232 = arith.addf %add3A_228, %mul3A_231 : vector<16xf32>
        %add3A_233 = arith.addi %mul3A_133, %and3A_221 : vector<16xi32>
        %gather3A_234 = tpu.vector_load_idx %arg10[%add3A_233] : memref<64000xf32, #tpu.memory_space<vmem>>[vector<16xi32>], vector<16xf32>,
        %mul3A_235 = arith.mulf %gather3A_137, %gather3A_234 : vector<16xf32>
        %add3A_236 = arith.addf %add3A_232, %mul3A_235 : vector<16xf32>
        %add3A_237 = arith.addi %mul3A_150, %and3A_221 : vector<16xi32>
        %gather3A_238 = tpu.vector_load_idx %arg10[%add3A_237] : memref<64000xf32, #tpu.memory_space<vmem>>[vector<16xi32>], vector<16xf32>,
        %mul3A_239 = arith.mulf %gather3A_154, %gather3A_238 : vector<16xf32>
        %add3A_240 = arith.addf %add3A_236, %mul3A_239 : vector<16xf32>
        %mul3A_241 = arith.mulf %gather3A_223, %add3A_240 : vector<16xf32>
        %add3A_242 = arith.addf %broadcast_in_dim3A_160, %mul3A_241 : vector<16xf32>
        %add3A_243 = arith.constant 3 : i32
        %add3A_244 = vector.broadcast %add3A_243 : i32 to vector<16xi32>
        %add3A_245 = arith.addi %iota3A, %add3A_244 : vector<16xi32>
        %and3A_246 = arith.constant 63 : i32
        %and3A_247 = vector.broadcast %and3A_246 : i32 to vector<16xi32>
        %and3A_248 = arith.andi %add3A_245, %and3A_247 : vector<16xi32>
        %add3A_249 = arith.addi %get3A_90, %and3A_248 : vector<16xi32>
        %gather3A_250 = tpu.vector_load_idx %arg9[%add3A_249] : memref<32768xf32, #tpu.memory_space<vmem>>[vector<16xi32>], vector<16xf32>,
        %gather3A_251 = tpu.vector_load_idx %arg15[%add3A_84, %and3A_248] : memref<64x64xf32, #tpu.memory_space<vmem>>[vector<16xi32>, vector<16xi32>], vector<16xf32>,
        %add3A_252 = arith.addi %mul3A_99, %and3A_248 : vector<16xi32>
        %gather3A_253 = tpu.vector_load_idx %arg10[%add3A_252] : memref<64000xf32, #tpu.memory_space<vmem>>[vector<16xi32>], vector<16xf32>,
        %mul3A_254 = arith.mulf %gather3A_103, %gather3A_253 : vector<16xf32>
        %add3A_255 = arith.addf %gather3A_251, %mul3A_254 : vector<16xf32>
        %add3A_256 = arith.addi %mul3A_116, %and3A_248 : vector<16xi32>
        %gather3A_257 = tpu.vector_load_idx %arg10[%add3A_256] : memref<64000xf32, #tpu.memory_space<vmem>>[vector<16xi32>], vector<16xf32>,
        %mul3A_258 = arith.mulf %gather3A_120, %gather3A_257 : vector<16xf32>
        %add3A_259 = arith.addf %add3A_255, %mul3A_258 : vector<16xf32>
        %add3A_260 = arith.addi %mul3A_133, %and3A_248 : vector<16xi32>
        %gather3A_261 = tpu.vector_load_idx %arg10[%add3A_260] : memref<64000xf32, #tpu.memory_space<vmem>>[vector<16xi32>], vector<16xf32>,
        %mul3A_262 = arith.mulf %gather3A_137, %gather3A_261 : vector<16xf32>
        %add3A_263 = arith.addf %add3A_259, %mul3A_262 : vector<16xf32>
        %add3A_264 = arith.addi %mul3A_150, %and3A_248 : vector<16xi32>
        %gather3A_265 = tpu.vector_load_idx %arg10[%add3A_264] : memref<64000xf32, #tpu.memory_space<vmem>>[vector<16xi32>], vector<16xf32>,
        %mul3A_266 = arith.mulf %gather3A_154, %gather3A_265 : vector<16xf32>
        %add3A_267 = arith.addf %add3A_263, %mul3A_266 : vector<16xf32>
        %mul3A_268 = arith.mulf %gather3A_250, %add3A_267 : vector<16xf32>
        %add3A_269 = arith.addf %broadcast_in_dim3A_162, %mul3A_268 : vector<16xf32>
        %add3A_270 = arith.constant 4 : i32
        %add3A_271 = vector.broadcast %add3A_270 : i32 to vector<16xi32>
        %add3A_272 = arith.addi %iota3A, %add3A_271 : vector<16xi32>
        %and3A_273 = arith.constant 63 : i32
        %and3A_274 = vector.broadcast %and3A_273 : i32 to vector<16xi32>
        %and3A_275 = arith.andi %add3A_272, %and3A_274 : vector<16xi32>
        %add3A_276 = arith.addi %get3A_90, %and3A_275 : vector<16xi32>
        %gather3A_277 = tpu.vector_load_idx %arg9[%add3A_276] : memref<32768xf32, #tpu.memory_space<vmem>>[vector<16xi32>], vector<16xf32>,
        %gather3A_278 = tpu.vector_load_idx %arg15[%add3A_84, %and3A_275] : memref<64x64xf32, #tpu.memory_space<vmem>>[vector<16xi32>, vector<16xi32>], vector<16xf32>,
        %add3A_279 = arith.addi %mul3A_99, %and3A_275 : vector<16xi32>
        %gather3A_280 = tpu.vector_load_idx %arg10[%add3A_279] : memref<64000xf32, #tpu.memory_space<vmem>>[vector<16xi32>], vector<16xf32>,
        %mul3A_281 = arith.mulf %gather3A_103, %gather3A_280 : vector<16xf32>
        %add3A_282 = arith.addf %gather3A_278, %mul3A_281 : vector<16xf32>
        %add3A_283 = arith.addi %mul3A_116, %and3A_275 : vector<16xi32>
        %gather3A_284 = tpu.vector_load_idx %arg10[%add3A_283] : memref<64000xf32, #tpu.memory_space<vmem>>[vector<16xi32>], vector<16xf32>,
        %mul3A_285 = arith.mulf %gather3A_120, %gather3A_284 : vector<16xf32>
        %add3A_286 = arith.addf %add3A_282, %mul3A_285 : vector<16xf32>
        %add3A_287 = arith.addi %mul3A_133, %and3A_275 : vector<16xi32>
        %gather3A_288 = tpu.vector_load_idx %arg10[%add3A_287] : memref<64000xf32, #tpu.memory_space<vmem>>[vector<16xi32>], vector<16xf32>,
        %mul3A_289 = arith.mulf %gather3A_137, %gather3A_288 : vector<16xf32>
        %add3A_290 = arith.addf %add3A_286, %mul3A_289 : vector<16xf32>
        %add3A_291 = arith.addi %mul3A_150, %and3A_275 : vector<16xi32>
        %gather3A_292 = tpu.vector_load_idx %arg10[%add3A_291] : memref<64000xf32, #tpu.memory_space<vmem>>[vector<16xi32>], vector<16xf32>,
        %mul3A_293 = arith.mulf %gather3A_154, %gather3A_292 : vector<16xf32>
        %add3A_294 = arith.addf %add3A_290, %mul3A_293 : vector<16xf32>
        %mul3A_295 = arith.mulf %gather3A_277, %add3A_294 : vector<16xf32>
        %add3A_296 = arith.addf %add3A_188, %mul3A_295 : vector<16xf32>
        %add3A_297 = arith.constant 5 : i32
        %add3A_298 = vector.broadcast %add3A_297 : i32 to vector<16xi32>
        %add3A_299 = arith.addi %iota3A, %add3A_298 : vector<16xi32>
        %and3A_300 = arith.constant 63 : i32
        %and3A_301 = vector.broadcast %and3A_300 : i32 to vector<16xi32>
        %and3A_302 = arith.andi %add3A_299, %and3A_301 : vector<16xi32>
        %add3A_303 = arith.addi %get3A_90, %and3A_302 : vector<16xi32>
        %gather3A_304 = tpu.vector_load_idx %arg9[%add3A_303] : memref<32768xf32, #tpu.memory_space<vmem>>[vector<16xi32>], vector<16xf32>,
        %gather3A_305 = tpu.vector_load_idx %arg15[%add3A_84, %and3A_302] : memref<64x64xf32, #tpu.memory_space<vmem>>[vector<16xi32>, vector<16xi32>], vector<16xf32>,
        %add3A_306 = arith.addi %mul3A_99, %and3A_302 : vector<16xi32>
        %gather3A_307 = tpu.vector_load_idx %arg10[%add3A_306] : memref<64000xf32, #tpu.memory_space<vmem>>[vector<16xi32>], vector<16xf32>,
        %mul3A_308 = arith.mulf %gather3A_103, %gather3A_307 : vector<16xf32>
        %add3A_309 = arith.addf %gather3A_305, %mul3A_308 : vector<16xf32>
        %add3A_310 = arith.addi %mul3A_116, %and3A_302 : vector<16xi32>
        %gather3A_311 = tpu.vector_load_idx %arg10[%add3A_310] : memref<64000xf32, #tpu.memory_space<vmem>>[vector<16xi32>], vector<16xf32>,
        %mul3A_312 = arith.mulf %gather3A_120, %gather3A_311 : vector<16xf32>
        %add3A_313 = arith.addf %add3A_309, %mul3A_312 : vector<16xf32>
        %add3A_314 = arith.addi %mul3A_133, %and3A_302 : vector<16xi32>
        %gather3A_315 = tpu.vector_load_idx %arg10[%add3A_314] : memref<64000xf32, #tpu.memory_space<vmem>>[vector<16xi32>], vector<16xf32>,
        %mul3A_316 = arith.mulf %gather3A_137, %gather3A_315 : vector<16xf32>
        %add3A_317 = arith.addf %add3A_313, %mul3A_316 : vector<16xf32>
        %add3A_318 = arith.addi %mul3A_150, %and3A_302 : vector<16xi32>
        %gather3A_319 = tpu.vector_load_idx %arg10[%add3A_318] : memref<64000xf32, #tpu.memory_space<vmem>>[vector<16xi32>], vector<16xf32>,
        %mul3A_320 = arith.mulf %gather3A_154, %gather3A_319 : vector<16xf32>
        %add3A_321 = arith.addf %add3A_317, %mul3A_320 : vector<16xf32>
        %mul3A_322 = arith.mulf %gather3A_304, %add3A_321 : vector<16xf32>
        %add3A_323 = arith.addf %add3A_215, %mul3A_322 : vector<16xf32>
        %add3A_324 = arith.constant 6 : i32
        %add3A_325 = vector.broadcast %add3A_324 : i32 to vector<16xi32>
        %add3A_326 = arith.addi %iota3A, %add3A_325 : vector<16xi32>
        %and3A_327 = arith.constant 63 : i32
        %and3A_328 = vector.broadcast %and3A_327 : i32 to vector<16xi32>
        %and3A_329 = arith.andi %add3A_326, %and3A_328 : vector<16xi32>
        %add3A_330 = arith.addi %get3A_90, %and3A_329 : vector<16xi32>
        %gather3A_331 = tpu.vector_load_idx %arg9[%add3A_330] : memref<32768xf32, #tpu.memory_space<vmem>>[vector<16xi32>], vector<16xf32>,
        %gather3A_332 = tpu.vector_load_idx %arg15[%add3A_84, %and3A_329] : memref<64x64xf32, #tpu.memory_space<vmem>>[vector<16xi32>, vector<16xi32>], vector<16xf32>,
        %add3A_333 = arith.addi %mul3A_99, %and3A_329 : vector<16xi32>
        %gather3A_334 = tpu.vector_load_idx %arg10[%add3A_333] : memref<64000xf32, #tpu.memory_space<vmem>>[vector<16xi32>], vector<16xf32>,
        %mul3A_335 = arith.mulf %gather3A_103, %gather3A_334 : vector<16xf32>
        %add3A_336 = arith.addf %gather3A_332, %mul3A_335 : vector<16xf32>
        %add3A_337 = arith.addi %mul3A_116, %and3A_329 : vector<16xi32>
        %gather3A_338 = tpu.vector_load_idx %arg10[%add3A_337] : memref<64000xf32, #tpu.memory_space<vmem>>[vector<16xi32>], vector<16xf32>,
        %mul3A_339 = arith.mulf %gather3A_120, %gather3A_338 : vector<16xf32>
        %add3A_340 = arith.addf %add3A_336, %mul3A_339 : vector<16xf32>
        %add3A_341 = arith.addi %mul3A_133, %and3A_329 : vector<16xi32>
        %gather3A_342 = tpu.vector_load_idx %arg10[%add3A_341] : memref<64000xf32, #tpu.memory_space<vmem>>[vector<16xi32>], vector<16xf32>,
        %mul3A_343 = arith.mulf %gather3A_137, %gather3A_342 : vector<16xf32>
        %add3A_344 = arith.addf %add3A_340, %mul3A_343 : vector<16xf32>
        %add3A_345 = arith.addi %mul3A_150, %and3A_329 : vector<16xi32>
        %gather3A_346 = tpu.vector_load_idx %arg10[%add3A_345] : memref<64000xf32, #tpu.memory_space<vmem>>[vector<16xi32>], vector<16xf32>,
        %mul3A_347 = arith.mulf %gather3A_154, %gather3A_346 : vector<16xf32>
        %add3A_348 = arith.addf %add3A_344, %mul3A_347 : vector<16xf32>
        %mul3A_349 = arith.mulf %gather3A_331, %add3A_348 : vector<16xf32>
        %add3A_350 = arith.addf %add3A_242, %mul3A_349 : vector<16xf32>
        %add3A_351 = arith.constant 7 : i32
        %add3A_352 = vector.broadcast %add3A_351 : i32 to vector<16xi32>
        %add3A_353 = arith.addi %iota3A, %add3A_352 : vector<16xi32>
        %and3A_354 = arith.constant 63 : i32
        %and3A_355 = vector.broadcast %and3A_354 : i32 to vector<16xi32>
        %and3A_356 = arith.andi %add3A_353, %and3A_355 : vector<16xi32>
        %add3A_357 = arith.addi %get3A_90, %and3A_356 : vector<16xi32>
        %gather3A_358 = tpu.vector_load_idx %arg9[%add3A_357] : memref<32768xf32, #tpu.memory_space<vmem>>[vector<16xi32>], vector<16xf32>,
        %gather3A_359 = tpu.vector_load_idx %arg15[%add3A_84, %and3A_356] : memref<64x64xf32, #tpu.memory_space<vmem>>[vector<16xi32>, vector<16xi32>], vector<16xf32>,
        %add3A_360 = arith.addi %mul3A_99, %and3A_356 : vector<16xi32>
        %gather3A_361 = tpu.vector_load_idx %arg10[%add3A_360] : memref<64000xf32, #tpu.memory_space<vmem>>[vector<16xi32>], vector<16xf32>,
        %mul3A_362 = arith.mulf %gather3A_103, %gather3A_361 : vector<16xf32>
        %add3A_363 = arith.addf %gather3A_359, %mul3A_362 : vector<16xf32>
        %add3A_364 = arith.addi %mul3A_116, %and3A_356 : vector<16xi32>
        %gather3A_365 = tpu.vector_load_idx %arg10[%add3A_364] : memref<64000xf32, #tpu.memory_space<vmem>>[vector<16xi32>], vector<16xf32>,
        %mul3A_366 = arith.mulf %gather3A_120, %gather3A_365 : vector<16xf32>
        %add3A_367 = arith.addf %add3A_363, %mul3A_366 : vector<16xf32>
        %add3A_368 = arith.addi %mul3A_133, %and3A_356 : vector<16xi32>
        %gather3A_369 = tpu.vector_load_idx %arg10[%add3A_368] : memref<64000xf32, #tpu.memory_space<vmem>>[vector<16xi32>], vector<16xf32>,
        %mul3A_370 = arith.mulf %gather3A_137, %gather3A_369 : vector<16xf32>
        %add3A_371 = arith.addf %add3A_367, %mul3A_370 : vector<16xf32>
        %add3A_372 = arith.addi %mul3A_150, %and3A_356 : vector<16xi32>
        %gather3A_373 = tpu.vector_load_idx %arg10[%add3A_372] : memref<64000xf32, #tpu.memory_space<vmem>>[vector<16xi32>], vector<16xf32>,
        %mul3A_374 = arith.mulf %gather3A_154, %gather3A_373 : vector<16xf32>
        %add3A_375 = arith.addf %add3A_371, %mul3A_374 : vector<16xf32>
        %mul3A_376 = arith.mulf %gather3A_358, %add3A_375 : vector<16xf32>
        %add3A_377 = arith.addf %add3A_269, %mul3A_376 : vector<16xf32>
        %add3A_378 = arith.constant 8 : i32
        %add3A_379 = vector.broadcast %add3A_378 : i32 to vector<16xi32>
        %add3A_380 = arith.addi %iota3A, %add3A_379 : vector<16xi32>
        %and3A_381 = arith.constant 63 : i32
        %and3A_382 = vector.broadcast %and3A_381 : i32 to vector<16xi32>
        %and3A_383 = arith.andi %add3A_380, %and3A_382 : vector<16xi32>
        %add3A_384 = arith.addi %get3A_90, %and3A_383 : vector<16xi32>
        %gather3A_385 = tpu.vector_load_idx %arg9[%add3A_384] : memref<32768xf32, #tpu.memory_space<vmem>>[vector<16xi32>], vector<16xf32>,
        %gather3A_386 = tpu.vector_load_idx %arg15[%add3A_84, %and3A_383] : memref<64x64xf32, #tpu.memory_space<vmem>>[vector<16xi32>, vector<16xi32>], vector<16xf32>,
        %add3A_387 = arith.addi %mul3A_99, %and3A_383 : vector<16xi32>
        %gather3A_388 = tpu.vector_load_idx %arg10[%add3A_387] : memref<64000xf32, #tpu.memory_space<vmem>>[vector<16xi32>], vector<16xf32>,
        %mul3A_389 = arith.mulf %gather3A_103, %gather3A_388 : vector<16xf32>
        %add3A_390 = arith.addf %gather3A_386, %mul3A_389 : vector<16xf32>
        %add3A_391 = arith.addi %mul3A_116, %and3A_383 : vector<16xi32>
        %gather3A_392 = tpu.vector_load_idx %arg10[%add3A_391] : memref<64000xf32, #tpu.memory_space<vmem>>[vector<16xi32>], vector<16xf32>,
        %mul3A_393 = arith.mulf %gather3A_120, %gather3A_392 : vector<16xf32>
        %add3A_394 = arith.addf %add3A_390, %mul3A_393 : vector<16xf32>
        %add3A_395 = arith.addi %mul3A_133, %and3A_383 : vector<16xi32>
        %gather3A_396 = tpu.vector_load_idx %arg10[%add3A_395] : memref<64000xf32, #tpu.memory_space<vmem>>[vector<16xi32>], vector<16xf32>,
        %mul3A_397 = arith.mulf %gather3A_137, %gather3A_396 : vector<16xf32>
        %add3A_398 = arith.addf %add3A_394, %mul3A_397 : vector<16xf32>
        %add3A_399 = arith.addi %mul3A_150, %and3A_383 : vector<16xi32>
        %gather3A_400 = tpu.vector_load_idx %arg10[%add3A_399] : memref<64000xf32, #tpu.memory_space<vmem>>[vector<16xi32>], vector<16xf32>,
        %mul3A_401 = arith.mulf %gather3A_154, %gather3A_400 : vector<16xf32>
        %add3A_402 = arith.addf %add3A_398, %mul3A_401 : vector<16xf32>
        %mul3A_403 = arith.mulf %gather3A_385, %add3A_402 : vector<16xf32>
        %add3A_404 = arith.addf %add3A_296, %mul3A_403 : vector<16xf32>
        %add3A_405 = arith.constant 9 : i32
        %add3A_406 = vector.broadcast %add3A_405 : i32 to vector<16xi32>
        %add3A_407 = arith.addi %iota3A, %add3A_406 : vector<16xi32>
        %and3A_408 = arith.constant 63 : i32
        %and3A_409 = vector.broadcast %and3A_408 : i32 to vector<16xi32>
        %and3A_410 = arith.andi %add3A_407, %and3A_409 : vector<16xi32>
        %add3A_411 = arith.addi %get3A_90, %and3A_410 : vector<16xi32>
        %gather3A_412 = tpu.vector_load_idx %arg9[%add3A_411] : memref<32768xf32, #tpu.memory_space<vmem>>[vector<16xi32>], vector<16xf32>,
        %gather3A_413 = tpu.vector_load_idx %arg15[%add3A_84, %and3A_410] : memref<64x64xf32, #tpu.memory_space<vmem>>[vector<16xi32>, vector<16xi32>], vector<16xf32>,
        %add3A_414 = arith.addi %mul3A_99, %and3A_410 : vector<16xi32>
        %gather3A_415 = tpu.vector_load_idx %arg10[%add3A_414] : memref<64000xf32, #tpu.memory_space<vmem>>[vector<16xi32>], vector<16xf32>,
        %mul3A_416 = arith.mulf %gather3A_103, %gather3A_415 : vector<16xf32>
        %add3A_417 = arith.addf %gather3A_413, %mul3A_416 : vector<16xf32>
        %add3A_418 = arith.addi %mul3A_116, %and3A_410 : vector<16xi32>
        %gather3A_419 = tpu.vector_load_idx %arg10[%add3A_418] : memref<64000xf32, #tpu.memory_space<vmem>>[vector<16xi32>], vector<16xf32>,
        %mul3A_420 = arith.mulf %gather3A_120, %gather3A_419 : vector<16xf32>
        %add3A_421 = arith.addf %add3A_417, %mul3A_420 : vector<16xf32>
        %add3A_422 = arith.addi %mul3A_133, %and3A_410 : vector<16xi32>
        %gather3A_423 = tpu.vector_load_idx %arg10[%add3A_422] : memref<64000xf32, #tpu.memory_space<vmem>>[vector<16xi32>], vector<16xf32>,
        %mul3A_424 = arith.mulf %gather3A_137, %gather3A_423 : vector<16xf32>
        %add3A_425 = arith.addf %add3A_421, %mul3A_424 : vector<16xf32>
        %add3A_426 = arith.addi %mul3A_150, %and3A_410 : vector<16xi32>
        %gather3A_427 = tpu.vector_load_idx %arg10[%add3A_426] : memref<64000xf32, #tpu.memory_space<vmem>>[vector<16xi32>], vector<16xf32>,
        %mul3A_428 = arith.mulf %gather3A_154, %gather3A_427 : vector<16xf32>
        %add3A_429 = arith.addf %add3A_425, %mul3A_428 : vector<16xf32>
        %mul3A_430 = arith.mulf %gather3A_412, %add3A_429 : vector<16xf32>
        %add3A_431 = arith.addf %add3A_323, %mul3A_430 : vector<16xf32>
        %add3A_432 = arith.constant 10 : i32
        %add3A_433 = vector.broadcast %add3A_432 : i32 to vector<16xi32>
        %add3A_434 = arith.addi %iota3A, %add3A_433 : vector<16xi32>
        %and3A_435 = arith.constant 63 : i32
        %and3A_436 = vector.broadcast %and3A_435 : i32 to vector<16xi32>
        %and3A_437 = arith.andi %add3A_434, %and3A_436 : vector<16xi32>
        %add3A_438 = arith.addi %get3A_90, %and3A_437 : vector<16xi32>
        %gather3A_439 = tpu.vector_load_idx %arg9[%add3A_438] : memref<32768xf32, #tpu.memory_space<vmem>>[vector<16xi32>], vector<16xf32>,
        %gather3A_440 = tpu.vector_load_idx %arg15[%add3A_84, %and3A_437] : memref<64x64xf32, #tpu.memory_space<vmem>>[vector<16xi32>, vector<16xi32>], vector<16xf32>,
        %add3A_441 = arith.addi %mul3A_99, %and3A_437 : vector<16xi32>
        %gather3A_442 = tpu.vector_load_idx %arg10[%add3A_441] : memref<64000xf32, #tpu.memory_space<vmem>>[vector<16xi32>], vector<16xf32>,
        %mul3A_443 = arith.mulf %gather3A_103, %gather3A_442 : vector<16xf32>
        %add3A_444 = arith.addf %gather3A_440, %mul3A_443 : vector<16xf32>
        %add3A_445 = arith.addi %mul3A_116, %and3A_437 : vector<16xi32>
        %gather3A_446 = tpu.vector_load_idx %arg10[%add3A_445] : memref<64000xf32, #tpu.memory_space<vmem>>[vector<16xi32>], vector<16xf32>,
        %mul3A_447 = arith.mulf %gather3A_120, %gather3A_446 : vector<16xf32>
        %add3A_448 = arith.addf %add3A_444, %mul3A_447 : vector<16xf32>
        %add3A_449 = arith.addi %mul3A_133, %and3A_437 : vector<16xi32>
        %gather3A_450 = tpu.vector_load_idx %arg10[%add3A_449] : memref<64000xf32, #tpu.memory_space<vmem>>[vector<16xi32>], vector<16xf32>,
        %mul3A_451 = arith.mulf %gather3A_137, %gather3A_450 : vector<16xf32>
        %add3A_452 = arith.addf %add3A_448, %mul3A_451 : vector<16xf32>
        %add3A_453 = arith.addi %mul3A_150, %and3A_437 : vector<16xi32>
        %gather3A_454 = tpu.vector_load_idx %arg10[%add3A_453] : memref<64000xf32, #tpu.memory_space<vmem>>[vector<16xi32>], vector<16xf32>,
        %mul3A_455 = arith.mulf %gather3A_154, %gather3A_454 : vector<16xf32>
        %add3A_456 = arith.addf %add3A_452, %mul3A_455 : vector<16xf32>
        %mul3A_457 = arith.mulf %gather3A_439, %add3A_456 : vector<16xf32>
        %add3A_458 = arith.addf %add3A_350, %mul3A_457 : vector<16xf32>
        %add3A_459 = arith.constant 11 : i32
        %add3A_460 = vector.broadcast %add3A_459 : i32 to vector<16xi32>
        %add3A_461 = arith.addi %iota3A, %add3A_460 : vector<16xi32>
        %and3A_462 = arith.constant 63 : i32
        %and3A_463 = vector.broadcast %and3A_462 : i32 to vector<16xi32>
        %and3A_464 = arith.andi %add3A_461, %and3A_463 : vector<16xi32>
        %add3A_465 = arith.addi %get3A_90, %and3A_464 : vector<16xi32>
        %gather3A_466 = tpu.vector_load_idx %arg9[%add3A_465] : memref<32768xf32, #tpu.memory_space<vmem>>[vector<16xi32>], vector<16xf32>,
        %gather3A_467 = tpu.vector_load_idx %arg15[%add3A_84, %and3A_464] : memref<64x64xf32, #tpu.memory_space<vmem>>[vector<16xi32>, vector<16xi32>], vector<16xf32>,
        %add3A_468 = arith.addi %mul3A_99, %and3A_464 : vector<16xi32>
        %gather3A_469 = tpu.vector_load_idx %arg10[%add3A_468] : memref<64000xf32, #tpu.memory_space<vmem>>[vector<16xi32>], vector<16xf32>,
        %mul3A_470 = arith.mulf %gather3A_103, %gather3A_469 : vector<16xf32>
        %add3A_471 = arith.addf %gather3A_467, %mul3A_470 : vector<16xf32>
        %add3A_472 = arith.addi %mul3A_116, %and3A_464 : vector<16xi32>
        %gather3A_473 = tpu.vector_load_idx %arg10[%add3A_472] : memref<64000xf32, #tpu.memory_space<vmem>>[vector<16xi32>], vector<16xf32>,
        %mul3A_474 = arith.mulf %gather3A_120, %gather3A_473 : vector<16xf32>
        %add3A_475 = arith.addf %add3A_471, %mul3A_474 : vector<16xf32>
        %add3A_476 = arith.addi %mul3A_133, %and3A_464 : vector<16xi32>
        %gather3A_477 = tpu.vector_load_idx %arg10[%add3A_476] : memref<64000xf32, #tpu.memory_space<vmem>>[vector<16xi32>], vector<16xf32>,
        %mul3A_478 = arith.mulf %gather3A_137, %gather3A_477 : vector<16xf32>
        %add3A_479 = arith.addf %add3A_475, %mul3A_478 : vector<16xf32>
        %add3A_480 = arith.addi %mul3A_150, %and3A_464 : vector<16xi32>
        %gather3A_481 = tpu.vector_load_idx %arg10[%add3A_480] : memref<64000xf32, #tpu.memory_space<vmem>>[vector<16xi32>], vector<16xf32>,
        %mul3A_482 = arith.mulf %gather3A_154, %gather3A_481 : vector<16xf32>
        %add3A_483 = arith.addf %add3A_479, %mul3A_482 : vector<16xf32>
        %mul3A_484 = arith.mulf %gather3A_466, %add3A_483 : vector<16xf32>
        %add3A_485 = arith.addf %add3A_377, %mul3A_484 : vector<16xf32>
        %add3A_486 = arith.constant 12 : i32
        %add3A_487 = vector.broadcast %add3A_486 : i32 to vector<16xi32>
        %add3A_488 = arith.addi %iota3A, %add3A_487 : vector<16xi32>
        %and3A_489 = arith.constant 63 : i32
        %and3A_490 = vector.broadcast %and3A_489 : i32 to vector<16xi32>
        %and3A_491 = arith.andi %add3A_488, %and3A_490 : vector<16xi32>
        %add3A_492 = arith.addi %get3A_90, %and3A_491 : vector<16xi32>
        %gather3A_493 = tpu.vector_load_idx %arg9[%add3A_492] : memref<32768xf32, #tpu.memory_space<vmem>>[vector<16xi32>], vector<16xf32>,
        %gather3A_494 = tpu.vector_load_idx %arg15[%add3A_84, %and3A_491] : memref<64x64xf32, #tpu.memory_space<vmem>>[vector<16xi32>, vector<16xi32>], vector<16xf32>,
        %add3A_495 = arith.addi %mul3A_99, %and3A_491 : vector<16xi32>
        %gather3A_496 = tpu.vector_load_idx %arg10[%add3A_495] : memref<64000xf32, #tpu.memory_space<vmem>>[vector<16xi32>], vector<16xf32>,
        %mul3A_497 = arith.mulf %gather3A_103, %gather3A_496 : vector<16xf32>
        %add3A_498 = arith.addf %gather3A_494, %mul3A_497 : vector<16xf32>
        %add3A_499 = arith.addi %mul3A_116, %and3A_491 : vector<16xi32>
        %gather3A_500 = tpu.vector_load_idx %arg10[%add3A_499] : memref<64000xf32, #tpu.memory_space<vmem>>[vector<16xi32>], vector<16xf32>,
        %mul3A_501 = arith.mulf %gather3A_120, %gather3A_500 : vector<16xf32>
        %add3A_502 = arith.addf %add3A_498, %mul3A_501 : vector<16xf32>
        %add3A_503 = arith.addi %mul3A_133, %and3A_491 : vector<16xi32>
        %gather3A_504 = tpu.vector_load_idx %arg10[%add3A_503] : memref<64000xf32, #tpu.memory_space<vmem>>[vector<16xi32>], vector<16xf32>,
        %mul3A_505 = arith.mulf %gather3A_137, %gather3A_504 : vector<16xf32>
        %add3A_506 = arith.addf %add3A_502, %mul3A_505 : vector<16xf32>
        %add3A_507 = arith.addi %mul3A_150, %and3A_491 : vector<16xi32>
        %gather3A_508 = tpu.vector_load_idx %arg10[%add3A_507] : memref<64000xf32, #tpu.memory_space<vmem>>[vector<16xi32>], vector<16xf32>,
        %mul3A_509 = arith.mulf %gather3A_154, %gather3A_508 : vector<16xf32>
        %add3A_510 = arith.addf %add3A_506, %mul3A_509 : vector<16xf32>
        %mul3A_511 = arith.mulf %gather3A_493, %add3A_510 : vector<16xf32>
        %add3A_512 = arith.addf %add3A_404, %mul3A_511 : vector<16xf32>
        %add3A_513 = arith.constant 13 : i32
        %add3A_514 = vector.broadcast %add3A_513 : i32 to vector<16xi32>
        %add3A_515 = arith.addi %iota3A, %add3A_514 : vector<16xi32>
        %and3A_516 = arith.constant 63 : i32
        %and3A_517 = vector.broadcast %and3A_516 : i32 to vector<16xi32>
        %and3A_518 = arith.andi %add3A_515, %and3A_517 : vector<16xi32>
        %add3A_519 = arith.addi %get3A_90, %and3A_518 : vector<16xi32>
        %gather3A_520 = tpu.vector_load_idx %arg9[%add3A_519] : memref<32768xf32, #tpu.memory_space<vmem>>[vector<16xi32>], vector<16xf32>,
        %gather3A_521 = tpu.vector_load_idx %arg15[%add3A_84, %and3A_518] : memref<64x64xf32, #tpu.memory_space<vmem>>[vector<16xi32>, vector<16xi32>], vector<16xf32>,
        %add3A_522 = arith.addi %mul3A_99, %and3A_518 : vector<16xi32>
        %gather3A_523 = tpu.vector_load_idx %arg10[%add3A_522] : memref<64000xf32, #tpu.memory_space<vmem>>[vector<16xi32>], vector<16xf32>,
        %mul3A_524 = arith.mulf %gather3A_103, %gather3A_523 : vector<16xf32>
        %add3A_525 = arith.addf %gather3A_521, %mul3A_524 : vector<16xf32>
        %add3A_526 = arith.addi %mul3A_116, %and3A_518 : vector<16xi32>
        %gather3A_527 = tpu.vector_load_idx %arg10[%add3A_526] : memref<64000xf32, #tpu.memory_space<vmem>>[vector<16xi32>], vector<16xf32>,
        %mul3A_528 = arith.mulf %gather3A_120, %gather3A_527 : vector<16xf32>
        %add3A_529 = arith.addf %add3A_525, %mul3A_528 : vector<16xf32>
        %add3A_530 = arith.addi %mul3A_133, %and3A_518 : vector<16xi32>
        %gather3A_531 = tpu.vector_load_idx %arg10[%add3A_530] : memref<64000xf32, #tpu.memory_space<vmem>>[vector<16xi32>], vector<16xf32>,
        %mul3A_532 = arith.mulf %gather3A_137, %gather3A_531 : vector<16xf32>
        %add3A_533 = arith.addf %add3A_529, %mul3A_532 : vector<16xf32>
        %add3A_534 = arith.addi %mul3A_150, %and3A_518 : vector<16xi32>
        %gather3A_535 = tpu.vector_load_idx %arg10[%add3A_534] : memref<64000xf32, #tpu.memory_space<vmem>>[vector<16xi32>], vector<16xf32>,
        %mul3A_536 = arith.mulf %gather3A_154, %gather3A_535 : vector<16xf32>
        %add3A_537 = arith.addf %add3A_533, %mul3A_536 : vector<16xf32>
        %mul3A_538 = arith.mulf %gather3A_520, %add3A_537 : vector<16xf32>
        %add3A_539 = arith.addf %add3A_431, %mul3A_538 : vector<16xf32>
        %add3A_540 = arith.constant 14 : i32
        %add3A_541 = vector.broadcast %add3A_540 : i32 to vector<16xi32>
        %add3A_542 = arith.addi %iota3A, %add3A_541 : vector<16xi32>
        %and3A_543 = arith.constant 63 : i32
        %and3A_544 = vector.broadcast %and3A_543 : i32 to vector<16xi32>
        %and3A_545 = arith.andi %add3A_542, %and3A_544 : vector<16xi32>
        %add3A_546 = arith.addi %get3A_90, %and3A_545 : vector<16xi32>
        %gather3A_547 = tpu.vector_load_idx %arg9[%add3A_546] : memref<32768xf32, #tpu.memory_space<vmem>>[vector<16xi32>], vector<16xf32>,
        %gather3A_548 = tpu.vector_load_idx %arg15[%add3A_84, %and3A_545] : memref<64x64xf32, #tpu.memory_space<vmem>>[vector<16xi32>, vector<16xi32>], vector<16xf32>,
        %add3A_549 = arith.addi %mul3A_99, %and3A_545 : vector<16xi32>
        %gather3A_550 = tpu.vector_load_idx %arg10[%add3A_549] : memref<64000xf32, #tpu.memory_space<vmem>>[vector<16xi32>], vector<16xf32>,
        %mul3A_551 = arith.mulf %gather3A_103, %gather3A_550 : vector<16xf32>
        %add3A_552 = arith.addf %gather3A_548, %mul3A_551 : vector<16xf32>
        %add3A_553 = arith.addi %mul3A_116, %and3A_545 : vector<16xi32>
        %gather3A_554 = tpu.vector_load_idx %arg10[%add3A_553] : memref<64000xf32, #tpu.memory_space<vmem>>[vector<16xi32>], vector<16xf32>,
        %mul3A_555 = arith.mulf %gather3A_120, %gather3A_554 : vector<16xf32>
        %add3A_556 = arith.addf %add3A_552, %mul3A_555 : vector<16xf32>
        %add3A_557 = arith.addi %mul3A_133, %and3A_545 : vector<16xi32>
        %gather3A_558 = tpu.vector_load_idx %arg10[%add3A_557] : memref<64000xf32, #tpu.memory_space<vmem>>[vector<16xi32>], vector<16xf32>,
        %mul3A_559 = arith.mulf %gather3A_137, %gather3A_558 : vector<16xf32>
        %add3A_560 = arith.addf %add3A_556, %mul3A_559 : vector<16xf32>
        %add3A_561 = arith.addi %mul3A_150, %and3A_545 : vector<16xi32>
        %gather3A_562 = tpu.vector_load_idx %arg10[%add3A_561] : memref<64000xf32, #tpu.memory_space<vmem>>[vector<16xi32>], vector<16xf32>,
        %mul3A_563 = arith.mulf %gather3A_154, %gather3A_562 : vector<16xf32>
        %add3A_564 = arith.addf %add3A_560, %mul3A_563 : vector<16xf32>
        %mul3A_565 = arith.mulf %gather3A_547, %add3A_564 : vector<16xf32>
        %add3A_566 = arith.addf %add3A_458, %mul3A_565 : vector<16xf32>
        %add3A_567 = arith.constant 15 : i32
        %add3A_568 = vector.broadcast %add3A_567 : i32 to vector<16xi32>
        %add3A_569 = arith.addi %iota3A, %add3A_568 : vector<16xi32>
        %and3A_570 = arith.constant 63 : i32
        %and3A_571 = vector.broadcast %and3A_570 : i32 to vector<16xi32>
        %and3A_572 = arith.andi %add3A_569, %and3A_571 : vector<16xi32>
        %add3A_573 = arith.addi %get3A_90, %and3A_572 : vector<16xi32>
        %gather3A_574 = tpu.vector_load_idx %arg9[%add3A_573] : memref<32768xf32, #tpu.memory_space<vmem>>[vector<16xi32>], vector<16xf32>,
        %gather3A_575 = tpu.vector_load_idx %arg15[%add3A_84, %and3A_572] : memref<64x64xf32, #tpu.memory_space<vmem>>[vector<16xi32>, vector<16xi32>], vector<16xf32>,
        %add3A_576 = arith.addi %mul3A_99, %and3A_572 : vector<16xi32>
        %gather3A_577 = tpu.vector_load_idx %arg10[%add3A_576] : memref<64000xf32, #tpu.memory_space<vmem>>[vector<16xi32>], vector<16xf32>,
        %mul3A_578 = arith.mulf %gather3A_103, %gather3A_577 : vector<16xf32>
        %add3A_579 = arith.addf %gather3A_575, %mul3A_578 : vector<16xf32>
        %add3A_580 = arith.addi %mul3A_116, %and3A_572 : vector<16xi32>
        %gather3A_581 = tpu.vector_load_idx %arg10[%add3A_580] : memref<64000xf32, #tpu.memory_space<vmem>>[vector<16xi32>], vector<16xf32>,
        %mul3A_582 = arith.mulf %gather3A_120, %gather3A_581 : vector<16xf32>
        %add3A_583 = arith.addf %add3A_579, %mul3A_582 : vector<16xf32>
        %add3A_584 = arith.addi %mul3A_133, %and3A_572 : vector<16xi32>
        %gather3A_585 = tpu.vector_load_idx %arg10[%add3A_584] : memref<64000xf32, #tpu.memory_space<vmem>>[vector<16xi32>], vector<16xf32>,
        %mul3A_586 = arith.mulf %gather3A_137, %gather3A_585 : vector<16xf32>
        %add3A_587 = arith.addf %add3A_583, %mul3A_586 : vector<16xf32>
        %add3A_588 = arith.addi %mul3A_150, %and3A_572 : vector<16xi32>
        %gather3A_589 = tpu.vector_load_idx %arg10[%add3A_588] : memref<64000xf32, #tpu.memory_space<vmem>>[vector<16xi32>], vector<16xf32>,
        %mul3A_590 = arith.mulf %gather3A_154, %gather3A_589 : vector<16xf32>
        %add3A_591 = arith.addf %add3A_587, %mul3A_590 : vector<16xf32>
        %mul3A_592 = arith.mulf %gather3A_574, %add3A_591 : vector<16xf32>
        %add3A_593 = arith.addf %add3A_485, %mul3A_592 : vector<16xf32>
        %add3A_594 = arith.constant 16 : i32
        %add3A_595 = vector.broadcast %add3A_594 : i32 to vector<16xi32>
        %add3A_596 = arith.addi %iota3A, %add3A_595 : vector<16xi32>
        %and3A_597 = arith.constant 63 : i32
        %and3A_598 = vector.broadcast %and3A_597 : i32 to vector<16xi32>
        %and3A_599 = arith.andi %add3A_596, %and3A_598 : vector<16xi32>
        %add3A_600 = arith.addi %get3A_90, %and3A_599 : vector<16xi32>
        %gather3A_601 = tpu.vector_load_idx %arg9[%add3A_600] : memref<32768xf32, #tpu.memory_space<vmem>>[vector<16xi32>], vector<16xf32>,
        %gather3A_602 = tpu.vector_load_idx %arg15[%add3A_84, %and3A_599] : memref<64x64xf32, #tpu.memory_space<vmem>>[vector<16xi32>, vector<16xi32>], vector<16xf32>,
        %add3A_603 = arith.addi %mul3A_99, %and3A_599 : vector<16xi32>
        %gather3A_604 = tpu.vector_load_idx %arg10[%add3A_603] : memref<64000xf32, #tpu.memory_space<vmem>>[vector<16xi32>], vector<16xf32>,
        %mul3A_605 = arith.mulf %gather3A_103, %gather3A_604 : vector<16xf32>
        %add3A_606 = arith.addf %gather3A_602, %mul3A_605 : vector<16xf32>
        %add3A_607 = arith.addi %mul3A_116, %and3A_599 : vector<16xi32>
        %gather3A_608 = tpu.vector_load_idx %arg10[%add3A_607] : memref<64000xf32, #tpu.memory_space<vmem>>[vector<16xi32>], vector<16xf32>,
        %mul3A_609 = arith.mulf %gather3A_120, %gather3A_608 : vector<16xf32>
        %add3A_610 = arith.addf %add3A_606, %mul3A_609 : vector<16xf32>
        %add3A_611 = arith.addi %mul3A_133, %and3A_599 : vector<16xi32>
        %gather3A_612 = tpu.vector_load_idx %arg10[%add3A_611] : memref<64000xf32, #tpu.memory_space<vmem>>[vector<16xi32>], vector<16xf32>,
        %mul3A_613 = arith.mulf %gather3A_137, %gather3A_612 : vector<16xf32>
        %add3A_614 = arith.addf %add3A_610, %mul3A_613 : vector<16xf32>
        %add3A_615 = arith.addi %mul3A_150, %and3A_599 : vector<16xi32>
        %gather3A_616 = tpu.vector_load_idx %arg10[%add3A_615] : memref<64000xf32, #tpu.memory_space<vmem>>[vector<16xi32>], vector<16xf32>,
        %mul3A_617 = arith.mulf %gather3A_154, %gather3A_616 : vector<16xf32>
        %add3A_618 = arith.addf %add3A_614, %mul3A_617 : vector<16xf32>
        %mul3A_619 = arith.mulf %gather3A_601, %add3A_618 : vector<16xf32>
        %add3A_620 = arith.addf %add3A_512, %mul3A_619 : vector<16xf32>
        %add3A_621 = arith.constant 17 : i32
        %add3A_622 = vector.broadcast %add3A_621 : i32 to vector<16xi32>
        %add3A_623 = arith.addi %iota3A, %add3A_622 : vector<16xi32>
        %and3A_624 = arith.constant 63 : i32
        %and3A_625 = vector.broadcast %and3A_624 : i32 to vector<16xi32>
        %and3A_626 = arith.andi %add3A_623, %and3A_625 : vector<16xi32>
        %add3A_627 = arith.addi %get3A_90, %and3A_626 : vector<16xi32>
        %gather3A_628 = tpu.vector_load_idx %arg9[%add3A_627] : memref<32768xf32, #tpu.memory_space<vmem>>[vector<16xi32>], vector<16xf32>,
        %gather3A_629 = tpu.vector_load_idx %arg15[%add3A_84, %and3A_626] : memref<64x64xf32, #tpu.memory_space<vmem>>[vector<16xi32>, vector<16xi32>], vector<16xf32>,
        %add3A_630 = arith.addi %mul3A_99, %and3A_626 : vector<16xi32>
        %gather3A_631 = tpu.vector_load_idx %arg10[%add3A_630] : memref<64000xf32, #tpu.memory_space<vmem>>[vector<16xi32>], vector<16xf32>,
        %mul3A_632 = arith.mulf %gather3A_103, %gather3A_631 : vector<16xf32>
        %add3A_633 = arith.addf %gather3A_629, %mul3A_632 : vector<16xf32>
        %add3A_634 = arith.addi %mul3A_116, %and3A_626 : vector<16xi32>
        %gather3A_635 = tpu.vector_load_idx %arg10[%add3A_634] : memref<64000xf32, #tpu.memory_space<vmem>>[vector<16xi32>], vector<16xf32>,
        %mul3A_636 = arith.mulf %gather3A_120, %gather3A_635 : vector<16xf32>
        %add3A_637 = arith.addf %add3A_633, %mul3A_636 : vector<16xf32>
        %add3A_638 = arith.addi %mul3A_133, %and3A_626 : vector<16xi32>
        %gather3A_639 = tpu.vector_load_idx %arg10[%add3A_638] : memref<64000xf32, #tpu.memory_space<vmem>>[vector<16xi32>], vector<16xf32>,
        %mul3A_640 = arith.mulf %gather3A_137, %gather3A_639 : vector<16xf32>
        %add3A_641 = arith.addf %add3A_637, %mul3A_640 : vector<16xf32>
        %add3A_642 = arith.addi %mul3A_150, %and3A_626 : vector<16xi32>
        %gather3A_643 = tpu.vector_load_idx %arg10[%add3A_642] : memref<64000xf32, #tpu.memory_space<vmem>>[vector<16xi32>], vector<16xf32>,
        %mul3A_644 = arith.mulf %gather3A_154, %gather3A_643 : vector<16xf32>
        %add3A_645 = arith.addf %add3A_641, %mul3A_644 : vector<16xf32>
        %mul3A_646 = arith.mulf %gather3A_628, %add3A_645 : vector<16xf32>
        %add3A_647 = arith.addf %add3A_539, %mul3A_646 : vector<16xf32>
        %add3A_648 = arith.constant 18 : i32
        %add3A_649 = vector.broadcast %add3A_648 : i32 to vector<16xi32>
        %add3A_650 = arith.addi %iota3A, %add3A_649 : vector<16xi32>
        %and3A_651 = arith.constant 63 : i32
        %and3A_652 = vector.broadcast %and3A_651 : i32 to vector<16xi32>
        %and3A_653 = arith.andi %add3A_650, %and3A_652 : vector<16xi32>
        %add3A_654 = arith.addi %get3A_90, %and3A_653 : vector<16xi32>
        %gather3A_655 = tpu.vector_load_idx %arg9[%add3A_654] : memref<32768xf32, #tpu.memory_space<vmem>>[vector<16xi32>], vector<16xf32>,
        %gather3A_656 = tpu.vector_load_idx %arg15[%add3A_84, %and3A_653] : memref<64x64xf32, #tpu.memory_space<vmem>>[vector<16xi32>, vector<16xi32>], vector<16xf32>,
        %add3A_657 = arith.addi %mul3A_99, %and3A_653 : vector<16xi32>
        %gather3A_658 = tpu.vector_load_idx %arg10[%add3A_657] : memref<64000xf32, #tpu.memory_space<vmem>>[vector<16xi32>], vector<16xf32>,
        %mul3A_659 = arith.mulf %gather3A_103, %gather3A_658 : vector<16xf32>
        %add3A_660 = arith.addf %gather3A_656, %mul3A_659 : vector<16xf32>
        %add3A_661 = arith.addi %mul3A_116, %and3A_653 : vector<16xi32>
        %gather3A_662 = tpu.vector_load_idx %arg10[%add3A_661] : memref<64000xf32, #tpu.memory_space<vmem>>[vector<16xi32>], vector<16xf32>,
        %mul3A_663 = arith.mulf %gather3A_120, %gather3A_662 : vector<16xf32>
        %add3A_664 = arith.addf %add3A_660, %mul3A_663 : vector<16xf32>
        %add3A_665 = arith.addi %mul3A_133, %and3A_653 : vector<16xi32>
        %gather3A_666 = tpu.vector_load_idx %arg10[%add3A_665] : memref<64000xf32, #tpu.memory_space<vmem>>[vector<16xi32>], vector<16xf32>,
        %mul3A_667 = arith.mulf %gather3A_137, %gather3A_666 : vector<16xf32>
        %add3A_668 = arith.addf %add3A_664, %mul3A_667 : vector<16xf32>
        %add3A_669 = arith.addi %mul3A_150, %and3A_653 : vector<16xi32>
        %gather3A_670 = tpu.vector_load_idx %arg10[%add3A_669] : memref<64000xf32, #tpu.memory_space<vmem>>[vector<16xi32>], vector<16xf32>,
        %mul3A_671 = arith.mulf %gather3A_154, %gather3A_670 : vector<16xf32>
        %add3A_672 = arith.addf %add3A_668, %mul3A_671 : vector<16xf32>
        %mul3A_673 = arith.mulf %gather3A_655, %add3A_672 : vector<16xf32>
        %add3A_674 = arith.addf %add3A_566, %mul3A_673 : vector<16xf32>
        %add3A_675 = arith.constant 19 : i32
        %add3A_676 = vector.broadcast %add3A_675 : i32 to vector<16xi32>
        %add3A_677 = arith.addi %iota3A, %add3A_676 : vector<16xi32>
        %and3A_678 = arith.constant 63 : i32
        %and3A_679 = vector.broadcast %and3A_678 : i32 to vector<16xi32>
        %and3A_680 = arith.andi %add3A_677, %and3A_679 : vector<16xi32>
        %add3A_681 = arith.addi %get3A_90, %and3A_680 : vector<16xi32>
        %gather3A_682 = tpu.vector_load_idx %arg9[%add3A_681] : memref<32768xf32, #tpu.memory_space<vmem>>[vector<16xi32>], vector<16xf32>,
        %gather3A_683 = tpu.vector_load_idx %arg15[%add3A_84, %and3A_680] : memref<64x64xf32, #tpu.memory_space<vmem>>[vector<16xi32>, vector<16xi32>], vector<16xf32>,
        %add3A_684 = arith.addi %mul3A_99, %and3A_680 : vector<16xi32>
        %gather3A_685 = tpu.vector_load_idx %arg10[%add3A_684] : memref<64000xf32, #tpu.memory_space<vmem>>[vector<16xi32>], vector<16xf32>,
        %mul3A_686 = arith.mulf %gather3A_103, %gather3A_685 : vector<16xf32>
        %add3A_687 = arith.addf %gather3A_683, %mul3A_686 : vector<16xf32>
        %add3A_688 = arith.addi %mul3A_116, %and3A_680 : vector<16xi32>
        %gather3A_689 = tpu.vector_load_idx %arg10[%add3A_688] : memref<64000xf32, #tpu.memory_space<vmem>>[vector<16xi32>], vector<16xf32>,
        %mul3A_690 = arith.mulf %gather3A_120, %gather3A_689 : vector<16xf32>
        %add3A_691 = arith.addf %add3A_687, %mul3A_690 : vector<16xf32>
        %add3A_692 = arith.addi %mul3A_133, %and3A_680 : vector<16xi32>
        %gather3A_693 = tpu.vector_load_idx %arg10[%add3A_692] : memref<64000xf32, #tpu.memory_space<vmem>>[vector<16xi32>], vector<16xf32>,
        %mul3A_694 = arith.mulf %gather3A_137, %gather3A_693 : vector<16xf32>
        %add3A_695 = arith.addf %add3A_691, %mul3A_694 : vector<16xf32>
        %add3A_696 = arith.addi %mul3A_150, %and3A_680 : vector<16xi32>
        %gather3A_697 = tpu.vector_load_idx %arg10[%add3A_696] : memref<64000xf32, #tpu.memory_space<vmem>>[vector<16xi32>], vector<16xf32>,
        %mul3A_698 = arith.mulf %gather3A_154, %gather3A_697 : vector<16xf32>
        %add3A_699 = arith.addf %add3A_695, %mul3A_698 : vector<16xf32>
        %mul3A_700 = arith.mulf %gather3A_682, %add3A_699 : vector<16xf32>
        %add3A_701 = arith.addf %add3A_593, %mul3A_700 : vector<16xf32>
        %add3A_702 = arith.constant 20 : i32
        %add3A_703 = vector.broadcast %add3A_702 : i32 to vector<16xi32>
        %add3A_704 = arith.addi %iota3A, %add3A_703 : vector<16xi32>
        %and3A_705 = arith.constant 63 : i32
        %and3A_706 = vector.broadcast %and3A_705 : i32 to vector<16xi32>
        %and3A_707 = arith.andi %add3A_704, %and3A_706 : vector<16xi32>
        %add3A_708 = arith.addi %get3A_90, %and3A_707 : vector<16xi32>
        %gather3A_709 = tpu.vector_load_idx %arg9[%add3A_708] : memref<32768xf32, #tpu.memory_space<vmem>>[vector<16xi32>], vector<16xf32>,
        %gather3A_710 = tpu.vector_load_idx %arg15[%add3A_84, %and3A_707] : memref<64x64xf32, #tpu.memory_space<vmem>>[vector<16xi32>, vector<16xi32>], vector<16xf32>,
        %add3A_711 = arith.addi %mul3A_99, %and3A_707 : vector<16xi32>
        %gather3A_712 = tpu.vector_load_idx %arg10[%add3A_711] : memref<64000xf32, #tpu.memory_space<vmem>>[vector<16xi32>], vector<16xf32>,
        %mul3A_713 = arith.mulf %gather3A_103, %gather3A_712 : vector<16xf32>
        %add3A_714 = arith.addf %gather3A_710, %mul3A_713 : vector<16xf32>
        %add3A_715 = arith.addi %mul3A_116, %and3A_707 : vector<16xi32>
        %gather3A_716 = tpu.vector_load_idx %arg10[%add3A_715] : memref<64000xf32, #tpu.memory_space<vmem>>[vector<16xi32>], vector<16xf32>,
        %mul3A_717 = arith.mulf %gather3A_120, %gather3A_716 : vector<16xf32>
        %add3A_718 = arith.addf %add3A_714, %mul3A_717 : vector<16xf32>
        %add3A_719 = arith.addi %mul3A_133, %and3A_707 : vector<16xi32>
        %gather3A_720 = tpu.vector_load_idx %arg10[%add3A_719] : memref<64000xf32, #tpu.memory_space<vmem>>[vector<16xi32>], vector<16xf32>,
        %mul3A_721 = arith.mulf %gather3A_137, %gather3A_720 : vector<16xf32>
        %add3A_722 = arith.addf %add3A_718, %mul3A_721 : vector<16xf32>
        %add3A_723 = arith.addi %mul3A_150, %and3A_707 : vector<16xi32>
        %gather3A_724 = tpu.vector_load_idx %arg10[%add3A_723] : memref<64000xf32, #tpu.memory_space<vmem>>[vector<16xi32>], vector<16xf32>,
        %mul3A_725 = arith.mulf %gather3A_154, %gather3A_724 : vector<16xf32>
        %add3A_726 = arith.addf %add3A_722, %mul3A_725 : vector<16xf32>
        %mul3A_727 = arith.mulf %gather3A_709, %add3A_726 : vector<16xf32>
        %add3A_728 = arith.addf %add3A_620, %mul3A_727 : vector<16xf32>
        %add3A_729 = arith.constant 21 : i32
        %add3A_730 = vector.broadcast %add3A_729 : i32 to vector<16xi32>
        %add3A_731 = arith.addi %iota3A, %add3A_730 : vector<16xi32>
        %and3A_732 = arith.constant 63 : i32
        %and3A_733 = vector.broadcast %and3A_732 : i32 to vector<16xi32>
        %and3A_734 = arith.andi %add3A_731, %and3A_733 : vector<16xi32>
        %add3A_735 = arith.addi %get3A_90, %and3A_734 : vector<16xi32>
        %gather3A_736 = tpu.vector_load_idx %arg9[%add3A_735] : memref<32768xf32, #tpu.memory_space<vmem>>[vector<16xi32>], vector<16xf32>,
        %gather3A_737 = tpu.vector_load_idx %arg15[%add3A_84, %and3A_734] : memref<64x64xf32, #tpu.memory_space<vmem>>[vector<16xi32>, vector<16xi32>], vector<16xf32>,
        %add3A_738 = arith.addi %mul3A_99, %and3A_734 : vector<16xi32>
        %gather3A_739 = tpu.vector_load_idx %arg10[%add3A_738] : memref<64000xf32, #tpu.memory_space<vmem>>[vector<16xi32>], vector<16xf32>,
        %mul3A_740 = arith.mulf %gather3A_103, %gather3A_739 : vector<16xf32>
        %add3A_741 = arith.addf %gather3A_737, %mul3A_740 : vector<16xf32>
        %add3A_742 = arith.addi %mul3A_116, %and3A_734 : vector<16xi32>
        %gather3A_743 = tpu.vector_load_idx %arg10[%add3A_742] : memref<64000xf32, #tpu.memory_space<vmem>>[vector<16xi32>], vector<16xf32>,
        %mul3A_744 = arith.mulf %gather3A_120, %gather3A_743 : vector<16xf32>
        %add3A_745 = arith.addf %add3A_741, %mul3A_744 : vector<16xf32>
        %add3A_746 = arith.addi %mul3A_133, %and3A_734 : vector<16xi32>
        %gather3A_747 = tpu.vector_load_idx %arg10[%add3A_746] : memref<64000xf32, #tpu.memory_space<vmem>>[vector<16xi32>], vector<16xf32>,
        %mul3A_748 = arith.mulf %gather3A_137, %gather3A_747 : vector<16xf32>
        %add3A_749 = arith.addf %add3A_745, %mul3A_748 : vector<16xf32>
        %add3A_750 = arith.addi %mul3A_150, %and3A_734 : vector<16xi32>
        %gather3A_751 = tpu.vector_load_idx %arg10[%add3A_750] : memref<64000xf32, #tpu.memory_space<vmem>>[vector<16xi32>], vector<16xf32>,
        %mul3A_752 = arith.mulf %gather3A_154, %gather3A_751 : vector<16xf32>
        %add3A_753 = arith.addf %add3A_749, %mul3A_752 : vector<16xf32>
        %mul3A_754 = arith.mulf %gather3A_736, %add3A_753 : vector<16xf32>
        %add3A_755 = arith.addf %add3A_647, %mul3A_754 : vector<16xf32>
        %add3A_756 = arith.constant 22 : i32
        %add3A_757 = vector.broadcast %add3A_756 : i32 to vector<16xi32>
        %add3A_758 = arith.addi %iota3A, %add3A_757 : vector<16xi32>
        %and3A_759 = arith.constant 63 : i32
        %and3A_760 = vector.broadcast %and3A_759 : i32 to vector<16xi32>
        %and3A_761 = arith.andi %add3A_758, %and3A_760 : vector<16xi32>
        %add3A_762 = arith.addi %get3A_90, %and3A_761 : vector<16xi32>
        %gather3A_763 = tpu.vector_load_idx %arg9[%add3A_762] : memref<32768xf32, #tpu.memory_space<vmem>>[vector<16xi32>], vector<16xf32>,
        %gather3A_764 = tpu.vector_load_idx %arg15[%add3A_84, %and3A_761] : memref<64x64xf32, #tpu.memory_space<vmem>>[vector<16xi32>, vector<16xi32>], vector<16xf32>,
        %add3A_765 = arith.addi %mul3A_99, %and3A_761 : vector<16xi32>
        %gather3A_766 = tpu.vector_load_idx %arg10[%add3A_765] : memref<64000xf32, #tpu.memory_space<vmem>>[vector<16xi32>], vector<16xf32>,
        %mul3A_767 = arith.mulf %gather3A_103, %gather3A_766 : vector<16xf32>
        %add3A_768 = arith.addf %gather3A_764, %mul3A_767 : vector<16xf32>
        %add3A_769 = arith.addi %mul3A_116, %and3A_761 : vector<16xi32>
        %gather3A_770 = tpu.vector_load_idx %arg10[%add3A_769] : memref<64000xf32, #tpu.memory_space<vmem>>[vector<16xi32>], vector<16xf32>,
        %mul3A_771 = arith.mulf %gather3A_120, %gather3A_770 : vector<16xf32>
        %add3A_772 = arith.addf %add3A_768, %mul3A_771 : vector<16xf32>
        %add3A_773 = arith.addi %mul3A_133, %and3A_761 : vector<16xi32>
        %gather3A_774 = tpu.vector_load_idx %arg10[%add3A_773] : memref<64000xf32, #tpu.memory_space<vmem>>[vector<16xi32>], vector<16xf32>,
        %mul3A_775 = arith.mulf %gather3A_137, %gather3A_774 : vector<16xf32>
        %add3A_776 = arith.addf %add3A_772, %mul3A_775 : vector<16xf32>
        %add3A_777 = arith.addi %mul3A_150, %and3A_761 : vector<16xi32>
        %gather3A_778 = tpu.vector_load_idx %arg10[%add3A_777] : memref<64000xf32, #tpu.memory_space<vmem>>[vector<16xi32>], vector<16xf32>,
        %mul3A_779 = arith.mulf %gather3A_154, %gather3A_778 : vector<16xf32>
        %add3A_780 = arith.addf %add3A_776, %mul3A_779 : vector<16xf32>
        %mul3A_781 = arith.mulf %gather3A_763, %add3A_780 : vector<16xf32>
        %add3A_782 = arith.addf %add3A_674, %mul3A_781 : vector<16xf32>
        %add3A_783 = arith.constant 23 : i32
        %add3A_784 = vector.broadcast %add3A_783 : i32 to vector<16xi32>
        %add3A_785 = arith.addi %iota3A, %add3A_784 : vector<16xi32>
        %and3A_786 = arith.constant 63 : i32
        %and3A_787 = vector.broadcast %and3A_786 : i32 to vector<16xi32>
        %and3A_788 = arith.andi %add3A_785, %and3A_787 : vector<16xi32>
        %add3A_789 = arith.addi %get3A_90, %and3A_788 : vector<16xi32>
        %gather3A_790 = tpu.vector_load_idx %arg9[%add3A_789] : memref<32768xf32, #tpu.memory_space<vmem>>[vector<16xi32>], vector<16xf32>,
        %gather3A_791 = tpu.vector_load_idx %arg15[%add3A_84, %and3A_788] : memref<64x64xf32, #tpu.memory_space<vmem>>[vector<16xi32>, vector<16xi32>], vector<16xf32>,
        %add3A_792 = arith.addi %mul3A_99, %and3A_788 : vector<16xi32>
        %gather3A_793 = tpu.vector_load_idx %arg10[%add3A_792] : memref<64000xf32, #tpu.memory_space<vmem>>[vector<16xi32>], vector<16xf32>,
        %mul3A_794 = arith.mulf %gather3A_103, %gather3A_793 : vector<16xf32>
        %add3A_795 = arith.addf %gather3A_791, %mul3A_794 : vector<16xf32>
        %add3A_796 = arith.addi %mul3A_116, %and3A_788 : vector<16xi32>
        %gather3A_797 = tpu.vector_load_idx %arg10[%add3A_796] : memref<64000xf32, #tpu.memory_space<vmem>>[vector<16xi32>], vector<16xf32>,
        %mul3A_798 = arith.mulf %gather3A_120, %gather3A_797 : vector<16xf32>
        %add3A_799 = arith.addf %add3A_795, %mul3A_798 : vector<16xf32>
        %add3A_800 = arith.addi %mul3A_133, %and3A_788 : vector<16xi32>
        %gather3A_801 = tpu.vector_load_idx %arg10[%add3A_800] : memref<64000xf32, #tpu.memory_space<vmem>>[vector<16xi32>], vector<16xf32>,
        %mul3A_802 = arith.mulf %gather3A_137, %gather3A_801 : vector<16xf32>
        %add3A_803 = arith.addf %add3A_799, %mul3A_802 : vector<16xf32>
        %add3A_804 = arith.addi %mul3A_150, %and3A_788 : vector<16xi32>
        %gather3A_805 = tpu.vector_load_idx %arg10[%add3A_804] : memref<64000xf32, #tpu.memory_space<vmem>>[vector<16xi32>], vector<16xf32>,
        %mul3A_806 = arith.mulf %gather3A_154, %gather3A_805 : vector<16xf32>
        %add3A_807 = arith.addf %add3A_803, %mul3A_806 : vector<16xf32>
        %mul3A_808 = arith.mulf %gather3A_790, %add3A_807 : vector<16xf32>
        %add3A_809 = arith.addf %add3A_701, %mul3A_808 : vector<16xf32>
        %add3A_810 = arith.constant 24 : i32
        %add3A_811 = vector.broadcast %add3A_810 : i32 to vector<16xi32>
        %add3A_812 = arith.addi %iota3A, %add3A_811 : vector<16xi32>
        %and3A_813 = arith.constant 63 : i32
        %and3A_814 = vector.broadcast %and3A_813 : i32 to vector<16xi32>
        %and3A_815 = arith.andi %add3A_812, %and3A_814 : vector<16xi32>
        %add3A_816 = arith.addi %get3A_90, %and3A_815 : vector<16xi32>
        %gather3A_817 = tpu.vector_load_idx %arg9[%add3A_816] : memref<32768xf32, #tpu.memory_space<vmem>>[vector<16xi32>], vector<16xf32>,
        %gather3A_818 = tpu.vector_load_idx %arg15[%add3A_84, %and3A_815] : memref<64x64xf32, #tpu.memory_space<vmem>>[vector<16xi32>, vector<16xi32>], vector<16xf32>,
        %add3A_819 = arith.addi %mul3A_99, %and3A_815 : vector<16xi32>
        %gather3A_820 = tpu.vector_load_idx %arg10[%add3A_819] : memref<64000xf32, #tpu.memory_space<vmem>>[vector<16xi32>], vector<16xf32>,
        %mul3A_821 = arith.mulf %gather3A_103, %gather3A_820 : vector<16xf32>
        %add3A_822 = arith.addf %gather3A_818, %mul3A_821 : vector<16xf32>
        %add3A_823 = arith.addi %mul3A_116, %and3A_815 : vector<16xi32>
        %gather3A_824 = tpu.vector_load_idx %arg10[%add3A_823] : memref<64000xf32, #tpu.memory_space<vmem>>[vector<16xi32>], vector<16xf32>,
        %mul3A_825 = arith.mulf %gather3A_120, %gather3A_824 : vector<16xf32>
        %add3A_826 = arith.addf %add3A_822, %mul3A_825 : vector<16xf32>
        %add3A_827 = arith.addi %mul3A_133, %and3A_815 : vector<16xi32>
        %gather3A_828 = tpu.vector_load_idx %arg10[%add3A_827] : memref<64000xf32, #tpu.memory_space<vmem>>[vector<16xi32>], vector<16xf32>,
        %mul3A_829 = arith.mulf %gather3A_137, %gather3A_828 : vector<16xf32>
        %add3A_830 = arith.addf %add3A_826, %mul3A_829 : vector<16xf32>
        %add3A_831 = arith.addi %mul3A_150, %and3A_815 : vector<16xi32>
        %gather3A_832 = tpu.vector_load_idx %arg10[%add3A_831] : memref<64000xf32, #tpu.memory_space<vmem>>[vector<16xi32>], vector<16xf32>,
        %mul3A_833 = arith.mulf %gather3A_154, %gather3A_832 : vector<16xf32>
        %add3A_834 = arith.addf %add3A_830, %mul3A_833 : vector<16xf32>
        %mul3A_835 = arith.mulf %gather3A_817, %add3A_834 : vector<16xf32>
        %add3A_836 = arith.addf %add3A_728, %mul3A_835 : vector<16xf32>
        %add3A_837 = arith.constant 25 : i32
        %add3A_838 = vector.broadcast %add3A_837 : i32 to vector<16xi32>
        %add3A_839 = arith.addi %iota3A, %add3A_838 : vector<16xi32>
        %and3A_840 = arith.constant 63 : i32
        %and3A_841 = vector.broadcast %and3A_840 : i32 to vector<16xi32>
        %and3A_842 = arith.andi %add3A_839, %and3A_841 : vector<16xi32>
        %add3A_843 = arith.addi %get3A_90, %and3A_842 : vector<16xi32>
        %gather3A_844 = tpu.vector_load_idx %arg9[%add3A_843] : memref<32768xf32, #tpu.memory_space<vmem>>[vector<16xi32>], vector<16xf32>,
        %gather3A_845 = tpu.vector_load_idx %arg15[%add3A_84, %and3A_842] : memref<64x64xf32, #tpu.memory_space<vmem>>[vector<16xi32>, vector<16xi32>], vector<16xf32>,
        %add3A_846 = arith.addi %mul3A_99, %and3A_842 : vector<16xi32>
        %gather3A_847 = tpu.vector_load_idx %arg10[%add3A_846] : memref<64000xf32, #tpu.memory_space<vmem>>[vector<16xi32>], vector<16xf32>,
        %mul3A_848 = arith.mulf %gather3A_103, %gather3A_847 : vector<16xf32>
        %add3A_849 = arith.addf %gather3A_845, %mul3A_848 : vector<16xf32>
        %add3A_850 = arith.addi %mul3A_116, %and3A_842 : vector<16xi32>
        %gather3A_851 = tpu.vector_load_idx %arg10[%add3A_850] : memref<64000xf32, #tpu.memory_space<vmem>>[vector<16xi32>], vector<16xf32>,
        %mul3A_852 = arith.mulf %gather3A_120, %gather3A_851 : vector<16xf32>
        %add3A_853 = arith.addf %add3A_849, %mul3A_852 : vector<16xf32>
        %add3A_854 = arith.addi %mul3A_133, %and3A_842 : vector<16xi32>
        %gather3A_855 = tpu.vector_load_idx %arg10[%add3A_854] : memref<64000xf32, #tpu.memory_space<vmem>>[vector<16xi32>], vector<16xf32>,
        %mul3A_856 = arith.mulf %gather3A_137, %gather3A_855 : vector<16xf32>
        %add3A_857 = arith.addf %add3A_853, %mul3A_856 : vector<16xf32>
        %add3A_858 = arith.addi %mul3A_150, %and3A_842 : vector<16xi32>
        %gather3A_859 = tpu.vector_load_idx %arg10[%add3A_858] : memref<64000xf32, #tpu.memory_space<vmem>>[vector<16xi32>], vector<16xf32>,
        %mul3A_860 = arith.mulf %gather3A_154, %gather3A_859 : vector<16xf32>
        %add3A_861 = arith.addf %add3A_857, %mul3A_860 : vector<16xf32>
        %mul3A_862 = arith.mulf %gather3A_844, %add3A_861 : vector<16xf32>
        %add3A_863 = arith.addf %add3A_755, %mul3A_862 : vector<16xf32>
        %add3A_864 = arith.constant 26 : i32
        %add3A_865 = vector.broadcast %add3A_864 : i32 to vector<16xi32>
        %add3A_866 = arith.addi %iota3A, %add3A_865 : vector<16xi32>
        %and3A_867 = arith.constant 63 : i32
        %and3A_868 = vector.broadcast %and3A_867 : i32 to vector<16xi32>
        %and3A_869 = arith.andi %add3A_866, %and3A_868 : vector<16xi32>
        %add3A_870 = arith.addi %get3A_90, %and3A_869 : vector<16xi32>
        %gather3A_871 = tpu.vector_load_idx %arg9[%add3A_870] : memref<32768xf32, #tpu.memory_space<vmem>>[vector<16xi32>], vector<16xf32>,
        %gather3A_872 = tpu.vector_load_idx %arg15[%add3A_84, %and3A_869] : memref<64x64xf32, #tpu.memory_space<vmem>>[vector<16xi32>, vector<16xi32>], vector<16xf32>,
        %add3A_873 = arith.addi %mul3A_99, %and3A_869 : vector<16xi32>
        %gather3A_874 = tpu.vector_load_idx %arg10[%add3A_873] : memref<64000xf32, #tpu.memory_space<vmem>>[vector<16xi32>], vector<16xf32>,
        %mul3A_875 = arith.mulf %gather3A_103, %gather3A_874 : vector<16xf32>
        %add3A_876 = arith.addf %gather3A_872, %mul3A_875 : vector<16xf32>
        %add3A_877 = arith.addi %mul3A_116, %and3A_869 : vector<16xi32>
        %gather3A_878 = tpu.vector_load_idx %arg10[%add3A_877] : memref<64000xf32, #tpu.memory_space<vmem>>[vector<16xi32>], vector<16xf32>,
        %mul3A_879 = arith.mulf %gather3A_120, %gather3A_878 : vector<16xf32>
        %add3A_880 = arith.addf %add3A_876, %mul3A_879 : vector<16xf32>
        %add3A_881 = arith.addi %mul3A_133, %and3A_869 : vector<16xi32>
        %gather3A_882 = tpu.vector_load_idx %arg10[%add3A_881] : memref<64000xf32, #tpu.memory_space<vmem>>[vector<16xi32>], vector<16xf32>,
        %mul3A_883 = arith.mulf %gather3A_137, %gather3A_882 : vector<16xf32>
        %add3A_884 = arith.addf %add3A_880, %mul3A_883 : vector<16xf32>
        %add3A_885 = arith.addi %mul3A_150, %and3A_869 : vector<16xi32>
        %gather3A_886 = tpu.vector_load_idx %arg10[%add3A_885] : memref<64000xf32, #tpu.memory_space<vmem>>[vector<16xi32>], vector<16xf32>,
        %mul3A_887 = arith.mulf %gather3A_154, %gather3A_886 : vector<16xf32>
        %add3A_888 = arith.addf %add3A_884, %mul3A_887 : vector<16xf32>
        %mul3A_889 = arith.mulf %gather3A_871, %add3A_888 : vector<16xf32>
        %add3A_890 = arith.addf %add3A_782, %mul3A_889 : vector<16xf32>
        %add3A_891 = arith.constant 27 : i32
        %add3A_892 = vector.broadcast %add3A_891 : i32 to vector<16xi32>
        %add3A_893 = arith.addi %iota3A, %add3A_892 : vector<16xi32>
        %and3A_894 = arith.constant 63 : i32
        %and3A_895 = vector.broadcast %and3A_894 : i32 to vector<16xi32>
        %and3A_896 = arith.andi %add3A_893, %and3A_895 : vector<16xi32>
        %add3A_897 = arith.addi %get3A_90, %and3A_896 : vector<16xi32>
        %gather3A_898 = tpu.vector_load_idx %arg9[%add3A_897] : memref<32768xf32, #tpu.memory_space<vmem>>[vector<16xi32>], vector<16xf32>,
        %gather3A_899 = tpu.vector_load_idx %arg15[%add3A_84, %and3A_896] : memref<64x64xf32, #tpu.memory_space<vmem>>[vector<16xi32>, vector<16xi32>], vector<16xf32>,
        %add3A_900 = arith.addi %mul3A_99, %and3A_896 : vector<16xi32>
        %gather3A_901 = tpu.vector_load_idx %arg10[%add3A_900] : memref<64000xf32, #tpu.memory_space<vmem>>[vector<16xi32>], vector<16xf32>,
        %mul3A_902 = arith.mulf %gather3A_103, %gather3A_901 : vector<16xf32>
        %add3A_903 = arith.addf %gather3A_899, %mul3A_902 : vector<16xf32>
        %add3A_904 = arith.addi %mul3A_116, %and3A_896 : vector<16xi32>
        %gather3A_905 = tpu.vector_load_idx %arg10[%add3A_904] : memref<64000xf32, #tpu.memory_space<vmem>>[vector<16xi32>], vector<16xf32>,
        %mul3A_906 = arith.mulf %gather3A_120, %gather3A_905 : vector<16xf32>
        %add3A_907 = arith.addf %add3A_903, %mul3A_906 : vector<16xf32>
        %add3A_908 = arith.addi %mul3A_133, %and3A_896 : vector<16xi32>
        %gather3A_909 = tpu.vector_load_idx %arg10[%add3A_908] : memref<64000xf32, #tpu.memory_space<vmem>>[vector<16xi32>], vector<16xf32>,
        %mul3A_910 = arith.mulf %gather3A_137, %gather3A_909 : vector<16xf32>
        %add3A_911 = arith.addf %add3A_907, %mul3A_910 : vector<16xf32>
        %add3A_912 = arith.addi %mul3A_150, %and3A_896 : vector<16xi32>
        %gather3A_913 = tpu.vector_load_idx %arg10[%add3A_912] : memref<64000xf32, #tpu.memory_space<vmem>>[vector<16xi32>], vector<16xf32>,
        %mul3A_914 = arith.mulf %gather3A_154, %gather3A_913 : vector<16xf32>
        %add3A_915 = arith.addf %add3A_911, %mul3A_914 : vector<16xf32>
        %mul3A_916 = arith.mulf %gather3A_898, %add3A_915 : vector<16xf32>
        %add3A_917 = arith.addf %add3A_809, %mul3A_916 : vector<16xf32>
        %add3A_918 = arith.constant 28 : i32
        %add3A_919 = vector.broadcast %add3A_918 : i32 to vector<16xi32>
        %add3A_920 = arith.addi %iota3A, %add3A_919 : vector<16xi32>
        %and3A_921 = arith.constant 63 : i32
        %and3A_922 = vector.broadcast %and3A_921 : i32 to vector<16xi32>
        %and3A_923 = arith.andi %add3A_920, %and3A_922 : vector<16xi32>
        %add3A_924 = arith.addi %get3A_90, %and3A_923 : vector<16xi32>
        %gather3A_925 = tpu.vector_load_idx %arg9[%add3A_924] : memref<32768xf32, #tpu.memory_space<vmem>>[vector<16xi32>], vector<16xf32>,
        %gather3A_926 = tpu.vector_load_idx %arg15[%add3A_84, %and3A_923] : memref<64x64xf32, #tpu.memory_space<vmem>>[vector<16xi32>, vector<16xi32>], vector<16xf32>,
        %add3A_927 = arith.addi %mul3A_99, %and3A_923 : vector<16xi32>
        %gather3A_928 = tpu.vector_load_idx %arg10[%add3A_927] : memref<64000xf32, #tpu.memory_space<vmem>>[vector<16xi32>], vector<16xf32>,
        %mul3A_929 = arith.mulf %gather3A_103, %gather3A_928 : vector<16xf32>
        %add3A_930 = arith.addf %gather3A_926, %mul3A_929 : vector<16xf32>
        %add3A_931 = arith.addi %mul3A_116, %and3A_923 : vector<16xi32>
        %gather3A_932 = tpu.vector_load_idx %arg10[%add3A_931] : memref<64000xf32, #tpu.memory_space<vmem>>[vector<16xi32>], vector<16xf32>,
        %mul3A_933 = arith.mulf %gather3A_120, %gather3A_932 : vector<16xf32>
        %add3A_934 = arith.addf %add3A_930, %mul3A_933 : vector<16xf32>
        %add3A_935 = arith.addi %mul3A_133, %and3A_923 : vector<16xi32>
        %gather3A_936 = tpu.vector_load_idx %arg10[%add3A_935] : memref<64000xf32, #tpu.memory_space<vmem>>[vector<16xi32>], vector<16xf32>,
        %mul3A_937 = arith.mulf %gather3A_137, %gather3A_936 : vector<16xf32>
        %add3A_938 = arith.addf %add3A_934, %mul3A_937 : vector<16xf32>
        %add3A_939 = arith.addi %mul3A_150, %and3A_923 : vector<16xi32>
        %gather3A_940 = tpu.vector_load_idx %arg10[%add3A_939] : memref<64000xf32, #tpu.memory_space<vmem>>[vector<16xi32>], vector<16xf32>,
        %mul3A_941 = arith.mulf %gather3A_154, %gather3A_940 : vector<16xf32>
        %add3A_942 = arith.addf %add3A_938, %mul3A_941 : vector<16xf32>
        %mul3A_943 = arith.mulf %gather3A_925, %add3A_942 : vector<16xf32>
        %add3A_944 = arith.addf %add3A_836, %mul3A_943 : vector<16xf32>
        %add3A_945 = arith.constant 29 : i32
        %add3A_946 = vector.broadcast %add3A_945 : i32 to vector<16xi32>
        %add3A_947 = arith.addi %iota3A, %add3A_946 : vector<16xi32>
        %and3A_948 = arith.constant 63 : i32
        %and3A_949 = vector.broadcast %and3A_948 : i32 to vector<16xi32>
        %and3A_950 = arith.andi %add3A_947, %and3A_949 : vector<16xi32>
        %add3A_951 = arith.addi %get3A_90, %and3A_950 : vector<16xi32>
        %gather3A_952 = tpu.vector_load_idx %arg9[%add3A_951] : memref<32768xf32, #tpu.memory_space<vmem>>[vector<16xi32>], vector<16xf32>,
        %gather3A_953 = tpu.vector_load_idx %arg15[%add3A_84, %and3A_950] : memref<64x64xf32, #tpu.memory_space<vmem>>[vector<16xi32>, vector<16xi32>], vector<16xf32>,
        %add3A_954 = arith.addi %mul3A_99, %and3A_950 : vector<16xi32>
        %gather3A_955 = tpu.vector_load_idx %arg10[%add3A_954] : memref<64000xf32, #tpu.memory_space<vmem>>[vector<16xi32>], vector<16xf32>,
        %mul3A_956 = arith.mulf %gather3A_103, %gather3A_955 : vector<16xf32>
        %add3A_957 = arith.addf %gather3A_953, %mul3A_956 : vector<16xf32>
        %add3A_958 = arith.addi %mul3A_116, %and3A_950 : vector<16xi32>
        %gather3A_959 = tpu.vector_load_idx %arg10[%add3A_958] : memref<64000xf32, #tpu.memory_space<vmem>>[vector<16xi32>], vector<16xf32>,
        %mul3A_960 = arith.mulf %gather3A_120, %gather3A_959 : vector<16xf32>
        %add3A_961 = arith.addf %add3A_957, %mul3A_960 : vector<16xf32>
        %add3A_962 = arith.addi %mul3A_133, %and3A_950 : vector<16xi32>
        %gather3A_963 = tpu.vector_load_idx %arg10[%add3A_962] : memref<64000xf32, #tpu.memory_space<vmem>>[vector<16xi32>], vector<16xf32>,
        %mul3A_964 = arith.mulf %gather3A_137, %gather3A_963 : vector<16xf32>
        %add3A_965 = arith.addf %add3A_961, %mul3A_964 : vector<16xf32>
        %add3A_966 = arith.addi %mul3A_150, %and3A_950 : vector<16xi32>
        %gather3A_967 = tpu.vector_load_idx %arg10[%add3A_966] : memref<64000xf32, #tpu.memory_space<vmem>>[vector<16xi32>], vector<16xf32>,
        %mul3A_968 = arith.mulf %gather3A_154, %gather3A_967 : vector<16xf32>
        %add3A_969 = arith.addf %add3A_965, %mul3A_968 : vector<16xf32>
        %mul3A_970 = arith.mulf %gather3A_952, %add3A_969 : vector<16xf32>
        %add3A_971 = arith.addf %add3A_863, %mul3A_970 : vector<16xf32>
        %add3A_972 = arith.constant 30 : i32
        %add3A_973 = vector.broadcast %add3A_972 : i32 to vector<16xi32>
        %add3A_974 = arith.addi %iota3A, %add3A_973 : vector<16xi32>
        %and3A_975 = arith.constant 63 : i32
        %and3A_976 = vector.broadcast %and3A_975 : i32 to vector<16xi32>
        %and3A_977 = arith.andi %add3A_974, %and3A_976 : vector<16xi32>
        %add3A_978 = arith.addi %get3A_90, %and3A_977 : vector<16xi32>
        %gather3A_979 = tpu.vector_load_idx %arg9[%add3A_978] : memref<32768xf32, #tpu.memory_space<vmem>>[vector<16xi32>], vector<16xf32>,
        %gather3A_980 = tpu.vector_load_idx %arg15[%add3A_84, %and3A_977] : memref<64x64xf32, #tpu.memory_space<vmem>>[vector<16xi32>, vector<16xi32>], vector<16xf32>,
        %add3A_981 = arith.addi %mul3A_99, %and3A_977 : vector<16xi32>
        %gather3A_982 = tpu.vector_load_idx %arg10[%add3A_981] : memref<64000xf32, #tpu.memory_space<vmem>>[vector<16xi32>], vector<16xf32>,
        %mul3A_983 = arith.mulf %gather3A_103, %gather3A_982 : vector<16xf32>
        %add3A_984 = arith.addf %gather3A_980, %mul3A_983 : vector<16xf32>
        %add3A_985 = arith.addi %mul3A_116, %and3A_977 : vector<16xi32>
        %gather3A_986 = tpu.vector_load_idx %arg10[%add3A_985] : memref<64000xf32, #tpu.memory_space<vmem>>[vector<16xi32>], vector<16xf32>,
        %mul3A_987 = arith.mulf %gather3A_120, %gather3A_986 : vector<16xf32>
        %add3A_988 = arith.addf %add3A_984, %mul3A_987 : vector<16xf32>
        %add3A_989 = arith.addi %mul3A_133, %and3A_977 : vector<16xi32>
        %gather3A_990 = tpu.vector_load_idx %arg10[%add3A_989] : memref<64000xf32, #tpu.memory_space<vmem>>[vector<16xi32>], vector<16xf32>,
        %mul3A_991 = arith.mulf %gather3A_137, %gather3A_990 : vector<16xf32>
        %add3A_992 = arith.addf %add3A_988, %mul3A_991 : vector<16xf32>
        %add3A_993 = arith.addi %mul3A_150, %and3A_977 : vector<16xi32>
        %gather3A_994 = tpu.vector_load_idx %arg10[%add3A_993] : memref<64000xf32, #tpu.memory_space<vmem>>[vector<16xi32>], vector<16xf32>,
        %mul3A_995 = arith.mulf %gather3A_154, %gather3A_994 : vector<16xf32>
        %add3A_996 = arith.addf %add3A_992, %mul3A_995 : vector<16xf32>
        %mul3A_997 = arith.mulf %gather3A_979, %add3A_996 : vector<16xf32>
        %add3A_998 = arith.addf %add3A_890, %mul3A_997 : vector<16xf32>
        %add3A_999 = arith.constant 31 : i32
        %add3A_1000 = vector.broadcast %add3A_999 : i32 to vector<16xi32>
        %add3A_1001 = arith.addi %iota3A, %add3A_1000 : vector<16xi32>
        %and3A_1002 = arith.constant 63 : i32
        %and3A_1003 = vector.broadcast %and3A_1002 : i32 to vector<16xi32>
        %and3A_1004 = arith.andi %add3A_1001, %and3A_1003 : vector<16xi32>
        %add3A_1005 = arith.addi %get3A_90, %and3A_1004 : vector<16xi32>
        %gather3A_1006 = tpu.vector_load_idx %arg9[%add3A_1005] : memref<32768xf32, #tpu.memory_space<vmem>>[vector<16xi32>], vector<16xf32>,
        %gather3A_1007 = tpu.vector_load_idx %arg15[%add3A_84, %and3A_1004] : memref<64x64xf32, #tpu.memory_space<vmem>>[vector<16xi32>, vector<16xi32>], vector<16xf32>,
        %add3A_1008 = arith.addi %mul3A_99, %and3A_1004 : vector<16xi32>
        %gather3A_1009 = tpu.vector_load_idx %arg10[%add3A_1008] : memref<64000xf32, #tpu.memory_space<vmem>>[vector<16xi32>], vector<16xf32>,
        %mul3A_1010 = arith.mulf %gather3A_103, %gather3A_1009 : vector<16xf32>
        %add3A_1011 = arith.addf %gather3A_1007, %mul3A_1010 : vector<16xf32>
        %add3A_1012 = arith.addi %mul3A_116, %and3A_1004 : vector<16xi32>
        %gather3A_1013 = tpu.vector_load_idx %arg10[%add3A_1012] : memref<64000xf32, #tpu.memory_space<vmem>>[vector<16xi32>], vector<16xf32>,
        %mul3A_1014 = arith.mulf %gather3A_120, %gather3A_1013 : vector<16xf32>
        %add3A_1015 = arith.addf %add3A_1011, %mul3A_1014 : vector<16xf32>
        %add3A_1016 = arith.addi %mul3A_133, %and3A_1004 : vector<16xi32>
        %gather3A_1017 = tpu.vector_load_idx %arg10[%add3A_1016] : memref<64000xf32, #tpu.memory_space<vmem>>[vector<16xi32>], vector<16xf32>,
        %mul3A_1018 = arith.mulf %gather3A_137, %gather3A_1017 : vector<16xf32>
        %add3A_1019 = arith.addf %add3A_1015, %mul3A_1018 : vector<16xf32>
        %add3A_1020 = arith.addi %mul3A_150, %and3A_1004 : vector<16xi32>
        %gather3A_1021 = tpu.vector_load_idx %arg10[%add3A_1020] : memref<64000xf32, #tpu.memory_space<vmem>>[vector<16xi32>], vector<16xf32>,
        %mul3A_1022 = arith.mulf %gather3A_154, %gather3A_1021 : vector<16xf32>
        %add3A_1023 = arith.addf %add3A_1019, %mul3A_1022 : vector<16xf32>
        %mul3A_1024 = arith.mulf %gather3A_1006, %add3A_1023 : vector<16xf32>
        %add3A_1025 = arith.addf %add3A_917, %mul3A_1024 : vector<16xf32>
        %add3A_1026 = arith.constant 32 : i32
        %add3A_1027 = vector.broadcast %add3A_1026 : i32 to vector<16xi32>
        %add3A_1028 = arith.addi %iota3A, %add3A_1027 : vector<16xi32>
        %and3A_1029 = arith.constant 63 : i32
        %and3A_1030 = vector.broadcast %and3A_1029 : i32 to vector<16xi32>
        %and3A_1031 = arith.andi %add3A_1028, %and3A_1030 : vector<16xi32>
        %add3A_1032 = arith.addi %get3A_90, %and3A_1031 : vector<16xi32>
        %gather3A_1033 = tpu.vector_load_idx %arg9[%add3A_1032] : memref<32768xf32, #tpu.memory_space<vmem>>[vector<16xi32>], vector<16xf32>,
        %gather3A_1034 = tpu.vector_load_idx %arg15[%add3A_84, %and3A_1031] : memref<64x64xf32, #tpu.memory_space<vmem>>[vector<16xi32>, vector<16xi32>], vector<16xf32>,
        %add3A_1035 = arith.addi %mul3A_99, %and3A_1031 : vector<16xi32>
        %gather3A_1036 = tpu.vector_load_idx %arg10[%add3A_1035] : memref<64000xf32, #tpu.memory_space<vmem>>[vector<16xi32>], vector<16xf32>,
        %mul3A_1037 = arith.mulf %gather3A_103, %gather3A_1036 : vector<16xf32>
        %add3A_1038 = arith.addf %gather3A_1034, %mul3A_1037 : vector<16xf32>
        %add3A_1039 = arith.addi %mul3A_116, %and3A_1031 : vector<16xi32>
        %gather3A_1040 = tpu.vector_load_idx %arg10[%add3A_1039] : memref<64000xf32, #tpu.memory_space<vmem>>[vector<16xi32>], vector<16xf32>,
        %mul3A_1041 = arith.mulf %gather3A_120, %gather3A_1040 : vector<16xf32>
        %add3A_1042 = arith.addf %add3A_1038, %mul3A_1041 : vector<16xf32>
        %add3A_1043 = arith.addi %mul3A_133, %and3A_1031 : vector<16xi32>
        %gather3A_1044 = tpu.vector_load_idx %arg10[%add3A_1043] : memref<64000xf32, #tpu.memory_space<vmem>>[vector<16xi32>], vector<16xf32>,
        %mul3A_1045 = arith.mulf %gather3A_137, %gather3A_1044 : vector<16xf32>
        %add3A_1046 = arith.addf %add3A_1042, %mul3A_1045 : vector<16xf32>
        %add3A_1047 = arith.addi %mul3A_150, %and3A_1031 : vector<16xi32>
        %gather3A_1048 = tpu.vector_load_idx %arg10[%add3A_1047] : memref<64000xf32, #tpu.memory_space<vmem>>[vector<16xi32>], vector<16xf32>,
        %mul3A_1049 = arith.mulf %gather3A_154, %gather3A_1048 : vector<16xf32>
        %add3A_1050 = arith.addf %add3A_1046, %mul3A_1049 : vector<16xf32>
        %mul3A_1051 = arith.mulf %gather3A_1033, %add3A_1050 : vector<16xf32>
        %add3A_1052 = arith.addf %add3A_944, %mul3A_1051 : vector<16xf32>
        %add3A_1053 = arith.constant 33 : i32
        %add3A_1054 = vector.broadcast %add3A_1053 : i32 to vector<16xi32>
        %add3A_1055 = arith.addi %iota3A, %add3A_1054 : vector<16xi32>
        %and3A_1056 = arith.constant 63 : i32
        %and3A_1057 = vector.broadcast %and3A_1056 : i32 to vector<16xi32>
        %and3A_1058 = arith.andi %add3A_1055, %and3A_1057 : vector<16xi32>
        %add3A_1059 = arith.addi %get3A_90, %and3A_1058 : vector<16xi32>
        %gather3A_1060 = tpu.vector_load_idx %arg9[%add3A_1059] : memref<32768xf32, #tpu.memory_space<vmem>>[vector<16xi32>], vector<16xf32>,
        %gather3A_1061 = tpu.vector_load_idx %arg15[%add3A_84, %and3A_1058] : memref<64x64xf32, #tpu.memory_space<vmem>>[vector<16xi32>, vector<16xi32>], vector<16xf32>,
        %add3A_1062 = arith.addi %mul3A_99, %and3A_1058 : vector<16xi32>
        %gather3A_1063 = tpu.vector_load_idx %arg10[%add3A_1062] : memref<64000xf32, #tpu.memory_space<vmem>>[vector<16xi32>], vector<16xf32>,
        %mul3A_1064 = arith.mulf %gather3A_103, %gather3A_1063 : vector<16xf32>
        %add3A_1065 = arith.addf %gather3A_1061, %mul3A_1064 : vector<16xf32>
        %add3A_1066 = arith.addi %mul3A_116, %and3A_1058 : vector<16xi32>
        %gather3A_1067 = tpu.vector_load_idx %arg10[%add3A_1066] : memref<64000xf32, #tpu.memory_space<vmem>>[vector<16xi32>], vector<16xf32>,
        %mul3A_1068 = arith.mulf %gather3A_120, %gather3A_1067 : vector<16xf32>
        %add3A_1069 = arith.addf %add3A_1065, %mul3A_1068 : vector<16xf32>
        %add3A_1070 = arith.addi %mul3A_133, %and3A_1058 : vector<16xi32>
        %gather3A_1071 = tpu.vector_load_idx %arg10[%add3A_1070] : memref<64000xf32, #tpu.memory_space<vmem>>[vector<16xi32>], vector<16xf32>,
        %mul3A_1072 = arith.mulf %gather3A_137, %gather3A_1071 : vector<16xf32>
        %add3A_1073 = arith.addf %add3A_1069, %mul3A_1072 : vector<16xf32>
        %add3A_1074 = arith.addi %mul3A_150, %and3A_1058 : vector<16xi32>
        %gather3A_1075 = tpu.vector_load_idx %arg10[%add3A_1074] : memref<64000xf32, #tpu.memory_space<vmem>>[vector<16xi32>], vector<16xf32>,
        %mul3A_1076 = arith.mulf %gather3A_154, %gather3A_1075 : vector<16xf32>
        %add3A_1077 = arith.addf %add3A_1073, %mul3A_1076 : vector<16xf32>
        %mul3A_1078 = arith.mulf %gather3A_1060, %add3A_1077 : vector<16xf32>
        %add3A_1079 = arith.addf %add3A_971, %mul3A_1078 : vector<16xf32>
        %add3A_1080 = arith.constant 34 : i32
        %add3A_1081 = vector.broadcast %add3A_1080 : i32 to vector<16xi32>
        %add3A_1082 = arith.addi %iota3A, %add3A_1081 : vector<16xi32>
        %and3A_1083 = arith.constant 63 : i32
        %and3A_1084 = vector.broadcast %and3A_1083 : i32 to vector<16xi32>
        %and3A_1085 = arith.andi %add3A_1082, %and3A_1084 : vector<16xi32>
        %add3A_1086 = arith.addi %get3A_90, %and3A_1085 : vector<16xi32>
        %gather3A_1087 = tpu.vector_load_idx %arg9[%add3A_1086] : memref<32768xf32, #tpu.memory_space<vmem>>[vector<16xi32>], vector<16xf32>,
        %gather3A_1088 = tpu.vector_load_idx %arg15[%add3A_84, %and3A_1085] : memref<64x64xf32, #tpu.memory_space<vmem>>[vector<16xi32>, vector<16xi32>], vector<16xf32>,
        %add3A_1089 = arith.addi %mul3A_99, %and3A_1085 : vector<16xi32>
        %gather3A_1090 = tpu.vector_load_idx %arg10[%add3A_1089] : memref<64000xf32, #tpu.memory_space<vmem>>[vector<16xi32>], vector<16xf32>,
        %mul3A_1091 = arith.mulf %gather3A_103, %gather3A_1090 : vector<16xf32>
        %add3A_1092 = arith.addf %gather3A_1088, %mul3A_1091 : vector<16xf32>
        %add3A_1093 = arith.addi %mul3A_116, %and3A_1085 : vector<16xi32>
        %gather3A_1094 = tpu.vector_load_idx %arg10[%add3A_1093] : memref<64000xf32, #tpu.memory_space<vmem>>[vector<16xi32>], vector<16xf32>,
        %mul3A_1095 = arith.mulf %gather3A_120, %gather3A_1094 : vector<16xf32>
        %add3A_1096 = arith.addf %add3A_1092, %mul3A_1095 : vector<16xf32>
        %add3A_1097 = arith.addi %mul3A_133, %and3A_1085 : vector<16xi32>
        %gather3A_1098 = tpu.vector_load_idx %arg10[%add3A_1097] : memref<64000xf32, #tpu.memory_space<vmem>>[vector<16xi32>], vector<16xf32>,
        %mul3A_1099 = arith.mulf %gather3A_137, %gather3A_1098 : vector<16xf32>
        %add3A_1100 = arith.addf %add3A_1096, %mul3A_1099 : vector<16xf32>
        %add3A_1101 = arith.addi %mul3A_150, %and3A_1085 : vector<16xi32>
        %gather3A_1102 = tpu.vector_load_idx %arg10[%add3A_1101] : memref<64000xf32, #tpu.memory_space<vmem>>[vector<16xi32>], vector<16xf32>,
        %mul3A_1103 = arith.mulf %gather3A_154, %gather3A_1102 : vector<16xf32>
        %add3A_1104 = arith.addf %add3A_1100, %mul3A_1103 : vector<16xf32>
        %mul3A_1105 = arith.mulf %gather3A_1087, %add3A_1104 : vector<16xf32>
        %add3A_1106 = arith.addf %add3A_998, %mul3A_1105 : vector<16xf32>
        %add3A_1107 = arith.constant 35 : i32
        %add3A_1108 = vector.broadcast %add3A_1107 : i32 to vector<16xi32>
        %add3A_1109 = arith.addi %iota3A, %add3A_1108 : vector<16xi32>
        %and3A_1110 = arith.constant 63 : i32
        %and3A_1111 = vector.broadcast %and3A_1110 : i32 to vector<16xi32>
        %and3A_1112 = arith.andi %add3A_1109, %and3A_1111 : vector<16xi32>
        %add3A_1113 = arith.addi %get3A_90, %and3A_1112 : vector<16xi32>
        %gather3A_1114 = tpu.vector_load_idx %arg9[%add3A_1113] : memref<32768xf32, #tpu.memory_space<vmem>>[vector<16xi32>], vector<16xf32>,
        %gather3A_1115 = tpu.vector_load_idx %arg15[%add3A_84, %and3A_1112] : memref<64x64xf32, #tpu.memory_space<vmem>>[vector<16xi32>, vector<16xi32>], vector<16xf32>,
        %add3A_1116 = arith.addi %mul3A_99, %and3A_1112 : vector<16xi32>
        %gather3A_1117 = tpu.vector_load_idx %arg10[%add3A_1116] : memref<64000xf32, #tpu.memory_space<vmem>>[vector<16xi32>], vector<16xf32>,
        %mul3A_1118 = arith.mulf %gather3A_103, %gather3A_1117 : vector<16xf32>
        %add3A_1119 = arith.addf %gather3A_1115, %mul3A_1118 : vector<16xf32>
        %add3A_1120 = arith.addi %mul3A_116, %and3A_1112 : vector<16xi32>
        %gather3A_1121 = tpu.vector_load_idx %arg10[%add3A_1120] : memref<64000xf32, #tpu.memory_space<vmem>>[vector<16xi32>], vector<16xf32>,
        %mul3A_1122 = arith.mulf %gather3A_120, %gather3A_1121 : vector<16xf32>
        %add3A_1123 = arith.addf %add3A_1119, %mul3A_1122 : vector<16xf32>
        %add3A_1124 = arith.addi %mul3A_133, %and3A_1112 : vector<16xi32>
        %gather3A_1125 = tpu.vector_load_idx %arg10[%add3A_1124] : memref<64000xf32, #tpu.memory_space<vmem>>[vector<16xi32>], vector<16xf32>,
        %mul3A_1126 = arith.mulf %gather3A_137, %gather3A_1125 : vector<16xf32>
        %add3A_1127 = arith.addf %add3A_1123, %mul3A_1126 : vector<16xf32>
        %add3A_1128 = arith.addi %mul3A_150, %and3A_1112 : vector<16xi32>
        %gather3A_1129 = tpu.vector_load_idx %arg10[%add3A_1128] : memref<64000xf32, #tpu.memory_space<vmem>>[vector<16xi32>], vector<16xf32>,
        %mul3A_1130 = arith.mulf %gather3A_154, %gather3A_1129 : vector<16xf32>
        %add3A_1131 = arith.addf %add3A_1127, %mul3A_1130 : vector<16xf32>
        %mul3A_1132 = arith.mulf %gather3A_1114, %add3A_1131 : vector<16xf32>
        %add3A_1133 = arith.addf %add3A_1025, %mul3A_1132 : vector<16xf32>
        %add3A_1134 = arith.constant 36 : i32
        %add3A_1135 = vector.broadcast %add3A_1134 : i32 to vector<16xi32>
        %add3A_1136 = arith.addi %iota3A, %add3A_1135 : vector<16xi32>
        %and3A_1137 = arith.constant 63 : i32
        %and3A_1138 = vector.broadcast %and3A_1137 : i32 to vector<16xi32>
        %and3A_1139 = arith.andi %add3A_1136, %and3A_1138 : vector<16xi32>
        %add3A_1140 = arith.addi %get3A_90, %and3A_1139 : vector<16xi32>
        %gather3A_1141 = tpu.vector_load_idx %arg9[%add3A_1140] : memref<32768xf32, #tpu.memory_space<vmem>>[vector<16xi32>], vector<16xf32>,
        %gather3A_1142 = tpu.vector_load_idx %arg15[%add3A_84, %and3A_1139] : memref<64x64xf32, #tpu.memory_space<vmem>>[vector<16xi32>, vector<16xi32>], vector<16xf32>,
        %add3A_1143 = arith.addi %mul3A_99, %and3A_1139 : vector<16xi32>
        %gather3A_1144 = tpu.vector_load_idx %arg10[%add3A_1143] : memref<64000xf32, #tpu.memory_space<vmem>>[vector<16xi32>], vector<16xf32>,
        %mul3A_1145 = arith.mulf %gather3A_103, %gather3A_1144 : vector<16xf32>
        %add3A_1146 = arith.addf %gather3A_1142, %mul3A_1145 : vector<16xf32>
        %add3A_1147 = arith.addi %mul3A_116, %and3A_1139 : vector<16xi32>
        %gather3A_1148 = tpu.vector_load_idx %arg10[%add3A_1147] : memref<64000xf32, #tpu.memory_space<vmem>>[vector<16xi32>], vector<16xf32>,
        %mul3A_1149 = arith.mulf %gather3A_120, %gather3A_1148 : vector<16xf32>
        %add3A_1150 = arith.addf %add3A_1146, %mul3A_1149 : vector<16xf32>
        %add3A_1151 = arith.addi %mul3A_133, %and3A_1139 : vector<16xi32>
        %gather3A_1152 = tpu.vector_load_idx %arg10[%add3A_1151] : memref<64000xf32, #tpu.memory_space<vmem>>[vector<16xi32>], vector<16xf32>,
        %mul3A_1153 = arith.mulf %gather3A_137, %gather3A_1152 : vector<16xf32>
        %add3A_1154 = arith.addf %add3A_1150, %mul3A_1153 : vector<16xf32>
        %add3A_1155 = arith.addi %mul3A_150, %and3A_1139 : vector<16xi32>
        %gather3A_1156 = tpu.vector_load_idx %arg10[%add3A_1155] : memref<64000xf32, #tpu.memory_space<vmem>>[vector<16xi32>], vector<16xf32>,
        %mul3A_1157 = arith.mulf %gather3A_154, %gather3A_1156 : vector<16xf32>
        %add3A_1158 = arith.addf %add3A_1154, %mul3A_1157 : vector<16xf32>
        %mul3A_1159 = arith.mulf %gather3A_1141, %add3A_1158 : vector<16xf32>
        %add3A_1160 = arith.addf %add3A_1052, %mul3A_1159 : vector<16xf32>
        %add3A_1161 = arith.constant 37 : i32
        %add3A_1162 = vector.broadcast %add3A_1161 : i32 to vector<16xi32>
        %add3A_1163 = arith.addi %iota3A, %add3A_1162 : vector<16xi32>
        %and3A_1164 = arith.constant 63 : i32
        %and3A_1165 = vector.broadcast %and3A_1164 : i32 to vector<16xi32>
        %and3A_1166 = arith.andi %add3A_1163, %and3A_1165 : vector<16xi32>
        %add3A_1167 = arith.addi %get3A_90, %and3A_1166 : vector<16xi32>
        %gather3A_1168 = tpu.vector_load_idx %arg9[%add3A_1167] : memref<32768xf32, #tpu.memory_space<vmem>>[vector<16xi32>], vector<16xf32>,
        %gather3A_1169 = tpu.vector_load_idx %arg15[%add3A_84, %and3A_1166] : memref<64x64xf32, #tpu.memory_space<vmem>>[vector<16xi32>, vector<16xi32>], vector<16xf32>,
        %add3A_1170 = arith.addi %mul3A_99, %and3A_1166 : vector<16xi32>
        %gather3A_1171 = tpu.vector_load_idx %arg10[%add3A_1170] : memref<64000xf32, #tpu.memory_space<vmem>>[vector<16xi32>], vector<16xf32>,
        %mul3A_1172 = arith.mulf %gather3A_103, %gather3A_1171 : vector<16xf32>
        %add3A_1173 = arith.addf %gather3A_1169, %mul3A_1172 : vector<16xf32>
        %add3A_1174 = arith.addi %mul3A_116, %and3A_1166 : vector<16xi32>
        %gather3A_1175 = tpu.vector_load_idx %arg10[%add3A_1174] : memref<64000xf32, #tpu.memory_space<vmem>>[vector<16xi32>], vector<16xf32>,
        %mul3A_1176 = arith.mulf %gather3A_120, %gather3A_1175 : vector<16xf32>
        %add3A_1177 = arith.addf %add3A_1173, %mul3A_1176 : vector<16xf32>
        %add3A_1178 = arith.addi %mul3A_133, %and3A_1166 : vector<16xi32>
        %gather3A_1179 = tpu.vector_load_idx %arg10[%add3A_1178] : memref<64000xf32, #tpu.memory_space<vmem>>[vector<16xi32>], vector<16xf32>,
        %mul3A_1180 = arith.mulf %gather3A_137, %gather3A_1179 : vector<16xf32>
        %add3A_1181 = arith.addf %add3A_1177, %mul3A_1180 : vector<16xf32>
        %add3A_1182 = arith.addi %mul3A_150, %and3A_1166 : vector<16xi32>
        %gather3A_1183 = tpu.vector_load_idx %arg10[%add3A_1182] : memref<64000xf32, #tpu.memory_space<vmem>>[vector<16xi32>], vector<16xf32>,
        %mul3A_1184 = arith.mulf %gather3A_154, %gather3A_1183 : vector<16xf32>
        %add3A_1185 = arith.addf %add3A_1181, %mul3A_1184 : vector<16xf32>
        %mul3A_1186 = arith.mulf %gather3A_1168, %add3A_1185 : vector<16xf32>
        %add3A_1187 = arith.addf %add3A_1079, %mul3A_1186 : vector<16xf32>
        %add3A_1188 = arith.constant 38 : i32
        %add3A_1189 = vector.broadcast %add3A_1188 : i32 to vector<16xi32>
        %add3A_1190 = arith.addi %iota3A, %add3A_1189 : vector<16xi32>
        %and3A_1191 = arith.constant 63 : i32
        %and3A_1192 = vector.broadcast %and3A_1191 : i32 to vector<16xi32>
        %and3A_1193 = arith.andi %add3A_1190, %and3A_1192 : vector<16xi32>
        %add3A_1194 = arith.addi %get3A_90, %and3A_1193 : vector<16xi32>
        %gather3A_1195 = tpu.vector_load_idx %arg9[%add3A_1194] : memref<32768xf32, #tpu.memory_space<vmem>>[vector<16xi32>], vector<16xf32>,
        %gather3A_1196 = tpu.vector_load_idx %arg15[%add3A_84, %and3A_1193] : memref<64x64xf32, #tpu.memory_space<vmem>>[vector<16xi32>, vector<16xi32>], vector<16xf32>,
        %add3A_1197 = arith.addi %mul3A_99, %and3A_1193 : vector<16xi32>
        %gather3A_1198 = tpu.vector_load_idx %arg10[%add3A_1197] : memref<64000xf32, #tpu.memory_space<vmem>>[vector<16xi32>], vector<16xf32>,
        %mul3A_1199 = arith.mulf %gather3A_103, %gather3A_1198 : vector<16xf32>
        %add3A_1200 = arith.addf %gather3A_1196, %mul3A_1199 : vector<16xf32>
        %add3A_1201 = arith.addi %mul3A_116, %and3A_1193 : vector<16xi32>
        %gather3A_1202 = tpu.vector_load_idx %arg10[%add3A_1201] : memref<64000xf32, #tpu.memory_space<vmem>>[vector<16xi32>], vector<16xf32>,
        %mul3A_1203 = arith.mulf %gather3A_120, %gather3A_1202 : vector<16xf32>
        %add3A_1204 = arith.addf %add3A_1200, %mul3A_1203 : vector<16xf32>
        %add3A_1205 = arith.addi %mul3A_133, %and3A_1193 : vector<16xi32>
        %gather3A_1206 = tpu.vector_load_idx %arg10[%add3A_1205] : memref<64000xf32, #tpu.memory_space<vmem>>[vector<16xi32>], vector<16xf32>,
        %mul3A_1207 = arith.mulf %gather3A_137, %gather3A_1206 : vector<16xf32>
        %add3A_1208 = arith.addf %add3A_1204, %mul3A_1207 : vector<16xf32>
        %add3A_1209 = arith.addi %mul3A_150, %and3A_1193 : vector<16xi32>
        %gather3A_1210 = tpu.vector_load_idx %arg10[%add3A_1209] : memref<64000xf32, #tpu.memory_space<vmem>>[vector<16xi32>], vector<16xf32>,
        %mul3A_1211 = arith.mulf %gather3A_154, %gather3A_1210 : vector<16xf32>
        %add3A_1212 = arith.addf %add3A_1208, %mul3A_1211 : vector<16xf32>
        %mul3A_1213 = arith.mulf %gather3A_1195, %add3A_1212 : vector<16xf32>
        %add3A_1214 = arith.addf %add3A_1106, %mul3A_1213 : vector<16xf32>
        %add3A_1215 = arith.constant 39 : i32
        %add3A_1216 = vector.broadcast %add3A_1215 : i32 to vector<16xi32>
        %add3A_1217 = arith.addi %iota3A, %add3A_1216 : vector<16xi32>
        %and3A_1218 = arith.constant 63 : i32
        %and3A_1219 = vector.broadcast %and3A_1218 : i32 to vector<16xi32>
        %and3A_1220 = arith.andi %add3A_1217, %and3A_1219 : vector<16xi32>
        %add3A_1221 = arith.addi %get3A_90, %and3A_1220 : vector<16xi32>
        %gather3A_1222 = tpu.vector_load_idx %arg9[%add3A_1221] : memref<32768xf32, #tpu.memory_space<vmem>>[vector<16xi32>], vector<16xf32>,
        %gather3A_1223 = tpu.vector_load_idx %arg15[%add3A_84, %and3A_1220] : memref<64x64xf32, #tpu.memory_space<vmem>>[vector<16xi32>, vector<16xi32>], vector<16xf32>,
        %add3A_1224 = arith.addi %mul3A_99, %and3A_1220 : vector<16xi32>
        %gather3A_1225 = tpu.vector_load_idx %arg10[%add3A_1224] : memref<64000xf32, #tpu.memory_space<vmem>>[vector<16xi32>], vector<16xf32>,
        %mul3A_1226 = arith.mulf %gather3A_103, %gather3A_1225 : vector<16xf32>
        %add3A_1227 = arith.addf %gather3A_1223, %mul3A_1226 : vector<16xf32>
        %add3A_1228 = arith.addi %mul3A_116, %and3A_1220 : vector<16xi32>
        %gather3A_1229 = tpu.vector_load_idx %arg10[%add3A_1228] : memref<64000xf32, #tpu.memory_space<vmem>>[vector<16xi32>], vector<16xf32>,
        %mul3A_1230 = arith.mulf %gather3A_120, %gather3A_1229 : vector<16xf32>
        %add3A_1231 = arith.addf %add3A_1227, %mul3A_1230 : vector<16xf32>
        %add3A_1232 = arith.addi %mul3A_133, %and3A_1220 : vector<16xi32>
        %gather3A_1233 = tpu.vector_load_idx %arg10[%add3A_1232] : memref<64000xf32, #tpu.memory_space<vmem>>[vector<16xi32>], vector<16xf32>,
        %mul3A_1234 = arith.mulf %gather3A_137, %gather3A_1233 : vector<16xf32>
        %add3A_1235 = arith.addf %add3A_1231, %mul3A_1234 : vector<16xf32>
        %add3A_1236 = arith.addi %mul3A_150, %and3A_1220 : vector<16xi32>
        %gather3A_1237 = tpu.vector_load_idx %arg10[%add3A_1236] : memref<64000xf32, #tpu.memory_space<vmem>>[vector<16xi32>], vector<16xf32>,
        %mul3A_1238 = arith.mulf %gather3A_154, %gather3A_1237 : vector<16xf32>
        %add3A_1239 = arith.addf %add3A_1235, %mul3A_1238 : vector<16xf32>
        %mul3A_1240 = arith.mulf %gather3A_1222, %add3A_1239 : vector<16xf32>
        %add3A_1241 = arith.addf %add3A_1133, %mul3A_1240 : vector<16xf32>
        %add3A_1242 = arith.constant 40 : i32
        %add3A_1243 = vector.broadcast %add3A_1242 : i32 to vector<16xi32>
        %add3A_1244 = arith.addi %iota3A, %add3A_1243 : vector<16xi32>
        %and3A_1245 = arith.constant 63 : i32
        %and3A_1246 = vector.broadcast %and3A_1245 : i32 to vector<16xi32>
        %and3A_1247 = arith.andi %add3A_1244, %and3A_1246 : vector<16xi32>
        %add3A_1248 = arith.addi %get3A_90, %and3A_1247 : vector<16xi32>
        %gather3A_1249 = tpu.vector_load_idx %arg9[%add3A_1248] : memref<32768xf32, #tpu.memory_space<vmem>>[vector<16xi32>], vector<16xf32>,
        %gather3A_1250 = tpu.vector_load_idx %arg15[%add3A_84, %and3A_1247] : memref<64x64xf32, #tpu.memory_space<vmem>>[vector<16xi32>, vector<16xi32>], vector<16xf32>,
        %add3A_1251 = arith.addi %mul3A_99, %and3A_1247 : vector<16xi32>
        %gather3A_1252 = tpu.vector_load_idx %arg10[%add3A_1251] : memref<64000xf32, #tpu.memory_space<vmem>>[vector<16xi32>], vector<16xf32>,
        %mul3A_1253 = arith.mulf %gather3A_103, %gather3A_1252 : vector<16xf32>
        %add3A_1254 = arith.addf %gather3A_1250, %mul3A_1253 : vector<16xf32>
        %add3A_1255 = arith.addi %mul3A_116, %and3A_1247 : vector<16xi32>
        %gather3A_1256 = tpu.vector_load_idx %arg10[%add3A_1255] : memref<64000xf32, #tpu.memory_space<vmem>>[vector<16xi32>], vector<16xf32>,
        %mul3A_1257 = arith.mulf %gather3A_120, %gather3A_1256 : vector<16xf32>
        %add3A_1258 = arith.addf %add3A_1254, %mul3A_1257 : vector<16xf32>
        %add3A_1259 = arith.addi %mul3A_133, %and3A_1247 : vector<16xi32>
        %gather3A_1260 = tpu.vector_load_idx %arg10[%add3A_1259] : memref<64000xf32, #tpu.memory_space<vmem>>[vector<16xi32>], vector<16xf32>,
        %mul3A_1261 = arith.mulf %gather3A_137, %gather3A_1260 : vector<16xf32>
        %add3A_1262 = arith.addf %add3A_1258, %mul3A_1261 : vector<16xf32>
        %add3A_1263 = arith.addi %mul3A_150, %and3A_1247 : vector<16xi32>
        %gather3A_1264 = tpu.vector_load_idx %arg10[%add3A_1263] : memref<64000xf32, #tpu.memory_space<vmem>>[vector<16xi32>], vector<16xf32>,
        %mul3A_1265 = arith.mulf %gather3A_154, %gather3A_1264 : vector<16xf32>
        %add3A_1266 = arith.addf %add3A_1262, %mul3A_1265 : vector<16xf32>
        %mul3A_1267 = arith.mulf %gather3A_1249, %add3A_1266 : vector<16xf32>
        %add3A_1268 = arith.addf %add3A_1160, %mul3A_1267 : vector<16xf32>
        %add3A_1269 = arith.constant 41 : i32
        %add3A_1270 = vector.broadcast %add3A_1269 : i32 to vector<16xi32>
        %add3A_1271 = arith.addi %iota3A, %add3A_1270 : vector<16xi32>
        %and3A_1272 = arith.constant 63 : i32
        %and3A_1273 = vector.broadcast %and3A_1272 : i32 to vector<16xi32>
        %and3A_1274 = arith.andi %add3A_1271, %and3A_1273 : vector<16xi32>
        %add3A_1275 = arith.addi %get3A_90, %and3A_1274 : vector<16xi32>
        %gather3A_1276 = tpu.vector_load_idx %arg9[%add3A_1275] : memref<32768xf32, #tpu.memory_space<vmem>>[vector<16xi32>], vector<16xf32>,
        %gather3A_1277 = tpu.vector_load_idx %arg15[%add3A_84, %and3A_1274] : memref<64x64xf32, #tpu.memory_space<vmem>>[vector<16xi32>, vector<16xi32>], vector<16xf32>,
        %add3A_1278 = arith.addi %mul3A_99, %and3A_1274 : vector<16xi32>
        %gather3A_1279 = tpu.vector_load_idx %arg10[%add3A_1278] : memref<64000xf32, #tpu.memory_space<vmem>>[vector<16xi32>], vector<16xf32>,
        %mul3A_1280 = arith.mulf %gather3A_103, %gather3A_1279 : vector<16xf32>
        %add3A_1281 = arith.addf %gather3A_1277, %mul3A_1280 : vector<16xf32>
        %add3A_1282 = arith.addi %mul3A_116, %and3A_1274 : vector<16xi32>
        %gather3A_1283 = tpu.vector_load_idx %arg10[%add3A_1282] : memref<64000xf32, #tpu.memory_space<vmem>>[vector<16xi32>], vector<16xf32>,
        %mul3A_1284 = arith.mulf %gather3A_120, %gather3A_1283 : vector<16xf32>
        %add3A_1285 = arith.addf %add3A_1281, %mul3A_1284 : vector<16xf32>
        %add3A_1286 = arith.addi %mul3A_133, %and3A_1274 : vector<16xi32>
        %gather3A_1287 = tpu.vector_load_idx %arg10[%add3A_1286] : memref<64000xf32, #tpu.memory_space<vmem>>[vector<16xi32>], vector<16xf32>,
        %mul3A_1288 = arith.mulf %gather3A_137, %gather3A_1287 : vector<16xf32>
        %add3A_1289 = arith.addf %add3A_1285, %mul3A_1288 : vector<16xf32>
        %add3A_1290 = arith.addi %mul3A_150, %and3A_1274 : vector<16xi32>
        %gather3A_1291 = tpu.vector_load_idx %arg10[%add3A_1290] : memref<64000xf32, #tpu.memory_space<vmem>>[vector<16xi32>], vector<16xf32>,
        %mul3A_1292 = arith.mulf %gather3A_154, %gather3A_1291 : vector<16xf32>
        %add3A_1293 = arith.addf %add3A_1289, %mul3A_1292 : vector<16xf32>
        %mul3A_1294 = arith.mulf %gather3A_1276, %add3A_1293 : vector<16xf32>
        %add3A_1295 = arith.addf %add3A_1187, %mul3A_1294 : vector<16xf32>
        %add3A_1296 = arith.constant 42 : i32
        %add3A_1297 = vector.broadcast %add3A_1296 : i32 to vector<16xi32>
        %add3A_1298 = arith.addi %iota3A, %add3A_1297 : vector<16xi32>
        %and3A_1299 = arith.constant 63 : i32
        %and3A_1300 = vector.broadcast %and3A_1299 : i32 to vector<16xi32>
        %and3A_1301 = arith.andi %add3A_1298, %and3A_1300 : vector<16xi32>
        %add3A_1302 = arith.addi %get3A_90, %and3A_1301 : vector<16xi32>
        %gather3A_1303 = tpu.vector_load_idx %arg9[%add3A_1302] : memref<32768xf32, #tpu.memory_space<vmem>>[vector<16xi32>], vector<16xf32>,
        %gather3A_1304 = tpu.vector_load_idx %arg15[%add3A_84, %and3A_1301] : memref<64x64xf32, #tpu.memory_space<vmem>>[vector<16xi32>, vector<16xi32>], vector<16xf32>,
        %add3A_1305 = arith.addi %mul3A_99, %and3A_1301 : vector<16xi32>
        %gather3A_1306 = tpu.vector_load_idx %arg10[%add3A_1305] : memref<64000xf32, #tpu.memory_space<vmem>>[vector<16xi32>], vector<16xf32>,
        %mul3A_1307 = arith.mulf %gather3A_103, %gather3A_1306 : vector<16xf32>
        %add3A_1308 = arith.addf %gather3A_1304, %mul3A_1307 : vector<16xf32>
        %add3A_1309 = arith.addi %mul3A_116, %and3A_1301 : vector<16xi32>
        %gather3A_1310 = tpu.vector_load_idx %arg10[%add3A_1309] : memref<64000xf32, #tpu.memory_space<vmem>>[vector<16xi32>], vector<16xf32>,
        %mul3A_1311 = arith.mulf %gather3A_120, %gather3A_1310 : vector<16xf32>
        %add3A_1312 = arith.addf %add3A_1308, %mul3A_1311 : vector<16xf32>
        %add3A_1313 = arith.addi %mul3A_133, %and3A_1301 : vector<16xi32>
        %gather3A_1314 = tpu.vector_load_idx %arg10[%add3A_1313] : memref<64000xf32, #tpu.memory_space<vmem>>[vector<16xi32>], vector<16xf32>,
        %mul3A_1315 = arith.mulf %gather3A_137, %gather3A_1314 : vector<16xf32>
        %add3A_1316 = arith.addf %add3A_1312, %mul3A_1315 : vector<16xf32>
        %add3A_1317 = arith.addi %mul3A_150, %and3A_1301 : vector<16xi32>
        %gather3A_1318 = tpu.vector_load_idx %arg10[%add3A_1317] : memref<64000xf32, #tpu.memory_space<vmem>>[vector<16xi32>], vector<16xf32>,
        %mul3A_1319 = arith.mulf %gather3A_154, %gather3A_1318 : vector<16xf32>
        %add3A_1320 = arith.addf %add3A_1316, %mul3A_1319 : vector<16xf32>
        %mul3A_1321 = arith.mulf %gather3A_1303, %add3A_1320 : vector<16xf32>
        %add3A_1322 = arith.addf %add3A_1214, %mul3A_1321 : vector<16xf32>
        %add3A_1323 = arith.constant 43 : i32
        %add3A_1324 = vector.broadcast %add3A_1323 : i32 to vector<16xi32>
        %add3A_1325 = arith.addi %iota3A, %add3A_1324 : vector<16xi32>
        %and3A_1326 = arith.constant 63 : i32
        %and3A_1327 = vector.broadcast %and3A_1326 : i32 to vector<16xi32>
        %and3A_1328 = arith.andi %add3A_1325, %and3A_1327 : vector<16xi32>
        %add3A_1329 = arith.addi %get3A_90, %and3A_1328 : vector<16xi32>
        %gather3A_1330 = tpu.vector_load_idx %arg9[%add3A_1329] : memref<32768xf32, #tpu.memory_space<vmem>>[vector<16xi32>], vector<16xf32>,
        %gather3A_1331 = tpu.vector_load_idx %arg15[%add3A_84, %and3A_1328] : memref<64x64xf32, #tpu.memory_space<vmem>>[vector<16xi32>, vector<16xi32>], vector<16xf32>,
        %add3A_1332 = arith.addi %mul3A_99, %and3A_1328 : vector<16xi32>
        %gather3A_1333 = tpu.vector_load_idx %arg10[%add3A_1332] : memref<64000xf32, #tpu.memory_space<vmem>>[vector<16xi32>], vector<16xf32>,
        %mul3A_1334 = arith.mulf %gather3A_103, %gather3A_1333 : vector<16xf32>
        %add3A_1335 = arith.addf %gather3A_1331, %mul3A_1334 : vector<16xf32>
        %add3A_1336 = arith.addi %mul3A_116, %and3A_1328 : vector<16xi32>
        %gather3A_1337 = tpu.vector_load_idx %arg10[%add3A_1336] : memref<64000xf32, #tpu.memory_space<vmem>>[vector<16xi32>], vector<16xf32>,
        %mul3A_1338 = arith.mulf %gather3A_120, %gather3A_1337 : vector<16xf32>
        %add3A_1339 = arith.addf %add3A_1335, %mul3A_1338 : vector<16xf32>
        %add3A_1340 = arith.addi %mul3A_133, %and3A_1328 : vector<16xi32>
        %gather3A_1341 = tpu.vector_load_idx %arg10[%add3A_1340] : memref<64000xf32, #tpu.memory_space<vmem>>[vector<16xi32>], vector<16xf32>,
        %mul3A_1342 = arith.mulf %gather3A_137, %gather3A_1341 : vector<16xf32>
        %add3A_1343 = arith.addf %add3A_1339, %mul3A_1342 : vector<16xf32>
        %add3A_1344 = arith.addi %mul3A_150, %and3A_1328 : vector<16xi32>
        %gather3A_1345 = tpu.vector_load_idx %arg10[%add3A_1344] : memref<64000xf32, #tpu.memory_space<vmem>>[vector<16xi32>], vector<16xf32>,
        %mul3A_1346 = arith.mulf %gather3A_154, %gather3A_1345 : vector<16xf32>
        %add3A_1347 = arith.addf %add3A_1343, %mul3A_1346 : vector<16xf32>
        %mul3A_1348 = arith.mulf %gather3A_1330, %add3A_1347 : vector<16xf32>
        %add3A_1349 = arith.addf %add3A_1241, %mul3A_1348 : vector<16xf32>
        %add3A_1350 = arith.constant 44 : i32
        %add3A_1351 = vector.broadcast %add3A_1350 : i32 to vector<16xi32>
        %add3A_1352 = arith.addi %iota3A, %add3A_1351 : vector<16xi32>
        %and3A_1353 = arith.constant 63 : i32
        %and3A_1354 = vector.broadcast %and3A_1353 : i32 to vector<16xi32>
        %and3A_1355 = arith.andi %add3A_1352, %and3A_1354 : vector<16xi32>
        %add3A_1356 = arith.addi %get3A_90, %and3A_1355 : vector<16xi32>
        %gather3A_1357 = tpu.vector_load_idx %arg9[%add3A_1356] : memref<32768xf32, #tpu.memory_space<vmem>>[vector<16xi32>], vector<16xf32>,
        %gather3A_1358 = tpu.vector_load_idx %arg15[%add3A_84, %and3A_1355] : memref<64x64xf32, #tpu.memory_space<vmem>>[vector<16xi32>, vector<16xi32>], vector<16xf32>,
        %add3A_1359 = arith.addi %mul3A_99, %and3A_1355 : vector<16xi32>
        %gather3A_1360 = tpu.vector_load_idx %arg10[%add3A_1359] : memref<64000xf32, #tpu.memory_space<vmem>>[vector<16xi32>], vector<16xf32>,
        %mul3A_1361 = arith.mulf %gather3A_103, %gather3A_1360 : vector<16xf32>
        %add3A_1362 = arith.addf %gather3A_1358, %mul3A_1361 : vector<16xf32>
        %add3A_1363 = arith.addi %mul3A_116, %and3A_1355 : vector<16xi32>
        %gather3A_1364 = tpu.vector_load_idx %arg10[%add3A_1363] : memref<64000xf32, #tpu.memory_space<vmem>>[vector<16xi32>], vector<16xf32>,
        %mul3A_1365 = arith.mulf %gather3A_120, %gather3A_1364 : vector<16xf32>
        %add3A_1366 = arith.addf %add3A_1362, %mul3A_1365 : vector<16xf32>
        %add3A_1367 = arith.addi %mul3A_133, %and3A_1355 : vector<16xi32>
        %gather3A_1368 = tpu.vector_load_idx %arg10[%add3A_1367] : memref<64000xf32, #tpu.memory_space<vmem>>[vector<16xi32>], vector<16xf32>,
        %mul3A_1369 = arith.mulf %gather3A_137, %gather3A_1368 : vector<16xf32>
        %add3A_1370 = arith.addf %add3A_1366, %mul3A_1369 : vector<16xf32>
        %add3A_1371 = arith.addi %mul3A_150, %and3A_1355 : vector<16xi32>
        %gather3A_1372 = tpu.vector_load_idx %arg10[%add3A_1371] : memref<64000xf32, #tpu.memory_space<vmem>>[vector<16xi32>], vector<16xf32>,
        %mul3A_1373 = arith.mulf %gather3A_154, %gather3A_1372 : vector<16xf32>
        %add3A_1374 = arith.addf %add3A_1370, %mul3A_1373 : vector<16xf32>
        %mul3A_1375 = arith.mulf %gather3A_1357, %add3A_1374 : vector<16xf32>
        %add3A_1376 = arith.addf %add3A_1268, %mul3A_1375 : vector<16xf32>
        %add3A_1377 = arith.constant 45 : i32
        %add3A_1378 = vector.broadcast %add3A_1377 : i32 to vector<16xi32>
        %add3A_1379 = arith.addi %iota3A, %add3A_1378 : vector<16xi32>
        %and3A_1380 = arith.constant 63 : i32
        %and3A_1381 = vector.broadcast %and3A_1380 : i32 to vector<16xi32>
        %and3A_1382 = arith.andi %add3A_1379, %and3A_1381 : vector<16xi32>
        %add3A_1383 = arith.addi %get3A_90, %and3A_1382 : vector<16xi32>
        %gather3A_1384 = tpu.vector_load_idx %arg9[%add3A_1383] : memref<32768xf32, #tpu.memory_space<vmem>>[vector<16xi32>], vector<16xf32>,
        %gather3A_1385 = tpu.vector_load_idx %arg15[%add3A_84, %and3A_1382] : memref<64x64xf32, #tpu.memory_space<vmem>>[vector<16xi32>, vector<16xi32>], vector<16xf32>,
        %add3A_1386 = arith.addi %mul3A_99, %and3A_1382 : vector<16xi32>
        %gather3A_1387 = tpu.vector_load_idx %arg10[%add3A_1386] : memref<64000xf32, #tpu.memory_space<vmem>>[vector<16xi32>], vector<16xf32>,
        %mul3A_1388 = arith.mulf %gather3A_103, %gather3A_1387 : vector<16xf32>
        %add3A_1389 = arith.addf %gather3A_1385, %mul3A_1388 : vector<16xf32>
        %add3A_1390 = arith.addi %mul3A_116, %and3A_1382 : vector<16xi32>
        %gather3A_1391 = tpu.vector_load_idx %arg10[%add3A_1390] : memref<64000xf32, #tpu.memory_space<vmem>>[vector<16xi32>], vector<16xf32>,
        %mul3A_1392 = arith.mulf %gather3A_120, %gather3A_1391 : vector<16xf32>
        %add3A_1393 = arith.addf %add3A_1389, %mul3A_1392 : vector<16xf32>
        %add3A_1394 = arith.addi %mul3A_133, %and3A_1382 : vector<16xi32>
        %gather3A_1395 = tpu.vector_load_idx %arg10[%add3A_1394] : memref<64000xf32, #tpu.memory_space<vmem>>[vector<16xi32>], vector<16xf32>,
        %mul3A_1396 = arith.mulf %gather3A_137, %gather3A_1395 : vector<16xf32>
        %add3A_1397 = arith.addf %add3A_1393, %mul3A_1396 : vector<16xf32>
        %add3A_1398 = arith.addi %mul3A_150, %and3A_1382 : vector<16xi32>
        %gather3A_1399 = tpu.vector_load_idx %arg10[%add3A_1398] : memref<64000xf32, #tpu.memory_space<vmem>>[vector<16xi32>], vector<16xf32>,
        %mul3A_1400 = arith.mulf %gather3A_154, %gather3A_1399 : vector<16xf32>
        %add3A_1401 = arith.addf %add3A_1397, %mul3A_1400 : vector<16xf32>
        %mul3A_1402 = arith.mulf %gather3A_1384, %add3A_1401 : vector<16xf32>
        %add3A_1403 = arith.addf %add3A_1295, %mul3A_1402 : vector<16xf32>
        %add3A_1404 = arith.constant 46 : i32
        %add3A_1405 = vector.broadcast %add3A_1404 : i32 to vector<16xi32>
        %add3A_1406 = arith.addi %iota3A, %add3A_1405 : vector<16xi32>
        %and3A_1407 = arith.constant 63 : i32
        %and3A_1408 = vector.broadcast %and3A_1407 : i32 to vector<16xi32>
        %and3A_1409 = arith.andi %add3A_1406, %and3A_1408 : vector<16xi32>
        %add3A_1410 = arith.addi %get3A_90, %and3A_1409 : vector<16xi32>
        %gather3A_1411 = tpu.vector_load_idx %arg9[%add3A_1410] : memref<32768xf32, #tpu.memory_space<vmem>>[vector<16xi32>], vector<16xf32>,
        %gather3A_1412 = tpu.vector_load_idx %arg15[%add3A_84, %and3A_1409] : memref<64x64xf32, #tpu.memory_space<vmem>>[vector<16xi32>, vector<16xi32>], vector<16xf32>,
        %add3A_1413 = arith.addi %mul3A_99, %and3A_1409 : vector<16xi32>
        %gather3A_1414 = tpu.vector_load_idx %arg10[%add3A_1413] : memref<64000xf32, #tpu.memory_space<vmem>>[vector<16xi32>], vector<16xf32>,
        %mul3A_1415 = arith.mulf %gather3A_103, %gather3A_1414 : vector<16xf32>
        %add3A_1416 = arith.addf %gather3A_1412, %mul3A_1415 : vector<16xf32>
        %add3A_1417 = arith.addi %mul3A_116, %and3A_1409 : vector<16xi32>
        %gather3A_1418 = tpu.vector_load_idx %arg10[%add3A_1417] : memref<64000xf32, #tpu.memory_space<vmem>>[vector<16xi32>], vector<16xf32>,
        %mul3A_1419 = arith.mulf %gather3A_120, %gather3A_1418 : vector<16xf32>
        %add3A_1420 = arith.addf %add3A_1416, %mul3A_1419 : vector<16xf32>
        %add3A_1421 = arith.addi %mul3A_133, %and3A_1409 : vector<16xi32>
        %gather3A_1422 = tpu.vector_load_idx %arg10[%add3A_1421] : memref<64000xf32, #tpu.memory_space<vmem>>[vector<16xi32>], vector<16xf32>,
        %mul3A_1423 = arith.mulf %gather3A_137, %gather3A_1422 : vector<16xf32>
        %add3A_1424 = arith.addf %add3A_1420, %mul3A_1423 : vector<16xf32>
        %add3A_1425 = arith.addi %mul3A_150, %and3A_1409 : vector<16xi32>
        %gather3A_1426 = tpu.vector_load_idx %arg10[%add3A_1425] : memref<64000xf32, #tpu.memory_space<vmem>>[vector<16xi32>], vector<16xf32>,
        %mul3A_1427 = arith.mulf %gather3A_154, %gather3A_1426 : vector<16xf32>
        %add3A_1428 = arith.addf %add3A_1424, %mul3A_1427 : vector<16xf32>
        %mul3A_1429 = arith.mulf %gather3A_1411, %add3A_1428 : vector<16xf32>
        %add3A_1430 = arith.addf %add3A_1322, %mul3A_1429 : vector<16xf32>
        %add3A_1431 = arith.constant 47 : i32
        %add3A_1432 = vector.broadcast %add3A_1431 : i32 to vector<16xi32>
        %add3A_1433 = arith.addi %iota3A, %add3A_1432 : vector<16xi32>
        %and3A_1434 = arith.constant 63 : i32
        %and3A_1435 = vector.broadcast %and3A_1434 : i32 to vector<16xi32>
        %and3A_1436 = arith.andi %add3A_1433, %and3A_1435 : vector<16xi32>
        %add3A_1437 = arith.addi %get3A_90, %and3A_1436 : vector<16xi32>
        %gather3A_1438 = tpu.vector_load_idx %arg9[%add3A_1437] : memref<32768xf32, #tpu.memory_space<vmem>>[vector<16xi32>], vector<16xf32>,
        %gather3A_1439 = tpu.vector_load_idx %arg15[%add3A_84, %and3A_1436] : memref<64x64xf32, #tpu.memory_space<vmem>>[vector<16xi32>, vector<16xi32>], vector<16xf32>,
        %add3A_1440 = arith.addi %mul3A_99, %and3A_1436 : vector<16xi32>
        %gather3A_1441 = tpu.vector_load_idx %arg10[%add3A_1440] : memref<64000xf32, #tpu.memory_space<vmem>>[vector<16xi32>], vector<16xf32>,
        %mul3A_1442 = arith.mulf %gather3A_103, %gather3A_1441 : vector<16xf32>
        %add3A_1443 = arith.addf %gather3A_1439, %mul3A_1442 : vector<16xf32>
        %add3A_1444 = arith.addi %mul3A_116, %and3A_1436 : vector<16xi32>
        %gather3A_1445 = tpu.vector_load_idx %arg10[%add3A_1444] : memref<64000xf32, #tpu.memory_space<vmem>>[vector<16xi32>], vector<16xf32>,
        %mul3A_1446 = arith.mulf %gather3A_120, %gather3A_1445 : vector<16xf32>
        %add3A_1447 = arith.addf %add3A_1443, %mul3A_1446 : vector<16xf32>
        %add3A_1448 = arith.addi %mul3A_133, %and3A_1436 : vector<16xi32>
        %gather3A_1449 = tpu.vector_load_idx %arg10[%add3A_1448] : memref<64000xf32, #tpu.memory_space<vmem>>[vector<16xi32>], vector<16xf32>,
        %mul3A_1450 = arith.mulf %gather3A_137, %gather3A_1449 : vector<16xf32>
        %add3A_1451 = arith.addf %add3A_1447, %mul3A_1450 : vector<16xf32>
        %add3A_1452 = arith.addi %mul3A_150, %and3A_1436 : vector<16xi32>
        %gather3A_1453 = tpu.vector_load_idx %arg10[%add3A_1452] : memref<64000xf32, #tpu.memory_space<vmem>>[vector<16xi32>], vector<16xf32>,
        %mul3A_1454 = arith.mulf %gather3A_154, %gather3A_1453 : vector<16xf32>
        %add3A_1455 = arith.addf %add3A_1451, %mul3A_1454 : vector<16xf32>
        %mul3A_1456 = arith.mulf %gather3A_1438, %add3A_1455 : vector<16xf32>
        %add3A_1457 = arith.addf %add3A_1349, %mul3A_1456 : vector<16xf32>
        %add3A_1458 = arith.constant 48 : i32
        %add3A_1459 = vector.broadcast %add3A_1458 : i32 to vector<16xi32>
        %add3A_1460 = arith.addi %iota3A, %add3A_1459 : vector<16xi32>
        %and3A_1461 = arith.constant 63 : i32
        %and3A_1462 = vector.broadcast %and3A_1461 : i32 to vector<16xi32>
        %and3A_1463 = arith.andi %add3A_1460, %and3A_1462 : vector<16xi32>
        %add3A_1464 = arith.addi %get3A_90, %and3A_1463 : vector<16xi32>
        %gather3A_1465 = tpu.vector_load_idx %arg9[%add3A_1464] : memref<32768xf32, #tpu.memory_space<vmem>>[vector<16xi32>], vector<16xf32>,
        %gather3A_1466 = tpu.vector_load_idx %arg15[%add3A_84, %and3A_1463] : memref<64x64xf32, #tpu.memory_space<vmem>>[vector<16xi32>, vector<16xi32>], vector<16xf32>,
        %add3A_1467 = arith.addi %mul3A_99, %and3A_1463 : vector<16xi32>
        %gather3A_1468 = tpu.vector_load_idx %arg10[%add3A_1467] : memref<64000xf32, #tpu.memory_space<vmem>>[vector<16xi32>], vector<16xf32>,
        %mul3A_1469 = arith.mulf %gather3A_103, %gather3A_1468 : vector<16xf32>
        %add3A_1470 = arith.addf %gather3A_1466, %mul3A_1469 : vector<16xf32>
        %add3A_1471 = arith.addi %mul3A_116, %and3A_1463 : vector<16xi32>
        %gather3A_1472 = tpu.vector_load_idx %arg10[%add3A_1471] : memref<64000xf32, #tpu.memory_space<vmem>>[vector<16xi32>], vector<16xf32>,
        %mul3A_1473 = arith.mulf %gather3A_120, %gather3A_1472 : vector<16xf32>
        %add3A_1474 = arith.addf %add3A_1470, %mul3A_1473 : vector<16xf32>
        %add3A_1475 = arith.addi %mul3A_133, %and3A_1463 : vector<16xi32>
        %gather3A_1476 = tpu.vector_load_idx %arg10[%add3A_1475] : memref<64000xf32, #tpu.memory_space<vmem>>[vector<16xi32>], vector<16xf32>,
        %mul3A_1477 = arith.mulf %gather3A_137, %gather3A_1476 : vector<16xf32>
        %add3A_1478 = arith.addf %add3A_1474, %mul3A_1477 : vector<16xf32>
        %add3A_1479 = arith.addi %mul3A_150, %and3A_1463 : vector<16xi32>
        %gather3A_1480 = tpu.vector_load_idx %arg10[%add3A_1479] : memref<64000xf32, #tpu.memory_space<vmem>>[vector<16xi32>], vector<16xf32>,
        %mul3A_1481 = arith.mulf %gather3A_154, %gather3A_1480 : vector<16xf32>
        %add3A_1482 = arith.addf %add3A_1478, %mul3A_1481 : vector<16xf32>
        %mul3A_1483 = arith.mulf %gather3A_1465, %add3A_1482 : vector<16xf32>
        %add3A_1484 = arith.addf %add3A_1376, %mul3A_1483 : vector<16xf32>
        %add3A_1485 = arith.constant 49 : i32
        %add3A_1486 = vector.broadcast %add3A_1485 : i32 to vector<16xi32>
        %add3A_1487 = arith.addi %iota3A, %add3A_1486 : vector<16xi32>
        %and3A_1488 = arith.constant 63 : i32
        %and3A_1489 = vector.broadcast %and3A_1488 : i32 to vector<16xi32>
        %and3A_1490 = arith.andi %add3A_1487, %and3A_1489 : vector<16xi32>
        %add3A_1491 = arith.addi %get3A_90, %and3A_1490 : vector<16xi32>
        %gather3A_1492 = tpu.vector_load_idx %arg9[%add3A_1491] : memref<32768xf32, #tpu.memory_space<vmem>>[vector<16xi32>], vector<16xf32>,
        %gather3A_1493 = tpu.vector_load_idx %arg15[%add3A_84, %and3A_1490] : memref<64x64xf32, #tpu.memory_space<vmem>>[vector<16xi32>, vector<16xi32>], vector<16xf32>,
        %add3A_1494 = arith.addi %mul3A_99, %and3A_1490 : vector<16xi32>
        %gather3A_1495 = tpu.vector_load_idx %arg10[%add3A_1494] : memref<64000xf32, #tpu.memory_space<vmem>>[vector<16xi32>], vector<16xf32>,
        %mul3A_1496 = arith.mulf %gather3A_103, %gather3A_1495 : vector<16xf32>
        %add3A_1497 = arith.addf %gather3A_1493, %mul3A_1496 : vector<16xf32>
        %add3A_1498 = arith.addi %mul3A_116, %and3A_1490 : vector<16xi32>
        %gather3A_1499 = tpu.vector_load_idx %arg10[%add3A_1498] : memref<64000xf32, #tpu.memory_space<vmem>>[vector<16xi32>], vector<16xf32>,
        %mul3A_1500 = arith.mulf %gather3A_120, %gather3A_1499 : vector<16xf32>
        %add3A_1501 = arith.addf %add3A_1497, %mul3A_1500 : vector<16xf32>
        %add3A_1502 = arith.addi %mul3A_133, %and3A_1490 : vector<16xi32>
        %gather3A_1503 = tpu.vector_load_idx %arg10[%add3A_1502] : memref<64000xf32, #tpu.memory_space<vmem>>[vector<16xi32>], vector<16xf32>,
        %mul3A_1504 = arith.mulf %gather3A_137, %gather3A_1503 : vector<16xf32>
        %add3A_1505 = arith.addf %add3A_1501, %mul3A_1504 : vector<16xf32>
        %add3A_1506 = arith.addi %mul3A_150, %and3A_1490 : vector<16xi32>
        %gather3A_1507 = tpu.vector_load_idx %arg10[%add3A_1506] : memref<64000xf32, #tpu.memory_space<vmem>>[vector<16xi32>], vector<16xf32>,
        %mul3A_1508 = arith.mulf %gather3A_154, %gather3A_1507 : vector<16xf32>
        %add3A_1509 = arith.addf %add3A_1505, %mul3A_1508 : vector<16xf32>
        %mul3A_1510 = arith.mulf %gather3A_1492, %add3A_1509 : vector<16xf32>
        %add3A_1511 = arith.addf %add3A_1403, %mul3A_1510 : vector<16xf32>
        %add3A_1512 = arith.constant 50 : i32
        %add3A_1513 = vector.broadcast %add3A_1512 : i32 to vector<16xi32>
        %add3A_1514 = arith.addi %iota3A, %add3A_1513 : vector<16xi32>
        %and3A_1515 = arith.constant 63 : i32
        %and3A_1516 = vector.broadcast %and3A_1515 : i32 to vector<16xi32>
        %and3A_1517 = arith.andi %add3A_1514, %and3A_1516 : vector<16xi32>
        %add3A_1518 = arith.addi %get3A_90, %and3A_1517 : vector<16xi32>
        %gather3A_1519 = tpu.vector_load_idx %arg9[%add3A_1518] : memref<32768xf32, #tpu.memory_space<vmem>>[vector<16xi32>], vector<16xf32>,
        %gather3A_1520 = tpu.vector_load_idx %arg15[%add3A_84, %and3A_1517] : memref<64x64xf32, #tpu.memory_space<vmem>>[vector<16xi32>, vector<16xi32>], vector<16xf32>,
        %add3A_1521 = arith.addi %mul3A_99, %and3A_1517 : vector<16xi32>
        %gather3A_1522 = tpu.vector_load_idx %arg10[%add3A_1521] : memref<64000xf32, #tpu.memory_space<vmem>>[vector<16xi32>], vector<16xf32>,
        %mul3A_1523 = arith.mulf %gather3A_103, %gather3A_1522 : vector<16xf32>
        %add3A_1524 = arith.addf %gather3A_1520, %mul3A_1523 : vector<16xf32>
        %add3A_1525 = arith.addi %mul3A_116, %and3A_1517 : vector<16xi32>
        %gather3A_1526 = tpu.vector_load_idx %arg10[%add3A_1525] : memref<64000xf32, #tpu.memory_space<vmem>>[vector<16xi32>], vector<16xf32>,
        %mul3A_1527 = arith.mulf %gather3A_120, %gather3A_1526 : vector<16xf32>
        %add3A_1528 = arith.addf %add3A_1524, %mul3A_1527 : vector<16xf32>
        %add3A_1529 = arith.addi %mul3A_133, %and3A_1517 : vector<16xi32>
        %gather3A_1530 = tpu.vector_load_idx %arg10[%add3A_1529] : memref<64000xf32, #tpu.memory_space<vmem>>[vector<16xi32>], vector<16xf32>,
        %mul3A_1531 = arith.mulf %gather3A_137, %gather3A_1530 : vector<16xf32>
        %add3A_1532 = arith.addf %add3A_1528, %mul3A_1531 : vector<16xf32>
        %add3A_1533 = arith.addi %mul3A_150, %and3A_1517 : vector<16xi32>
        %gather3A_1534 = tpu.vector_load_idx %arg10[%add3A_1533] : memref<64000xf32, #tpu.memory_space<vmem>>[vector<16xi32>], vector<16xf32>,
        %mul3A_1535 = arith.mulf %gather3A_154, %gather3A_1534 : vector<16xf32>
        %add3A_1536 = arith.addf %add3A_1532, %mul3A_1535 : vector<16xf32>
        %mul3A_1537 = arith.mulf %gather3A_1519, %add3A_1536 : vector<16xf32>
        %add3A_1538 = arith.addf %add3A_1430, %mul3A_1537 : vector<16xf32>
        %add3A_1539 = arith.constant 51 : i32
        %add3A_1540 = vector.broadcast %add3A_1539 : i32 to vector<16xi32>
        %add3A_1541 = arith.addi %iota3A, %add3A_1540 : vector<16xi32>
        %and3A_1542 = arith.constant 63 : i32
        %and3A_1543 = vector.broadcast %and3A_1542 : i32 to vector<16xi32>
        %and3A_1544 = arith.andi %add3A_1541, %and3A_1543 : vector<16xi32>
        %add3A_1545 = arith.addi %get3A_90, %and3A_1544 : vector<16xi32>
        %gather3A_1546 = tpu.vector_load_idx %arg9[%add3A_1545] : memref<32768xf32, #tpu.memory_space<vmem>>[vector<16xi32>], vector<16xf32>,
        %gather3A_1547 = tpu.vector_load_idx %arg15[%add3A_84, %and3A_1544] : memref<64x64xf32, #tpu.memory_space<vmem>>[vector<16xi32>, vector<16xi32>], vector<16xf32>,
        %add3A_1548 = arith.addi %mul3A_99, %and3A_1544 : vector<16xi32>
        %gather3A_1549 = tpu.vector_load_idx %arg10[%add3A_1548] : memref<64000xf32, #tpu.memory_space<vmem>>[vector<16xi32>], vector<16xf32>,
        %mul3A_1550 = arith.mulf %gather3A_103, %gather3A_1549 : vector<16xf32>
        %add3A_1551 = arith.addf %gather3A_1547, %mul3A_1550 : vector<16xf32>
        %add3A_1552 = arith.addi %mul3A_116, %and3A_1544 : vector<16xi32>
        %gather3A_1553 = tpu.vector_load_idx %arg10[%add3A_1552] : memref<64000xf32, #tpu.memory_space<vmem>>[vector<16xi32>], vector<16xf32>,
        %mul3A_1554 = arith.mulf %gather3A_120, %gather3A_1553 : vector<16xf32>
        %add3A_1555 = arith.addf %add3A_1551, %mul3A_1554 : vector<16xf32>
        %add3A_1556 = arith.addi %mul3A_133, %and3A_1544 : vector<16xi32>
        %gather3A_1557 = tpu.vector_load_idx %arg10[%add3A_1556] : memref<64000xf32, #tpu.memory_space<vmem>>[vector<16xi32>], vector<16xf32>,
        %mul3A_1558 = arith.mulf %gather3A_137, %gather3A_1557 : vector<16xf32>
        %add3A_1559 = arith.addf %add3A_1555, %mul3A_1558 : vector<16xf32>
        %add3A_1560 = arith.addi %mul3A_150, %and3A_1544 : vector<16xi32>
        %gather3A_1561 = tpu.vector_load_idx %arg10[%add3A_1560] : memref<64000xf32, #tpu.memory_space<vmem>>[vector<16xi32>], vector<16xf32>,
        %mul3A_1562 = arith.mulf %gather3A_154, %gather3A_1561 : vector<16xf32>
        %add3A_1563 = arith.addf %add3A_1559, %mul3A_1562 : vector<16xf32>
        %mul3A_1564 = arith.mulf %gather3A_1546, %add3A_1563 : vector<16xf32>
        %add3A_1565 = arith.addf %add3A_1457, %mul3A_1564 : vector<16xf32>
        %add3A_1566 = arith.constant 52 : i32
        %add3A_1567 = vector.broadcast %add3A_1566 : i32 to vector<16xi32>
        %add3A_1568 = arith.addi %iota3A, %add3A_1567 : vector<16xi32>
        %and3A_1569 = arith.constant 63 : i32
        %and3A_1570 = vector.broadcast %and3A_1569 : i32 to vector<16xi32>
        %and3A_1571 = arith.andi %add3A_1568, %and3A_1570 : vector<16xi32>
        %add3A_1572 = arith.addi %get3A_90, %and3A_1571 : vector<16xi32>
        %gather3A_1573 = tpu.vector_load_idx %arg9[%add3A_1572] : memref<32768xf32, #tpu.memory_space<vmem>>[vector<16xi32>], vector<16xf32>,
        %gather3A_1574 = tpu.vector_load_idx %arg15[%add3A_84, %and3A_1571] : memref<64x64xf32, #tpu.memory_space<vmem>>[vector<16xi32>, vector<16xi32>], vector<16xf32>,
        %add3A_1575 = arith.addi %mul3A_99, %and3A_1571 : vector<16xi32>
        %gather3A_1576 = tpu.vector_load_idx %arg10[%add3A_1575] : memref<64000xf32, #tpu.memory_space<vmem>>[vector<16xi32>], vector<16xf32>,
        %mul3A_1577 = arith.mulf %gather3A_103, %gather3A_1576 : vector<16xf32>
        %add3A_1578 = arith.addf %gather3A_1574, %mul3A_1577 : vector<16xf32>
        %add3A_1579 = arith.addi %mul3A_116, %and3A_1571 : vector<16xi32>
        %gather3A_1580 = tpu.vector_load_idx %arg10[%add3A_1579] : memref<64000xf32, #tpu.memory_space<vmem>>[vector<16xi32>], vector<16xf32>,
        %mul3A_1581 = arith.mulf %gather3A_120, %gather3A_1580 : vector<16xf32>
        %add3A_1582 = arith.addf %add3A_1578, %mul3A_1581 : vector<16xf32>
        %add3A_1583 = arith.addi %mul3A_133, %and3A_1571 : vector<16xi32>
        %gather3A_1584 = tpu.vector_load_idx %arg10[%add3A_1583] : memref<64000xf32, #tpu.memory_space<vmem>>[vector<16xi32>], vector<16xf32>,
        %mul3A_1585 = arith.mulf %gather3A_137, %gather3A_1584 : vector<16xf32>
        %add3A_1586 = arith.addf %add3A_1582, %mul3A_1585 : vector<16xf32>
        %add3A_1587 = arith.addi %mul3A_150, %and3A_1571 : vector<16xi32>
        %gather3A_1588 = tpu.vector_load_idx %arg10[%add3A_1587] : memref<64000xf32, #tpu.memory_space<vmem>>[vector<16xi32>], vector<16xf32>,
        %mul3A_1589 = arith.mulf %gather3A_154, %gather3A_1588 : vector<16xf32>
        %add3A_1590 = arith.addf %add3A_1586, %mul3A_1589 : vector<16xf32>
        %mul3A_1591 = arith.mulf %gather3A_1573, %add3A_1590 : vector<16xf32>
        %add3A_1592 = arith.addf %add3A_1484, %mul3A_1591 : vector<16xf32>
        %add3A_1593 = arith.constant 53 : i32
        %add3A_1594 = vector.broadcast %add3A_1593 : i32 to vector<16xi32>
        %add3A_1595 = arith.addi %iota3A, %add3A_1594 : vector<16xi32>
        %and3A_1596 = arith.constant 63 : i32
        %and3A_1597 = vector.broadcast %and3A_1596 : i32 to vector<16xi32>
        %and3A_1598 = arith.andi %add3A_1595, %and3A_1597 : vector<16xi32>
        %add3A_1599 = arith.addi %get3A_90, %and3A_1598 : vector<16xi32>
        %gather3A_1600 = tpu.vector_load_idx %arg9[%add3A_1599] : memref<32768xf32, #tpu.memory_space<vmem>>[vector<16xi32>], vector<16xf32>,
        %gather3A_1601 = tpu.vector_load_idx %arg15[%add3A_84, %and3A_1598] : memref<64x64xf32, #tpu.memory_space<vmem>>[vector<16xi32>, vector<16xi32>], vector<16xf32>,
        %add3A_1602 = arith.addi %mul3A_99, %and3A_1598 : vector<16xi32>
        %gather3A_1603 = tpu.vector_load_idx %arg10[%add3A_1602] : memref<64000xf32, #tpu.memory_space<vmem>>[vector<16xi32>], vector<16xf32>,
        %mul3A_1604 = arith.mulf %gather3A_103, %gather3A_1603 : vector<16xf32>
        %add3A_1605 = arith.addf %gather3A_1601, %mul3A_1604 : vector<16xf32>
        %add3A_1606 = arith.addi %mul3A_116, %and3A_1598 : vector<16xi32>
        %gather3A_1607 = tpu.vector_load_idx %arg10[%add3A_1606] : memref<64000xf32, #tpu.memory_space<vmem>>[vector<16xi32>], vector<16xf32>,
        %mul3A_1608 = arith.mulf %gather3A_120, %gather3A_1607 : vector<16xf32>
        %add3A_1609 = arith.addf %add3A_1605, %mul3A_1608 : vector<16xf32>
        %add3A_1610 = arith.addi %mul3A_133, %and3A_1598 : vector<16xi32>
        %gather3A_1611 = tpu.vector_load_idx %arg10[%add3A_1610] : memref<64000xf32, #tpu.memory_space<vmem>>[vector<16xi32>], vector<16xf32>,
        %mul3A_1612 = arith.mulf %gather3A_137, %gather3A_1611 : vector<16xf32>
        %add3A_1613 = arith.addf %add3A_1609, %mul3A_1612 : vector<16xf32>
        %add3A_1614 = arith.addi %mul3A_150, %and3A_1598 : vector<16xi32>
        %gather3A_1615 = tpu.vector_load_idx %arg10[%add3A_1614] : memref<64000xf32, #tpu.memory_space<vmem>>[vector<16xi32>], vector<16xf32>,
        %mul3A_1616 = arith.mulf %gather3A_154, %gather3A_1615 : vector<16xf32>
        %add3A_1617 = arith.addf %add3A_1613, %mul3A_1616 : vector<16xf32>
        %mul3A_1618 = arith.mulf %gather3A_1600, %add3A_1617 : vector<16xf32>
        %add3A_1619 = arith.addf %add3A_1511, %mul3A_1618 : vector<16xf32>
        %add3A_1620 = arith.constant 54 : i32
        %add3A_1621 = vector.broadcast %add3A_1620 : i32 to vector<16xi32>
        %add3A_1622 = arith.addi %iota3A, %add3A_1621 : vector<16xi32>
        %and3A_1623 = arith.constant 63 : i32
        %and3A_1624 = vector.broadcast %and3A_1623 : i32 to vector<16xi32>
        %and3A_1625 = arith.andi %add3A_1622, %and3A_1624 : vector<16xi32>
        %add3A_1626 = arith.addi %get3A_90, %and3A_1625 : vector<16xi32>
        %gather3A_1627 = tpu.vector_load_idx %arg9[%add3A_1626] : memref<32768xf32, #tpu.memory_space<vmem>>[vector<16xi32>], vector<16xf32>,
        %gather3A_1628 = tpu.vector_load_idx %arg15[%add3A_84, %and3A_1625] : memref<64x64xf32, #tpu.memory_space<vmem>>[vector<16xi32>, vector<16xi32>], vector<16xf32>,
        %add3A_1629 = arith.addi %mul3A_99, %and3A_1625 : vector<16xi32>
        %gather3A_1630 = tpu.vector_load_idx %arg10[%add3A_1629] : memref<64000xf32, #tpu.memory_space<vmem>>[vector<16xi32>], vector<16xf32>,
        %mul3A_1631 = arith.mulf %gather3A_103, %gather3A_1630 : vector<16xf32>
        %add3A_1632 = arith.addf %gather3A_1628, %mul3A_1631 : vector<16xf32>
        %add3A_1633 = arith.addi %mul3A_116, %and3A_1625 : vector<16xi32>
        %gather3A_1634 = tpu.vector_load_idx %arg10[%add3A_1633] : memref<64000xf32, #tpu.memory_space<vmem>>[vector<16xi32>], vector<16xf32>,
        %mul3A_1635 = arith.mulf %gather3A_120, %gather3A_1634 : vector<16xf32>
        %add3A_1636 = arith.addf %add3A_1632, %mul3A_1635 : vector<16xf32>
        %add3A_1637 = arith.addi %mul3A_133, %and3A_1625 : vector<16xi32>
        %gather3A_1638 = tpu.vector_load_idx %arg10[%add3A_1637] : memref<64000xf32, #tpu.memory_space<vmem>>[vector<16xi32>], vector<16xf32>,
        %mul3A_1639 = arith.mulf %gather3A_137, %gather3A_1638 : vector<16xf32>
        %add3A_1640 = arith.addf %add3A_1636, %mul3A_1639 : vector<16xf32>
        %add3A_1641 = arith.addi %mul3A_150, %and3A_1625 : vector<16xi32>
        %gather3A_1642 = tpu.vector_load_idx %arg10[%add3A_1641] : memref<64000xf32, #tpu.memory_space<vmem>>[vector<16xi32>], vector<16xf32>,
        %mul3A_1643 = arith.mulf %gather3A_154, %gather3A_1642 : vector<16xf32>
        %add3A_1644 = arith.addf %add3A_1640, %mul3A_1643 : vector<16xf32>
        %mul3A_1645 = arith.mulf %gather3A_1627, %add3A_1644 : vector<16xf32>
        %add3A_1646 = arith.addf %add3A_1538, %mul3A_1645 : vector<16xf32>
        %add3A_1647 = arith.constant 55 : i32
        %add3A_1648 = vector.broadcast %add3A_1647 : i32 to vector<16xi32>
        %add3A_1649 = arith.addi %iota3A, %add3A_1648 : vector<16xi32>
        %and3A_1650 = arith.constant 63 : i32
        %and3A_1651 = vector.broadcast %and3A_1650 : i32 to vector<16xi32>
        %and3A_1652 = arith.andi %add3A_1649, %and3A_1651 : vector<16xi32>
        %add3A_1653 = arith.addi %get3A_90, %and3A_1652 : vector<16xi32>
        %gather3A_1654 = tpu.vector_load_idx %arg9[%add3A_1653] : memref<32768xf32, #tpu.memory_space<vmem>>[vector<16xi32>], vector<16xf32>,
        %gather3A_1655 = tpu.vector_load_idx %arg15[%add3A_84, %and3A_1652] : memref<64x64xf32, #tpu.memory_space<vmem>>[vector<16xi32>, vector<16xi32>], vector<16xf32>,
        %add3A_1656 = arith.addi %mul3A_99, %and3A_1652 : vector<16xi32>
        %gather3A_1657 = tpu.vector_load_idx %arg10[%add3A_1656] : memref<64000xf32, #tpu.memory_space<vmem>>[vector<16xi32>], vector<16xf32>,
        %mul3A_1658 = arith.mulf %gather3A_103, %gather3A_1657 : vector<16xf32>
        %add3A_1659 = arith.addf %gather3A_1655, %mul3A_1658 : vector<16xf32>
        %add3A_1660 = arith.addi %mul3A_116, %and3A_1652 : vector<16xi32>
        %gather3A_1661 = tpu.vector_load_idx %arg10[%add3A_1660] : memref<64000xf32, #tpu.memory_space<vmem>>[vector<16xi32>], vector<16xf32>,
        %mul3A_1662 = arith.mulf %gather3A_120, %gather3A_1661 : vector<16xf32>
        %add3A_1663 = arith.addf %add3A_1659, %mul3A_1662 : vector<16xf32>
        %add3A_1664 = arith.addi %mul3A_133, %and3A_1652 : vector<16xi32>
        %gather3A_1665 = tpu.vector_load_idx %arg10[%add3A_1664] : memref<64000xf32, #tpu.memory_space<vmem>>[vector<16xi32>], vector<16xf32>,
        %mul3A_1666 = arith.mulf %gather3A_137, %gather3A_1665 : vector<16xf32>
        %add3A_1667 = arith.addf %add3A_1663, %mul3A_1666 : vector<16xf32>
        %add3A_1668 = arith.addi %mul3A_150, %and3A_1652 : vector<16xi32>
        %gather3A_1669 = tpu.vector_load_idx %arg10[%add3A_1668] : memref<64000xf32, #tpu.memory_space<vmem>>[vector<16xi32>], vector<16xf32>,
        %mul3A_1670 = arith.mulf %gather3A_154, %gather3A_1669 : vector<16xf32>
        %add3A_1671 = arith.addf %add3A_1667, %mul3A_1670 : vector<16xf32>
        %mul3A_1672 = arith.mulf %gather3A_1654, %add3A_1671 : vector<16xf32>
        %add3A_1673 = arith.addf %add3A_1565, %mul3A_1672 : vector<16xf32>
        %add3A_1674 = arith.constant 56 : i32
        %add3A_1675 = vector.broadcast %add3A_1674 : i32 to vector<16xi32>
        %add3A_1676 = arith.addi %iota3A, %add3A_1675 : vector<16xi32>
        %and3A_1677 = arith.constant 63 : i32
        %and3A_1678 = vector.broadcast %and3A_1677 : i32 to vector<16xi32>
        %and3A_1679 = arith.andi %add3A_1676, %and3A_1678 : vector<16xi32>
        %add3A_1680 = arith.addi %get3A_90, %and3A_1679 : vector<16xi32>
        %gather3A_1681 = tpu.vector_load_idx %arg9[%add3A_1680] : memref<32768xf32, #tpu.memory_space<vmem>>[vector<16xi32>], vector<16xf32>,
        %gather3A_1682 = tpu.vector_load_idx %arg15[%add3A_84, %and3A_1679] : memref<64x64xf32, #tpu.memory_space<vmem>>[vector<16xi32>, vector<16xi32>], vector<16xf32>,
        %add3A_1683 = arith.addi %mul3A_99, %and3A_1679 : vector<16xi32>
        %gather3A_1684 = tpu.vector_load_idx %arg10[%add3A_1683] : memref<64000xf32, #tpu.memory_space<vmem>>[vector<16xi32>], vector<16xf32>,
        %mul3A_1685 = arith.mulf %gather3A_103, %gather3A_1684 : vector<16xf32>
        %add3A_1686 = arith.addf %gather3A_1682, %mul3A_1685 : vector<16xf32>
        %add3A_1687 = arith.addi %mul3A_116, %and3A_1679 : vector<16xi32>
        %gather3A_1688 = tpu.vector_load_idx %arg10[%add3A_1687] : memref<64000xf32, #tpu.memory_space<vmem>>[vector<16xi32>], vector<16xf32>,
        %mul3A_1689 = arith.mulf %gather3A_120, %gather3A_1688 : vector<16xf32>
        %add3A_1690 = arith.addf %add3A_1686, %mul3A_1689 : vector<16xf32>
        %add3A_1691 = arith.addi %mul3A_133, %and3A_1679 : vector<16xi32>
        %gather3A_1692 = tpu.vector_load_idx %arg10[%add3A_1691] : memref<64000xf32, #tpu.memory_space<vmem>>[vector<16xi32>], vector<16xf32>,
        %mul3A_1693 = arith.mulf %gather3A_137, %gather3A_1692 : vector<16xf32>
        %add3A_1694 = arith.addf %add3A_1690, %mul3A_1693 : vector<16xf32>
        %add3A_1695 = arith.addi %mul3A_150, %and3A_1679 : vector<16xi32>
        %gather3A_1696 = tpu.vector_load_idx %arg10[%add3A_1695] : memref<64000xf32, #tpu.memory_space<vmem>>[vector<16xi32>], vector<16xf32>,
        %mul3A_1697 = arith.mulf %gather3A_154, %gather3A_1696 : vector<16xf32>
        %add3A_1698 = arith.addf %add3A_1694, %mul3A_1697 : vector<16xf32>
        %mul3A_1699 = arith.mulf %gather3A_1681, %add3A_1698 : vector<16xf32>
        %add3A_1700 = arith.addf %add3A_1592, %mul3A_1699 : vector<16xf32>
        %add3A_1701 = arith.constant 57 : i32
        %add3A_1702 = vector.broadcast %add3A_1701 : i32 to vector<16xi32>
        %add3A_1703 = arith.addi %iota3A, %add3A_1702 : vector<16xi32>
        %and3A_1704 = arith.constant 63 : i32
        %and3A_1705 = vector.broadcast %and3A_1704 : i32 to vector<16xi32>
        %and3A_1706 = arith.andi %add3A_1703, %and3A_1705 : vector<16xi32>
        %add3A_1707 = arith.addi %get3A_90, %and3A_1706 : vector<16xi32>
        %gather3A_1708 = tpu.vector_load_idx %arg9[%add3A_1707] : memref<32768xf32, #tpu.memory_space<vmem>>[vector<16xi32>], vector<16xf32>,
        %gather3A_1709 = tpu.vector_load_idx %arg15[%add3A_84, %and3A_1706] : memref<64x64xf32, #tpu.memory_space<vmem>>[vector<16xi32>, vector<16xi32>], vector<16xf32>,
        %add3A_1710 = arith.addi %mul3A_99, %and3A_1706 : vector<16xi32>
        %gather3A_1711 = tpu.vector_load_idx %arg10[%add3A_1710] : memref<64000xf32, #tpu.memory_space<vmem>>[vector<16xi32>], vector<16xf32>,
        %mul3A_1712 = arith.mulf %gather3A_103, %gather3A_1711 : vector<16xf32>
        %add3A_1713 = arith.addf %gather3A_1709, %mul3A_1712 : vector<16xf32>
        %add3A_1714 = arith.addi %mul3A_116, %and3A_1706 : vector<16xi32>
        %gather3A_1715 = tpu.vector_load_idx %arg10[%add3A_1714] : memref<64000xf32, #tpu.memory_space<vmem>>[vector<16xi32>], vector<16xf32>,
        %mul3A_1716 = arith.mulf %gather3A_120, %gather3A_1715 : vector<16xf32>
        %add3A_1717 = arith.addf %add3A_1713, %mul3A_1716 : vector<16xf32>
        %add3A_1718 = arith.addi %mul3A_133, %and3A_1706 : vector<16xi32>
        %gather3A_1719 = tpu.vector_load_idx %arg10[%add3A_1718] : memref<64000xf32, #tpu.memory_space<vmem>>[vector<16xi32>], vector<16xf32>,
        %mul3A_1720 = arith.mulf %gather3A_137, %gather3A_1719 : vector<16xf32>
        %add3A_1721 = arith.addf %add3A_1717, %mul3A_1720 : vector<16xf32>
        %add3A_1722 = arith.addi %mul3A_150, %and3A_1706 : vector<16xi32>
        %gather3A_1723 = tpu.vector_load_idx %arg10[%add3A_1722] : memref<64000xf32, #tpu.memory_space<vmem>>[vector<16xi32>], vector<16xf32>,
        %mul3A_1724 = arith.mulf %gather3A_154, %gather3A_1723 : vector<16xf32>
        %add3A_1725 = arith.addf %add3A_1721, %mul3A_1724 : vector<16xf32>
        %mul3A_1726 = arith.mulf %gather3A_1708, %add3A_1725 : vector<16xf32>
        %add3A_1727 = arith.addf %add3A_1619, %mul3A_1726 : vector<16xf32>
        %add3A_1728 = arith.constant 58 : i32
        %add3A_1729 = vector.broadcast %add3A_1728 : i32 to vector<16xi32>
        %add3A_1730 = arith.addi %iota3A, %add3A_1729 : vector<16xi32>
        %and3A_1731 = arith.constant 63 : i32
        %and3A_1732 = vector.broadcast %and3A_1731 : i32 to vector<16xi32>
        %and3A_1733 = arith.andi %add3A_1730, %and3A_1732 : vector<16xi32>
        %add3A_1734 = arith.addi %get3A_90, %and3A_1733 : vector<16xi32>
        %gather3A_1735 = tpu.vector_load_idx %arg9[%add3A_1734] : memref<32768xf32, #tpu.memory_space<vmem>>[vector<16xi32>], vector<16xf32>,
        %gather3A_1736 = tpu.vector_load_idx %arg15[%add3A_84, %and3A_1733] : memref<64x64xf32, #tpu.memory_space<vmem>>[vector<16xi32>, vector<16xi32>], vector<16xf32>,
        %add3A_1737 = arith.addi %mul3A_99, %and3A_1733 : vector<16xi32>
        %gather3A_1738 = tpu.vector_load_idx %arg10[%add3A_1737] : memref<64000xf32, #tpu.memory_space<vmem>>[vector<16xi32>], vector<16xf32>,
        %mul3A_1739 = arith.mulf %gather3A_103, %gather3A_1738 : vector<16xf32>
        %add3A_1740 = arith.addf %gather3A_1736, %mul3A_1739 : vector<16xf32>
        %add3A_1741 = arith.addi %mul3A_116, %and3A_1733 : vector<16xi32>
        %gather3A_1742 = tpu.vector_load_idx %arg10[%add3A_1741] : memref<64000xf32, #tpu.memory_space<vmem>>[vector<16xi32>], vector<16xf32>,
        %mul3A_1743 = arith.mulf %gather3A_120, %gather3A_1742 : vector<16xf32>
        %add3A_1744 = arith.addf %add3A_1740, %mul3A_1743 : vector<16xf32>
        %add3A_1745 = arith.addi %mul3A_133, %and3A_1733 : vector<16xi32>
        %gather3A_1746 = tpu.vector_load_idx %arg10[%add3A_1745] : memref<64000xf32, #tpu.memory_space<vmem>>[vector<16xi32>], vector<16xf32>,
        %mul3A_1747 = arith.mulf %gather3A_137, %gather3A_1746 : vector<16xf32>
        %add3A_1748 = arith.addf %add3A_1744, %mul3A_1747 : vector<16xf32>
        %add3A_1749 = arith.addi %mul3A_150, %and3A_1733 : vector<16xi32>
        %gather3A_1750 = tpu.vector_load_idx %arg10[%add3A_1749] : memref<64000xf32, #tpu.memory_space<vmem>>[vector<16xi32>], vector<16xf32>,
        %mul3A_1751 = arith.mulf %gather3A_154, %gather3A_1750 : vector<16xf32>
        %add3A_1752 = arith.addf %add3A_1748, %mul3A_1751 : vector<16xf32>
        %mul3A_1753 = arith.mulf %gather3A_1735, %add3A_1752 : vector<16xf32>
        %add3A_1754 = arith.addf %add3A_1646, %mul3A_1753 : vector<16xf32>
        %add3A_1755 = arith.constant 59 : i32
        %add3A_1756 = vector.broadcast %add3A_1755 : i32 to vector<16xi32>
        %add3A_1757 = arith.addi %iota3A, %add3A_1756 : vector<16xi32>
        %and3A_1758 = arith.constant 63 : i32
        %and3A_1759 = vector.broadcast %and3A_1758 : i32 to vector<16xi32>
        %and3A_1760 = arith.andi %add3A_1757, %and3A_1759 : vector<16xi32>
        %add3A_1761 = arith.addi %get3A_90, %and3A_1760 : vector<16xi32>
        %gather3A_1762 = tpu.vector_load_idx %arg9[%add3A_1761] : memref<32768xf32, #tpu.memory_space<vmem>>[vector<16xi32>], vector<16xf32>,
        %gather3A_1763 = tpu.vector_load_idx %arg15[%add3A_84, %and3A_1760] : memref<64x64xf32, #tpu.memory_space<vmem>>[vector<16xi32>, vector<16xi32>], vector<16xf32>,
        %add3A_1764 = arith.addi %mul3A_99, %and3A_1760 : vector<16xi32>
        %gather3A_1765 = tpu.vector_load_idx %arg10[%add3A_1764] : memref<64000xf32, #tpu.memory_space<vmem>>[vector<16xi32>], vector<16xf32>,
        %mul3A_1766 = arith.mulf %gather3A_103, %gather3A_1765 : vector<16xf32>
        %add3A_1767 = arith.addf %gather3A_1763, %mul3A_1766 : vector<16xf32>
        %add3A_1768 = arith.addi %mul3A_116, %and3A_1760 : vector<16xi32>
        %gather3A_1769 = tpu.vector_load_idx %arg10[%add3A_1768] : memref<64000xf32, #tpu.memory_space<vmem>>[vector<16xi32>], vector<16xf32>,
        %mul3A_1770 = arith.mulf %gather3A_120, %gather3A_1769 : vector<16xf32>
        %add3A_1771 = arith.addf %add3A_1767, %mul3A_1770 : vector<16xf32>
        %add3A_1772 = arith.addi %mul3A_133, %and3A_1760 : vector<16xi32>
        %gather3A_1773 = tpu.vector_load_idx %arg10[%add3A_1772] : memref<64000xf32, #tpu.memory_space<vmem>>[vector<16xi32>], vector<16xf32>,
        %mul3A_1774 = arith.mulf %gather3A_137, %gather3A_1773 : vector<16xf32>
        %add3A_1775 = arith.addf %add3A_1771, %mul3A_1774 : vector<16xf32>
        %add3A_1776 = arith.addi %mul3A_150, %and3A_1760 : vector<16xi32>
        %gather3A_1777 = tpu.vector_load_idx %arg10[%add3A_1776] : memref<64000xf32, #tpu.memory_space<vmem>>[vector<16xi32>], vector<16xf32>,
        %mul3A_1778 = arith.mulf %gather3A_154, %gather3A_1777 : vector<16xf32>
        %add3A_1779 = arith.addf %add3A_1775, %mul3A_1778 : vector<16xf32>
        %mul3A_1780 = arith.mulf %gather3A_1762, %add3A_1779 : vector<16xf32>
        %add3A_1781 = arith.addf %add3A_1673, %mul3A_1780 : vector<16xf32>
        %add3A_1782 = arith.constant 60 : i32
        %add3A_1783 = vector.broadcast %add3A_1782 : i32 to vector<16xi32>
        %add3A_1784 = arith.addi %iota3A, %add3A_1783 : vector<16xi32>
        %and3A_1785 = arith.constant 63 : i32
        %and3A_1786 = vector.broadcast %and3A_1785 : i32 to vector<16xi32>
        %and3A_1787 = arith.andi %add3A_1784, %and3A_1786 : vector<16xi32>
        %add3A_1788 = arith.addi %get3A_90, %and3A_1787 : vector<16xi32>
        %gather3A_1789 = tpu.vector_load_idx %arg9[%add3A_1788] : memref<32768xf32, #tpu.memory_space<vmem>>[vector<16xi32>], vector<16xf32>,
        %gather3A_1790 = tpu.vector_load_idx %arg15[%add3A_84, %and3A_1787] : memref<64x64xf32, #tpu.memory_space<vmem>>[vector<16xi32>, vector<16xi32>], vector<16xf32>,
        %add3A_1791 = arith.addi %mul3A_99, %and3A_1787 : vector<16xi32>
        %gather3A_1792 = tpu.vector_load_idx %arg10[%add3A_1791] : memref<64000xf32, #tpu.memory_space<vmem>>[vector<16xi32>], vector<16xf32>,
        %mul3A_1793 = arith.mulf %gather3A_103, %gather3A_1792 : vector<16xf32>
        %add3A_1794 = arith.addf %gather3A_1790, %mul3A_1793 : vector<16xf32>
        %add3A_1795 = arith.addi %mul3A_116, %and3A_1787 : vector<16xi32>
        %gather3A_1796 = tpu.vector_load_idx %arg10[%add3A_1795] : memref<64000xf32, #tpu.memory_space<vmem>>[vector<16xi32>], vector<16xf32>,
        %mul3A_1797 = arith.mulf %gather3A_120, %gather3A_1796 : vector<16xf32>
        %add3A_1798 = arith.addf %add3A_1794, %mul3A_1797 : vector<16xf32>
        %add3A_1799 = arith.addi %mul3A_133, %and3A_1787 : vector<16xi32>
        %gather3A_1800 = tpu.vector_load_idx %arg10[%add3A_1799] : memref<64000xf32, #tpu.memory_space<vmem>>[vector<16xi32>], vector<16xf32>,
        %mul3A_1801 = arith.mulf %gather3A_137, %gather3A_1800 : vector<16xf32>
        %add3A_1802 = arith.addf %add3A_1798, %mul3A_1801 : vector<16xf32>
        %add3A_1803 = arith.addi %mul3A_150, %and3A_1787 : vector<16xi32>
        %gather3A_1804 = tpu.vector_load_idx %arg10[%add3A_1803] : memref<64000xf32, #tpu.memory_space<vmem>>[vector<16xi32>], vector<16xf32>,
        %mul3A_1805 = arith.mulf %gather3A_154, %gather3A_1804 : vector<16xf32>
        %add3A_1806 = arith.addf %add3A_1802, %mul3A_1805 : vector<16xf32>
        %mul3A_1807 = arith.mulf %gather3A_1789, %add3A_1806 : vector<16xf32>
        %add3A_1808 = arith.addf %add3A_1700, %mul3A_1807 : vector<16xf32>
        %add3A_1809 = arith.constant 61 : i32
        %add3A_1810 = vector.broadcast %add3A_1809 : i32 to vector<16xi32>
        %add3A_1811 = arith.addi %iota3A, %add3A_1810 : vector<16xi32>
        %and3A_1812 = arith.constant 63 : i32
        %and3A_1813 = vector.broadcast %and3A_1812 : i32 to vector<16xi32>
        %and3A_1814 = arith.andi %add3A_1811, %and3A_1813 : vector<16xi32>
        %add3A_1815 = arith.addi %get3A_90, %and3A_1814 : vector<16xi32>
        %gather3A_1816 = tpu.vector_load_idx %arg9[%add3A_1815] : memref<32768xf32, #tpu.memory_space<vmem>>[vector<16xi32>], vector<16xf32>,
        %gather3A_1817 = tpu.vector_load_idx %arg15[%add3A_84, %and3A_1814] : memref<64x64xf32, #tpu.memory_space<vmem>>[vector<16xi32>, vector<16xi32>], vector<16xf32>,
        %add3A_1818 = arith.addi %mul3A_99, %and3A_1814 : vector<16xi32>
        %gather3A_1819 = tpu.vector_load_idx %arg10[%add3A_1818] : memref<64000xf32, #tpu.memory_space<vmem>>[vector<16xi32>], vector<16xf32>,
        %mul3A_1820 = arith.mulf %gather3A_103, %gather3A_1819 : vector<16xf32>
        %add3A_1821 = arith.addf %gather3A_1817, %mul3A_1820 : vector<16xf32>
        %add3A_1822 = arith.addi %mul3A_116, %and3A_1814 : vector<16xi32>
        %gather3A_1823 = tpu.vector_load_idx %arg10[%add3A_1822] : memref<64000xf32, #tpu.memory_space<vmem>>[vector<16xi32>], vector<16xf32>,
        %mul3A_1824 = arith.mulf %gather3A_120, %gather3A_1823 : vector<16xf32>
        %add3A_1825 = arith.addf %add3A_1821, %mul3A_1824 : vector<16xf32>
        %add3A_1826 = arith.addi %mul3A_133, %and3A_1814 : vector<16xi32>
        %gather3A_1827 = tpu.vector_load_idx %arg10[%add3A_1826] : memref<64000xf32, #tpu.memory_space<vmem>>[vector<16xi32>], vector<16xf32>,
        %mul3A_1828 = arith.mulf %gather3A_137, %gather3A_1827 : vector<16xf32>
        %add3A_1829 = arith.addf %add3A_1825, %mul3A_1828 : vector<16xf32>
        %add3A_1830 = arith.addi %mul3A_150, %and3A_1814 : vector<16xi32>
        %gather3A_1831 = tpu.vector_load_idx %arg10[%add3A_1830] : memref<64000xf32, #tpu.memory_space<vmem>>[vector<16xi32>], vector<16xf32>,
        %mul3A_1832 = arith.mulf %gather3A_154, %gather3A_1831 : vector<16xf32>
        %add3A_1833 = arith.addf %add3A_1829, %mul3A_1832 : vector<16xf32>
        %mul3A_1834 = arith.mulf %gather3A_1816, %add3A_1833 : vector<16xf32>
        %add3A_1835 = arith.addf %add3A_1727, %mul3A_1834 : vector<16xf32>
        %add3A_1836 = arith.constant 62 : i32
        %add3A_1837 = vector.broadcast %add3A_1836 : i32 to vector<16xi32>
        %add3A_1838 = arith.addi %iota3A, %add3A_1837 : vector<16xi32>
        %and3A_1839 = arith.constant 63 : i32
        %and3A_1840 = vector.broadcast %and3A_1839 : i32 to vector<16xi32>
        %and3A_1841 = arith.andi %add3A_1838, %and3A_1840 : vector<16xi32>
        %add3A_1842 = arith.addi %get3A_90, %and3A_1841 : vector<16xi32>
        %gather3A_1843 = tpu.vector_load_idx %arg9[%add3A_1842] : memref<32768xf32, #tpu.memory_space<vmem>>[vector<16xi32>], vector<16xf32>,
        %gather3A_1844 = tpu.vector_load_idx %arg15[%add3A_84, %and3A_1841] : memref<64x64xf32, #tpu.memory_space<vmem>>[vector<16xi32>, vector<16xi32>], vector<16xf32>,
        %add3A_1845 = arith.addi %mul3A_99, %and3A_1841 : vector<16xi32>
        %gather3A_1846 = tpu.vector_load_idx %arg10[%add3A_1845] : memref<64000xf32, #tpu.memory_space<vmem>>[vector<16xi32>], vector<16xf32>,
        %mul3A_1847 = arith.mulf %gather3A_103, %gather3A_1846 : vector<16xf32>
        %add3A_1848 = arith.addf %gather3A_1844, %mul3A_1847 : vector<16xf32>
        %add3A_1849 = arith.addi %mul3A_116, %and3A_1841 : vector<16xi32>
        %gather3A_1850 = tpu.vector_load_idx %arg10[%add3A_1849] : memref<64000xf32, #tpu.memory_space<vmem>>[vector<16xi32>], vector<16xf32>,
        %mul3A_1851 = arith.mulf %gather3A_120, %gather3A_1850 : vector<16xf32>
        %add3A_1852 = arith.addf %add3A_1848, %mul3A_1851 : vector<16xf32>
        %add3A_1853 = arith.addi %mul3A_133, %and3A_1841 : vector<16xi32>
        %gather3A_1854 = tpu.vector_load_idx %arg10[%add3A_1853] : memref<64000xf32, #tpu.memory_space<vmem>>[vector<16xi32>], vector<16xf32>,
        %mul3A_1855 = arith.mulf %gather3A_137, %gather3A_1854 : vector<16xf32>
        %add3A_1856 = arith.addf %add3A_1852, %mul3A_1855 : vector<16xf32>
        %add3A_1857 = arith.addi %mul3A_150, %and3A_1841 : vector<16xi32>
        %gather3A_1858 = tpu.vector_load_idx %arg10[%add3A_1857] : memref<64000xf32, #tpu.memory_space<vmem>>[vector<16xi32>], vector<16xf32>,
        %mul3A_1859 = arith.mulf %gather3A_154, %gather3A_1858 : vector<16xf32>
        %add3A_1860 = arith.addf %add3A_1856, %mul3A_1859 : vector<16xf32>
        %mul3A_1861 = arith.mulf %gather3A_1843, %add3A_1860 : vector<16xf32>
        %add3A_1862 = arith.addf %add3A_1754, %mul3A_1861 : vector<16xf32>
        %add3A_1863 = arith.constant 63 : i32
        %add3A_1864 = vector.broadcast %add3A_1863 : i32 to vector<16xi32>
        %add3A_1865 = arith.addi %iota3A, %add3A_1864 : vector<16xi32>
        %and3A_1866 = arith.constant 63 : i32
        %and3A_1867 = vector.broadcast %and3A_1866 : i32 to vector<16xi32>
        %and3A_1868 = arith.andi %add3A_1865, %and3A_1867 : vector<16xi32>
        %add3A_1869 = arith.addi %get3A_90, %and3A_1868 : vector<16xi32>
        %gather3A_1870 = tpu.vector_load_idx %arg9[%add3A_1869] : memref<32768xf32, #tpu.memory_space<vmem>>[vector<16xi32>], vector<16xf32>,
        %gather3A_1871 = tpu.vector_load_idx %arg15[%add3A_84, %and3A_1868] : memref<64x64xf32, #tpu.memory_space<vmem>>[vector<16xi32>, vector<16xi32>], vector<16xf32>,
        %add3A_1872 = arith.addi %mul3A_99, %and3A_1868 : vector<16xi32>
        %gather3A_1873 = tpu.vector_load_idx %arg10[%add3A_1872] : memref<64000xf32, #tpu.memory_space<vmem>>[vector<16xi32>], vector<16xf32>,
        %mul3A_1874 = arith.mulf %gather3A_103, %gather3A_1873 : vector<16xf32>
        %add3A_1875 = arith.addf %gather3A_1871, %mul3A_1874 : vector<16xf32>
        %add3A_1876 = arith.addi %mul3A_116, %and3A_1868 : vector<16xi32>
        %gather3A_1877 = tpu.vector_load_idx %arg10[%add3A_1876] : memref<64000xf32, #tpu.memory_space<vmem>>[vector<16xi32>], vector<16xf32>,
        %mul3A_1878 = arith.mulf %gather3A_120, %gather3A_1877 : vector<16xf32>
        %add3A_1879 = arith.addf %add3A_1875, %mul3A_1878 : vector<16xf32>
        %add3A_1880 = arith.addi %mul3A_133, %and3A_1868 : vector<16xi32>
        %gather3A_1881 = tpu.vector_load_idx %arg10[%add3A_1880] : memref<64000xf32, #tpu.memory_space<vmem>>[vector<16xi32>], vector<16xf32>,
        %mul3A_1882 = arith.mulf %gather3A_137, %gather3A_1881 : vector<16xf32>
        %add3A_1883 = arith.addf %add3A_1879, %mul3A_1882 : vector<16xf32>
        %add3A_1884 = arith.addi %mul3A_150, %and3A_1868 : vector<16xi32>
        %gather3A_1885 = tpu.vector_load_idx %arg10[%add3A_1884] : memref<64000xf32, #tpu.memory_space<vmem>>[vector<16xi32>], vector<16xf32>,
        %mul3A_1886 = arith.mulf %gather3A_154, %gather3A_1885 : vector<16xf32>
        %add3A_1887 = arith.addf %add3A_1883, %mul3A_1886 : vector<16xf32>
        %mul3A_1888 = arith.mulf %gather3A_1870, %add3A_1887 : vector<16xf32>
        %add3A_1889 = arith.addf %add3A_1781, %mul3A_1888 : vector<16xf32>
        %add3A_1890 = arith.addf %add3A_1808, %add3A_1835 : vector<16xf32>
        %add3A_1891 = arith.addf %add3A_1862, %add3A_1889 : vector<16xf32>
        %add3A_1892 = arith.addf %add3A_1890, %add3A_1891 : vector<16xf32>
        %mul3A_1893 = arith.constant 2.000000e-01 : f32
        %mul3A_1894 = vector.broadcast %mul3A_1893 : f32 to vector<16xf32>
        %mul3A_1895 = arith.mulf %add3A_1892, %mul3A_1894 : vector<16xf32>
        %neg3A = arith.constant 0.000000e+00 : f32
        %neg3A_1896 = vector.broadcast %neg3A : f32 to vector<16xf32>
        %neg3A_1897 = arith.subf %neg3A_1896, %mul3A_1895 : vector<16xf32>
        %exp3A = math.exp %neg3A_1897 : vector<16xf32>
        %add3A_1898 = arith.constant 1.000000e+00 : f32
        %add3A_1899 = vector.broadcast %add3A_1898 : f32 to vector<16xf32>
        %add3A_1900 = arith.addf %add3A_1899, %exp3A : vector<16xf32>
        %div3A = arith.constant 1.000000e+00 : f32
        %div3A_1901 = vector.broadcast %div3A : f32 to vector<16xf32>
        %div3A_1902 = arith.divf %div3A_1901, %add3A_1900 : vector<16xf32>
        %swap3A = arith.index_cast %add3A_89 : i32 to index
        %swap3A_1903 = tpu.vector_load %arg17[%swap3A] {strides = array<i32>} : memref<3072xf32, #tpu.memory_space<vmem>>, vector<16xf32>,
        tpu.vector_store %arg17[%swap3A], %div3A_1902 {strides = array<i32>} : memref<3072xf32, #tpu.memory_space<vmem>>, vector<16xf32>,
      }
      %scan3A_75 = arith.constant 4 : i32
    }
    %scan3A_19 = arith.constant 24 : i32
    "tpu.region"() ({
      %run_scoped3A = tpu.sem_alloc : memref<!tpu.dma_semaphore, #tpu.memory_space<semaphore_mem>>
      %dma_start3A_20 = tpu.memref_slice %arg8[%mul3A_4] : memref<98304xf32, #tpu.memory_space<hbm>> -> memref<3072xf32, #tpu.memory_space<hbm>>
      %dma_start3A_21 = tpu.memref_slice %arg8[%mul3A_4] : memref<98304xf32, #tpu.memory_space<hbm>> -> memref<3072xf32, #tpu.memory_space<hbm>>
      tpu.enqueue_dma source(%arg17 : memref<3072xf32, #tpu.memory_space<vmem>>) target(%dma_start3A_21 : memref<3072xf32, #tpu.memory_space<hbm>>) target_semaphore(%run_scoped3A : memref<!tpu.dma_semaphore, #tpu.memory_space<semaphore_mem>>)
      %dma_wait3A = tpu.memref_slice %arg8[%mul3A_4] : memref<98304xf32, #tpu.memory_space<hbm>> -> memref<3072xf32, #tpu.memory_space<hbm>>
      %dma_wait3A_22 = tpu.memref_slice %arg8[%mul3A_4] : memref<98304xf32, #tpu.memory_space<hbm>> -> memref<3072xf32, #tpu.memory_space<hbm>>
      tpu.wait_dma2 semaphore(%run_scoped3A : memref<!tpu.dma_semaphore, #tpu.memory_space<semaphore_mem>>) src(%arg17 : memref<3072xf32, #tpu.memory_space<vmem>>) dst(%dma_wait3A_22 : memref<3072xf32, #tpu.memory_space<hbm>>)
      tpu.yield
    }) : () -> ()
    return
  }
}

</mosaic_0001>

<sc_bundles>
// kernel: kernel.3.cloned.1.call-start
scs
__scs_entry_jumppad:
0x0: {  	(pc) =	sbr.rel $0x88, $3  }
0x1: {  	(tag) =	ssettag $0x0;
	lr =	simm.s32 $0x1  }
0x2: {  	[smem:$0x3F9A] =	sst lr;
	_ =	strace $0xD0000000  }
0x3: {  	_ = 	snop  }
0x4: {  	_ = 	snop  }
0x5: {  	_ = 	snop  }
0x6: {  	_ = 	snop  }
0x7: {  	_ = 	snop  }
__scs_overlays_trampoline_lowered:
0x8: {  	[smem:$0x3FA9] =	sst s0  }
0x9: {  	[smem:$0x3FAA] =	sst s1  }
0xa: {  	[smem:$0x3FAB] =	sst s2  }
0xb: {  	[smem:$0x3FAC] =	sst s3  }
0xc: {  	[smem:$0x3FAD] =	sst s4  }
0xd: {  	[smem:$0x3FAE] =	sst s5  }
0xe: {  	[smem:$0x3FAF] =	sst s6  }
0xf: {  	[smem:$0x3FB0] =	sst s7  }
0x10: {  	[smem:$0x3FB1] =	sst s8  }
0x11: {  	[smem:$0x3FB2] =	sst s9;
	s0 =	simm.s32 @!p0 $0x0  }
0x12: {  	s1 =	sld [smem:$0x3F98];
	s0 =	simm.s32 @p0 $0x1  }
0x13: {  	[smem:$0x3FB3] =	sst s0;
	s0 =	simm.s32 @!p1 $0x0  }
0x14: {  	s2 =	sld [smem:$0x3F97];
	s0 =	simm.s32 @p1 $0x1  }
0x15: {  	[smem:$0x3FB4] =	sst s0;
	s0 =	simm.s32 @!p2 $0x0  }
0x16: {  	s3 =	sld [smem:$0x3FDB];
	s0 =	simm.s32 @p2 $0x1  }
0x17: {  	s4 =	simm.s32 $0x1BF5;
	[smem:$0x3FB6] =	sst s0  }
0x18: {  	s0 =	sld [smem:$0x3F99];
	_ =	swait.ge [sflag:s4], $0x0  }
0x19: {  	s7 =	sld [smem:$0x3F9A]  }
0x1a: {  	s8 =	sadd.s32 $0xFFFFE003, lr  }
0x1b: {  	s9 =	sadd.s32 $0xFFFFFEF7, lr;
	s5 =	simm.s32 $0xFFFFFFFF;
	p2 =	slt.u32 s8, $0xFFFFF086  }
0x1c: {  	p1 =	slt.u32 s9, $0xF7A;
	s5 =	simm.s32 @!p2 $0x0  }
0x1d: {  	s5 =	simm.s32 @p1 $0x1;
	p0 =	seq.s32 s7, s2  }
0x1e: {  	s7 =	smul.u32 @!p0 $0xF7A, s2;
	p2 =	seq.s32 @!p0 s5, $0x0  }
0x1f: {  	s9 =	smul.u32 $0xF7A, s1;
	s8 =	simm.s32 @!p0 $0x1BF5;
	p2 =	por !p2, p0  }
0x20: {  	[sflag:s8] =	ssyncset.s32 @!p0 $0xFFFFF086;
	s6 =	sadd.s32 @!p0 s3, s7;
	s7 =	simm.s32 @!p0 $0x108  }
0x21: {  	s3 =	sadd.s32 s3, s9;
	s6 =	sadd.s32 @!p0 $0x88, s6;
	s7 =	simm.s32 @p2 $0x1082  }
0x22: {  	[simem:s7], [sflag:s8] =	dma.local @!p0 [hbm:s6], $0xF7A  }
0x23: {  	s9 =	sor.u32 $0xD0000000, s2;
	s6 =	simm.s32 $0x108;
	_ =	swait.ge @!p0 [sflag:s8], $0x0  }
0x24: {  	s3 =	sadd.s32 $0x88, s3;
	s6 =	simm.s32 @!p1 $0x1082;
	[sflag:s4] =	ssyncset.s32 $0xFFFFF086  }
0x25: {  	[simem:s6], [sflag:s4] =	dma.local [hbm:s3], $0xF7A  }
0x26: {  	[smem:$0x3F9A] =	sst s1;
	(tag) =	ssettag s2;
	_ =	strace s9  }
0x27: {  	s1 =	sld [smem:$0x3FAA]  }
0x28: {  	s2 =	sld [smem:$0x3FAB]  }
0x29: {  	s4 =	sld [smem:$0x3FAD]  }
0x2a: {  	p0 =	seq.s32 s5, $0x0;
	s5 =	sld [smem:$0x3FAE]  }
0x2b: {  	s6 =	sld [smem:$0x3FAF]  }
0x2c: {  	s7 =	sld [smem:$0x3FB0]  }
0x2d: {  	s3 =	simm.s32 $0x108;
	s8 =	sld [smem:$0x3FB1]  }
0x2e: {  	s3 =	simm.s32 @!p0 $0x1082;
	s9 =	sld [smem:$0x3FB2]  }
0x2f: {  	lr =	sadd.s32 s0, s3;
	s0 =	sld [smem:$0x3FA9]  }
0x30: {  	s3 =	sld [smem:$0x3FAC]  }
0x31: {  	[smem:$0x3FB5] =	sst s10  }
0x32: {  	s10 =	sld [smem:$0x3FB3];
	_ =	sdelay $0x3  }
0x33: {  	p0 =	seq.s32 s10, $0x1;
	s10 =	sld [smem:$0x3FB5];
	_ =	sdelay $0x3  }
0x34: {  	[smem:$0x3FB5] =	sst s10  }
0x35: {  	s10 =	sld [smem:$0x3FB4];
	_ =	sdelay $0x3  }
0x36: {  	p1 =	seq.s32 s10, $0x1;
	s10 =	sld [smem:$0x3FB5];
	_ =	sdelay $0x3  }
0x37: {  	[smem:$0x3FB5] =	sst s10  }
0x38: {  	s10 =	sld [smem:$0x3FB6]  }
0x39: {  	_ = 	snop;
	(pc) =	sbr.ind lr, $3  }
0x3a: {  	_ = 	snop  }
0x3b: {  	_ = 	snop  }
0x3c: {  	p2 =	seq.s32 s10, $0x1;
	s10 =	sld [smem:$0x3FB5]  }
0x3d: {  	_ =	shalt  }
0x3e: {  	_ =	shalt  }
0x3f: {  	_ =	shalt  }
0x40: {  	_ =	shalt  }
0x41: {  	_ =	shalt  }
0x42: {  	_ =	shalt  }
0x43: {  	_ =	shalt  }
0x44: {  	_ =	shalt  }
0x45: {  	_ =	shalt  }
0x46: {  	_ =	shalt  }
0x47: {  	_ =	shalt  }
0x48: {  	_ =	shalt  }
0x49: {  	_ =	shalt  }
0x4a: {  	_ =	shalt  }
0x4b: {  	_ =	shalt  }
0x4c: {  	_ =	shalt  }
0x4d: {  	_ =	shalt  }
0x4e: {  	_ =	shalt  }
0x4f: {  	_ =	shalt  }
0x50: {  	_ =	shalt  }
0x51: {  	_ =	shalt  }
0x52: {  	_ =	shalt  }
0x53: {  	_ =	shalt  }
0x54: {  	_ =	shalt  }
0x55: {  	_ =	shalt  }
0x56: {  	_ =	shalt  }
0x57: {  	_ =	shalt  }
0x58: {  	_ =	shalt  }
0x59: {  	_ =	shalt  }
0x5a: {  	_ =	shalt  }
0x5b: {  	_ =	shalt  }
0x5c: {  	_ =	shalt  }
0x5d: {  	_ =	shalt  }
0x5e: {  	_ =	shalt  }
0x5f: {  	_ =	shalt  }
0x60: {  	_ =	shalt  }
0x61: {  	_ =	shalt  }
0x62: {  	_ =	shalt  }
0x63: {  	_ =	shalt  }
0x64: {  	_ =	shalt  }
0x65: {  	_ =	shalt  }
0x66: {  	_ =	shalt  }
0x67: {  	_ =	shalt  }
0x68: {  	_ =	shalt  }
0x69: {  	_ =	shalt  }
0x6a: {  	_ =	shalt  }
0x6b: {  	_ =	shalt  }
0x6c: {  	_ =	shalt  }
0x6d: {  	_ =	shalt  }
0x6e: {  	_ =	shalt  }
0x6f: {  	_ =	shalt  }
0x70: {  	_ =	shalt  }
0x71: {  	_ =	shalt  }
0x72: {  	_ =	shalt  }
0x73: {  	_ =	shalt  }
0x74: {  	_ =	shalt  }
0x75: {  	_ =	shalt  }
0x76: {  	_ =	shalt  }
0x77: {  	_ =	shalt  }
0x78: {  	_ =	shalt  }
0x79: {  	_ =	shalt  }
0x7a: {  	_ =	shalt  }
0x7b: {  	_ =	shalt  }
0x7c: {  	_ =	shalt  }
0x7d: {  	_ =	shalt  }
0x7e: {  	_ =	shalt  }
0x7f: {  	_ =	shalt  }
0x80: {  	_ =	shalt  }
0x81: {  	_ =	shalt  }
0x82: {  	_ =	shalt  }
0x83: {  	_ =	shalt  }
0x84: {  	_ =	shalt  }
0x85: {  	_ =	shalt  }
0x86: {  	_ =	shalt  }
0x87: {  	_ =	shalt  }
.Lfunc_end0:
.L_simem_size_0:
called_computation_lowered:
.L_overlay_start_0:
0x88: {  	s2 =	sld [smem:$0x3FD9]  }
0x89: {  	s3 =	sld [smem:$0x3FFE];
	_ =	sdelay $0x1  }
0x8a: {  	s1 =	srdreg.scid  }
0x8b: {  	s0 =	sand.u32 $0x1, s1  }
0x8c: {  	s14 =	sshll.u32 s0, $0xA;
	s2 =	sadd.s32 s3, s2  }
0x8d: {  	s2 =	sadd.s32 s2, s14  }
0x8e: {  	[smem:$0x3FC1] =	sst s2  }
0x8f: {  	_ = 	snop  }
0x90: {  	s2 =	sld [smem:$0x3FD0];
	_ =	sdelay $0x2  }
0x91: {  	s15 =	simm.s32 $0xA;
	s4 =	simm.s32 $0x10  }
0x92: {  	[smem:s4], [sflag:s15] =	dma.local [hbm:s2], $0x1  }
0x93: {  	_ =	swait.eq [sflag:s15], $0x1  }
0x94: {  	s16 =	sld [smem:$0x11];
	[sflag:s15] =	ssyncset.done $0x0  }
0x95: {  	s17 =	sld [smem:$0x12];
	[sflag:s15] =	ssyncadd.s32 $0xFFFFFFFF  }
0x96: {  	s18 =	sld [smem:$0x13];
	(tm) =	ssettm $0x1  }
0x97: {  	s5 =	sld [smem:$0x3FFB];
	_ =	sdelay $0x3  }
0x98: {  	_ =	strace s5  }
0x99: {  	s5 =	sld [smem:$0x3FFC];
	_ =	sdelay $0x3  }
0x9a: {  	_ =	strace s5  }
0x9b: {  	s5 =	sld [smem:$0x3FFD];
	_ =	sdelay $0x3  }
0x9c: {  	_ =	strace s5  }
0x9d: {  	_ =	strace $0x8FFFFFFF  }
0x9e: {  	s19 =	sld [smem:$0x3FDB];
	_ =	sdelay $0x1  }
0x9f: {  	s6 =	simm.s32 $_scs_section_size  }
0xa0: {  	s7 =	simm.s32 $_size__tile_overlayer_lowered;
	s8 =	simm.s32 $_tile_overlayer_lowered  }
0xa1: {  	s22 =	simm.s32 $0x1BFF;
	s21 =	sshll.u32 s8, $0x1;
	s5 =	sadd.s32 s6, s19  }
0xa2: {  	s9 =	simm.s32 $0x0;
	s20 =	sshll.u32 s7, $0x1;
	s7 =	sadd.s32 s21, s5  }
0xa3: {  	[timem:s9], [sflag:s22] =	dma.local [hbm:s7], s20  }
0xa4: {  	_ =	swait.ge [sflag:s22], s20  }
0xa5: {  	s6 =	ssub.s32 $0x0, s20;
	[sflag:s22] =	ssyncset.done $0x0  }
0xa6: {  	[sflag:s22] =	ssyncadd.s32 s6;
	_ =	sdelay $0x1  }
0xa7: {  	s23 =	simm.s32 $0x1B8B  }
0xa8: {  	_ =	swait.ge [sflag:s23], $0x1  }
0xa9: {  	[sflag:s23] =	ssyncset.done $0x0  }
0xaa: {  	s25 =	simm.s32 $0x1B8E;
	s24 =	sld [smem:$0x3FFE];
	[sflag:s23] =	ssyncadd.s32 $0xFFFFFFFF  }
0xab: {  	s26 =	simm.s32 $execute0_lowered;
	[smem:$0x3FD2] =	sst s25  }
0xac: {  	s7 =	sshll.u32 s26, $0x1;
	_ =	strace $0x80000046;
	[dreg:$0x1] =	wrdreg $0xFFFFFFFF  }
0xad: {  	s28 =	simm.s32 $_size_execute0_lowered;
	s5 =	sadd.s32 s5, s7;
	[dreg:$0x0] =	wrdreg $0x0  }
0xae: {  	s7 =	sshll.u32 s28, $0x1;
	[dreg:$0x2] =	wrdreg s5  }
0xaf: {  	[dreg:$0x3] =	wrdreg s7  }
0xb0: {  	[dreg:$0x4] =	wrdreg $0xC0  }
0xb1: {  	_ =	task [dreg:s9], $0x5FFFF  }
0xb2: {  	[dreg:$0x1] =	wrdreg $0xFFFFFFFF  }
0xb3: {  	[dreg:$0x0] =	wrdreg $0x60  }
0xb4: {  	[dreg:$0x2] =	wrdreg s24  }
0xb5: {  	[dreg:$0x3] =	wrdreg s18  }
0xb6: {  	[dreg:$0x4] =	wrdreg s16  }
0xb7: {  	[dreg:$0x5] =	wrdreg s17  }
0xb8: {  	[dreg:$0x6] =	wrdreg $0x9  }
0xb9: {  	_ =	task.clear_ibuf [dreg:s9], $0x7FFFF;
	_ =	strace $0x90000046  }
0xba: {  	s29 =	simm.s32 $0x9;
	_ =	strace $0x80000048  }
0xbb: {  	_ =	swait.ge [sflag:s29], $0x1  }
0xbc: {  	[sflag:s29] =	ssyncadd.s32 $0xFFFFFFFF  }
0xbd: {  	_ =	strace $0x90000048  }
0xbe: {  	_ =	sfence  }
0xbf: {  	s30 =	sld [smem:$0x0];
	_ =	sdelay $0x2  }
0xc0: {  	s31 =	sshll.u32 s1, $0xD;
	s1 =	sshrl.u32 s1, $0x2  }
0xc1: {  	s3 =	sand.u32 $0x4000, s31;
	s1 =	sadd.s32 s1, s30  }
0xc2: {  	s0 =	sor.u32 s3, s0;
	s1 =	sshll.u32 s1, $0x11  }
0xc3: {  	s0 =	sor.u32 s1, s0  }
0xc4: {  	s0 =	sadd.s32 $0x8F2B, s0  }
0xc5: {  	[sflag:s0] =	ssyncadd.remote.s32 $0x1  }
0xc6: {  	_ =	sfence.sel $0xFFFF  }
0xc7: {  	[dreg:$0x0] =	wrdreg $0xFFFFFFFF;
	(pc) =	sbr.abs _section_cstart, $3  }
0xc8: {  	[dreg:$0x1] =	wrdreg $0xFFFFFFFF  }
0xc9: {  	_ =	task.clear_ibuf [dreg:s9], $0x2FFFF;
	_ =	strace $0x9FFFFFFF  }
0xca: {  	(tm) =	ssettm $0x7FFFFFFF  }
0xcb: {  	_ =	shalt  }
tec
execute0_lowered:
.L_overlay_start_1:
0x0: {  	(tag) =	ssettag $0x1  }
0x1: {  	v16 =	vlaneseq.u32  }
0x2: {  	v0 =	vadd.s32 $0x8, v16  }
0x3: {  	v45 =	vadd.s32 $0x9, v16;
	[tilespmem:$0x1FB70] =	vst v0  }
0x4: {  	v46 =	vadd.s32 $0xA, v16;
	[tilespmem:$0x1FB80] =	vst v45  }
0x5: {  	v47 =	vadd.s32 $0xB, v16;
	[tilespmem:$0x1FB90] =	vst v46  }
0x6: {  	v48 =	vadd.s32 $0xC, v16;
	[tilespmem:$0x1FBA0] =	vst v47  }
0x7: {  	v49 =	vadd.s32 $0xD, v16;
	[tilespmem:$0x1FBB0] =	vst v48  }
0x8: {  	v50 =	vadd.s32 $0xE, v16;
	[tilespmem:$0x1FBC0] =	vst v49  }
0x9: {  	v52 =	vadd.s32 $0xF, v16;
	[tilespmem:$0x1FBD0] =	vst v50  }
0xa: {  	v53 =	vor.u32 $0x10, v16;
	[tilespmem:$0x1FBE0] =	vst v52  }
0xb: {  	v54 =	vadd.s32 $0x11, v16;
	[tilespmem:$0x1FBF0] =	vst v53  }
0xc: {  	v55 =	vadd.s32 $0x12, v16;
	[tilespmem:$0x1FC00] =	vst v54  }
0xd: {  	v56 =	vadd.s32 $0x13, v16;
	[tilespmem:$0x1FC10] =	vst v55  }
0xe: {  	v57 =	vadd.s32 $0x14, v16;
	[tilespmem:$0x1FC20] =	vst v56  }
0xf: {  	v58 =	vadd.s32 $0x15, v16;
	[tilespmem:$0x1FC30] =	vst v57  }
0x10: {  	v59 =	vadd.s32 $0x16, v16;
	[tilespmem:$0x1FC40] =	vst v58  }
0x11: {  	v60 =	vadd.s32 $0x17, v16;
	[tilespmem:$0x1FC50] =	vst v59  }
0x12: {  	v61 =	vadd.s32 $0x18, v16;
	[tilespmem:$0x1FC60] =	vst v60  }
0x13: {  	v62 =	vadd.s32 $0x19, v16;
	[tilespmem:$0x1FC70] =	vst v61  }
0x14: {  	v63 =	vadd.s32 $0x1A, v16;
	[tilespmem:$0x1FC80] =	vst v62  }
0x15: {  	v32 =	vimm.s32 $0x34333231;
	v4 =	vadd.s32 $0x1B, v16;
	[tilespmem:$0x1FC90] =	vst v63  }
0x16: {  	v35 =	vimm.s32 $0x38373635;
	v2 =	vimm.s32 $0x3C3B3A39;
	v5 =	vadd.s32 $0x1C, v16;
	[tilespmem:$0x1FCA0] =	vst v4  }
0x17: {  	v3 =	vimm.s32 $0x3F3E3D;
	vm0 =	vcmask $0x1F10;
	v6 =	vadd.s32 $0x1D, v16;
	[tilespmem:$0x1FCB0] =	vst v5  }
0x18: {  	v37 =	vimm.s32 $0x35343332;
	v39 =	vimm.s32 $0x39383736;
	v7 =	vadd.s32 $0x1E, v16;
	[tilespmem:$0x1FCC0] =	vst v6  }
0x19: {  	v40 =	vimm.s32 $0x3D3C3B3A;
	v8 =	vimm.s32 $0x3F3E3D3C;
	v12 =	vadd.s32 $0x1F, v16;
	[tilespmem:$0x1FCD0] =	vst v7  }
0x1a: {  	v9 =	vimm.s32 $0x37363534;
	v10 =	vimm.s32 $0x3B3A3938;
	v13 =	vor.u32 $0x20, v16;
	[tilespmem:$0x1FCE0] =	vst v12  }
0x1b: {  	v14 =	vadd.s32 $0x21, v16;
	v1 =	vadd.s32 $0x22, v16;
	v33 =	vadd.s32 $0x23, v16;
	[tilespmem:$0x1FCF0] =	vst v13  }
0x1c: {  	v36 =	vadd.s32 $0x24, v16;
	v41 =	vadd.s32 $0x25, v16;
	[tilespmem:$0x1FD00] =	vst v14;
	v0 =	vunpack.c.0.s8.s32 v32  }
0x1d: {  	[tilespmem:$0x1FD10] =	vst v1;
	v4 =	vunpack.c.0.s8.s32 v35;
	v5 =	vunpack.c.0.s8.s32 v2;
	v1 =	vunpack.c.0.s8.s32 v3  }
0x1e: {  	[tilespmem:$0x1FD20] =	vst v33;
	v2 =	vunpack.c.0.s8.s32 v37;
	v6 =	vimm.s32 $0x1003F3E;
	v7 =	vunpack.c.0.s8.s32 v39  }
0x1f: {  	v48 =	vimm.s32 $0x36353433;
	v49 =	vimm.s32 $0x3020100;
	v50 =	vimm.s32 $0x3A393837  }
0x20: {  	v52 =	vimm.s32 $0x201003F;
	v12 =	vunpack.c.0.s8.s32 v8;
	[tilespmem:$0x1FD40] =	vst v4;
	v0 =	vsel vm0, v4, v0  }
0x21: {  	[tilespmem:$0x1FD50] =	vst v5;
	v3 =	vsel vm0, v1, v5;
	v5 =	vunpack.c.0.s8.s32 v40;
	v4 =	vunpack.c.0.s8.s32 v6  }
0x22: {  	[tilespmem:$0x1FD30] =	vst v36;
	v8 =	vunpack.c.0.s8.s32 v9;
	v9 =	vunpack.c.0.s8.s32 v10;
	v53 =	vimm.s32 $0x87654321  }
0x23: {  	v57 =	vimm.s32 $0x4030201;
	[tilespmem:$0x1FD80] =	vst v5;
	v43 =	vsel vm0, v4, v5;
	v5 =	vunpack.c.0.s8.s32 v49  }
0x24: {  	[tilespmem:$0x1FD60] =	vst v41;
	v58 =	vimm.s32 $0x32107654;
	v54 =	vsel vm0, v9, v8;
	v8 =	vimm.s32 $0x5040302  }
0x25: {  	v37 =	vimm.s32 $0x6050403;
	[tilespmem:$0x1FD70] =	vst v7;
	v8 =	vunpack.c.0.s8.s32 v8;
	v5 =	vsel vm0, v5, v12  }
0x26: {  	s1 =	rddreg [dreg:$0x0];
	[tilespmem:$0x1FD90] =	vst v9;
	v6 =	vunpack.c.l.s4.s8 v53;
	v53 =	vcombine.low v54, v5;
	v5 =	vunpack.c.0.s8.s32 v57  }
0x27: {  	s2 =	rddreg [dreg:$0x1];
	s3 =	srdreg.scid;
	v10 =	vunpack.c.0.s8.s32 v50;
	v13 =	vunpack.c.0.s8.s32 v52;
	[tilespmem:$0x1FDC0] =	vst v12;
	v59 =	vsel vm0, v8, v4  }
0x28: {  	s0 =	rddreg [dreg:$0x2];
	s4 =	sand.u32 $0x1, s3;
	s3 =	simm.s32 $0x0;
	v55 =	vcombine.low v0, v3;
	v0 =	vunpack.c.0.s8.s32 v48;
	[tilespmem:$0x1FDB0] =	vst v59;
	v5 =	vsel vm0, v5, v1  }
0x29: {  	[smem:$0x7FF] =	sst s3;
	v50 =	vimm.s32 $0x3E3D3C3B;
	v42 =	vsel vm0, v7, v2;
	v7 =	vunpack.c.l.s4.s8 v58;
	[tilespmem:$0x1FDA0] =	vst v5  }
0x2a: {  	s9 =	rddreg [dreg:$0x3];
	v9 =	vimm.s32 $0x98765432;
	v52 =	vunpack.c.0.s8.s32 v50;
	v0 =	vsel vm0, v10, v0;
	_ =	strace $0x80000047;
	[tilespmem:$0x1FDD0] =	vst v10  }
0x2b: {  	v9 =	vunpack.c.l.s4.s8 v9;
	v48 =	vunpack.c.0.s8.s32 v37;
	[tilespmem:$0x1FDE0] =	vst v0  }
0x2c: {  	v6 =	vunpack.c.0.s8.s32 v6;
	v7 =	vunpack.c.0.s8.s32 v7;
	[tilespmem:$0x1FDF0] =	vst v52  }
0x2d: {  	vm1 =	vcmask $0x2F10;
	v60 =	vunpack.c.0.s8.s32 v9;
	v54 =	vsel vm0, v48, v13;
	[tilespmem:$0x1FE00] =	vst v13  }
0x2e: {  	v6 =	vand.u32 $0xF, v6;
	v61 =	vand.u32 $0xF, v7;
	v59 =	vadd.s32 $0x27, v16;
	[tilespmem:$0x1FE10] =	vst v54  }
0x2f: {  	v47 =	vcombine.low v3, v6;
	v3 =	vand.u32 $0xF, v60;
	v60 =	vadd.s32 $0x28, v16;
	[tilespmem:$0x1FE40] =	vst v59  }
0x30: {  	v63 =	vimm.s32 $0xB0A0908;
	v5 =	vsel vm1, v61, v12;
	v61 =	vadd.s32 $0x2B, v16;
	[tilespmem:$0x1FE50] =	vst v60  }
0x31: {  	v11 =	vmul.u32 $0x40, v16;
	v7 =	vunpack.c.0.s8.s32 v63;
	v63 =	vadd.s32 $0x2C, v16;
	[tilespmem:$0x1FE60] =	vst v61  }
0x32: {  	[tilespmem:$0x1FE70] =	vst v63  }
0x33: {  	v18 =	vadd.s32 $0x1, v16;
	[tilespmem:$0x1FE80] =	vst v11  }
0x34: {  	v21 =	vadd.s32 $0x2, v16;
	[tilespmem:$0x1FE90] =	vst v18  }
0x35: {  	v25 =	vadd.s32 $0x3, v16;
	[tilespmem:$0x1FEA0] =	vst v21  }
0x36: {  	v31 =	vadd.s32 $0x4, v16;
	[tilespmem:$0x1FEB0] =	vst v25  }
0x37: {  	v34 =	vadd.s32 $0x5, v16;
	[tilespmem:$0x1FEC0] =	vst v31  }
0x38: {  	v38 =	vadd.s32 $0x6, v16;
	[tilespmem:$0x1FED0] =	vst v34  }
0x39: {  	v51 =	vadd.s32 $0x7, v16;
	[tilespmem:$0x1FEE0] =	vst v38  }
0x3a: {  	v14 =	vadd.s32 $0x26, v16;
	[tilespmem:$0x1FEF0] =	vst v51  }
0x3b: {  	v56 =	vcombine.low v42, v43;
	[tilespmem:$0x1FF00] =	vst v14  }
0x3c: {  	vm2 =	vcmask $0x3F30;
	v62 =	vimm.s32 $0x43218765;
	v8 =	vimm.s32 $0x54329876;
	[tilespmem:$0x1FF10] =	vst v55  }
0x3d: {  	v35 =	vimm.s32 $0xC0B0A09;
	v36 =	vimm.s32 $0x6543A987;
	v32 =	vunpack.c.l.s4.s8 v8;
	[tilespmem:$0x1FF20] =	vst v56  }
0x3e: {  	v39 =	vimm.s32 $0xA9876543;
	v6 =	vunpack.c.l.s4.s8 v62;
	v44 =	vcombine.low v43, v3;
	[tilespmem:$0x1FF30] =	vst v53  }
0x3f: {  	v45 =	vimm.s32 $0xD0C0B0A;
	v2 =	vunpack.c.0.s8.s32 v32;
	v3 =	vunpack.c.l.s4.s8 v39;
	[tilespmem:$0x1FF40] =	vst v47  }
0x40: {  	v46 =	vimm.s32 $0xE0D0C0B;
	v62 =	vadd.s32 $0x2A, v16;
	v6 =	vunpack.c.0.s8.s32 v6;
	[tilespmem:$0x1FF50] =	vst v44  }
0x41: {  	v40 =	vand.u32 $0xF, v2;
	v3 =	vunpack.c.0.s8.s32 v3;
	v41 =	vsel vm2, v7, v5;
	[tilespmem:$0x1FFB0] =	vst v62  }
0x42: {  	v33 =	vand.u32 $0xF, v6;
	v5 =	vunpack.c.0.s8.s32 v35;
	v63 =	vadd.s32 $0x2D, v16;
	[tilespmem:$0x1FF60] =	vst v41  }
0x43: {  	s5 =	stileid.u32;
	s12 =	simm.s32 $0x8000;
	s13 =	simm.s32 $0x17A00;
	v6 =	vunpack.c.l.s4.s8 v36;
	v59 =	vadd.s32 $0x2E, v16;
	v1 =	vsel vm1, v33, v1;
	[tilespmem:$0x1FFC0] =	vst v63  }
0x44: {  	s14 =	simm.s32 $0x40;
	s15 =	simm.s32 $0x19200;
	s16 =	simm.s32 $0x1A200;
	v60 =	vadd.s32 $0x2F, v16;
	v58 =	vand.u32 $0xF, v3;
	[tilespmem:$0x1FFD0] =	vst v59;
	v43 =	vsel vm2, v5, v1  }
0x45: {  	s17 =	simm.s32 $0x1B200;
	s18 =	simm.s32 $0x1C200;
	s19 =	simm.s32 $0x1;
	[tilespmem:$0x1FFE0] =	vst v60;
	v42 =	vunpack.c.0.s8.s32 v6;
	v1 =	vsel vm1, v40, v4;
	v4 =	vunpack.c.0.s8.s32 v45  }
0x46: {  	s20 =	simm.s32 $0x2;
	s21 =	simm.s32 $0x3;
	s22 =	simm.s32 $0x4;
	v49 =	vimm.s32 $0x76543210;
	v5 =	vunpack.c.0.s8.s32 v46;
	[tilespmem:$0x1FE30] =	vst v58;
	v58 =	vadd.s32 $0x29, v16  }
0x47: {  	s23 =	simm.s32 $0x1D200;
	s24 =	simm.s32 $0x0;
	s5 =	sshll.u32 s5, $0x1;
	[tilespmem:$0x1FF70] =	vst v43;
	v2 =	vand.u32 $0xF, v42;
	v39 =	vsel vm2, v4, v1;
	v1 =	vunpack.c.l.s4.s8 v49  }
0x48: {  	s5 =	sor.u32 s4, s5;
	s8 =	ssub.s32 $0x2, s4;
	s4 =	sadd.s32 $0x24CA00, s1;
	[tilespmem:$0x1FFA0] =	vst v58;
	v2 =	vsel vm1, v2, v13  }
0x49: {  	s6 =	sshll.u32 s5, $0xC;
	s10 =	sshrl.u32 s8, $0x1;
	s11 =	smul.u32 $0x180, s5;
	[tilespmem:$0x1FF80] =	vst v39;
	v40 =	vsel vm2, v5, v2;
	v57 =	vunpack.c.0.s8.s32 v1  }
0x4a: {  	s5 =	sadd.s32 $0xE6000, s1;
	s7 =	sadd.s32 s6, s1;
	s6 =	sadd.s32 $0x2A00, s1;
	[tilespmem:$0x1FF90] =	vst v40  }
0x4b: {  	s31 =	ssub.s32 s8, s10;
	s7 =	sadd.s32 $0xC6000, s7;
	s8 =	sadd.s32 s2, s11;
	[tilespmem:$0x1FE20] =	vst v57;
	v57 =	vor.u32 $0x30, v16  }
0x4c: {  	s9 =	sadd.s32 s9, s11;
	s10 =	smax.u32 s31, $0x1;
	s11 =	simm.s32 $0x5;
	[tilespmem:$0x1FFF0] =	vst v57  }
.LBB2_1:
0x4d: {  	[tilespmem:s3], [sflag:$0x5] =	stream.linear.gather [hbm4b:s7+s3], $0x8000, $0x38;
	[tilespmem:$0x1DE00] =	vst v63  }
0x4e: {  	_ =	swait.ge [sflag:s11], $0x8000  }
0x4f: {  	[sflag:s11] =	ssyncset.done $0x0  }
0x50: {  	[sflag:s11] =	ssyncadd.s32 $0xFFFF8000  }
0x51: {  	[tilespmem:s12], [sflag:$0x5] =	stream.linear.gather [hbm4b:s5+s3], $0xFA00, $0x38;
	[tilespmem:$0x1DE00] =	vst v63  }
0x52: {  	_ =	swait.ge [sflag:s11], $0xFA00  }
0x53: {  	[sflag:s11] =	ssyncset.done $0x0  }
0x54: {  	[sflag:s11] =	ssyncadd.s32 $0xFFFF0600  }
0x55: {  	[tilespmem:s13], [sflag:$0x5] =	stream.linear.gather [hbm4b:s8+s3], $0xC00, $0x38;
	[tilespmem:$0x1DE00] =	vst v63  }
0x56: {  	_ =	swait.ge [sflag:s11], $0xC00  }
0x57: {  	[sflag:s11] =	ssyncset.done $0x0  }
0x58: {  	s2 =	simm.s32 $0x18600;
	[sflag:s11] =	ssyncadd.s32 $0xFFFFF400  }
0x59: {  	[tilespmem:s2], [sflag:$0x5] =	stream.linear.gather [hbm4b:s0+s3], $0xC00, $0x38;
	[tilespmem:$0x1DE00] =	vst v63  }
0x5a: {  	_ =	swait.ge [sflag:s11], $0xC00  }
0x5b: {  	[sflag:s11] =	ssyncset.done $0x0  }
0x5c: {  	s26 =	simm.s32 $0x1D240;
	[sflag:s11] =	ssyncadd.s32 $0xFFFFF400  }
0x5d: {  	[tilespmem:s15], [sflag:$0x1] =	stream.indirect.gather [hbm4b:s4+s14], $0x40, s13, s14, $0xb8;
	[tilespmem:$0x1DE00] =	vst v63  }
0x5e: {  	s28 =	simm.s32 $0x18640;
	s1 =	simm.s32 $0x1D200;
	s30 =	simm.s32 $0x0  }
0x5f: {  	[tilespmem:s16], [sflag:$0x2] =	stream.indirect.gather [hbm4b:s6+s14], $0x40, s13, s14, $0xb8;
	[tilespmem:$0x1DE00] =	vst v63  }
.LBB2_2:
0x60: {  	s25 =	sshll.u32 s30, $0x7  }
0x61: {  	s25 =	sadd.s32 $0x17A40, s25  }
0x62: {  	[tilespmem:s17], [sflag:$0x3] =	stream.indirect.gather [hbm4b:s4+s14], $0x40, s25, s14, $0xb8;
	[tilespmem:$0x1DE00] =	vst v63  }
0x63: {  	_ = 	snop  }
0x64: {  	[tilespmem:s18], [sflag:$0x4] =	stream.indirect.gather [hbm4b:s6+s14], $0x40, s25, s14, $0xb8;
	[tilespmem:$0x1DE00] =	vst v63  }
0x65: {  	_ =	swait.ge [sflag:s19], $0x1000  }
0x66: {  	[sflag:s19] =	ssyncset.done $0x0  }
0x67: {  	[sflag:s19] =	ssyncadd.s32 $0xFFFFF000  }
0x68: {  	_ =	swait.ge [sflag:s20], $0x1000  }
0x69: {  	s31 =	simm.s32 $0x0;
	[sflag:s20] =	ssyncset.done $0x0  }
0x6a: {  	s29 =	smov.u32 s1;
	s25 =	smov.u32 s2;
	[sflag:s20] =	ssyncadd.s32 $0xFFFFF000  }
.LBB2_3:
0x6b: {  	_ =	sdelay $0x1  }
0x6c: {  	v0 =	vmov s31  }
0x6d: {  	v0 =	vshll.u32 v0, $0x6  }
0x6e: {  	v7 =	vor.u32 v11, v0  }
0x6f: {  	v0 =	vor.u32 $0x1, v7  }
0x70: {  	v2 =	vor.u32 $0x2, v7  }
0x71: {  	v3 =	vor.u32 $0x3, v7  }
0x72: {  	v44 =	vld [tilespmem:s25+$0x0]  }
0x73: {  	v1 =	vld.idx.msk [tilespmem:v7+s16+$0x0], $0xffff  }
0x74: {  	v0 =	vld.idx.msk [tilespmem:v0+s16+$0x0], $0xffff  }
0x75: {  	v2 =	vld.idx.msk [tilespmem:v2+s16+$0x0], $0xffff  }
0x76: {  	v3 =	vld.idx.msk [tilespmem:v3+s16+$0x0], $0xffff  }
0x77: {  	v45 =	vor.u32 $0x4, v7;
	v8 =	vor.u32 $0x5, v7  }
0x78: {  	v11 =	vor.u32 $0x6, v7;
	v12 =	vor.u32 $0x7, v7;
	v1 =	vtrunc.f32 v1  }
0x79: {  	v13 =	vadd.s32 v16, v44;
	v1 =	vcvt.f32.s32 v1;
	v0 =	vtrunc.f32 v0  }
0x7a: {  	v14 =	vor.u32 v16, v7;
	v53 =	vor.u32 v18, v7;
	v4 =	vcvt.f32.s32 v0  }
0x7b: {  	v56 =	vld [tilespmem:$0x1FEA0];
	v2 =	vtrunc.f32 v2;
	v3 =	vtrunc.f32 v3;
	vm1 =	vgt.s32 v1, $0x0  }
0x7c: {  	v30 =	vld.idx.msk [tilespmem:v45+s16+$0x0], $0xffff;
	v2 =	vcvt.f32.s32 v2;
	v1 =	vnsel vm1, $0x0, v1;
	vm1 =	vgt.s32 v4, $0x0  }
0x7d: {  	v33 =	vld.idx.msk [tilespmem:v8+s16+$0x0], $0xffff;
	v3 =	vcvt.f32.s32 v3;
	v1 =	vmin.u32 v1, $0x3E7;
	v4 =	vnsel vm1, $0x0, v4  }
0x7e: {  	v35 =	vld.idx.msk [tilespmem:v11+s16+$0x0], $0xffff;
	vm1 =	vgt.s32 v2, $0x0;
	v29 =	vshll.u32 v1, $0x6;
	v4 =	vmin.u32 v4, $0x3E7  }
0x7f: {  	v60 =	vld.idx.msk [tilespmem:v12+s16+$0x0], $0xffff;
	v46 =	vnsel vm1, $0x0, v2;
	v9 =	vshll.u32 v4, $0x6;
	v15 =	vor.u32 v16, v29  }
0x80: {  	v37 =	vld.idx.msk [tilespmem:v14+s15+$0x0], $0xffff;
	v1 =	vmin.u32 v46, $0x3E7;
	v11 =	vor.u32 v16, v9  }
0x81: {  	v0 =	vld.idx.msk [tilespmem:v13+s3+$0x0], $0xffff;
	vm1 =	vgt.s32 v3, $0x0;
	v10 =	vshll.u32 v1, $0x6;
	v19 =	vor.u32 v21, v9  }
0x82: {  	v13 =	vld.idx.msk [tilespmem:v53+s15+$0x0], $0xffff;
	v47 =	vnsel vm1, $0x0, v3;
	v49 =	vor.u32 v16, v10  }
0x83: {  	v2 =	vld [tilespmem:$0x1FB80];
	v48 =	vmin.u32 v47, $0x3E7;
	v54 =	vor.u32 v18, v10  }
0x84: {  	v4 =	vmov v44;
	v28 =	vshll.u32 v48, $0x6;
	v20 =	vor.u32 v21, v10;
	v43 =	vld.idx.msk [tilespmem:v15+s12+$0x0], $0xffff  }
0x85: {  	v50 =	vor.u32 v16, v28;
	v52 =	vadd.s32 v18, v4;
	v16 =	vor.u32 v18, v28;
	v44 =	vld.idx.msk [tilespmem:v11+s12+$0x0], $0xffff  }
0x86: {  	v15 =	vor.u32 v18, v9;
	v11 =	vor.u32 v18, v29;
	v18 =	vor.u32 v21, v29;
	v14 =	vld.idx.msk [tilespmem:v19+s12+$0x0], $0xffff  }
0x87: {  	v39 =	vld.idx.msk [tilespmem:v49+s12+$0x0], $0xffff  }
0x88: {  	v36 =	vld.idx.msk [tilespmem:v54+s12+$0x0], $0xffff  }
0x89: {  	v55 =	vadd.s32 v21, v4;
	v47 =	vld.idx.msk [tilespmem:v20+s12+$0x0], $0xffff  }
0x8a: {  	v17 =	vor.u32 v21, v7;
	v45 =	vld.idx.msk [tilespmem:v50+s12+$0x0], $0xffff  }
0x8b: {  	v12 =	vld.idx.msk [tilespmem:v18+s12+$0x0], $0xffff;
	v18 =	vor.u32 v25, v7  }
0x8c: {  	v22 =	vor.u32 v25, v29;
	v63 =	vld.idx.msk [tilespmem:v52+s3+$0x0], $0xffff  }
0x8d: {  	v23 =	vadd.s32 v31, v4;
	v40 =	vld.idx.msk [tilespmem:v16+s12+$0x0], $0xffff  }
0x8e: {  	v26 =	vor.u32 v31, v28;
	v57 =	vld.idx.msk [tilespmem:v55+s3+$0x0], $0xffff  }
0x8f: {  	v21 =	vor.u32 v56, v28;
	v16 =	vld.idx.msk [tilespmem:v17+s15+$0x0], $0xffff  }
0x90: {  	v17 =	vadd.s32 v25, v4;
	v55 =	vld.idx.msk [tilespmem:v18+s15+$0x0], $0xffff  }
0x91: {  	v18 =	vld.idx.msk [tilespmem:v22+s12+$0x0], $0xffff;
	v22 =	vor.u32 v31, v7  }
0x92: {  	v32 =	vadd.s32 v38, v4;
	v59 =	vld.idx.msk [tilespmem:v23+s3+$0x0], $0xffff  }
0x93: {  	v3 =	vor.u32 v38, v28;
	v52 =	vld.idx.msk [tilespmem:v26+s12+$0x0], $0xffff  }
0x94: {  	v19 =	vld.idx.msk [tilespmem:v21+s12+$0x0], $0xffff;
	v21 =	vor.u32 v25, v10  }
0x95: {  	v58 =	vld.idx.msk [tilespmem:v17+s3+$0x0], $0xffff;
	v17 =	vor.u32 v25, v28  }
0x96: {  	v23 =	vld.idx.msk [tilespmem:v22+s15+$0x0], $0xffff;
	v22 =	vadd.s32 v34, v4  }
0x97: {  	v27 =	vor.u32 v34, v29;
	v62 =	vld.idx.msk [tilespmem:v32+s3+$0x0], $0xffff  }
0x98: {  	v24 =	vor.u32 v31, v29;
	v50 =	vld.idx.msk [tilespmem:v3+s12+$0x0], $0xffff  }
0x99: {  	v20 =	vor.u32 v25, v9;
	v25 =	vor.u32 v31, v10;
	v48 =	vld.idx.msk [tilespmem:v21+s12+$0x0], $0xffff  }
0x9a: {  	v5 =	vor.u32 v51, v7;
	v49 =	vld.idx.msk [tilespmem:v17+s12+$0x0], $0xffff  }
0x9b: {  	v61 =	vld.idx.msk [tilespmem:v22+s3+$0x0], $0xffff  }
0x9c: {  	v22 =	vld.idx.msk [tilespmem:v27+s12+$0x0], $0xffff;
	v27 =	vor.u32 v38, v7  }
0x9d: {  	v41 =	vor.u32 v51, v28;
	v17 =	vld.idx.msk [tilespmem:v24+s12+$0x0], $0xffff  }
0x9e: {  	v26 =	vor.u32 v34, v10;
	v21 =	vor.u32 v31, v9;
	v42 =	vld.idx.msk [tilespmem:v25+s12+$0x0], $0xffff  }
0x9f: {  	v31 =	vor.u32 v34, v28;
	v24 =	vor.u32 v34, v7;
	v25 =	vor.u32 v34, v9;
	v34 =	vld.idx.msk [tilespmem:v5+s15+$0x0], $0xffff  }
0xa0: {  	v5 =	vld [tilespmem:$0x1FB70]  }
0xa1: {  	[tilespmem:$0x1F7D0] =	vst v62;
	v62 =	vld.idx.msk [tilespmem:v27+s15+$0x0], $0xffff;
	v27 =	vadd.s32 v51, v4  }
0xa2: {  	v6 =	vor.u32 v51, v29;
	v41 =	vld.idx.msk [tilespmem:v41+s12+$0x0], $0xffff  }
0xa3: {  	v53 =	vld.idx.msk [tilespmem:v26+s12+$0x0], $0xffff  }
0xa4: {  	[tilespmem:$0x1F780] =	vst v0;
	v54 =	vor.u32 v51, v10;
	v56 =	vld.idx.msk [tilespmem:v31+s12+$0x0], $0xffff  }
0xa5: {  	v31 =	vor.u32 v38, v10;
	[tilespmem:$0x1F7B0] =	vst v61;
	v61 =	vld.idx.msk [tilespmem:v24+s15+$0x0], $0xffff  }
0xa6: {  	[tilespmem:$0x1F7A0] =	vst v59;
	v0 =	vor.u32 v5, v28;
	v59 =	vld.idx.msk [tilespmem:v27+s3+$0x0], $0xffff  }
0xa7: {  	v27 =	vld.idx.msk [tilespmem:v6+s12+$0x0], $0xffff;
	v6 =	vor.u32 v5, v29  }
0xa8: {  	v46 =	vadd.s32 v5, v4;
	v24 =	vld.idx.msk [tilespmem:v25+s12+$0x0], $0xffff  }
0xa9: {  	v26 =	vor.u32 v38, v9;
	v25 =	vor.u32 v38, v29;
	v38 =	vld.idx.msk [tilespmem:v54+s12+$0x0], $0xffff;
	v54 =	vor.u32 v5, v9  }
0xaa: {  	[tilespmem:$0x1F790] =	vst v58;
	v58 =	vld.idx.msk [tilespmem:v31+s12+$0x0], $0xffff  }
0xab: {  	v0 =	vld.idx.msk [tilespmem:v0+s12+$0x0], $0xffff;
	[tilespmem:$0x1F7F0] =	vst v59;
	v59 =	vor.u32 v5, v10  }
0xac: {  	v32 =	vld.idx.msk [tilespmem:v6+s12+$0x0], $0xffff;
	v6 =	vor.u32 v2, v7  }
0xad: {  	v46 =	vld.idx.msk [tilespmem:v46+s3+$0x0], $0xffff  }
0xae: {  	[tilespmem:$0x1F7E0] =	vst v41;
	v41 =	vld.idx.msk [tilespmem:v54+s12+$0x0], $0xffff  }
0xaf: {  	v8 =	vmov v4;
	[tilespmem:$0x1F7C0] =	vst v50;
	v50 =	vor.u32 v5, v7;
	v5 =	vadd.s32 v2, v4;
	v4 =	vld [tilespmem:$0x1FB90]  }
0xb0: {  	v31 =	vor.u32 v51, v9;
	v54 =	vor.u32 v2, v29;
	[tilespmem:$0x1F800] =	vst v0;
	v51 =	vld.idx.msk [tilespmem:v59+s12+$0x0], $0xffff  }
0xb1: {  	v0 =	vor.u32 v2, v10;
	v59 =	vor.u32 v2, v9;
	v2 =	vor.u32 v2, v28;
	v1 =	vld.idx.msk [tilespmem:v6+s15+$0x0], $0xffff;
	_ =	sdelay $0x1  }
0xb2: {  	v15 =	vld.idx.msk [tilespmem:v15+s12+$0x0], $0xffff  }
0xb3: {  	[tilespmem:$0x1F830] =	vst v46;
	v46 =	vld.idx.msk [tilespmem:v50+s15+$0x0], $0xffff  }
0xb4: {  	v50 =	vld.idx.msk [tilespmem:v5+s3+$0x0], $0xffff  }
0xb5: {  	[tilespmem:$0x1F810] =	vst v1;
	v1 =	vadd.s32 v4, v8;
	v6 =	vld.idx.msk [tilespmem:v2+s12+$0x0], $0xffff  }
0xb6: {  	v11 =	vld.idx.msk [tilespmem:v11+s12+$0x0], $0xffff  }
0xb7: {  	v0 =	vld.idx.msk [tilespmem:v0+s12+$0x0], $0xffff  }
0xb8: {  	v20 =	vld.idx.msk [tilespmem:v20+s12+$0x0], $0xffff;
	v5 =	vor.u32 v4, v9  }
0xb9: {  	[tilespmem:$0x1F880] =	vst v50;
	v50 =	vld.idx.msk [tilespmem:v54+s12+$0x0], $0xffff;
	v2 =	vor.u32 v4, v10  }
0xba: {  	v54 =	vor.u32 v4, v7;
	[tilespmem:$0x1F840] =	vst v6;
	v6 =	vld.idx.msk [tilespmem:v1+s3+$0x0], $0xffff  }
0xbb: {  	v26 =	vld.idx.msk [tilespmem:v26+s12+$0x0], $0xffff;
	v1 =	vor.u32 v4, v28  }
0xbc: {  	[tilespmem:$0x1F820] =	vst v0;
	v0 =	vld [tilespmem:$0x1FBA0]  }
0xbd: {  	v3 =	vor.u32 v4, v29;
	v5 =	vld.idx.msk [tilespmem:v5+s12+$0x0], $0xffff  }
0xbe: {  	v2 =	vld.idx.msk [tilespmem:v2+s12+$0x0], $0xffff  }
0xbf: {  	[tilespmem:$0x1F8D0] =	vst v6;
	v6 =	vld.idx.msk [tilespmem:v54+s15+$0x0], $0xffff  }
0xc0: {  	v1 =	vld.idx.msk [tilespmem:v1+s12+$0x0], $0xffff  }
0xc1: {  	v21 =	vld.idx.msk [tilespmem:v21+s12+$0x0], $0xffff;
	v4 =	vadd.s32 v0, v8  }
0xc2: {  	[tilespmem:$0x1F860] =	vst v5;
	v54 =	vld.idx.msk [tilespmem:v3+s12+$0x0], $0xffff;
	v3 =	vor.u32 v0, v7  }
0xc3: {  	v31 =	vld.idx.msk [tilespmem:v31+s12+$0x0], $0xffff;
	[tilespmem:$0x1F870] =	vst v2  }
0xc4: {  	v25 =	vld.idx.msk [tilespmem:v25+s12+$0x0], $0xffff;
	[tilespmem:$0x1F850] =	vst v6  }
0xc5: {  	v59 =	vld.idx.msk [tilespmem:v59+s12+$0x0], $0xffff;
	[tilespmem:$0x1F890] =	vst v1  }
0xc6: {  	v5 =	vor.u32 v0, v29;
	v1 =	vld.idx.msk [tilespmem:v4+s3+$0x0], $0xffff  }
0xc7: {  	v2 =	vor.u32 v0, v9;
	v6 =	vor.u32 v0, v10;
	v4 =	vor.u32 v0, v28;
	v0 =	vld.idx.msk [tilespmem:v3+s15+$0x0], $0xffff;
	_ =	sdelay $0x4  }
0xc8: {  	[tilespmem:$0x1F8A0] =	vst v0;
	v0 =	vld [tilespmem:$0x1FBB0];
	_ =	sdelay $0x4  }
0xc9: {  	v2 =	vld.idx.msk [tilespmem:v2+s12+$0x0], $0xffff;
	v3 =	vadd.s32 v0, v8  }
0xca: {  	v4 =	vld.idx.msk [tilespmem:v4+s12+$0x0], $0xffff;
	_ =	sdelay $0x2  }
0xcb: {  	v6 =	vld.idx.msk [tilespmem:v6+s12+$0x0], $0xffff  }
0xcc: {  	[tilespmem:$0x1F8B0] =	vst v2;
	v3 =	vld.idx.msk [tilespmem:v3+s3+$0x0], $0xffff  }
0xcd: {  	v2 =	vor.u32 v0, v29;
	[tilespmem:$0x1F8E0] =	vst v4;
	v4 =	vld [tilespmem:$0x1FBC0]  }
0xce: {  	[tilespmem:$0x1F920] =	vst v1;
	v1 =	vmul.f32 v43, v30  }
0xcf: {  	v44 =	vmul.f32 v44, v33  }
0xd0: {  	v11 =	vmul.f32 v11, v30;
	v1 =	vadd.f32 v1, v37;
	[tilespmem:$0x1F8C0] =	vst v6;
	v6 =	vor.u32 v0, v9  }
0xd1: {  	v43 =	vld.idx.msk [tilespmem:v5+s12+$0x0], $0xffff;
	v5 =	vor.u32 v0, v7;
	[tilespmem:$0x1F950] =	vst v3;
	v3 =	vor.u32 v0, v28  }
0xd2: {  	v37 =	vor.u32 v0, v10;
	v0 =	vadd.f32 v44, v1;
	v44 =	vld.idx.msk [tilespmem:v2+s12+$0x0], $0xffff;
	v2 =	vor.u32 v4, v7  }
0xd3: {  	v15 =	vmul.f32 v15, v33;
	v11 =	vadd.f32 v11, v13;
	_ =	sdelay $0x1  }
0xd4: {  	v11 =	vadd.f32 v15, v11;
	v15 =	vmul.f32 v36, v35;
	v36 =	vld.idx.msk [tilespmem:v6+s12+$0x0], $0xffff  }
0xd5: {  	v6 =	vld.idx.msk [tilespmem:v3+s12+$0x0], $0xffff  }
0xd6: {  	v2 =	vld.idx.msk [tilespmem:v2+s15+$0x0], $0xffff  }
0xd7: {  	v3 =	vld [tilespmem:$0x1FBD0];
	_ =	sdelay $0x1  }
0xd8: {  	v39 =	vmul.f32 v39, v35;
	v13 =	vld.idx.msk [tilespmem:v5+s15+$0x0], $0xffff;
	_ =	sdelay $0x1  }
0xd9: {  	v5 =	vadd.s32 v4, v8;
	v0 =	vadd.f32 v39, v0;
	v39 =	vld.idx.msk [tilespmem:v37+s12+$0x0], $0xffff  }
0xda: {  	v12 =	vmul.f32 v12, v30;
	[tilespmem:$0x1F930] =	vst v2;
	v2 =	vadd.s32 v3, v8  }
0xdb: {  	v14 =	vmul.f32 v14, v33;
	v11 =	vadd.f32 v15, v11;
	v15 =	vor.u32 v4, v10  }
0xdc: {  	v12 =	vadd.f32 v12, v16;
	v16 =	vmul.f32 v45, v60;
	[tilespmem:$0x1F8F0] =	vst v13;
	v1 =	vor.u32 v4, v29  }
0xdd: {  	v45 =	vmul.f32 v40, v60;
	v40 =	vmul.f32 v47, v35;
	[tilespmem:$0x1F900] =	vst v36;
	v13 =	vor.u32 v4, v9;
	v36 =	vld [tilespmem:$0x1F780]  }
0xde: {  	v12 =	vadd.f32 v14, v12;
	[tilespmem:$0x1F910] =	vst v39;
	v39 =	vld.idx.msk [tilespmem:v5+s3+$0x0], $0xffff;
	v5 =	vor.u32 v4, v28  }
0xdf: {  	v2 =	vld.idx.msk [tilespmem:v2+s3+$0x0], $0xffff  }
0xe0: {  	v12 =	vadd.f32 v40, v12;
	v11 =	vadd.f32 v45, v11;
	v45 =	vmul.f32 v19, v60;
	v40 =	vld.idx.msk [tilespmem:v15+s12+$0x0], $0xffff  }
0xe1: {  	v47 =	vld.idx.msk [tilespmem:v1+s12+$0x0], $0xffff  }
0xe2: {  	v12 =	vadd.f32 v45, v12;
	v37 =	vld.idx.msk [tilespmem:v13+s12+$0x0], $0xffff;
	v1 =	vor.u32 v3, v7  }
0xe3: {  	v0 =	vadd.f32 v16, v0;
	v13 =	vor.u32 v3, v29;
	[tilespmem:$0x1F980] =	vst v39;
	v45 =	vld.idx.msk [tilespmem:v5+s12+$0x0], $0xffff  }
0xe4: {  	v15 =	vor.u32 v3, v9;
	v39 =	vmul.f32 v18, v30;
	[tilespmem:$0x1F9C0] =	vst v2;
	v2 =	vld [tilespmem:$0x1FBE0]  }
0xe5: {  	v11 =	vmul.f32 v11, v63;
	v16 =	vmul.f32 v0, v36;
	v18 =	vor.u32 v3, v28  }
0xe6: {  	v4 =	vmul.f32 v20, v33;
	v63 =	vor.u32 v3, v10;
	v5 =	vld [tilespmem:$0x1FBF0];
	v0 =	vadd.f32 v39, v55  }
0xe7: {  	[tilespmem:$0x1F940] =	vst v40;
	v40 =	vmul.f32 v48, v35;
	v39 =	vmul.f32 v17, v30;
	v1 =	vld.idx.msk [tilespmem:v1+s15+$0x0], $0xffff  }
0xe8: {  	v36 =	vmul.f32 v12, v57;
	v17 =	vmul.f32 v21, v33;
	v55 =	vld.idx.msk [tilespmem:v13+s12+$0x0], $0xffff;
	v0 =	vadd.f32 v4, v0  }
0xe9: {  	v48 =	vld.idx.msk [tilespmem:v15+s12+$0x0], $0xffff;
	v12 =	vadd.f32 v39, v23;
	[tilespmem:$0x1F960] =	vst v45;
	v45 =	vor.u32 v2, v7  }
0xea: {  	v3 =	vld.idx.msk [tilespmem:v18+s12+$0x0], $0xffff;
	v0 =	vadd.f32 v40, v0;
	v15 =	vor.u32 v2, v29  }
0xeb: {  	v40 =	vld.idx.msk [tilespmem:v63+s12+$0x0], $0xffff;
	v12 =	vadd.f32 v17, v12;
	v17 =	vmul.f32 v42, v35;
	v18 =	vor.u32 v2, v10  }
0xec: {  	v42 =	vld [tilespmem:$0x1F790]  }
0xed: {  	v63 =	vmul.f32 v22, v30;
	v12 =	vadd.f32 v17, v12;
	v17 =	vmul.f32 v52, v60;
	v52 =	vld [tilespmem:$0x1F7A0]  }
0xee: {  	v57 =	vmul.f32 v49, v60;
	v21 =	vmul.f32 v24, v33;
	v19 =	vor.u32 v2, v9;
	v4 =	vld.idx.msk [tilespmem:v45+s15+$0x0], $0xffff  }
0xef: {  	v39 =	vadd.s32 v5, v8;
	v23 =	vor.u32 v5, v10;
	v14 =	vadd.f32 v63, v61;
	v61 =	vld.idx.msk [tilespmem:v15+s12+$0x0], $0xffff  }
0xf0: {  	v0 =	vadd.f32 v57, v0;
	v57 =	vor.u32 v5, v28;
	v12 =	vadd.f32 v17, v12;
	v45 =	vld.idx.msk [tilespmem:v18+s12+$0x0], $0xffff  }
0xf1: {  	v17 =	vor.u32 v5, v29;
	v15 =	vor.u32 v5, v7;
	v18 =	vor.u32 v5, v9;
	v5 =	vld [tilespmem:$0x1FC00]  }
0xf2: {  	v22 =	vmul.f32 v0, v42;
	v42 =	vld [tilespmem:$0x1F7B0]  }
0xf3: {  	v14 =	vadd.f32 v21, v14;
	v49 =	vld.idx.msk [tilespmem:v19+s12+$0x0], $0xffff;
	v19 =	vmul.f32 v53, v35  }
0xf4: {  	v0 =	vld [tilespmem:$0x1FC20]  }
0xf5: {  	v14 =	vadd.f32 v19, v14;
	v19 =	vmul.f32 v56, v60;
	v56 =	vld.idx.msk [tilespmem:v39+s3+$0x0], $0xffff  }
0xf6: {  	[tilespmem:$0x1F9A0] =	vst v4;
	v4 =	vld.idx.msk [tilespmem:v15+s15+$0x0], $0xffff;
	v15 =	vadd.s32 v5, v8  }
0xf7: {  	v21 =	vmul.f32 v25, v30;
	v12 =	vmul.f32 v12, v52;
	v52 =	vld.idx.msk [tilespmem:v23+s12+$0x0], $0xffff  }
0xf8: {  	v39 =	vld.idx.msk [tilespmem:v17+s12+$0x0], $0xffff  }
0xf9: {  	v16 =	vadd.f32 $0.0e+00, v16;
	v24 =	vmul.f32 v26, v33;
	[tilespmem:$0x1F970] =	vst v1;
	v21 =	vadd.f32 v21, v62;
	v62 =	vld.idx.msk [tilespmem:v18+s12+$0x0], $0xffff  }
0xfa: {  	v1 =	vadd.s32 v2, v8;
	v20 =	vor.u32 v2, v28;
	[tilespmem:$0x1FA20] =	vst v56;
	v56 =	vld.idx.msk [tilespmem:v57+s12+$0x0], $0xffff  }
0xfb: {  	v25 =	vadd.f32 v12, v16;
	v17 =	vor.u32 v5, v7;
	v18 =	vor.u32 v5, v29;
	v63 =	vld.idx.msk [tilespmem:v15+s3+$0x0], $0xffff  }
0xfc: {  	v16 =	vor.u32 v5, v9;
	v57 =	vor.u32 v5, v10;
	v15 =	vor.u32 v5, v28;
	v5 =	vld [tilespmem:$0x1FC10]  }
0xfd: {  	v21 =	vadd.f32 v24, v21;
	v24 =	vmul.f32 v58, v35;
	v58 =	vld [tilespmem:$0x1F7C0]  }
0xfe: {  	v12 =	vld [tilespmem:$0x1F7F0];
	v19 =	vadd.f32 v19, v14  }
0xff: {  	v1 =	vld.idx.msk [tilespmem:v1+s3+$0x0], $0xffff  }
0x100: {  	v11 =	vadd.f32 $0.0e+00, v11;
	v53 =	vld.idx.msk [tilespmem:v20+s12+$0x0], $0xffff;
	[tilespmem:$0x1F9B0] =	vst v45;
	v45 =	vmul.f32 v19, v42  }
0x101: {  	v23 =	vmul.f32 v27, v30;
	[tilespmem:$0x1F9E0] =	vst v4;
	v4 =	vld.idx.msk [tilespmem:v17+s15+$0x0], $0xffff;
	v17 =	vadd.s32 v5, v8  }
0x102: {  	v27 =	vadd.f32 v45, v11;
	v45 =	vld.idx.msk [tilespmem:v18+s12+$0x0], $0xffff;
	v18 =	vor.u32 v5, v7  }
0x103: {  	v26 =	vmul.f32 v31, v33;
	v23 =	vadd.f32 v23, v34;
	v13 =	vor.u32 v0, v29;
	v42 =	vld [tilespmem:$0x1F7D0]  }
0x104: {  	v21 =	vadd.f32 v24, v21;
	v24 =	vmul.f32 v58, v60;
	v14 =	vmul.f32 v50, v30;
	v50 =	vld [tilespmem:$0x1F800];
	[tilespmem:$0x1F9F0] =	vst v1  }
0x105: {  	v34 =	vadd.f32 v26, v23;
	[tilespmem:$0x1FA00] =	vst v56;
	v56 =	vld [tilespmem:$0x1F7E0];
	v23 =	vor.u32 v5, v29  }
0x106: {  	v1 =	vmov v8;
	v11 =	vadd.f32 v24, v21;
	[tilespmem:$0x1FA10] =	vst v4;
	v31 =	vor.u32 v5, v10;
	v4 =	vld.idx.msk [tilespmem:v17+s3+$0x0], $0xffff  }
0x107: {  	v21 =	vmul.f32 v38, v35;
	v8 =	vld.idx.msk [tilespmem:v18+s15+$0x0], $0xffff;
	v18 =	vadd.s32 v0, v1  }
0x108: {  	v19 =	vld.idx.msk [tilespmem:v13+s12+$0x0], $0xffff;
	v24 =	vmul.f32 v11, v42;
	v11 =	vmul.f32 v32, v30  }
0x109: {  	[tilespmem:$0x1F9D0] =	vst v53;
	v21 =	vadd.f32 v21, v34;
	v58 =	vld.idx.msk [tilespmem:v15+s12+$0x0], $0xffff  }
0x10a: {  	v11 =	vadd.f32 v11, v46;
	[tilespmem:$0x1FA40] =	vst v63;
	v53 =	vor.u32 v5, v9;
	v46 =	vld.idx.msk [tilespmem:v23+s12+$0x0], $0xffff  }
0x10b: {  	v63 =	vmul.f32 v41, v33;
	v17 =	vor.u32 v5, v28;
	v5 =	vmul.f32 v51, v35;
	v51 =	vld.idx.msk [tilespmem:v31+s12+$0x0], $0xffff  }
0x10c: {  	v41 =	vor.u32 v0, v10;
	v26 =	vmul.f32 v56, v60;
	[tilespmem:$0x1FA70] =	vst v4;
	v4 =	vld.idx.msk [tilespmem:v18+s3+$0x0], $0xffff  }
0x10d: {  	v23 =	vor.u32 v0, v7;
	v31 =	vor.u32 v0, v9;
	v18 =	vor.u32 v0, v28;
	v0 =	vld [tilespmem:$0x1FC30]  }
0x10e: {  	v13 =	vld [tilespmem:$0x1F830];
	v21 =	vadd.f32 v26, v21;
	v26 =	vadd.f32 $0.0e+00, v36  }
0x10f: {  	v32 =	vadd.f32 v63, v11;
	[tilespmem:$0x1FA30] =	vst v58;
	v58 =	vld [tilespmem:$0x1F810]  }
0x110: {  	v26 =	vadd.f32 v24, v26;
	v24 =	vmul.f32 v21, v12;
	v21 =	vld.idx.msk [tilespmem:v53+s12+$0x0], $0xffff  }
0x111: {  	v32 =	vadd.f32 v5, v32;
	v5 =	vld [tilespmem:$0x1F820]  }
0x112: {  	v63 =	vmul.f32 v59, v33;
	v59 =	vld.idx.msk [tilespmem:v23+s15+$0x0], $0xffff;
	v23 =	vadd.s32 v0, v1  }
0x113: {  	v56 =	vld.idx.msk [tilespmem:v17+s12+$0x0], $0xffff  }
0x114: {  	v22 =	vadd.f32 $0.0e+00, v22;
	v17 =	vadd.f32 v14, v58;
	v14 =	vmul.f32 v54, v30;
	v54 =	vld.idx.msk [tilespmem:v31+s12+$0x0], $0xffff  }
0x115: {  	v53 =	vmul.f32 v50, v60;
	[tilespmem:$0x1FA80] =	vst v4;
	v4 =	vld.idx.msk [tilespmem:v41+s12+$0x0], $0xffff  }
0x116: {  	v50 =	vadd.f32 v24, v22;
	v36 =	vld.idx.msk [tilespmem:v18+s12+$0x0], $0xffff  }
0x117: {  	v22 =	vadd.f32 v53, v32;
	v34 =	vor.u32 v0, v7;
	v31 =	vor.u32 v0, v29;
	v32 =	vld.idx.msk [tilespmem:v23+s3+$0x0], $0xffff  }
0x118: {  	v41 =	vor.u32 v0, v9;
	v18 =	vor.u32 v0, v10;
	v23 =	vor.u32 v0, v28;
	v0 =	vld [tilespmem:$0x1FC40]  }
0x119: {  	v58 =	vld [tilespmem:$0x1F840]  }
0x11a: {  	v22 =	vmul.f32 v22, v13;
	v13 =	vld [tilespmem:$0x1F860]  }
0x11b: {  	v12 =	vmul.f32 v5, v35;
	v5 =	vld [tilespmem:$0x1F850]  }
0x11c: {  	v38 =	vld.idx.msk [tilespmem:v34+s15+$0x0], $0xffff  }
0x11d: {  	[tilespmem:$0x1FA60] =	vst v4;
	v4 =	vld [tilespmem:$0x1F890];
	v34 =	vadd.s32 v0, v1;
	_ =	sdelay $0x1  }
0x11e: {  	v42 =	vld [tilespmem:$0x1F870];
	v24 =	vadd.f32 v63, v17  }
0x11f: {  	v63 =	vmul.f32 v58, v60;
	v58 =	vld [tilespmem:$0x1F880]  }
0x120: {  	v24 =	vadd.f32 v12, v24;
	v12 =	vadd.f32 v14, v5;
	v14 =	vmul.f32 v13, v33;
	v13 =	vld [tilespmem:$0x1F8B0]  }
0x121: {  	v5 =	vmul.f32 v4, v60;
	v4 =	vld.idx.msk [tilespmem:v34+s3+$0x0], $0xffff  }
0x122: {  	v25 =	vadd.f32 v22, v25;
	v22 =	vadd.f32 v63, v24;
	v63 =	vmul.f32 v43, v30;
	v43 =	vld [tilespmem:$0x1F8C0]  }
0x123: {  	v24 =	vadd.f32 v14, v12;
	v12 =	vld [tilespmem:$0x1F8A0];
	_ =	sdelay $0x1  }
0x124: {  	v53 =	vmul.f32 v42, v35;
	[tilespmem:$0x1FA50] =	vst v56;
	v22 =	vmul.f32 v22, v58;
	v58 =	vld.idx.msk [tilespmem:v31+s12+$0x0], $0xffff  }
0x125: {  	v56 =	vor.u32 v0, v7;
	[tilespmem:$0x1FAA0] =	vst v4;
	v4 =	vld [tilespmem:$0x1FC50]  }
0x126: {  	v31 =	vadd.f32 v53, v24;
	v24 =	vld.idx.msk [tilespmem:v41+s12+$0x0], $0xffff  }
0x127: {  	v14 =	vmul.f32 v13, v33;
	v53 =	vmul.f32 v43, v35;
	v43 =	vld [tilespmem:$0x1F8F0];
	v42 =	vadd.f32 v63, v12  }
0x128: {  	v13 =	vld [tilespmem:$0x1F900]  }
0x129: {  	v11 =	vadd.f32 v22, v27;
	v27 =	vadd.f32 v14, v42;
	v14 =	vld [tilespmem:$0x1F8E0]  }
0x12a: {  	v42 =	vld.idx.msk [tilespmem:v56+s15+$0x0], $0xffff;
	v56 =	vadd.s32 v4, v1  }
0x12b: {  	v22 =	vadd.f32 v5, v31;
	v5 =	vld [tilespmem:$0x1F8D0]  }
0x12c: {  	[tilespmem:$0x1FA90] =	vst v32;
	v41 =	vor.u32 v0, v29;
	v32 =	vld.idx.msk [tilespmem:v18+s12+$0x0], $0xffff  }
0x12d: {  	v31 =	vld.idx.msk [tilespmem:v23+s12+$0x0], $0xffff;
	v34 =	vor.u32 v0, v28  }
0x12e: {  	v44 =	vmul.f32 v44, v30;
	v63 =	vmul.f32 v14, v60;
	v14 =	vld [tilespmem:$0x1F910]  }
0x12f: {  	v18 =	vor.u32 v0, v9;
	v23 =	vor.u32 v0, v10;
	v27 =	vadd.f32 v53, v27;
	v56 =	vld.idx.msk [tilespmem:v56+s3+$0x0], $0xffff  }
0x130: {  	v53 =	vadd.f32 v44, v43;
	v0 =	vmul.f32 v13, v33;
	v12 =	vmul.f32 v22, v5  }
0x131: {  	v22 =	vld.idx.msk [tilespmem:v41+s12+$0x0], $0xffff  }
0x132: {  	[tilespmem:$0x1F990] =	vst v3;
	v0 =	vadd.f32 v0, v53;
	v12 =	vadd.f32 v12, v26;
	v53 =	vld.idx.msk [tilespmem:v34+s12+$0x0], $0xffff  }
0x133: {  	v5 =	vmovc v1;
	v41 =	vor.u32 v4, v7;
	v3 =	vor.u32 v4, v29;
	v1 =	vmul.f32 v14, v35;
	v14 =	vld [tilespmem:$0x1F930]  }
0x134: {  	v26 =	vor.u32 v4, v9;
	v34 =	vor.u32 v4, v10;
	[tilespmem:$0x1FAB0] =	vst v56;
	v56 =	vor.u32 v4, v28;
	v4 =	vld [tilespmem:$0x1FC60]  }
0x135: {  	v44 =	vld.idx.msk [tilespmem:v18+s12+$0x0], $0xffff  }
0x136: {  	v18 =	vadd.f32 v63, v27;
	v27 =	vld.idx.msk [tilespmem:v23+s12+$0x0], $0xffff;
	v23 =	vmul.f32 v47, v30;
	_ =	sdelay $0x1  }
0x137: {  	v37 =	vmul.f32 v37, v33;
	v47 =	vadd.f32 v1, v0;
	v0 =	vadd.f32 v23, v14  }
0x138: {  	v43 =	vld [tilespmem:$0x1F920];
	v1 =	vmul.f32 v6, v60;
	v13 =	vadd.s32 v4, v5  }
0x139: {  	v0 =	vadd.f32 v37, v0;
	v37 =	vld [tilespmem:$0x1F940]  }
0x13a: {  	v1 =	vadd.f32 v1, v47;
	v47 =	vld.idx.msk [tilespmem:v26+s12+$0x0], $0xffff  }
0x13b: {  	v14 =	vld [tilespmem:$0x1F970];
	v2 =	vor.u32 v4, v7  }
0x13c: {  	v6 =	vmov v5;
	v5 =	vld [tilespmem:$0x1FC70]  }
0x13d: {  	v13 =	vld.idx.msk [tilespmem:v13+s3+$0x0], $0xffff  }
0x13e: {  	v26 =	vmul.f32 v37, v35;
	v37 =	vmul.f32 v55, v30;
	v55 =	vld [tilespmem:$0x1F960]  }
0x13f: {  	v63 =	vmul.f32 v18, v43;
	v43 =	vld [tilespmem:$0x1F950]  }
0x140: {  	v17 =	vld.idx.msk [tilespmem:v2+s15+$0x0], $0xffff  }
0x141: {  	v37 =	vadd.f32 v37, v14;
	v14 =	vmov v6;
	v2 =	vadd.s32 v5, v6;
	v6 =	vld [tilespmem:$0x1F990]  }
0x142: {  	[tilespmem:$0x1FAC0] =	vst v13;
	v13 =	vmul.f32 v40, v35;
	v40 =	vld [tilespmem:$0x1F980]  }
0x143: {  	v0 =	vadd.f32 v26, v0;
	v55 =	vmul.f32 v55, v60  }
0x144: {  	v48 =	vmul.f32 v48, v33;
	v50 =	vadd.f32 v63, v50;
	v20 =	vld.idx.msk [tilespmem:v41+s15+$0x0], $0xffff;
	v63 =	vor.u32 v4, v29  }
0x145: {  	v23 =	vld.idx.msk [tilespmem:v3+s12+$0x0], $0xffff;
	v1 =	vmul.f32 v1, v43;
	v3 =	vor.u32 v4, v9;
	v0 =	vadd.f32 v55, v0  }
0x146: {  	v43 =	vld.idx.msk [tilespmem:v56+s12+$0x0], $0xffff;
	v56 =	vor.u32 v4, v10;
	v41 =	vor.u32 v4, v28;
	v4 =	vor.u32 v5, v7  }
0x147: {  	v25 =	vadd.f32 v1, v25;
	v1 =	vmul.f32 v0, v40;
	v0 =	vmul.f32 v6, v60;
	v6 =	vld [tilespmem:$0x1FC80]  }
0x148: {  	v37 =	vadd.f32 v48, v37  }
0x149: {  	v55 =	vld.idx.msk [tilespmem:v63+s12+$0x0], $0xffff  }
0x14a: {  	v63 =	vadd.f32 v13, v37;
	v13 =	vld [tilespmem:$0x1F9A0]  }
0x14b: {  	v15 =	vld.idx.msk [tilespmem:v4+s15+$0x0], $0xffff  }
0x14c: {  	v37 =	vmov v14;
	v4 =	vadd.s32 v6, v14;
	v14 =	vld [tilespmem:$0x1F9B0]  }
0x14d: {  	v61 =	vmul.f32 v61, v30;
	v48 =	vld.idx.msk [tilespmem:v3+s12+$0x0], $0xffff  }
0x14e: {  	v2 =	vld.idx.msk [tilespmem:v2+s3+$0x0], $0xffff  }
0x14f: {  	v49 =	vmul.f32 v49, v33;
	v40 =	vld.idx.msk [tilespmem:v56+s12+$0x0], $0xffff;
	v61 =	vadd.f32 v61, v13  }
0x150: {  	v56 =	vor.u32 v5, v9;
	v63 =	vadd.f32 v0, v63;
	v0 =	vld [tilespmem:$0x1F9C0]  }
0x151: {  	v3 =	vor.u32 v5, v29;
	v26 =	vld.idx.msk [tilespmem:v41+s12+$0x0], $0xffff;
	v49 =	vadd.f32 v49, v61;
	v61 =	vmul.f32 v14, v35  }
0x152: {  	v41 =	vor.u32 v5, v10;
	v5 =	vor.u32 v5, v28;
	v13 =	vadd.f32 v1, v11;
	v11 =	vld [tilespmem:$0x1F9E0]  }
0x153: {  	[tilespmem:$0x1FAD0] =	vst v2;
	v2 =	vadd.f32 v61, v49;
	v61 =	vld [tilespmem:$0x1F9D0]  }
0x154: {  	v4 =	vld.idx.msk [tilespmem:v4+s3+$0x0], $0xffff  }
0x155: {  	v63 =	vmul.f32 v63, v0;
	v0 =	vmul.f32 v39, v30;
	v39 =	vld.idx.msk [tilespmem:v56+s12+$0x0], $0xffff  }
0x156: {  	v14 =	vld.idx.msk [tilespmem:v3+s12+$0x0], $0xffff  }
0x157: {  	v49 =	vld.idx.msk [tilespmem:v5+s12+$0x0], $0xffff  }
0x158: {  	v56 =	vor.u32 v6, v29;
	v3 =	vor.u32 v6, v7;
	v1 =	vmul.f32 v61, v60;
	v61 =	vld.idx.msk [tilespmem:v41+s12+$0x0], $0xffff  }
0x159: {  	v5 =	vor.u32 v6, v10;
	[tilespmem:$0x1FAF0] =	vst v4;
	v4 =	vor.u32 v6, v28;
	v41 =	vor.u32 v6, v9;
	v6 =	vld [tilespmem:$0x1FC90];
	_ =	sdelay $0x3  }
0x15a: {  	v62 =	vmul.f32 v62, v33;
	v0 =	vadd.f32 v0, v11  }
0x15b: {  	v18 =	vld.idx.msk [tilespmem:v3+s15+$0x0], $0xffff;
	v3 =	vadd.s32 v6, v37  }
0x15c: {  	v0 =	vadd.f32 v62, v0;
	v62 =	vmul.f32 v52, v35;
	v52 =	vld [tilespmem:$0x1F9F0]  }
0x15d: {  	v4 =	vld.idx.msk [tilespmem:v4+s12+$0x0], $0xffff  }
0x15e: {  	v12 =	vadd.f32 v63, v12;
	v63 =	vmul.f32 v45, v30;
	v45 =	vld.idx.msk [tilespmem:v41+s12+$0x0], $0xffff  }
0x15f: {  	v41 =	vld [tilespmem:$0x1FA10]  }
0x160: {  	v3 =	vld.idx.msk [tilespmem:v3+s3+$0x0], $0xffff  }
0x161: {  	v57 =	vld.idx.msk [tilespmem:v57+s12+$0x0], $0xffff;
	v2 =	vadd.f32 v1, v2  }
0x162: {  	v1 =	vadd.f32 v62, v0;
	v62 =	vld [tilespmem:$0x1FA00]  }
0x163: {  	v2 =	vmul.f32 v2, v52;
	v52 =	vld.idx.msk [tilespmem:v56+s12+$0x0], $0xffff;
	v56 =	vor.u32 v6, v7  }
0x164: {  	v11 =	vor.u32 v6, v29;
	[tilespmem:$0x1FAE0] =	vst v4;
	v63 =	vadd.f32 v63, v41;
	v41 =	vld.idx.msk [tilespmem:v5+s12+$0x0], $0xffff  }
0x165: {  	v4 =	vor.u32 v6, v10;
	v5 =	vor.u32 v6, v9;
	[tilespmem:$0x1FB00] =	vst v3;
	v3 =	vor.u32 v6, v28;
	v6 =	vld [tilespmem:$0x1FCA0]  }
0x166: {  	v16 =	vld.idx.msk [tilespmem:v16+s12+$0x0], $0xffff;
	_ =	sdelay $0x1  }
0x167: {  	v62 =	vmul.f32 v62, v60;
	_ =	sdelay $0x1  }
0x168: {  	v1 =	vadd.f32 v62, v1;
	v62 =	vmul.f32 v57, v35;
	v57 =	vld.idx.msk [tilespmem:v56+s15+$0x0], $0xffff;
	v56 =	vadd.s32 v6, v37  }
0x169: {  	v0 =	vmul.f32 v16, v33;
	_ =	sdelay $0x1  }
0x16a: {  	v0 =	vadd.f32 v0, v63;
	v63 =	vld [tilespmem:$0x1FA20]  }
0x16b: {  	v46 =	vmul.f32 v46, v30;
	v16 =	vld [tilespmem:$0x1FA30]  }
0x16c: {  	v56 =	vld.idx.msk [tilespmem:v56+s3+$0x0], $0xffff  }
0x16d: {  	v46 =	vadd.f32 v46, v8;
	v8 =	vld.idx.msk [tilespmem:v4+s12+$0x0], $0xffff  }
0x16e: {  	v21 =	vmul.f32 v21, v33;
	v0 =	vadd.f32 v62, v0;
	v62 =	vld.idx.msk [tilespmem:v5+s12+$0x0], $0xffff  }
0x16f: {  	v1 =	vmul.f32 v1, v63;
	v63 =	vld.idx.msk [tilespmem:v11+s12+$0x0], $0xffff  }
0x170: {  	v46 =	vadd.f32 v21, v46;
	v11 =	vor.u32 v6, v7;
	v5 =	vor.u32 v6, v29;
	v21 =	vld.idx.msk [tilespmem:v3+s12+$0x0], $0xffff  }
0x171: {  	v4 =	vor.u32 v6, v9;
	v3 =	vor.u32 v6, v10;
	[tilespmem:$0x1FB10] =	vst v56;
	v56 =	vor.u32 v6, v28;
	v6 =	vld [tilespmem:$0x1FA50]  }
0x172: {  	v2 =	vadd.f32 v2, v50;
	v50 =	vmul.f32 v16, v60  }
0x173: {  	v16 =	vld [tilespmem:$0x1FA60]  }
0x174: {  	v0 =	vadd.f32 v50, v0;
	v50 =	vmul.f32 v51, v35  }
0x175: {  	v19 =	vmul.f32 v19, v30;
	v51 =	vld [tilespmem:$0x1FA40]  }
0x176: {  	v46 =	vadd.f32 v50, v46;
	v50 =	vmul.f32 v6, v60  }
0x177: {  	v19 =	vadd.f32 v19, v59;
	v6 =	vld [tilespmem:$0x1FCB0]  }
0x178: {  	v54 =	vmul.f32 v54, v33;
	v46 =	vadd.f32 v50, v46;
	v50 =	vmul.f32 v16, v35;
	v16 =	vld [tilespmem:$0x1FA70];
	_ =	sdelay $0x1  }
0x179: {  	v19 =	vadd.f32 v54, v19;
	v0 =	vmul.f32 v0, v51;
	v51 =	vld.idx.msk [tilespmem:v11+s15+$0x0], $0xffff  }
0x17a: {  	v25 =	vadd.f32 v1, v25;
	v59 =	vld.idx.msk [tilespmem:v4+s12+$0x0], $0xffff  }
0x17b: {  	v13 =	vadd.f32 v0, v13;
	v54 =	vld.idx.msk [tilespmem:v3+s12+$0x0], $0xffff;
	v19 =	vadd.f32 v50, v19;
	v11 =	vadd.s32 v6, v37  }
0x17c: {  	v1 =	vor.u32 v6, v7;
	v4 =	vor.u32 v6, v29;
	v0 =	vmul.f32 v46, v16;
	v46 =	vld.idx.msk [tilespmem:v56+s12+$0x0], $0xffff  }
0x17d: {  	v3 =	vor.u32 v6, v9;
	v50 =	vor.u32 v6, v28;
	v56 =	vor.u32 v6, v10;
	v6 =	vld [tilespmem:$0x1FCC0];
	_ =	sdelay $0x2  }
0x17e: {  	v58 =	vmul.f32 v58, v30;
	v11 =	vld.idx.msk [tilespmem:v11+s3+$0x0], $0xffff;
	_ =	sdelay $0x1  }
0x17f: {  	v38 =	vadd.f32 v58, v38;
	v58 =	vmul.f32 v24, v33;
	v24 =	vld.idx.msk [tilespmem:v1+s15+$0x0], $0xffff;
	v1 =	vadd.s32 v6, v37;
	_ =	sdelay $0x1  }
0x180: {  	v36 =	vmul.f32 v36, v60  }
0x181: {  	[tilespmem:$0x1FB20] =	vst v11;
	v11 =	vld [tilespmem:$0x1FA80]  }
0x182: {  	v12 =	vadd.f32 v0, v12;
	v0 =	vadd.f32 v36, v19;
	v36 =	vld.idx.msk [tilespmem:v4+s12+$0x0], $0xffff  }
0x183: {  	v19 =	vadd.f32 v58, v38;
	v38 =	vmul.f32 v32, v35;
	v58 =	vmul.f32 v22, v30;
	v1 =	vld.idx.msk [tilespmem:v1+s3+$0x0], $0xffff  }
0x184: {  	v32 =	vld.idx.msk [tilespmem:v3+s12+$0x0], $0xffff  }
0x185: {  	v31 =	vmul.f32 v31, v60;
	v38 =	vadd.f32 v38, v19;
	v19 =	vld.idx.msk [tilespmem:v50+s12+$0x0], $0xffff;
	v42 =	vadd.f32 v58, v42  }
0x186: {  	v4 =	vor.u32 v6, v7;
	v3 =	vor.u32 v6, v29;
	v22 =	vld.idx.msk [tilespmem:v56+s12+$0x0], $0xffff;
	v0 =	vmul.f32 v0, v11  }
0x187: {  	v56 =	vor.u32 v6, v9;
	v50 =	vor.u32 v6, v10;
	v58 =	vor.u32 v6, v28;
	v6 =	vld [tilespmem:$0x1FCD0]  }
0x188: {  	v44 =	vmul.f32 v44, v33;
	[tilespmem:$0x1FB30] =	vst v1;
	v1 =	vadd.f32 v0, v2;
	v2 =	vadd.f32 v31, v38;
	v38 =	vld [tilespmem:$0x1FA90];
	_ =	sdelay $0x1  }
0x189: {  	v27 =	vmul.f32 v27, v35;
	v34 =	vld.idx.msk [tilespmem:v34+s12+$0x0], $0xffff;
	v44 =	vadd.f32 v44, v42  }
0x18a: {  	v42 =	vld.idx.msk [tilespmem:v3+s12+$0x0], $0xffff  }
0x18b: {  	v23 =	vmul.f32 v23, v30;
	v44 =	vadd.f32 v27, v44;
	v27 =	vld.idx.msk [tilespmem:v50+s12+$0x0], $0xffff  }
0x18c: {  	v53 =	vmul.f32 v53, v60;
	v31 =	vld.idx.msk [tilespmem:v4+s15+$0x0], $0xffff;
	v4 =	vadd.s32 v6, v37;
	v2 =	vmul.f32 v2, v38  }
0x18d: {  	v47 =	vmul.f32 v47, v33;
	v20 =	vadd.f32 v23, v20;
	v23 =	vld.idx.msk [tilespmem:v58+s12+$0x0], $0xffff;
	v0 =	vor.u32 v6, v10  }
0x18e: {  	v3 =	vor.u32 v6, v7;
	v25 =	vadd.f32 v2, v25;
	v2 =	vadd.f32 v53, v44;
	v44 =	vld [tilespmem:$0x1FAA0]  }
0x18f: {  	v34 =	vmul.f32 v34, v35;
	v20 =	vadd.f32 v47, v20;
	v38 =	vld.idx.msk [tilespmem:v56+s12+$0x0], $0xffff  }
0x190: {  	v50 =	vor.u32 v6, v9;
	v56 =	vor.u32 v6, v29;
	v53 =	vor.u32 v6, v28;
	v6 =	vld [tilespmem:$0x1FCE0]  }
0x191: {  	v58 =	vld.idx.msk [tilespmem:v4+s3+$0x0], $0xffff  }
0x192: {  	v20 =	vadd.f32 v34, v20;
	v34 =	vld.idx.msk [tilespmem:v0+s12+$0x0], $0xffff;
	v0 =	vmul.f32 v14, v30  }
0x193: {  	v4 =	vld.idx.msk [tilespmem:v3+s15+$0x0], $0xffff;
	v3 =	vmul.f32 v2, v44;
	v2 =	vmul.f32 v55, v30  }
0x194: {  	v15 =	vadd.f32 v0, v15  }
0x195: {  	v0 =	vld [tilespmem:$0x1FAB0];
	v55 =	vor.u32 v6, v7;
	v2 =	vadd.f32 v2, v17;
	v17 =	vmul.f32 v48, v33  }
0x196: {  	v47 =	vadd.s32 v6, v37;
	v44 =	vld.idx.msk [tilespmem:v56+s12+$0x0], $0xffff;
	v56 =	vmul.f32 v43, v60  }
0x197: {  	v43 =	vld.idx.msk [tilespmem:v50+s12+$0x0], $0xffff;
	v2 =	vadd.f32 v17, v2;
	v17 =	vmul.f32 v40, v35;
	v40 =	vor.u32 v6, v28  }
0x198: {  	v50 =	vor.u32 v6, v29;
	v14 =	vor.u32 v6, v10;
	v48 =	vor.u32 v6, v9;
	v6 =	vld [tilespmem:$0x1FCF0]  }
0x199: {  	v20 =	vadd.f32 v56, v20;
	v56 =	vld.idx.msk [tilespmem:v53+s12+$0x0], $0xffff  }
0x19a: {  	v16 =	vld.idx.msk [tilespmem:v55+s15+$0x0], $0xffff;
	v55 =	vmul.f32 v26, v60;
	v17 =	vadd.f32 v17, v2  }
0x19b: {  	v53 =	vld.idx.msk [tilespmem:v47+s3+$0x0], $0xffff  }
0x19c: {  	v17 =	vadd.f32 v55, v17;
	v55 =	vld.idx.msk [tilespmem:v40+s12+$0x0], $0xffff  }
0x19d: {  	v39 =	vmul.f32 v39, v33;
	v47 =	vadd.s32 v6, v37;
	v40 =	vld [tilespmem:$0x1FAC0];
	_ =	sdelay $0x1  }
0x19e: {  	v61 =	vmul.f32 v61, v35;
	v39 =	vadd.f32 v39, v15;
	v15 =	vld.idx.msk [tilespmem:v14+s12+$0x0], $0xffff  }
0x19f: {  	v2 =	vld.idx.msk [tilespmem:v50+s12+$0x0], $0xffff  }
0x1a0: {  	v39 =	vadd.f32 v61, v39;
	v20 =	vmul.f32 v20, v0;
	v11 =	vld.idx.msk [tilespmem:v48+s12+$0x0], $0xffff  }
0x1a1: {  	v50 =	vor.u32 v6, v7;
	v48 =	vor.u32 v6, v29;
	v0 =	vmul.f32 v17, v40;
	v17 =	vld.idx.msk [tilespmem:v47+s3+$0x0], $0xffff  }
0x1a2: {  	v14 =	vor.u32 v6, v9;
	v61 =	vor.u32 v6, v10;
	v47 =	vor.u32 v6, v28;
	v6 =	vld [tilespmem:$0x1FD00];
	_ =	sdelay $0x2  }
0x1a3: {  	v49 =	vmul.f32 v49, v60;
	_ =	sdelay $0x1  }
0x1a4: {  	v12 =	vadd.f32 v20, v12;
	v20 =	vadd.f32 v49, v39;
	v49 =	vadd.s32 v6, v37  }
0x1a5: {  	v5 =	vld.idx.msk [tilespmem:v5+s12+$0x0], $0xffff  }
0x1a6: {  	v40 =	vld.idx.msk [tilespmem:v50+s15+$0x0], $0xffff  }
0x1a7: {  	v50 =	vld.idx.msk [tilespmem:v48+s12+$0x0], $0xffff  }
0x1a8: {  	v26 =	vmul.f32 v63, v30;
	v39 =	vmul.f32 v52, v30;
	v48 =	vld [tilespmem:$0x1FAD0]  }
0x1a9: {  	v3 =	vadd.f32 v3, v13;
	v63 =	vld.idx.msk [tilespmem:v49+s3+$0x0], $0xffff  }
0x1aa: {  	v57 =	vadd.f32 v26, v57;
	v13 =	vadd.f32 v39, v18;
	v39 =	vld.idx.msk [tilespmem:v61+s12+$0x0], $0xffff;
	v61 =	vmul.f32 v62, v33;
	_ =	sdelay $0x1  }
0x1ab: {  	v1 =	vadd.f32 v0, v1;
	v0 =	vadd.f32 v61, v57;
	v61 =	vld [tilespmem:$0x1FAE0];
	v52 =	vor.u32 v6, v7  }
0x1ac: {  	v18 =	vmul.f32 v45, v33;
	v20 =	vmul.f32 v20, v48;
	v48 =	vld.idx.msk [tilespmem:v14+s12+$0x0], $0xffff;
	v14 =	vor.u32 v6, v29  }
0x1ad: {  	v45 =	vor.u32 v6, v9;
	v62 =	vor.u32 v6, v10;
	[tilespmem:$0x1FB40] =	vst v63;
	v63 =	vor.u32 v6, v28;
	v6 =	vld [tilespmem:$0x1FD10]  }
0x1ae: {  	v5 =	vmul.f32 v5, v30;
	v13 =	vadd.f32 v18, v13;
	v18 =	vmul.f32 v41, v35  }
0x1af: {  	v41 =	vmul.f32 v8, v35;
	v26 =	vld.idx.msk [tilespmem:v47+s12+$0x0], $0xffff  }
0x1b0: {  	v5 =	vadd.f32 v5, v51;
	v13 =	vadd.f32 v18, v13;
	v47 =	vld.idx.msk [tilespmem:v52+s15+$0x0], $0xffff  }
0x1b1: {  	v20 =	vadd.f32 v20, v25;
	v25 =	vld.idx.msk [tilespmem:v14+s12+$0x0], $0xffff;
	v14 =	vadd.f32 v41, v0  }
0x1b2: {  	v41 =	vmul.f32 v61, v60;
	v49 =	vld.idx.msk [tilespmem:v62+s12+$0x0], $0xffff;
	v62 =	vmul.f32 v59, v33;
	v52 =	vadd.s32 v6, v37  }
0x1b3: {  	v57 =	vld.idx.msk [tilespmem:v45+s12+$0x0], $0xffff;
	v18 =	vor.u32 v6, v7  }
0x1b4: {  	v13 =	vadd.f32 v41, v13;
	v41 =	vadd.f32 v62, v5;
	v62 =	vld [tilespmem:$0x1FAF0]  }
0x1b5: {  	v21 =	vmul.f32 v21, v60;
	v8 =	vor.u32 v6, v29;
	v45 =	vld.idx.msk [tilespmem:v63+s12+$0x0], $0xffff  }
0x1b6: {  	v44 =	vmul.f32 v44, v30;
	v61 =	vor.u32 v6, v9;
	v63 =	vld [tilespmem:$0x1FB00]  }
0x1b7: {  	v51 =	vmul.f32 v54, v35;
	v21 =	vadd.f32 v21, v14;
	v59 =	vor.u32 v6, v10;
	v14 =	vld.idx.msk [tilespmem:v52+s3+$0x0], $0xffff  }
0x1b8: {  	v43 =	vmul.f32 v43, v33;
	v4 =	vadd.f32 v44, v4;
	v52 =	vor.u32 v6, v28;
	v5 =	vld.idx.msk [tilespmem:v18+s15+$0x0], $0xffff  }
0x1b9: {  	v46 =	vmul.f32 v46, v60;
	v13 =	vmul.f32 v13, v62;
	v6 =	vld [tilespmem:$0x1FD20]  }
0x1ba: {  	v34 =	vmul.f32 v34, v35;
	v4 =	vadd.f32 v43, v4;
	v51 =	vadd.f32 v51, v41;
	v54 =	vld.idx.msk [tilespmem:v8+s12+$0x0], $0xffff  }
0x1bb: {  	v3 =	vadd.f32 v13, v3;
	v13 =	vmul.f32 v36, v30;
	v21 =	vmul.f32 v21, v63;
	v41 =	vld.idx.msk [tilespmem:v61+s12+$0x0], $0xffff  }
0x1bc: {  	v4 =	vadd.f32 v34, v4;
	v34 =	vmul.f32 v56, v60;
	v51 =	vadd.f32 v46, v51;
	v36 =	vld.idx.msk [tilespmem:v59+s12+$0x0], $0xffff  }
0x1bd: {  	v13 =	vadd.f32 v13, v24;
	v24 =	vmul.f32 v32, v33;
	v62 =	vadd.f32 v21, v12;
	v21 =	vld.idx.msk [tilespmem:v52+s12+$0x0], $0xffff  }
0x1be: {  	v18 =	vadd.s32 v6, v37;
	v8 =	vor.u32 v6, v7;
	v61 =	vor.u32 v6, v29;
	v52 =	vld [tilespmem:$0x1FB10]  }
0x1bf: {  	v59 =	vor.u32 v6, v9;
	v46 =	vor.u32 v6, v10;
	v32 =	vor.u32 v6, v28;
	v6 =	vld [tilespmem:$0x1FD30];
	_ =	sdelay $0x1  }
0x1c0: {  	v4 =	vadd.f32 v34, v4;
	_ =	sdelay $0x1  }
0x1c1: {  	v4 =	vmul.f32 v4, v58;
	v0 =	vld [tilespmem:$0x1FF00]  }
0x1c2: {  	v63 =	vld [tilespmem:$0x1FFA0];
	v12 =	vmul.f32 v51, v52;
	v52 =	vadd.s32 v6, v37  }
0x1c3: {  	v42 =	vmul.f32 v42, v30;
	v4 =	vadd.f32 v4, v62;
	v62 =	vld [tilespmem:$0x1FFB0]  }
0x1c4: {  	v22 =	vmul.f32 v22, v35;
	v51 =	vld.idx.msk [tilespmem:v8+s15+$0x0], $0xffff  }
0x1c5: {  	v31 =	vadd.f32 v42, v31;
	v38 =	vmul.f32 v38, v33;
	v13 =	vadd.f32 v24, v13;
	v24 =	vld.idx.msk [tilespmem:v61+s12+$0x0], $0xffff  }
0x1c6: {  	v8 =	vor.u32 v6, v7;
	v61 =	vld [tilespmem:$0x1FD60];
	v1 =	vadd.f32 v12, v1  }
0x1c7: {  	v12 =	vadd.f32 v22, v13;
	v22 =	vadd.f32 v38, v31;
	v38 =	vmul.f32 v19, v60;
	v19 =	vld.idx.msk [tilespmem:v52+s3+$0x0], $0xffff  }
0x1c8: {  	v18 =	vld.idx.msk [tilespmem:v18+s3+$0x0], $0xffff  }
0x1c9: {  	v27 =	vmul.f32 v27, v35;
	v42 =	vld.idx.msk [tilespmem:v59+s12+$0x0], $0xffff;
	v13 =	vor.u32 v6, v9  }
0x1ca: {  	v46 =	vld.idx.msk [tilespmem:v46+s12+$0x0], $0xffff;
	v52 =	vor.u32 v6, v28  }
0x1cb: {  	v22 =	vadd.f32 v27, v22;
	v27 =	vld.idx.msk [tilespmem:v8+s15+$0x0], $0xffff;
	v8 =	vadd.s32 v61, v37  }
0x1cc: {  	v23 =	vmul.f32 v23, v60;
	[tilespmem:$0x1FB50] =	vst v19;
	v19 =	vld [tilespmem:$0x1FB20]  }
0x1cd: {  	v59 =	vor.u32 v6, v29;
	v31 =	vld.idx.msk [tilespmem:v32+s12+$0x0], $0xffff  }
0x1ce: {  	v32 =	vor.u32 v6, v10;
	v22 =	vadd.f32 v23, v22;
	v23 =	vld.idx.msk [tilespmem:v13+s12+$0x0], $0xffff  }
0x1cf: {  	v12 =	vadd.f32 v38, v12;
	v38 =	vor.u32 v61, v9;
	v43 =	vld.idx.msk [tilespmem:v52+s12+$0x0], $0xffff  }
0x1d0: {  	v13 =	vor.u32 v61, v29;
	v8 =	vld.idx.msk [tilespmem:v8+s3+$0x0], $0xffff  }
0x1d1: {  	v52 =	vor.u32 v61, v10;
	v12 =	vmul.f32 v12, v19;
	v19 =	vld [tilespmem:$0x1FB30]  }
0x1d2: {  	v58 =	vmul.f32 v50, v30;
	v44 =	vld.idx.msk [tilespmem:v59+s12+$0x0], $0xffff;
	v59 =	vor.u32 v61, v7  }
0x1d3: {  	v56 =	vor.u32 v61, v28;
	v32 =	vld.idx.msk [tilespmem:v32+s12+$0x0], $0xffff  }
0x1d4: {  	v40 =	vadd.f32 v58, v40;
	v48 =	vmul.f32 v48, v33;
	v6 =	vmov v0;
	v38 =	vld.idx.msk [tilespmem:v38+s12+$0x0], $0xffff  }
0x1d5: {  	v61 =	vmul.f32 v2, v30;
	v2 =	vmul.f32 v15, v35;
	v15 =	vor.u32 v6, v10;
	v34 =	vld.idx.msk [tilespmem:v13+s12+$0x0], $0xffff  }
0x1d6: {  	[tilespmem:$0x1FB60] =	vst v8;
	v8 =	vor.u32 v6, v29;
	v50 =	vld.idx.msk [tilespmem:v52+s12+$0x0], $0xffff;
	v22 =	vmul.f32 v22, v19  }
0x1d7: {  	v39 =	vmul.f32 v39, v35;
	v40 =	vadd.f32 v48, v40;
	v13 =	vor.u32 v0, v7;
	v19 =	vld.idx.msk [tilespmem:v59+s15+$0x0], $0xffff  }
0x1d8: {  	v52 =	vor.u32 v6, v9;
	v59 =	vadd.s32 v0, v37;
	v3 =	vadd.f32 v22, v3;
	v22 =	vld.idx.msk [tilespmem:v56+s12+$0x0], $0xffff  }
0x1d9: {  	v0 =	vadd.f32 v61, v16;
	v61 =	vmul.f32 v11, v33;
	v56 =	vor.u32 v6, v28;
	v6 =	vld [tilespmem:$0x1FE40]  }
0x1da: {  	v26 =	vmul.f32 v26, v60;
	v39 =	vadd.f32 v39, v40;
	v40 =	vld.idx.msk [tilespmem:v15+s12+$0x0], $0xffff  }
0x1db: {  	v48 =	vld.idx.msk [tilespmem:v8+s12+$0x0], $0xffff;
	v0 =	vadd.f32 v61, v0  }
0x1dc: {  	v26 =	vadd.f32 v26, v39;
	v8 =	vld [tilespmem:$0x1FFE0]  }
0x1dd: {  	v20 =	vadd.f32 v12, v20;
	v61 =	vmul.f32 v57, v33;
	v0 =	vadd.f32 v2, v0;
	v2 =	vld.idx.msk [tilespmem:v13+s15+$0x0], $0xffff  }
0x1de: {  	v12 =	vld.idx.msk [tilespmem:v59+s3+$0x0], $0xffff;
	v13 =	vadd.s32 v6, v37;
	v58 =	vor.u32 v6, v7;
	v59 =	vor.u32 v6, v29  }
0x1df: {  	v15 =	vor.u32 v6, v9;
	v57 =	vor.u32 v6, v10;
	v39 =	vor.u32 v6, v28;
	v6 =	vld [tilespmem:$0x1FE50]  }
0x1e0: {  	v25 =	vmul.f32 v25, v30;
	v52 =	vld.idx.msk [tilespmem:v52+s12+$0x0], $0xffff  }
0x1e1: {  	v11 =	vld [tilespmem:$0x1FB50]  }
0x1e2: {  	v55 =	vmul.f32 v55, v60;
	v25 =	vadd.f32 v25, v47;
	v56 =	vld.idx.msk [tilespmem:v56+s12+$0x0], $0xffff  }
0x1e3: {  	v47 =	vmul.f32 v49, v35;
	v13 =	vld.idx.msk [tilespmem:v13+s3+$0x0], $0xffff  }
0x1e4: {  	v25 =	vadd.f32 v61, v25;
	v0 =	vadd.f32 v55, v0;
	v49 =	vld.idx.msk [tilespmem:v58+s15+$0x0], $0xffff;
	v55 =	vadd.s32 v6, v37  }
0x1e5: {  	v17 =	vmul.f32 v26, v17;
	v58 =	vmov v63;
	v63 =	vld [tilespmem:$0x1FFC0]  }
0x1e6: {  	v45 =	vmul.f32 v45, v60;
	v25 =	vadd.f32 v47, v25;
	v26 =	vld.idx.msk [tilespmem:v59+s12+$0x0], $0xffff  }
0x1e7: {  	v17 =	vadd.f32 v17, v20;
	v0 =	vmul.f32 v0, v53;
	v47 =	vld.idx.msk [tilespmem:v15+s12+$0x0], $0xffff  }
0x1e8: {  	v61 =	vmul.f32 v54, v30;
	v20 =	vadd.f32 v45, v25;
	v15 =	vor.u32 v6, v29;
	v25 =	vld.idx.msk [tilespmem:v39+s12+$0x0], $0xffff  }
0x1e9: {  	v0 =	vadd.f32 v0, v1;
	v39 =	vor.u32 v6, v10;
	v1 =	vld.idx.msk [tilespmem:v55+s3+$0x0], $0xffff  }
0x1ea: {  	v41 =	vmul.f32 v41, v33;
	v5 =	vadd.f32 v61, v5;
	v53 =	vor.u32 v6, v7;
	v55 =	vld [tilespmem:$0x1FB40]  }
0x1eb: {  	v59 =	vld [tilespmem:$0x1FFD0];
	v45 =	vor.u32 v6, v28  }
0x1ec: {  	v36 =	vmul.f32 v36, v35;
	v5 =	vadd.f32 v41, v5;
	v54 =	vld.idx.msk [tilespmem:v57+s12+$0x0], $0xffff;
	v61 =	vor.u32 v58, v7  }
0x1ed: {  	v57 =	vor.u32 v6, v9;
	v41 =	vld.idx.msk [tilespmem:v15+s12+$0x0], $0xffff  }
0x1ee: {  	v5 =	vadd.f32 v36, v5;
	v36 =	vld.idx.msk [tilespmem:v39+s12+$0x0], $0xffff  }
0x1ef: {  	v16 =	vmul.f32 v20, v55;
	v20 =	vmul.f32 v24, v30;
	v24 =	vld.idx.msk [tilespmem:v53+s15+$0x0], $0xffff;
	v53 =	vadd.s32 v58, v37  }
0x1f0: {  	v45 =	vld.idx.msk [tilespmem:v45+s12+$0x0], $0xffff  }
0x1f1: {  	v39 =	vld.idx.msk [tilespmem:v61+s15+$0x0], $0xffff;
	v15 =	vadd.f32 v20, v51;
	v20 =	vmul.f32 v42, v33;
	v51 =	vor.u32 v58, v29  }
0x1f2: {  	v44 =	vmul.f32 v44, v30;
	v42 =	vld.idx.msk [tilespmem:v57+s12+$0x0], $0xffff;
	v3 =	vadd.f32 v16, v3;
	v16 =	vor.u32 v58, v9  }
0x1f3: {  	v6 =	vmul.f32 v46, v35;
	v46 =	vor.u32 v58, v10;
	v57 =	vld [tilespmem:$0x1FFF0];
	v20 =	vadd.f32 v20, v15  }
0x1f4: {  	v21 =	vmul.f32 v21, v60;
	v55 =	vadd.s32 v62, v37;
	v15 =	vld.idx.msk [tilespmem:v53+s3+$0x0], $0xffff  }
0x1f5: {  	v27 =	vadd.f32 v44, v27;
	v23 =	vmul.f32 v23, v33;
	v20 =	vadd.f32 v6, v20;
	v6 =	vld [tilespmem:$0x1FE60]  }
0x1f6: {  	v31 =	vmul.f32 v31, v60;
	v5 =	vadd.f32 v21, v5;
	v53 =	vor.u32 v58, v28;
	v44 =	vld.idx.msk [tilespmem:v51+s12+$0x0], $0xffff  }
0x1f7: {  	v51 =	vor.u32 v62, v7;
	v21 =	vld.idx.msk [tilespmem:v16+s12+$0x0], $0xffff;
	v16 =	vadd.f32 v23, v27;
	v23 =	vmul.f32 v32, v35  }
0x1f8: {  	v43 =	vmul.f32 v43, v60;
	v27 =	vld.idx.msk [tilespmem:v46+s12+$0x0], $0xffff  }
0x1f9: {  	v32 =	vor.u32 v62, v9;
	v20 =	vadd.f32 v31, v20;
	v23 =	vadd.f32 v23, v16;
	v16 =	vld.idx.msk [tilespmem:v55+s3+$0x0], $0xffff  }
0x1fa: {  	v5 =	vmul.f32 v5, v14;
	v46 =	vor.u32 v62, v28;
	v31 =	vor.u32 v62, v29;
	v55 =	vld [tilespmem:$0x1FF10]  }
0x1fb: {  	v58 =	vmul.f32 v20, v18;
	v18 =	vld.idx.msk [tilespmem:v53+s12+$0x0], $0xffff;
	v20 =	vor.u32 v62, v10;
	v62 =	vmul.f32 v34, v30  }
0x1fc: {  	v4 =	vadd.f32 v5, v4;
	v26 =	vmul.f32 v26, v30;
	v34 =	vld.idx.msk [tilespmem:v51+s15+$0x0], $0xffff;
	v51 =	vadd.s32 v6, v37  }
0x1fd: {  	v53 =	vld [tilespmem:$0x1FF30];
	v0 =	vadd.f32 v58, v0;
	v5 =	vadd.f32 v62, v19;
	v58 =	vmul.f32 v38, v33  }
0x1fe: {  	v43 =	vadd.f32 v43, v23;
	v32 =	vld.idx.msk [tilespmem:v32+s12+$0x0], $0xffff;
	v38 =	vor.u32 v6, v29;
	v62 =	vmul.f32 v48, v30  }
0x1ff: {  	v46 =	vld.idx.msk [tilespmem:v46+s12+$0x0], $0xffff;
	v48 =	vor.u32 v6, v10;
	v5 =	vadd.f32 v58, v5;
	v58 =	vmul.f32 v50, v35  }
0x200: {  	v23 =	vld.idx.msk [tilespmem:v31+s12+$0x0], $0xffff;
	v31 =	vor.u32 v6, v7;
	v2 =	vadd.f32 v62, v2;
	v62 =	vmul.f32 v52, v33  }
0x201: {  	v19 =	vmul.f32 v43, v11;
	v43 =	vor.u32 v6, v9;
	v5 =	vadd.f32 v58, v5;
	v14 =	vld.idx.msk [tilespmem:v51+s3+$0x0], $0xffff  }
0x202: {  	v2 =	vadd.f32 v62, v2;
	v58 =	vmul.f32 v40, v35;
	v51 =	vor.u32 v6, v28;
	v6 =	vld [tilespmem:$0x1FE70]  }
0x203: {  	v47 =	vmul.f32 v47, v33;
	v20 =	vld.idx.msk [tilespmem:v20+s12+$0x0], $0xffff  }
0x204: {  	v26 =	vadd.f32 v26, v49;
	v62 =	vmul.f32 v56, v60;
	v56 =	vld [tilespmem:$0x1FF20];
	v2 =	vadd.f32 v58, v2  }
0x205: {  	v22 =	vmul.f32 v22, v60;
	v61 =	vmov v37;
	v38 =	vld.idx.msk [tilespmem:v38+s12+$0x0], $0xffff  }
0x206: {  	v26 =	vadd.f32 v47, v26;
	v47 =	vadd.s32 v63, v61;
	v2 =	vadd.f32 v62, v2;
	v62 =	vld [tilespmem:$0x1FB60]  }
0x207: {  	v19 =	vadd.f32 v19, v17;
	v48 =	vld.idx.msk [tilespmem:v48+s12+$0x0], $0xffff;
	v58 =	vmul.f32 v54, v35;
	v17 =	vadd.s32 v6, v61  }
0x208: {  	v25 =	vmul.f32 v25, v60;
	v31 =	vld.idx.msk [tilespmem:v31+s15+$0x0], $0xffff;
	v40 =	vor.u32 v6, v7  }
0x209: {  	v43 =	vld.idx.msk [tilespmem:v43+s12+$0x0], $0xffff;
	v5 =	vadd.f32 v22, v5;
	v26 =	vadd.f32 v58, v26;
	v50 =	vor.u32 v6, v29  }
0x20a: {  	v52 =	vor.u32 v6, v9;
	v49 =	vld.idx.msk [tilespmem:v51+s12+$0x0], $0xffff  }
0x20b: {  	v51 =	vor.u32 v6, v10;
	v5 =	vmul.f32 v5, v62;
	v62 =	vadd.f32 v25, v26;
	v26 =	vld.idx.msk [tilespmem:v47+s3+$0x0], $0xffff  }
0x20c: {  	v22 =	vor.u32 v6, v28;
	v17 =	vld.idx.msk [tilespmem:v17+s3+$0x0], $0xffff  }
0x20d: {  	v54 =	vor.u32 v63, v7;
	v58 =	vmul.f32 v41, v30;
	v40 =	vld.idx.msk [tilespmem:v40+s15+$0x0], $0xffff  }
0x20e: {  	v25 =	vor.u32 v63, v10;
	v11 =	vld.idx.msk [tilespmem:v50+s12+$0x0], $0xffff;
	v50 =	vor.u32 v63, v29  }
0x20f: {  	v37 =	vld.idx.msk [tilespmem:v52+s12+$0x0], $0xffff;
	v3 =	vadd.f32 v5, v3;
	v5 =	vadd.f32 v58, v24;
	v24 =	vmul.f32 v42, v33  }
0x210: {  	v2 =	vmul.f32 v2, v12;
	v41 =	vld.idx.msk [tilespmem:v51+s12+$0x0], $0xffff;
	v51 =	vor.u32 v63, v9  }
0x211: {  	v22 =	vld.idx.msk [tilespmem:v22+s12+$0x0], $0xffff;
	v42 =	vor.u32 v63, v28;
	v5 =	vadd.f32 v24, v5;
	v24 =	vmul.f32 v36, v35  }
0x212: {  	v2 =	vadd.f32 v2, v4;
	v52 =	vmul.f32 v44, v30;
	v44 =	vld.idx.msk [tilespmem:v54+s15+$0x0], $0xffff;
	v54 =	vadd.s32 v59, v61  }
0x213: {  	v4 =	vmul.f32 v62, v13;
	v62 =	vor.u32 v59, v29;
	v63 =	vadd.f32 v24, v5;
	v5 =	vld.idx.msk [tilespmem:v25+s12+$0x0], $0xffff  }
0x214: {  	v23 =	vmul.f32 v23, v30;
	v58 =	vor.u32 v59, v7;
	v36 =	vld.idx.msk [tilespmem:v50+s12+$0x0], $0xffff  }
0x215: {  	v21 =	vmul.f32 v21, v33;
	v6 =	vor.u32 v57, v28;
	v13 =	vadd.f32 v52, v39;
	v39 =	vld.idx.msk [tilespmem:v51+s12+$0x0], $0xffff  }
0x216: {  	v18 =	vmul.f32 v18, v60;
	v23 =	vadd.f32 v23, v34;
	v24 =	vor.u32 v59, v9;
	v25 =	vld.idx.msk [tilespmem:v42+s12+$0x0], $0xffff  }
0x217: {  	v13 =	vadd.f32 v21, v13;
	v21 =	vmul.f32 v27, v35;
	v27 =	vor.u32 v59, v10;
	v12 =	vld.idx.msk [tilespmem:v54+s3+$0x0], $0xffff  }
0x218: {  	v52 =	vmul.f32 v45, v60;
	v54 =	vor.u32 v59, v28;
	v34 =	vld.idx.msk [tilespmem:v62+s12+$0x0], $0xffff;
	v11 =	vmul.f32 v11, v30  }
0x219: {  	v0 =	vadd.f32 v4, v0;
	v59 =	vor.u32 v8, v7;
	v13 =	vadd.f32 v21, v13;
	v21 =	vld.idx.msk [tilespmem:v58+s15+$0x0], $0xffff  }
0x21a: {  	v58 =	vadd.s32 v8, v61;
	v4 =	vadd.f32 v52, v63;
	v11 =	vadd.f32 v11, v40;
	v40 =	vld.idx.msk [tilespmem:v6+s12+$0x0], $0xffff  }
0x21b: {  	v32 =	vmul.f32 v32, v33;
	v52 =	vor.u32 v8, v28;
	v13 =	vadd.f32 v18, v13;
	v18 =	vld.idx.msk [tilespmem:v24+s12+$0x0], $0xffff  }
0x21c: {  	v20 =	vmul.f32 v20, v35;
	v62 =	vor.u32 v8, v9;
	v1 =	vmul.f32 v4, v1;
	v27 =	vld.idx.msk [tilespmem:v27+s12+$0x0], $0xffff  }
0x21d: {  	v23 =	vadd.f32 v32, v23;
	v24 =	vor.u32 v8, v29;
	v63 =	vmul.f32 v13, v15;
	v13 =	vld.idx.msk [tilespmem:v54+s12+$0x0], $0xffff  }
0x21e: {  	v15 =	vor.u32 v8, v10;
	v1 =	vadd.f32 v1, v19;
	v19 =	vmul.f32 v38, v30;
	v38 =	vld.idx.msk [tilespmem:v59+s15+$0x0], $0xffff  }
0x21f: {  	v20 =	vadd.f32 v20, v23;
	v23 =	vmul.f32 v46, v60;
	v54 =	vadd.s32 v57, v61;
	v42 =	vld.idx.msk [tilespmem:v58+s3+$0x0], $0xffff  }
0x220: {  	v37 =	vmul.f32 v37, v33;
	v59 =	vor.u32 v57, v29;
	v45 =	vld.idx.msk [tilespmem:v52+s12+$0x0], $0xffff  }
0x221: {  	v58 =	vadd.f32 v23, v20;
	v23 =	vor.u32 v57, v7;
	v19 =	vadd.f32 v19, v31;
	v31 =	vld.idx.msk [tilespmem:v62+s12+$0x0], $0xffff  }
0x222: {  	v50 =	vor.u32 v55, v7;
	v52 =	vor.u32 v55, v29;
	v20 =	vld.idx.msk [tilespmem:v24+s12+$0x0], $0xffff  }
0x223: {  	v11 =	vadd.f32 v37, v11;
	v34 =	vmul.f32 v34, v30;
	v4 =	vmul.f32 v58, v16;
	v16 =	vld.idx.msk [tilespmem:v15+s12+$0x0], $0xffff  }
0x224: {  	v3 =	vadd.f32 v63, v3;
	v63 =	vor.u32 v57, v10;
	v24 =	vmul.f32 v43, v33;
	v15 =	vld.idx.msk [tilespmem:v54+s3+$0x0], $0xffff  }
0x225: {  	v62 =	vor.u32 v57, v9;
	v21 =	vadd.f32 v34, v21;
	v18 =	vmul.f32 v18, v33;
	v32 =	vld.idx.msk [tilespmem:v59+s12+$0x0], $0xffff  }
0x226: {  	v2 =	vadd.f32 v4, v2;
	v19 =	vadd.f32 v24, v19;
	v24 =	vmul.f32 v48, v35;
	v23 =	vld.idx.msk [tilespmem:v23+s15+$0x0], $0xffff  }
0x227: {  	v48 =	vadd.s32 v55, v61;
	v4 =	vld.idx.msk [tilespmem:v52+s12+$0x0], $0xffff;
	v18 =	vadd.f32 v18, v21;
	v21 =	vmul.f32 v27, v35  }
0x228: {  	v57 =	vor.u32 v55, v10;
	v52 =	vld [tilespmem:$0x1FE00];
	v19 =	vadd.f32 v24, v19;
	v24 =	vmul.f32 v49, v60  }
0x229: {  	v37 =	vld.idx.msk [tilespmem:v63+s12+$0x0], $0xffff;
	v63 =	vor.u32 v56, v9;
	v49 =	vmul.f32 v41, v35;
	v18 =	vadd.f32 v21, v18  }
0x22a: {  	v21 =	vmul.f32 v13, v60;
	v19 =	vadd.f32 v24, v19;
	v24 =	vmul.f32 v36, v30;
	v36 =	vld.idx.msk [tilespmem:v62+s12+$0x0], $0xffff  }
0x22b: {  	v22 =	vmul.f32 v22, v60;
	v54 =	vor.u32 v55, v9;
	v11 =	vadd.f32 v49, v11;
	v49 =	vld [tilespmem:$0x1FDF0]  }
0x22c: {  	v59 =	vor.u32 v56, v7;
	v18 =	vadd.f32 v21, v18;
	v14 =	vmul.f32 v19, v14;
	v19 =	vld.idx.msk [tilespmem:v48+s3+$0x0], $0xffff  }
0x22d: {  	v21 =	vor.u32 v53, v7;
	v11 =	vadd.f32 v22, v11;
	v22 =	vor.u32 v55, v28;
	v55 =	vld [tilespmem:$0x1FDE0]  }
0x22e: {  	v39 =	vmul.f32 v39, v33;
	v24 =	vadd.f32 v24, v44;
	v44 =	vld.idx.msk [tilespmem:v57+s12+$0x0], $0xffff  }
0x22f: {  	v5 =	vmul.f32 v5, v35;
	v58 =	vadd.s32 v56, v61;
	v27 =	vld.idx.msk [tilespmem:v63+s12+$0x0], $0xffff  }
0x230: {  	v25 =	vmul.f32 v25, v60;
	v24 =	vadd.f32 v39, v24;
	v39 =	vld.idx.msk [tilespmem:v50+s15+$0x0], $0xffff;
	v0 =	vadd.f32 v14, v0  }
0x231: {  	v17 =	vmul.f32 v11, v17;
	v14 =	vld.idx.msk [tilespmem:v59+s15+$0x0], $0xffff;
	v50 =	vadd.s32 v53, v61;
	v11 =	vsel vm0, v52, v49  }
0x232: {  	v62 =	vor.u32 v56, v29;
	v21 =	vld.idx.msk [tilespmem:v21+s15+$0x0], $0xffff;
	v5 =	vadd.f32 v5, v24;
	v48 =	vcombine.low v55, v11  }
0x233: {  	v20 =	vmul.f32 v20, v30;
	v24 =	vld.idx.msk [tilespmem:v54+s12+$0x0], $0xffff;
	v54 =	vor.u32 v56, v10;
	v17 =	vadd.f32 v17, v1  }
0x234: {  	v1 =	vld.idx.msk [tilespmem:v58+s3+$0x0], $0xffff;
	v5 =	vadd.f32 v25, v5;
	v25 =	vor.u32 v56, v28;
	v56 =	vadd.s32 v48, v61  }
0x235: {  	v22 =	vld.idx.msk [tilespmem:v22+s12+$0x0], $0xffff;
	v58 =	vor.u32 v48, v29  }
0x236: {  	v31 =	vmul.f32 v31, v33;
	v20 =	vadd.f32 v20, v38;
	v59 =	vor.u32 v48, v9;
	v34 =	vld.idx.msk [tilespmem:v50+s3+$0x0], $0xffff  }
0x237: {  	v5 =	vmul.f32 v5, v26;
	v26 =	vld.idx.msk [tilespmem:v62+s12+$0x0], $0xffff  }
0x238: {  	v16 =	vmul.f32 v16, v35;
	v20 =	vadd.f32 v31, v20;
	v62 =	vor.u32 v48, v10;
	v38 =	vld.idx.msk [tilespmem:v54+s12+$0x0], $0xffff  }
0x239: {  	v63 =	vmul.f32 v32, v30;
	v13 =	vld.idx.msk [tilespmem:v56+s3+$0x0], $0xffff  }
0x23a: {  	v16 =	vadd.f32 v16, v20;
	v20 =	vld.idx.msk [tilespmem:v58+s12+$0x0], $0xffff  }
0x23b: {  	v57 =	vor.u32 v48, v7;
	v3 =	vadd.f32 v5, v3;
	v5 =	vadd.f32 v63, v23;
	v23 =	vld.idx.msk [tilespmem:v59+s12+$0x0], $0xffff  }
0x23c: {  	v31 =	vor.u32 v48, v28;
	v59 =	vld [tilespmem:$0x1FD40]  }
0x23d: {  	v56 =	vmul.f32 v45, v60;
	v58 =	vor.u32 v53, v9;
	v45 =	vld.idx.msk [tilespmem:v62+s12+$0x0], $0xffff  }
0x23e: {  	v36 =	vmul.f32 v36, v33;
	v62 =	vld [tilespmem:$0x1FD50]  }
0x23f: {  	v63 =	vld [tilespmem:$0x1FDA0]  }
0x240: {  	v37 =	vmul.f32 v37, v35;
	v32 =	vld.idx.msk [tilespmem:v57+s15+$0x0], $0xffff;
	v5 =	vadd.f32 v36, v5  }
0x241: {  	v12 =	vmul.f32 v18, v12;
	v18 =	vld.idx.msk [tilespmem:v31+s12+$0x0], $0xffff  }
0x242: {  	v50 =	vor.u32 v53, v28;
	v5 =	vadd.f32 v37, v5;
	v37 =	vld.idx.msk [tilespmem:v58+s12+$0x0], $0xffff  }
0x243: {  	v57 =	vor.u32 v53, v29;
	v58 =	vld [tilespmem:$0x1FD70];
	v47 =	vsel vm0, v62, v59  }
0x244: {  	v31 =	vor.u32 v53, v10;
	v59 =	vld [tilespmem:$0x1FD80];
	v52 =	vcombine.low v47, v63  }
0x245: {  	v62 =	vld [tilespmem:$0x1FDB0]  }
0x246: {  	v4 =	vmul.f32 v4, v30;
	v25 =	vld.idx.msk [tilespmem:v25+s12+$0x0], $0xffff;
	v16 =	vadd.f32 v56, v16;
	v53 =	vadd.s32 v52, v61  }
0x247: {  	v36 =	vld.idx.msk [tilespmem:v50+s12+$0x0], $0xffff;
	v55 =	vor.u32 v52, v7  }
0x248: {  	v4 =	vadd.f32 v4, v39;
	v54 =	vmul.f32 v16, v42;
	v16 =	vld.idx.msk [tilespmem:v57+s12+$0x0], $0xffff;
	v56 =	vor.u32 v52, v29  }
0x249: {  	v24 =	vmul.f32 v24, v33;
	v31 =	vld.idx.msk [tilespmem:v31+s12+$0x0], $0xffff;
	v47 =	vor.u32 v52, v10;
	v46 =	vsel vm0, v59, v58  }
0x24a: {  	v57 =	vor.u32 v52, v9;
	v50 =	vcombine.low v46, v62;
	v62 =	vld [tilespmem:$0x1FE10]  }
0x24b: {  	v4 =	vadd.f32 v24, v4;
	v24 =	vmul.f32 v44, v35;
	v41 =	vld.idx.msk [tilespmem:v53+s3+$0x0], $0xffff  }
0x24c: {  	v40 =	vmul.f32 v40, v60;
	v63 =	vor.u32 v52, v28;
	v53 =	vmul.f32 v26, v30;
	v26 =	vld.idx.msk [tilespmem:v55+s15+$0x0], $0xffff  }
0x24d: {  	v4 =	vadd.f32 v24, v4;
	v0 =	vadd.f32 v54, v0;
	v54 =	vadd.s32 v50, v61;
	v24 =	vld.idx.msk [tilespmem:v56+s12+$0x0], $0xffff  }
0x24e: {  	v2 =	vadd.f32 v12, v2;
	v55 =	vor.u32 v50, v7;
	v43 =	vld.idx.msk [tilespmem:v47+s12+$0x0], $0xffff  }
0x24f: {  	v5 =	vadd.f32 v40, v5;
	v56 =	vor.u32 v50, v29;
	v12 =	vadd.f32 v53, v14;
	v14 =	vld.idx.msk [tilespmem:v57+s12+$0x0], $0xffff  }
0x250: {  	v27 =	vmul.f32 v27, v33;
	v22 =	vmul.f32 v22, v60;
	v46 =	vor.u32 v50, v9;
	v57 =	vld [tilespmem:$0x1FDD0]  }
0x251: {  	v5 =	vmul.f32 v5, v15;
	v15 =	vld.idx.msk [tilespmem:v63+s12+$0x0], $0xffff;
	v59 =	vor.u32 v50, v10  }
0x252: {  	v4 =	vadd.f32 v22, v4;
	v22 =	vadd.f32 v27, v12;
	v12 =	vld.idx.msk [tilespmem:v54+s3+$0x0], $0xffff  }
0x253: {  	v20 =	vmul.f32 v20, v30;
	v16 =	vmul.f32 v16, v30;
	v39 =	vld.idx.msk [tilespmem:v55+s15+$0x0], $0xffff  }
0x254: {  	v38 =	vmul.f32 v38, v35;
	v23 =	vmul.f32 v23, v33;
	v5 =	vadd.f32 v5, v17;
	v17 =	vld.idx.msk [tilespmem:v56+s12+$0x0], $0xffff  }
0x255: {  	v20 =	vadd.f32 v20, v32;
	v16 =	vadd.f32 v16, v21;
	v32 =	vld.idx.msk [tilespmem:v46+s12+$0x0], $0xffff;
	v58 =	vsel vm0, v49, v57  }
0x256: {  	v21 =	vmul.f32 v37, v33;
	v27 =	vor.u32 v50, v28;
	v40 =	vld.idx.msk [tilespmem:v59+s12+$0x0], $0xffff;
	v49 =	vcombine.low v58, v62  }
0x257: {  	v4 =	vmul.f32 v4, v19;
	v20 =	vadd.f32 v23, v20;
	v23 =	vmul.f32 v45, v35;
	v59 =	vld [tilespmem:$0x1FD90]  }
0x258: {  	v16 =	vadd.f32 v21, v16;
	v24 =	vmul.f32 v24, v30;
	v56 =	vld [tilespmem:$0x1FF40];
	v63 =	vadd.s32 v49, v61  }
0x259: {  	v21 =	vmul.f32 v31, v35;
	v22 =	vadd.f32 v38, v22;
	v58 =	vld [tilespmem:$0x1FDC0];
	v19 =	vor.u32 v49, v7  }
0x25a: {  	v24 =	vadd.f32 v24, v26;
	v14 =	vmul.f32 v14, v33;
	v62 =	vld [tilespmem:$0x1FE20];
	v38 =	vor.u32 v49, v29  }
0x25b: {  	v16 =	vadd.f32 v21, v16;
	v21 =	vmul.f32 v36, v60;
	v27 =	vld.idx.msk [tilespmem:v27+s12+$0x0], $0xffff;
	v57 =	vor.u32 v49, v9  }
0x25c: {  	v14 =	vadd.f32 v14, v24;
	v24 =	vmul.f32 v43, v35;
	v43 =	vld [tilespmem:$0x1FF70];
	v47 =	vor.u32 v49, v10  }
0x25d: {  	v16 =	vadd.f32 v21, v16;
	v21 =	vor.u32 v56, v10;
	v42 =	vld.idx.msk [tilespmem:v63+s3+$0x0], $0xffff  }
0x25e: {  	v20 =	vadd.f32 v23, v20;
	v15 =	vmul.f32 v15, v60;
	v19 =	vld.idx.msk [tilespmem:v19+s15+$0x0], $0xffff  }
0x25f: {  	v14 =	vadd.f32 v24, v14;
	v46 =	vsel vm0, v58, v59;
	v58 =	vadd.s32 v56, v61;
	v23 =	vld.idx.msk [tilespmem:v38+s12+$0x0], $0xffff  }
0x260: {  	v54 =	vcombine.low v46, v62;
	v62 =	vor.u32 v56, v29;
	v38 =	vld.idx.msk [tilespmem:v57+s12+$0x0], $0xffff  }
0x261: {  	v14 =	vadd.f32 v15, v14;
	v63 =	vor.u32 v49, v28;
	v37 =	vld.idx.msk [tilespmem:v47+s12+$0x0], $0xffff  }
0x262: {  	v25 =	vmul.f32 v25, v60;
	v21 =	vld.idx.msk [tilespmem:v21+s12+$0x0], $0xffff;
	v55 =	vor.u32 v54, v29  }
0x263: {  	v14 =	vmul.f32 v14, v41;
	v41 =	vld [tilespmem:$0x1FF60]  }
0x264: {  	v3 =	vadd.f32 v4, v3;
	v53 =	vadd.f32 v25, v22;
	v22 =	vadd.s32 v54, v61;
	v4 =	vld.idx.msk [tilespmem:v58+s3+$0x0], $0xffff  }
0x265: {  	v25 =	vor.u32 v54, v7;
	v58 =	vmul.f32 v17, v30;
	v17 =	vld.idx.msk [tilespmem:v62+s12+$0x0], $0xffff  }
0x266: {  	v18 =	vmul.f32 v18, v60;
	v57 =	vor.u32 v54, v10;
	v26 =	vld.idx.msk [tilespmem:v63+s12+$0x0], $0xffff  }
0x267: {  	v59 =	vor.u32 v56, v7;
	v31 =	vor.u32 v54, v28;
	v36 =	vld.idx.msk [tilespmem:v55+s12+$0x0], $0xffff  }
0x268: {  	v63 =	vadd.f32 v18, v20;
	v20 =	vor.u32 v56, v9;
	v55 =	vor.u32 v56, v28;
	v56 =	vld [tilespmem:$0x1FF50]  }
0x269: {  	v22 =	vld.idx.msk [tilespmem:v22+s3+$0x0], $0xffff  }
0x26a: {  	v16 =	vmul.f32 v16, v34;
	v25 =	vld.idx.msk [tilespmem:v25+s15+$0x0], $0xffff  }
0x26b: {  	v1 =	vmul.f32 v53, v1;
	v46 =	vor.u32 v54, v9;
	v18 =	vld.idx.msk [tilespmem:v57+s12+$0x0], $0xffff;
	v53 =	vmul.f32 v63, v13  }
0x26c: {  	v5 =	vadd.f32 v16, v5;
	v32 =	vmul.f32 v32, v33;
	v15 =	vld.idx.msk [tilespmem:v31+s12+$0x0], $0xffff  }
0x26d: {  	v2 =	vadd.f32 v1, v2;
	v0 =	vadd.f32 v53, v0;
	v53 =	vld [tilespmem:$0x1FE30];
	v57 =	vadd.s32 v56, v61  }
0x26e: {  	v27 =	vmul.f32 v27, v60;
	v3 =	vadd.f32 v14, v3;
	v31 =	vld.idx.msk [tilespmem:v59+s15+$0x0], $0xffff;
	v59 =	vor.u32 v56, v7  }
0x26f: {  	v62 =	vmul.f32 v23, v30;
	v44 =	vor.u32 v41, v7;
	v14 =	vld.idx.msk [tilespmem:v20+s12+$0x0], $0xffff;
	v16 =	vor.u32 v56, v29  }
0x270: {  	v47 =	vor.u32 v41, v9;
	v24 =	vld.idx.msk [tilespmem:v46+s12+$0x0], $0xffff;
	v20 =	vadd.f32 v58, v39;
	v23 =	vor.u32 v56, v9  }
0x271: {  	v17 =	vmul.f32 v17, v30;
	v13 =	vld.idx.msk [tilespmem:v55+s12+$0x0], $0xffff;
	v63 =	vor.u32 v56, v10;
	v55 =	vor.u32 v56, v28  }
0x272: {  	v56 =	vmul.f32 v40, v35;
	v20 =	vadd.f32 v32, v20;
	v45 =	vcombine.low v11, v53;
	v1 =	vld.idx.msk [tilespmem:v57+s3+$0x0], $0xffff  }
0x273: {  	v17 =	vadd.f32 v17, v31;
	v11 =	vadd.f32 v62, v19;
	v19 =	vmul.f32 v38, v33;
	v38 =	vld.idx.msk [tilespmem:v59+s15+$0x0], $0xffff  }
0x274: {  	v20 =	vadd.f32 v56, v20;
	v14 =	vmul.f32 v14, v33;
	v57 =	vadd.s32 v45, v61;
	v16 =	vld.idx.msk [tilespmem:v16+s12+$0x0], $0xffff  }
0x275: {  	v11 =	vadd.f32 v19, v11;
	v19 =	vmul.f32 v37, v35;
	v58 =	vor.u32 v45, v7;
	v23 =	vld.idx.msk [tilespmem:v23+s12+$0x0], $0xffff  }
0x276: {  	v59 =	vor.u32 v45, v29;
	v34 =	vld.idx.msk [tilespmem:v55+s12+$0x0], $0xffff;
	v14 =	vadd.f32 v14, v17;
	v17 =	vmul.f32 v21, v35  }
0x277: {  	v62 =	vor.u32 v45, v9;
	v11 =	vadd.f32 v19, v11;
	v19 =	vmul.f32 v26, v60;
	v26 =	vld.idx.msk [tilespmem:v63+s12+$0x0], $0xffff  }
0x278: {  	v20 =	vadd.f32 v27, v20;
	v27 =	vmul.f32 v36, v30;
	v14 =	vadd.f32 v17, v14;
	v17 =	vld.idx.msk [tilespmem:v44+s15+$0x0], $0xffff  }
0x279: {  	v11 =	vadd.f32 v19, v11;
	v19 =	vld.idx.msk [tilespmem:v57+s3+$0x0], $0xffff  }
0x27a: {  	v24 =	vmul.f32 v24, v33;
	v56 =	vor.u32 v43, v7;
	v25 =	vadd.f32 v27, v25;
	v27 =	vld.idx.msk [tilespmem:v58+s15+$0x0], $0xffff  }
0x27b: {  	v6 =	vor.u32 v45, v28;
	v31 =	vld.idx.msk [tilespmem:v59+s12+$0x0], $0xffff  }
0x27c: {  	v63 =	vor.u32 v45, v10;
	v24 =	vadd.f32 v24, v25;
	v25 =	vld.idx.msk [tilespmem:v62+s12+$0x0], $0xffff  }
0x27d: {  	v57 =	vld.idx.msk [tilespmem:v47+s12+$0x0], $0xffff  }
0x27e: {  	v18 =	vmul.f32 v18, v35;
	v12 =	vmul.f32 v20, v12;
	v20 =	vor.u32 v43, v29;
	v58 =	vld [tilespmem:$0x1FF80]  }
0x27f: {  	v46 =	vor.u32 v41, v29;
	v15 =	vmul.f32 v15, v60;
	v44 =	vmul.f32 v16, v30;
	v16 =	vld.idx.msk [tilespmem:v56+s15+$0x0], $0xffff  }
0x280: {  	v55 =	vor.u32 v41, v28;
	v13 =	vmul.f32 v13, v60;
	v18 =	vadd.f32 v18, v24;
	v24 =	vld.idx.msk [tilespmem:v6+s12+$0x0], $0xffff  }
0x281: {  	v53 =	vor.u32 v41, v10;
	v2 =	vadd.f32 v12, v2;
	v21 =	vld.idx.msk [tilespmem:v63+s12+$0x0], $0xffff  }
0x282: {  	v13 =	vadd.f32 v13, v14;
	v59 =	vor.u32 v43, v9;
	v63 =	vld [tilespmem:$0x1FF90];
	v15 =	vadd.f32 v15, v18  }
0x283: {  	v23 =	vmul.f32 v23, v33;
	v11 =	vmul.f32 v11, v42;
	v42 =	vor.u32 v43, v28;
	v20 =	vld.idx.msk [tilespmem:v20+s12+$0x0], $0xffff  }
0x284: {  	v4 =	vmul.f32 v13, v4;
	v18 =	vld.idx.msk [tilespmem:v46+s12+$0x0], $0xffff;
	v62 =	vmul.f32 v15, v22;
	v22 =	vor.u32 v43, v10  }
0x285: {  	v12 =	vadd.f32 v44, v38;
	v0 =	vadd.f32 v11, v0;
	v11 =	vld.idx.msk [tilespmem:v55+s12+$0x0], $0xffff;
	v46 =	vor.u32 v58, v7  }
0x286: {  	v3 =	vadd.f32 v4, v3;
	v15 =	vld.idx.msk [tilespmem:v53+s12+$0x0], $0xffff;
	v47 =	vmul.f32 v31, v30;
	v31 =	vor.u32 v58, v29  }
0x287: {  	v12 =	vadd.f32 v23, v12;
	v23 =	vmul.f32 v26, v35;
	v32 =	vld.idx.msk [tilespmem:v59+s12+$0x0], $0xffff;
	v53 =	vor.u32 v58, v9  }
0x288: {  	v25 =	vmul.f32 v25, v33;
	v13 =	vld.idx.msk [tilespmem:v42+s12+$0x0], $0xffff;
	v4 =	vadd.f32 v47, v27;
	v8 =	vor.u32 v63, v29  }
0x289: {  	v12 =	vadd.f32 v23, v12;
	v55 =	vor.u32 v63, v7;
	v22 =	vld.idx.msk [tilespmem:v22+s12+$0x0], $0xffff  }
0x28a: {  	v21 =	vmul.f32 v21, v35;
	v9 =	vor.u32 v63, v9;
	v4 =	vadd.f32 v25, v4;
	v25 =	vld.idx.msk [tilespmem:v46+s15+$0x0], $0xffff  }
0x28b: {  	v23 =	vmul.f32 v34, v60;
	v27 =	vor.u32 v58, v10;
	v10 =	vor.u32 v63, v10;
	v26 =	vld.idx.msk [tilespmem:v31+s12+$0x0], $0xffff  }
0x28c: {  	v20 =	vmul.f32 v20, v30;
	v4 =	vadd.f32 v21, v4;
	v21 =	vmul.f32 v24, v60;
	v24 =	vld.idx.msk [tilespmem:v53+s12+$0x0], $0xffff  }
0x28d: {  	v12 =	vadd.f32 v23, v12;
	v18 =	vmul.f32 v18, v30;
	v23 =	vor.u32 v58, v28;
	v56 =	vld.idx.msk [tilespmem:v8+s12+$0x0], $0xffff  }
0x28e: {  	v14 =	vmul.f32 v57, v33;
	v11 =	vmul.f32 v11, v60;
	v6 =	vld.idx.msk [tilespmem:v55+s15+$0x0], $0xffff;
	v8 =	vor.u32 v63, v28  }
0x28f: {  	v16 =	vadd.f32 v20, v16;
	v20 =	vadd.s32 v43, v61;
	v17 =	vadd.f32 v18, v17;
	v9 =	vld.idx.msk [tilespmem:v9+s12+$0x0], $0xffff  }
0x290: {  	v18 =	vadd.s32 v41, v61;
	v27 =	vld.idx.msk [tilespmem:v27+s12+$0x0], $0xffff;
	v4 =	vadd.f32 v21, v4;
	v21 =	vmul.f32 v32, v33  }
0x291: {  	v14 =	vadd.f32 v14, v17;
	v17 =	vadd.s32 v58, v61;
	v10 =	vld.idx.msk [tilespmem:v10+s12+$0x0], $0xffff;
	v26 =	vmul.f32 v26, v30  }
0x292: {  	v16 =	vadd.f32 v21, v16;
	v21 =	vld.idx.msk [tilespmem:v23+s12+$0x0], $0xffff;
	v23 =	vadd.s32 v63, v61;
	v7 =	vmul.f32 v56, v30  }
0x293: {  	v5 =	vadd.f32 v62, v5;
	v15 =	vmul.f32 v15, v35;
	v24 =	vmul.f32 v24, v33;
	v8 =	vld.idx.msk [tilespmem:v8+s12+$0x0], $0xffff  }
0x294: {  	v20 =	vld.idx.msk [tilespmem:v20+s3+$0x0], $0xffff;
	v25 =	vadd.f32 v26, v25;
	v57 =	vmul.f32 v9, v33;
	v6 =	vadd.f32 v7, v6  }
0x295: {  	v14 =	vadd.f32 v15, v14;
	v9 =	vld.idx.msk [tilespmem:v18+s3+$0x0], $0xffff;
	v18 =	vmul.f32 v22, v35;
	v22 =	vmul.f32 v27, v35  }
0x296: {  	v58 =	vmul.f32 v10, v35;
	v10 =	vld.idx.msk [tilespmem:v17+s3+$0x0], $0xffff;
	v15 =	vadd.f32 v24, v25;
	v6 =	vadd.f32 v57, v6  }
0x297: {  	v13 =	vmul.f32 v13, v60;
	v16 =	vadd.f32 v18, v16;
	v17 =	vld.idx.msk [tilespmem:v23+s3+$0x0], $0xffff;
	v59 =	vmul.f32 v21, v60  }
0x298: {  	v15 =	vadd.f32 v22, v15;
	v8 =	vmul.f32 v8, v60;
	v6 =	vadd.f32 v58, v6  }
0x299: {  	v1 =	vmul.f32 v12, v1;
	v11 =	vadd.f32 v11, v14;
	v61 =	vadd.f32 v13, v16  }
0x29a: {  	v4 =	vmul.f32 v4, v19;
	v7 =	vadd.f32 v59, v15;
	v6 =	vadd.f32 v8, v6  }
0x29b: {  	v1 =	vadd.f32 v1, v2;
	v62 =	vmul.f32 v11, v9;
	v8 =	vmul.f32 v61, v20  }
0x29c: {  	v0 =	vadd.f32 v4, v0;
	v63 =	vmul.f32 v7, v10;
	v6 =	vmul.f32 v6, v17  }
0x29d: {  	v2 =	vadd.f32 v62, v5;
	v3 =	vadd.f32 v8, v3  }
0x29e: {  	v1 =	vadd.f32 v63, v1;
	v0 =	vadd.f32 v6, v0;
	_ =	sdelay $0x1  }
0x29f: {  	v2 =	vadd.f32 v3, v2;
	v0 =	vadd.f32 v0, v1;
	_ =	sdelay $0x1  }
0x2a0: {  	v0 =	vadd.f32 v0, v2;
	_ =	sdelay $0x1  }
0x2a1: {  	v0 =	vmul.f32 $-2.000000030e-01, v0;
	_ =	sdelay $0x1  }
0x2a2: {  	v0 =	vadd.f32 $0.0e+00, v0;
	_ =	sdelay $0x1  }
0x2a3: {  	v0 =	vmul.f32 $1.442695020e+00, v0;
	_ =	sdelay $0x1  }
0x2a4: {  	(erf) = vpow2.f32 v0;
	_ =	sdelay $0x8  }
0x2a5: {  	v0 =	vpop (erf)  }
0x2a6: {  	v0 =	vadd.f32 $1.000000000e+00, v0;
	_ =	sdelay $0x1  }
0x2a7: {  	(erf) = vrcp.f32 v0;
	_ =	sdelay $0x2  }
0x2a8: {  	v51 =	vld [tilespmem:$0x1FEF0]  }
0x2a9: {  	v38 =	vld [tilespmem:$0x1FEE0]  }
0x2aa: {  	p0 =	sne.s32 s31, $0x30;
	v34 =	vld [tilespmem:$0x1FED0]  }
.Ltmp0:
0x2ab: {  	v31 =	vld [tilespmem:$0x1FEC0];
	(pc) =	sbr.rel @p0 .LBB2_3-.Ltmp0, $4  }
0x2ac: {  	v25 =	vld [tilespmem:$0x1FEB0]  }
0x2ad: {  	v18 =	vld [tilespmem:$0x1FE90]  }
0x2ae: {  	v21 =	vld [tilespmem:$0x1FEA0];
	v0 =	vpop (erf)  }
0x2af: {  	s25 =	sadd.s32 $0x10, s25;
	s31 =	sadd.s32 $0x10, s31;
	v16 =	vlaneseq.u32;
	v11 =	vld [tilespmem:$0x1FE80];
	[tilespmem:s29+$0x0] =	vst v0;
	s29 =	sadd.s32 $0x10, s29  }
0x2b0: {  	p0 =	seq.s32 s30, $0x17  }
0x2b1: {  	s25 =	sshll.u32 @!p0 s30, $0x7  }
0x2b2: {  	s25 =	sand.u32 @!p0 $0x3FFFFF80, s25  }
0x2b3: {  	s29 =	simm.s32 @!p0 $0x40;
	s31 =	simm.s32 @!p0 $0x19200;
	s25 =	sadd.s32 @!p0 $0x17A80, s25  }
0x2b4: {  	[tilespmem:s31], [sflag:$0x1] =	stream.indirect.gather @!p0 [hbm4b:s4+s29], $0x40, s25, s29, $0xb8;
	[tilespmem:$0x1DE00] =	vst v63  }
0x2b5: {  	s31 =	simm.s32 @!p0 $0x1A200  }
0x2b6: {  	[tilespmem:s31], [sflag:$0x2] =	stream.indirect.gather @!p0 [hbm4b:s6+s29], $0x40, s25, s29, $0xb8;
	[tilespmem:$0x1DE00] =	vst v63  }
0x2b7: {  	_ =	swait.ge [sflag:s21], $0x1000  }
0x2b8: {  	[sflag:s21] =	ssyncset.done $0x0  }
0x2b9: {  	[sflag:s21] =	ssyncadd.s32 $0xFFFFF000  }
0x2ba: {  	_ =	swait.ge [sflag:s22], $0x1000  }
0x2bb: {  	[tilespmem:$0x1F720] =	vst v48  }
0x2bc: {  	[tilespmem:$0x1F730] =	vst v52  }
0x2bd: {  	[tilespmem:$0x1F740] =	vst v50  }
0x2be: {  	[tilespmem:$0x1F750] =	vst v49  }
0x2bf: {  	s25 =	simm.s32 $0x0;
	[sflag:s22] =	ssyncset.done $0x0;
	[tilespmem:$0x1F760] =	vst v54  }
0x2c0: {  	s29 =	smov.u32 s28;
	s31 =	smov.u32 s26;
	[tilespmem:$0x1F770] =	vst v45;
	[sflag:s22] =	ssyncadd.s32 $0xFFFFF000  }
.LBB2_5:
0x2c1: {  	_ = 	snop  }
0x2c2: {  	v0 =	vmov s25  }
0x2c3: {  	v0 =	vshll.u32 v0, $0x6  }
0x2c4: {  	v6 =	vor.u32 v11, v0  }
0x2c5: {  	v0 =	vor.u32 $0x1, v6;
	_ =	sdelay $0x3  }
0x2c6: {  	v1 =	vld.idx.msk [tilespmem:v6+s18+$0x0], $0xffff  }
0x2c7: {  	v2 =	vor.u32 $0x2, v6;
	v0 =	vld.idx.msk [tilespmem:v0+s18+$0x0], $0xffff  }
0x2c8: {  	v3 =	vor.u32 $0x3, v6;
	_ =	sdelay $0x1  }
0x2c9: {  	v58 =	vld [tilespmem:s29+$0x0]  }
0x2ca: {  	v36 =	vor.u32 $0x4, v6;
	v1 =	vtrunc.f32 v1  }
0x2cb: {  	v8 =	vor.u32 $0x5, v6;
	v2 =	vld.idx.msk [tilespmem:v2+s18+$0x0], $0xffff;
	v1 =	vcvt.f32.s32 v1;
	v0 =	vtrunc.f32 v0  }
0x2cc: {  	v11 =	vor.u32 $0x6, v6;
	v3 =	vld.idx.msk [tilespmem:v3+s18+$0x0], $0xffff;
	v4 =	vcvt.f32.s32 v0  }
0x2cd: {  	v47 =	vld [tilespmem:$0x1FE90];
	v12 =	vor.u32 $0x7, v6;
	vm1 =	vgt.s32 v1, $0x0  }
0x2ce: {  	v54 =	vld [tilespmem:$0x1FEB0];
	v13 =	vadd.s32 v16, v58;
	v1 =	vnsel vm1, $0x0, v1;
	vm1 =	vgt.s32 v4, $0x0  }
0x2cf: {  	v14 =	vor.u32 v16, v6;
	v44 =	vadd.s32 v18, v58;
	v17 =	vld.idx.msk [tilespmem:v36+s18+$0x0], $0xffff;
	v4 =	vnsel vm1, $0x0, v4  }
0x2d0: {  	v59 =	vadd.s32 v38, v58;
	v19 =	vld.idx.msk [tilespmem:v8+s18+$0x0], $0xffff;
	v2 =	vtrunc.f32 v2;
	v4 =	vmin.u32 v4, $0x3E7  }
0x2d1: {  	v20 =	vld.idx.msk [tilespmem:v11+s18+$0x0], $0xffff;
	v3 =	vtrunc.f32 v3;
	v2 =	vcvt.f32.s32 v2;
	v9 =	vshll.u32 v4, $0x6  }
0x2d2: {  	v23 =	vld.idx.msk [tilespmem:v12+s18+$0x0], $0xffff;
	v3 =	vcvt.f32.s32 v3;
	v1 =	vmin.u32 v1, $0x3E7;
	v11 =	vor.u32 v16, v9  }
0x2d3: {  	v45 =	vor.u32 v18, v6;
	v42 =	vld.idx.msk [tilespmem:v13+s3+$0x0], $0xffff;
	vm1 =	vgt.s32 v2, $0x0;
	v7 =	vshll.u32 v1, $0x6  }
0x2d4: {  	v46 =	vld.idx.msk [tilespmem:v14+s17+$0x0], $0xffff;
	v37 =	vnsel vm1, $0x0, v2;
	vm1 =	vgt.s32 v3, $0x0;
	v15 =	vor.u32 v16, v7  }
0x2d5: {  	v48 =	vadd.s32 v21, v58;
	v49 =	vld.idx.msk [tilespmem:v44+s3+$0x0], $0xffff;
	v39 =	vnsel vm1, $0x0, v3  }
0x2d6: {  	v5 =	vadd.s32 v51, v58;
	v61 =	vld.idx.msk [tilespmem:v59+s3+$0x0], $0xffff;
	v1 =	vmin.u32 v37, $0x3E7;
	v40 =	vmin.u32 v39, $0x3E7  }
0x2d7: {  	v10 =	vshll.u32 v1, $0x6;
	v8 =	vshll.u32 v40, $0x6;
	v52 =	vld.idx.msk [tilespmem:v11+s12+$0x0], $0xffff;
	v11 =	vor.u32 v18, v7  }
0x2d8: {  	v24 =	vld.idx.msk [tilespmem:v45+s17+$0x0], $0xffff;
	v41 =	vor.u32 v16, v10;
	v43 =	vor.u32 v16, v8;
	v16 =	vor.u32 v18, v10  }
0x2d9: {  	v56 =	vld.idx.msk [tilespmem:v15+s12+$0x0], $0xffff;
	v15 =	vor.u32 v18, v9;
	v18 =	vor.u32 v47, v8  }
0x2da: {  	v50 =	vld.idx.msk [tilespmem:v48+s3+$0x0], $0xffff  }
0x2db: {  	[tilespmem:$0x1F2E0] =	vst v61;
	v61 =	vld.idx.msk [tilespmem:v5+s3+$0x0], $0xffff  }
0x2dc: {  	v12 =	vld.idx.msk [tilespmem:v11+s12+$0x0], $0xffff;
	v11 =	vor.u32 v21, v6  }
0x2dd: {  	v27 =	vld.idx.msk [tilespmem:v16+s12+$0x0], $0xffff;
	v16 =	vor.u32 v21, v9  }
0x2de: {  	v32 =	vld.idx.msk [tilespmem:v18+s12+$0x0], $0xffff;
	v18 =	vor.u32 v21, v10  }
0x2df: {  	v0 =	vld [tilespmem:$0x1FB90]  }
0x2e0: {  	v53 =	vor.u32 v21, v8;
	v13 =	vld.idx.msk [tilespmem:v15+s12+$0x0], $0xffff;
	v15 =	vor.u32 v21, v7;
	v21 =	vor.u32 v25, v6  }
0x2e1: {  	[tilespmem:$0x1F290] =	vst v42;
	v42 =	vld.idx.msk [tilespmem:v11+s17+$0x0], $0xffff;
	v11 =	vadd.s32 v25, v58  }
0x2e2: {  	v60 =	vld.idx.msk [tilespmem:v16+s12+$0x0], $0xffff;
	v16 =	vor.u32 v25, v7  }
0x2e3: {  	v37 =	vld.idx.msk [tilespmem:v18+s12+$0x0], $0xffff;
	v18 =	vor.u32 v25, v9  }
0x2e4: {  	v5 =	vld [tilespmem:$0x1FB70];
	v22 =	vor.u32 v25, v10  }
0x2e5: {  	v14 =	vld.idx.msk [tilespmem:v21+s17+$0x0], $0xffff  }
0x2e6: {  	[tilespmem:$0x1F2A0] =	vst v50;
	v2 =	vadd.s32 v0, v58;
	v50 =	vld.idx.msk [tilespmem:v11+s3+$0x0], $0xffff  }
0x2e7: {  	v21 =	vadd.s32 v31, v58;
	v11 =	vld.idx.msk [tilespmem:v16+s12+$0x0], $0xffff  }
0x2e8: {  	v16 =	vld.idx.msk [tilespmem:v18+s12+$0x0], $0xffff;
	v18 =	vor.u32 v31, v7  }
0x2e9: {  	v30 =	vld.idx.msk [tilespmem:v22+s12+$0x0], $0xffff;
	v22 =	vor.u32 v31, v9  }
0x2ea: {  	v26 =	vor.u32 v31, v6;
	v1 =	vld [tilespmem:$0x1FB80]  }
0x2eb: {  	v2 =	vld.idx.msk [tilespmem:v2+s3+$0x0], $0xffff;
	v25 =	vor.u32 v54, v8  }
0x2ec: {  	v55 =	vld.idx.msk [tilespmem:v21+s3+$0x0], $0xffff;
	v21 =	vor.u32 v31, v8  }
0x2ed: {  	v33 =	vld.idx.msk [tilespmem:v18+s12+$0x0], $0xffff;
	v18 =	vor.u32 v34, v6  }
0x2ee: {  	v48 =	vld.idx.msk [tilespmem:v22+s12+$0x0], $0xffff;
	v22 =	vor.u32 v34, v7  }
0x2ef: {  	v29 =	vor.u32 v34, v9;
	v47 =	vld.idx.msk [tilespmem:v26+s17+$0x0], $0xffff  }
0x2f0: {  	v39 =	vor.u32 v51, v6;
	v63 =	vld.idx.msk [tilespmem:v25+s12+$0x0], $0xffff  }
0x2f1: {  	v4 =	vor.u32 v38, v8;
	v62 =	vld.idx.msk [tilespmem:v21+s12+$0x0], $0xffff  }
0x2f2: {  	v35 =	vor.u32 v38, v6;
	v21 =	vld.idx.msk [tilespmem:v18+s17+$0x0], $0xffff  }
0x2f3: {  	v25 =	vor.u32 v31, v10;
	v31 =	vor.u32 v34, v10;
	v18 =	vld.idx.msk [tilespmem:v22+s12+$0x0], $0xffff  }
0x2f4: {  	v22 =	vld.idx.msk [tilespmem:v29+s12+$0x0], $0xffff;
	v29 =	vor.u32 v38, v7  }
0x2f5: {  	v36 =	vor.u32 v38, v10;
	v59 =	vld.idx.msk [tilespmem:v39+s17+$0x0], $0xffff  }
0x2f6: {  	v44 =	vld.idx.msk [tilespmem:v4+s12+$0x0], $0xffff  }
0x2f7: {  	v54 =	vld.idx.msk [tilespmem:v35+s17+$0x0], $0xffff  }
0x2f8: {  	v26 =	vadd.s32 v34, v58;
	[tilespmem:$0x1F2B0] =	vst v55;
	v55 =	vld.idx.msk [tilespmem:v31+s12+$0x0], $0xffff  }
0x2f9: {  	v35 =	vor.u32 v5, v10;
	v31 =	vor.u32 v38, v9;
	v38 =	vld.idx.msk [tilespmem:v29+s12+$0x0], $0xffff  }
0x2fa: {  	v29 =	vld.idx.msk [tilespmem:v36+s12+$0x0], $0xffff;
	v36 =	vor.u32 v51, v9  }
0x2fb: {  	v40 =	vld.idx.msk [tilespmem:v43+s12+$0x0], $0xffff;
	v43 =	vor.u32 v5, v6  }
0x2fc: {  	v28 =	vld.idx.msk [tilespmem:v41+s12+$0x0], $0xffff  }
0x2fd: {  	[tilespmem:$0x1F2F0] =	vst v61;
	v4 =	vor.u32 v51, v8;
	v57 =	vld.idx.msk [tilespmem:v26+s3+$0x0], $0xffff  }
0x2fe: {  	v3 =	vadd.s32 v5, v58;
	[tilespmem:$0x1F2D0] =	vst v44;
	v35 =	vld.idx.msk [tilespmem:v35+s12+$0x0], $0xffff  }
0x2ff: {  	v44 =	vor.u32 v5, v9;
	v61 =	vld.idx.msk [tilespmem:v36+s12+$0x0], $0xffff;
	v36 =	vor.u32 v5, v7;
	v5 =	vor.u32 v5, v8  }
0x300: {  	v26 =	vor.u32 v34, v8;
	v34 =	vld.idx.msk [tilespmem:v43+s17+$0x0], $0xffff;
	v43 =	vadd.s32 v1, v58  }
0x301: {  	v45 =	vld.idx.msk [tilespmem:v53+s12+$0x0], $0xffff  }
0x302: {  	[tilespmem:$0x1F2C0] =	vst v57;
	v57 =	vld.idx.msk [tilespmem:v4+s12+$0x0], $0xffff  }
0x303: {  	v4 =	vld.idx.msk [tilespmem:v3+s3+$0x0], $0xffff  }
0x304: {  	v41 =	vor.u32 v51, v7;
	v53 =	vor.u32 v51, v10;
	v51 =	vor.u32 v1, v7;
	v39 =	vld.idx.msk [tilespmem:v5+s12+$0x0], $0xffff  }
0x305: {  	[tilespmem:$0x1F310] =	vst v35;
	v35 =	vor.u32 v1, v9;
	v43 =	vld.idx.msk [tilespmem:v43+s3+$0x0], $0xffff;
	v5 =	vor.u32 v1, v10  }
0x306: {  	[tilespmem:$0x1F300] =	vst v34;
	v34 =	vld.idx.msk [tilespmem:v36+s12+$0x0], $0xffff;
	v36 =	vor.u32 v1, v6;
	v1 =	vor.u32 v1, v8  }
0x307: {  	v3 =	vor.u32 v0, v6  }
0x308: {  	[tilespmem:$0x1F440] =	vst v2  }
0x309: {  	[tilespmem:$0x1F320] =	vst v39;
	v39 =	vld.idx.msk [tilespmem:v51+s12+$0x0], $0xffff  }
0x30a: {  	[tilespmem:$0x1F340] =	vst v43;
	v43 =	vld.idx.msk [tilespmem:v5+s12+$0x0], $0xffff  }
0x30b: {  	v2 =	vor.u32 v0, v8;
	[tilespmem:$0x1F330] =	vst v4;
	v51 =	vld.idx.msk [tilespmem:v1+s12+$0x0], $0xffff  }
0x30c: {  	v4 =	vor.u32 v0, v7;
	v5 =	vor.u32 v0, v9;
	v1 =	vor.u32 v0, v10;
	v0 =	vld.idx.msk [tilespmem:v3+s17+$0x0], $0xffff;
	_ =	sdelay $0x4  }
0x30d: {  	[tilespmem:$0x1F370] =	vst v0;
	v0 =	vld [tilespmem:$0x1FBA0];
	_ =	sdelay $0x3  }
0x30e: {  	v4 =	vld.idx.msk [tilespmem:v4+s12+$0x0], $0xffff  }
0x30f: {  	v3 =	vadd.s32 v0, v58  }
0x310: {  	v5 =	vld.idx.msk [tilespmem:v5+s12+$0x0], $0xffff;
	_ =	sdelay $0x1  }
0x311: {  	v2 =	vld.idx.msk [tilespmem:v2+s12+$0x0], $0xffff  }
0x312: {  	[tilespmem:$0x1F350] =	vst v4;
	v1 =	vld.idx.msk [tilespmem:v1+s12+$0x0], $0xffff;
	v4 =	vor.u32 v0, v6  }
0x313: {  	v3 =	vld.idx.msk [tilespmem:v3+s3+$0x0], $0xffff  }
0x314: {  	[tilespmem:$0x1F380] =	vst v5;
	v5 =	vor.u32 v0, v7;
	_ =	sdelay $0x1  }
0x315: {  	[tilespmem:$0x1F3D0] =	vst v2  }
0x316: {  	[tilespmem:$0x1F3B0] =	vst v1;
	v4 =	vld.idx.msk [tilespmem:v4+s17+$0x0], $0xffff  }
0x317: {  	v1 =	vor.u32 v0, v9;
	v2 =	vor.u32 v0, v10;
	[tilespmem:$0x1F450] =	vst v3;
	v3 =	vor.u32 v0, v8;
	v0 =	vld [tilespmem:$0x1FBB0]  }
0x318: {  	v5 =	vld.idx.msk [tilespmem:v5+s12+$0x0], $0xffff;
	_ =	sdelay $0x3  }
0x319: {  	[tilespmem:$0x1F390] =	vst v4;
	v4 =	vadd.s32 v0, v58  }
0x31a: {  	[tilespmem:$0x1F360] =	vst v5;
	v5 =	vor.u32 v0, v6  }
0x31b: {  	v1 =	vld.idx.msk [tilespmem:v1+s12+$0x0], $0xffff  }
0x31c: {  	v2 =	vld.idx.msk [tilespmem:v2+s12+$0x0], $0xffff  }
0x31d: {  	v3 =	vld.idx.msk [tilespmem:v3+s12+$0x0], $0xffff  }
0x31e: {  	v4 =	vld.idx.msk [tilespmem:v4+s3+$0x0], $0xffff  }
0x31f: {  	v5 =	vld.idx.msk [tilespmem:v5+s17+$0x0], $0xffff  }
0x320: {  	v41 =	vld.idx.msk [tilespmem:v41+s12+$0x0], $0xffff;
	[tilespmem:$0x1F3A0] =	vst v1;
	v1 =	vor.u32 v0, v7  }
0x321: {  	v53 =	vld.idx.msk [tilespmem:v53+s12+$0x0], $0xffff;
	[tilespmem:$0x1F3C0] =	vst v2;
	v2 =	vor.u32 v0, v9  }
0x322: {  	v15 =	vld.idx.msk [tilespmem:v15+s12+$0x0], $0xffff;
	[tilespmem:$0x1F3E0] =	vst v3;
	v3 =	vor.u32 v0, v10  }
0x323: {  	v26 =	vld.idx.msk [tilespmem:v26+s12+$0x0], $0xffff;
	[tilespmem:$0x1F460] =	vst v4;
	v4 =	vor.u32 v0, v8  }
0x324: {  	[tilespmem:$0x1F400] =	vst v5;
	v5 =	vld [tilespmem:$0x1FBC0]  }
0x325: {  	v1 =	vld.idx.msk [tilespmem:v1+s12+$0x0], $0xffff  }
0x326: {  	v2 =	vld.idx.msk [tilespmem:v2+s12+$0x0], $0xffff  }
0x327: {  	v3 =	vld.idx.msk [tilespmem:v3+s12+$0x0], $0xffff  }
0x328: {  	v4 =	vld.idx.msk [tilespmem:v4+s12+$0x0], $0xffff  }
0x329: {  	v44 =	vld.idx.msk [tilespmem:v44+s12+$0x0], $0xffff;
	v0 =	vadd.s32 v5, v58  }
0x32a: {  	v25 =	vld.idx.msk [tilespmem:v25+s12+$0x0], $0xffff;
	[tilespmem:$0x1F3F0] =	vst v1  }
0x32b: {  	v31 =	vld.idx.msk [tilespmem:v31+s12+$0x0], $0xffff;
	[tilespmem:$0x1F410] =	vst v2  }
0x32c: {  	v35 =	vld.idx.msk [tilespmem:v35+s12+$0x0], $0xffff;
	[tilespmem:$0x1F420] =	vst v3  }
0x32d: {  	v36 =	vld.idx.msk [tilespmem:v36+s17+$0x0], $0xffff;
	[tilespmem:$0x1F430] =	vst v4  }
0x32e: {  	v0 =	vld.idx.msk [tilespmem:v0+s3+$0x0], $0xffff;
	_ =	sdelay $0x1  }
0x32f: {  	v12 =	vmul.f32 v12, v17;
	_ =	sdelay $0x1  }
0x330: {  	v12 =	vadd.f32 v12, v24;
	v1 =	vor.u32 v5, v6;
	v2 =	vor.u32 v5, v7  }
0x331: {  	v24 =	vor.u32 v5, v9;
	v4 =	vor.u32 v5, v10;
	[tilespmem:$0x1F470] =	vst v0;
	v0 =	vor.u32 v5, v8;
	v5 =	vld [tilespmem:$0x1FBD0]  }
0x332: {  	v56 =	vmul.f32 v56, v17;
	_ =	sdelay $0x1  }
0x333: {  	v46 =	vadd.f32 v56, v46;
	v56 =	vmul.f32 v52, v19;
	_ =	sdelay $0x1  }
0x334: {  	v46 =	vadd.f32 v56, v46;
	v56 =	vld.idx.msk [tilespmem:v1+s17+$0x0], $0xffff;
	v1 =	vadd.s32 v5, v58  }
0x335: {  	v13 =	vmul.f32 v13, v19;
	_ =	sdelay $0x1  }
0x336: {  	v27 =	vmul.f32 v27, v20;
	v12 =	vadd.f32 v13, v12  }
0x337: {  	v3 =	vld.idx.msk [tilespmem:v2+s12+$0x0], $0xffff  }
0x338: {  	v12 =	vadd.f32 v27, v12;
	v27 =	vmul.f32 v32, v23;
	v1 =	vld.idx.msk [tilespmem:v1+s3+$0x0], $0xffff  }
0x339: {  	v15 =	vmul.f32 v15, v17;
	v52 =	vld.idx.msk [tilespmem:v24+s12+$0x0], $0xffff;
	v2 =	vor.u32 v5, v6  }
0x33a: {  	v13 =	vmul.f32 v28, v20;
	v12 =	vadd.f32 v27, v12;
	v27 =	vld [tilespmem:$0x1F290];
	v24 =	vor.u32 v5, v7  }
0x33b: {  	v15 =	vadd.f32 v15, v42;
	v42 =	vld.idx.msk [tilespmem:v0+s12+$0x0], $0xffff;
	v0 =	vor.u32 v5, v10  }
0x33c: {  	v13 =	vadd.f32 v13, v46;
	v46 =	vld.idx.msk [tilespmem:v4+s12+$0x0], $0xffff  }
0x33d: {  	v40 =	vmul.f32 v40, v23;
	v4 =	vor.u32 v5, v9;
	[tilespmem:$0x1F520] =	vst v1;
	v1 =	vor.u32 v5, v8;
	v5 =	vld [tilespmem:$0x1FBE0]  }
0x33e: {  	v11 =	vmul.f32 v11, v17;
	v2 =	vld.idx.msk [tilespmem:v2+s17+$0x0], $0xffff  }
0x33f: {  	v28 =	vmul.f32 v60, v19;
	v13 =	vadd.f32 v40, v13;
	v40 =	vld.idx.msk [tilespmem:v24+s12+$0x0], $0xffff  }
0x340: {  	v16 =	vmul.f32 v16, v19;
	v11 =	vadd.f32 v11, v14;
	v0 =	vld.idx.msk [tilespmem:v0+s12+$0x0], $0xffff  }
0x341: {  	v15 =	vadd.f32 v28, v15  }
0x342: {  	v11 =	vadd.f32 v16, v11;
	v16 =	vmul.f32 v37, v20;
	v60 =	vor.u32 v5, v6  }
0x343: {  	v28 =	vmul.f32 v33, v17;
	v13 =	vmul.f32 v13, v27;
	[tilespmem:$0x1F490] =	vst v2;
	v27 =	vor.u32 v5, v10  }
0x344: {  	v4 =	vld.idx.msk [tilespmem:v4+s12+$0x0], $0xffff;
	v24 =	vmul.f32 v30, v20;
	[tilespmem:$0x1F480] =	vst v40;
	v37 =	vor.u32 v5, v8  }
0x345: {  	[tilespmem:$0x1F4C0] =	vst v0;
	v2 =	vadd.s32 v5, v58;
	v32 =	vor.u32 v5, v7;
	v0 =	vor.u32 v5, v9;
	v5 =	vld [tilespmem:$0x1FBF0]  }
0x346: {  	v40 =	vadd.f32 v16, v15;
	v15 =	vadd.f32 v24, v11;
	v24 =	vmul.f32 v63, v23;
	v1 =	vld.idx.msk [tilespmem:v1+s12+$0x0], $0xffff  }
0x347: {  	v12 =	vmul.f32 v12, v49;
	v18 =	vmul.f32 v18, v17;
	v49 =	vld.idx.msk [tilespmem:v60+s17+$0x0], $0xffff  }
0x348: {  	v15 =	vadd.f32 v24, v15;
	v24 =	vadd.f32 v28, v47;
	v47 =	vld.idx.msk [tilespmem:v27+s12+$0x0], $0xffff  }
0x349: {  	v22 =	vmul.f32 v22, v19;
	v18 =	vadd.f32 v18, v21;
	v63 =	vld.idx.msk [tilespmem:v37+s12+$0x0], $0xffff  }
0x34a: {  	v60 =	vadd.s32 v5, v58;
	v27 =	vmul.f32 v48, v19;
	v37 =	vld [tilespmem:$0x1F2A0]  }
0x34b: {  	v18 =	vadd.f32 v22, v18;
	v16 =	vmul.f32 v45, v23;
	v2 =	vld.idx.msk [tilespmem:v2+s3+$0x0], $0xffff;
	v30 =	vor.u32 v5, v6  }
0x34c: {  	v11 =	vld.idx.msk [tilespmem:v32+s12+$0x0], $0xffff;
	v24 =	vadd.f32 v27, v24;
	v27 =	vmul.f32 v55, v20;
	v55 =	vmul.f32 v41, v17  }
0x34d: {  	v40 =	vadd.f32 v16, v40;
	v16 =	vld.idx.msk [tilespmem:v0+s12+$0x0], $0xffff  }
0x34e: {  	[tilespmem:$0x1F4A0] =	vst v4;
	v4 =	vor.u32 v5, v10;
	v18 =	vadd.f32 v27, v18;
	v27 =	vadd.f32 v55, v59;
	v55 =	vld [tilespmem:$0x1FC10]  }
0x34f: {  	v21 =	vor.u32 v5, v9;
	v28 =	vmul.f32 v40, v37;
	v40 =	vld.idx.msk [tilespmem:v60+s3+$0x0], $0xffff  }
0x350: {  	v25 =	vmul.f32 v25, v20;
	[tilespmem:$0x1F4E0] =	vst v63;
	v63 =	vld [tilespmem:$0x1FC00]  }
0x351: {  	v45 =	vor.u32 v5, v8;
	v60 =	vld.idx.msk [tilespmem:v30+s17+$0x0], $0xffff  }
0x352: {  	v62 =	vmul.f32 v62, v23;
	v0 =	vld [tilespmem:$0x1FC40];
	v24 =	vadd.f32 v25, v24;
	[tilespmem:$0x1F4B0] =	vst v49;
	v49 =	vor.u32 v5, v7  }
0x353: {  	[tilespmem:$0x1F530] =	vst v2;
	v30 =	vmul.f32 v38, v17;
	v2 =	vld.idx.msk [tilespmem:v4+s12+$0x0], $0xffff  }
0x354: {  	v48 =	vld.idx.msk [tilespmem:v21+s12+$0x0], $0xffff;
	v14 =	vadd.f32 v62, v24;
	v24 =	vor.u32 v55, v6  }
0x355: {  	v62 =	vld [tilespmem:$0x1FC20];
	v25 =	vadd.f32 v30, v54;
	[tilespmem:$0x1F540] =	vst v40;
	v22 =	vadd.s32 v63, v58  }
0x356: {  	[tilespmem:$0x1F4F0] =	vst v60;
	v40 =	vor.u32 v63, v6;
	v60 =	vld.idx.msk [tilespmem:v45+s12+$0x0], $0xffff;
	v45 =	vmul.f32 v31, v19  }
0x357: {  	v37 =	vld.idx.msk [tilespmem:v49+s12+$0x0], $0xffff;
	v33 =	vor.u32 v63, v7  }
0x358: {  	[tilespmem:$0x1F500] =	vst v2;
	v2 =	vor.u32 v63, v9;
	v25 =	vadd.f32 v45, v25;
	v45 =	vld [tilespmem:$0x1F2B0]  }
0x359: {  	v26 =	vmul.f32 v26, v23;
	v54 =	vmul.f32 v61, v19;
	v30 =	vor.u32 v63, v10;
	v61 =	vld.idx.msk [tilespmem:v24+s17+$0x0], $0xffff  }
0x35a: {  	v41 =	vld.idx.msk [tilespmem:v22+s3+$0x0], $0xffff  }
0x35b: {  	v18 =	vadd.f32 v26, v18;
	v26 =	vadd.f32 v54, v27;
	v54 =	vor.u32 v55, v8;
	v49 =	vld.idx.msk [tilespmem:v40+s17+$0x0], $0xffff  }
0x35c: {  	v31 =	vld.idx.msk [tilespmem:v33+s12+$0x0], $0xffff  }
0x35d: {  	v24 =	vadd.s32 v62, v58;
	v21 =	vld.idx.msk [tilespmem:v2+s12+$0x0], $0xffff  }
0x35e: {  	v27 =	vmul.f32 v29, v20;
	v22 =	vor.u32 v63, v8;
	v29 =	vld.idx.msk [tilespmem:v30+s12+$0x0], $0xffff  }
0x35f: {  	v40 =	vld [tilespmem:$0x1F2E0]  }
0x360: {  	v15 =	vmul.f32 v15, v50;
	v50 =	vmul.f32 v14, v45;
	v45 =	vld.idx.msk [tilespmem:v54+s12+$0x0], $0xffff  }
0x361: {  	v30 =	vor.u32 v55, v9;
	v54 =	vld [tilespmem:$0x1F310]  }
0x362: {  	v5 =	vor.u32 v62, v6;
	[tilespmem:$0x1F560] =	vst v61;
	v61 =	vld.idx.msk [tilespmem:v24+s3+$0x0], $0xffff  }
0x363: {  	v59 =	vld.idx.msk [tilespmem:v22+s12+$0x0], $0xffff  }
0x364: {  	v63 =	vadd.s32 v55, v58;
	v2 =	vor.u32 v55, v7;
	v22 =	vor.u32 v55, v10;
	v55 =	vld [tilespmem:$0x1F2D0]  }
0x365: {  	[tilespmem:$0x1F550] =	vst v41;
	v41 =	vmul.f32 v53, v20;
	v53 =	vld [tilespmem:$0x1F2C0]  }
0x366: {  	v13 =	vadd.f32 $0.0e+00, v13;
	v33 =	vld.idx.msk [tilespmem:v30+s12+$0x0], $0xffff  }
0x367: {  	v25 =	vadd.f32 v27, v25;
	v30 =	vor.u32 v62, v7;
	v27 =	vadd.f32 v41, v26;
	v41 =	vld.idx.msk [tilespmem:v5+s17+$0x0], $0xffff  }
0x368: {  	v12 =	vadd.f32 $0.0e+00, v12;
	v4 =	vmul.f32 v57, v23;
	[tilespmem:$0x1F510] =	vst v60;
	v5 =	vld [tilespmem:$0x1FC30]  }
0x369: {  	v13 =	vadd.f32 v50, v13;
	v50 =	vor.u32 v62, v10;
	v60 =	vmul.f32 v55, v23;
	v38 =	vld.idx.msk [tilespmem:v22+s12+$0x0], $0xffff  }
0x36a: {  	v24 =	vor.u32 v62, v8;
	v18 =	vmul.f32 v18, v53;
	v22 =	vor.u32 v62, v9;
	v62 =	vld [tilespmem:$0x1F300]  }
0x36b: {  	v55 =	vld [tilespmem:$0x1F2F0];
	v53 =	vmul.f32 v35, v19;
	v25 =	vadd.f32 v60, v25  }
0x36c: {  	v35 =	vld.idx.msk [tilespmem:v30+s12+$0x0], $0xffff;
	v12 =	vadd.f32 v18, v12;
	v18 =	vadd.f32 v4, v27;
	v60 =	vmul.f32 v39, v17  }
0x36d: {  	v27 =	vmul.f32 v34, v17;
	v4 =	vmul.f32 v44, v19;
	v14 =	vadd.s32 v5, v58;
	v44 =	vld [tilespmem:$0x1F320]  }
0x36e: {  	[tilespmem:$0x1F5C0] =	vst v61;
	v30 =	vor.u32 v5, v6;
	v36 =	vadd.f32 v60, v36;
	v60 =	vmul.f32 v43, v20;
	v43 =	vld [tilespmem:$0x1F370]  }
0x36f: {  	[tilespmem:$0x1F570] =	vst v33;
	v61 =	vor.u32 v5, v9;
	v27 =	vadd.f32 v27, v62;
	v33 =	vld.idx.msk [tilespmem:v22+s12+$0x0], $0xffff  }
0x370: {  	v18 =	vmul.f32 v18, v55;
	v55 =	vmul.f32 v54, v20;
	v54 =	vld [tilespmem:$0x1F330]  }
0x371: {  	v34 =	vadd.f32 v4, v27;
	v27 =	vld.idx.msk [tilespmem:v50+s12+$0x0], $0xffff  }
0x372: {  	v22 =	vor.u32 v5, v7;
	v36 =	vadd.f32 v53, v36;
	v4 =	vld.idx.msk [tilespmem:v14+s3+$0x0], $0xffff  }
0x373: {  	v53 =	vld.idx.msk [tilespmem:v30+s17+$0x0], $0xffff  }
0x374: {  	v50 =	vor.u32 v5, v10;
	v36 =	vadd.f32 v60, v36;
	v60 =	vld.idx.msk [tilespmem:v61+s12+$0x0], $0xffff  }
0x375: {  	[tilespmem:$0x1F590] =	vst v45;
	v45 =	vmul.f32 v44, v23;
	v61 =	vld [tilespmem:$0x1F350];
	v34 =	vadd.f32 v55, v34  }
0x376: {  	v5 =	vor.u32 v5, v8;
	v55 =	vld [tilespmem:$0x1F340]  }
0x377: {  	v25 =	vmul.f32 v25, v40;
	v40 =	vadd.f32 v45, v34;
	v34 =	vld.idx.msk [tilespmem:v22+s12+$0x0], $0xffff  }
0x378: {  	v30 =	vadd.s32 v0, v58;
	v45 =	vld [tilespmem:$0x1F380]  }
0x379: {  	v62 =	vmul.f32 v51, v23;
	v51 =	vld.idx.msk [tilespmem:v50+s12+$0x0], $0xffff  }
0x37a: {  	v28 =	vadd.f32 $0.0e+00, v28;
	[tilespmem:$0x1F5D0] =	vst v4;
	v4 =	vld [tilespmem:$0x1F360]  }
0x37b: {  	v15 =	vadd.f32 $0.0e+00, v15;
	v36 =	vadd.f32 v62, v36;
	v62 =	vld.idx.msk [tilespmem:v5+s12+$0x0], $0xffff  }
0x37c: {  	v32 =	vor.u32 v0, v7;
	v44 =	vadd.f32 v25, v28;
	v28 =	vmul.f32 v40, v54;
	v54 =	vld [tilespmem:$0x1F390]  }
0x37d: {  	v22 =	vor.u32 v0, v6;
	v39 =	vld.idx.msk [tilespmem:v30+s3+$0x0], $0xffff;
	v30 =	vor.u32 v0, v8;
	v40 =	vadd.f32 v18, v15  }
0x37e: {  	v18 =	vor.u32 v0, v9;
	v15 =	vmul.f32 v36, v55;
	v36 =	vor.u32 v0, v10;
	v0 =	vld [tilespmem:$0x1FC50]  }
0x37f: {  	v55 =	vld [tilespmem:$0x1F3A0];
	v5 =	vmul.f32 v4, v17  }
0x380: {  	[tilespmem:$0x1F5B0] =	vst v62;
	v62 =	vld [tilespmem:$0x1F3B0]  }
0x381: {  	[tilespmem:$0x1F580] =	vst v38;
	v38 =	vadd.f32 v15, v12;
	v12 =	vadd.f32 v5, v54;
	v5 =	vld [tilespmem:$0x1F3C0]  }
0x382: {  	[tilespmem:$0x1F5A0] =	vst v53;
	v25 =	vld.idx.msk [tilespmem:v22+s17+$0x0], $0xffff  }
0x383: {  	v13 =	vadd.f32 v28, v13;
	v28 =	vmul.f32 v61, v17;
	v53 =	vld.idx.msk [tilespmem:v18+s12+$0x0], $0xffff;
	v22 =	vadd.s32 v0, v58  }
0x384: {  	v61 =	vmul.f32 v55, v19;
	v55 =	vld.idx.msk [tilespmem:v32+s12+$0x0], $0xffff  }
0x385: {  	v50 =	vmul.f32 v45, v19;
	v28 =	vadd.f32 v28, v43;
	v43 =	vld.idx.msk [tilespmem:v36+s12+$0x0], $0xffff  }
0x386: {  	v12 =	vadd.f32 v61, v12;
	v4 =	vmul.f32 v62, v20;
	v62 =	vld [tilespmem:$0x1F3E0];
	v14 =	vmul.f32 v5, v20  }
0x387: {  	v32 =	vor.u32 v0, v6;
	v5 =	vld.idx.msk [tilespmem:v30+s12+$0x0], $0xffff  }
0x388: {  	v28 =	vadd.f32 v50, v28;
	v18 =	vor.u32 v0, v7;
	v30 =	vadd.f32 v14, v12;
	v12 =	vld.idx.msk [tilespmem:v22+s3+$0x0], $0xffff  }
0x389: {  	v36 =	vor.u32 v0, v9;
	v50 =	vor.u32 v0, v10;
	v22 =	vor.u32 v0, v8;
	v0 =	vld [tilespmem:$0x1FC60]  }
0x38a: {  	v54 =	vld [tilespmem:$0x1F3D0]  }
0x38b: {  	v57 =	vld.idx.msk [tilespmem:v2+s12+$0x0], $0xffff  }
0x38c: {  	v14 =	vld [tilespmem:$0x1F3F0]  }
0x38d: {  	v3 =	vmul.f32 v3, v17;
	[tilespmem:$0x1F5E0] =	vst v39;
	v39 =	vld.idx.msk [tilespmem:v32+s17+$0x0], $0xffff  }
0x38e: {  	v28 =	vadd.f32 v4, v28;
	v4 =	vmul.f32 v62, v23;
	v62 =	vld [tilespmem:$0x1F400];
	v32 =	vadd.s32 v0, v58  }
0x38f: {  	v61 =	vmul.f32 v54, v23;
	[tilespmem:$0x1F630] =	vst v12;
	v12 =	vld [tilespmem:$0x1F410]  }
0x390: {  	v52 =	vmul.f32 v52, v19;
	v56 =	vadd.f32 v3, v56;
	v2 =	vld [tilespmem:$0x1FC70]  }
0x391: {  	v50 =	vld.idx.msk [tilespmem:v50+s12+$0x0], $0xffff;
	v54 =	vadd.f32 v61, v28;
	v28 =	vmul.f32 v14, v17  }
0x392: {  	v52 =	vadd.f32 v52, v56;
	v56 =	vld [tilespmem:$0x1F430]  }
0x393: {  	v45 =	vadd.f32 v4, v30;
	v4 =	vadd.f32 v28, v62;
	v62 =	vor.u32 v0, v7;
	v32 =	vld.idx.msk [tilespmem:v32+s3+$0x0], $0xffff  }
0x394: {  	[tilespmem:$0x1F4D0] =	vst v1;
	v14 =	vmul.f32 v12, v19  }
0x395: {  	v61 =	vld.idx.msk [tilespmem:v18+s12+$0x0], $0xffff;
	[tilespmem:$0x1F600] =	vst v39  }
0x396: {  	v1 =	vadd.s32 v2, v58;
	[tilespmem:$0x1F610] =	vst v50;
	v39 =	vadd.f32 v14, v4;
	v4 =	vld [tilespmem:$0x1F420]  }
0x397: {  	v18 =	vor.u32 v0, v6;
	v50 =	vor.u32 v0, v9;
	v14 =	vld.idx.msk [tilespmem:v22+s12+$0x0], $0xffff;
	v22 =	vor.u32 v0, v10  }
0x398: {  	[tilespmem:$0x1F640] =	vst v32;
	v32 =	vor.u32 v0, v8;
	v0 =	vmul.f32 v56, v23;
	v56 =	vld.idx.msk [tilespmem:v62+s12+$0x0], $0xffff  }
0x399: {  	v62 =	vld [tilespmem:$0x1F440];
	_ =	sdelay $0x3  }
0x39a: {  	v46 =	vmul.f32 v46, v20;
	v1 =	vld.idx.msk [tilespmem:v1+s3+$0x0], $0xffff;
	v12 =	vmul.f32 v4, v20  }
0x39b: {  	v54 =	vmul.f32 v54, v62;
	v62 =	vld [tilespmem:$0x1F470]  }
0x39c: {  	v46 =	vadd.f32 v46, v52;
	v42 =	vmul.f32 v42, v23;
	[tilespmem:$0x1F5F0] =	vst v61;
	v61 =	vadd.f32 v12, v39;
	v12 =	vld [tilespmem:$0x1F450]  }
0x39d: {  	v28 =	vld.idx.msk [tilespmem:v50+s12+$0x0], $0xffff  }
0x39e: {  	v42 =	vadd.f32 v42, v46;
	v44 =	vadd.f32 v54, v44;
	v54 =	vld [tilespmem:$0x1F460]  }
0x39f: {  	v46 =	vld.idx.msk [tilespmem:v32+s12+$0x0], $0xffff  }
0x3a0: {  	v52 =	vor.u32 v2, v6;
	[tilespmem:$0x1F650] =	vst v1;
	v1 =	vor.u32 v2, v8;
	v4 =	vmul.f32 v42, v62;
	v42 =	vld [tilespmem:$0x1F480]  }
0x3a1: {  	[tilespmem:$0x1F620] =	vst v14;
	v0 =	vadd.f32 v0, v61;
	v14 =	vmul.f32 v45, v12;
	v45 =	vld.idx.msk [tilespmem:v22+s12+$0x0], $0xffff  }
0x3a2: {  	v50 =	vor.u32 v2, v7;
	v32 =	vor.u32 v2, v10;
	v22 =	vor.u32 v2, v9;
	v2 =	vld [tilespmem:$0x1FC80]  }
0x3a3: {  	v62 =	vld [tilespmem:$0x1F4A0];
	v0 =	vmul.f32 v0, v54;
	_ =	sdelay $0x1  }
0x3a4: {  	v13 =	vadd.f32 v0, v13;
	v0 =	vmul.f32 v42, v17;
	v42 =	vld.idx.msk [tilespmem:v52+s17+$0x0], $0xffff  }
0x3a5: {  	v52 =	vld [tilespmem:$0x1F490]  }
0x3a6: {  	v61 =	vadd.s32 v2, v58  }
0x3a7: {  	v12 =	vmul.f32 v62, v19;
	v62 =	vld [tilespmem:$0x1F4C0];
	_ =	sdelay $0x1  }
0x3a8: {  	v15 =	vadd.f32 v4, v38;
	v4 =	vld [tilespmem:$0x1F4D0]  }
0x3a9: {  	v0 =	vadd.f32 v0, v52;
	v52 =	vld [tilespmem:$0x1F4B0]  }
0x3aa: {  	v14 =	vadd.f32 v14, v40;
	v61 =	vld.idx.msk [tilespmem:v61+s3+$0x0], $0xffff  }
0x3ab: {  	v3 =	vld [tilespmem:$0x1F4F0];
	v40 =	vor.u32 v2, v6;
	v0 =	vadd.f32 v12, v0;
	v12 =	vmul.f32 v62, v20  }
0x3ac: {  	v11 =	vmul.f32 v11, v17;
	v54 =	vld.idx.msk [tilespmem:v50+s12+$0x0], $0xffff  }
0x3ad: {  	v0 =	vadd.f32 v12, v0;
	v12 =	vmul.f32 v4, v23;
	v4 =	vld [tilespmem:$0x1FC90]  }
0x3ae: {  	v16 =	vmul.f32 v16, v19;
	v38 =	vld.idx.msk [tilespmem:v1+s12+$0x0], $0xffff;
	v11 =	vadd.f32 v11, v52  }
0x3af: {  	v50 =	vld.idx.msk [tilespmem:v22+s12+$0x0], $0xffff;
	[tilespmem:$0x1F660] =	vst v61  }
0x3b0: {  	v61 =	vld.idx.msk [tilespmem:v40+s17+$0x0], $0xffff;
	v11 =	vadd.f32 v16, v11;
	v16 =	vmul.f32 v47, v20;
	v47 =	vor.u32 v2, v8  }
0x3b1: {  	v22 =	vor.u32 v2, v7;
	v40 =	vld [tilespmem:$0x1F4E0]  }
0x3b2: {  	v1 =	vor.u32 v2, v10;
	v52 =	vld.idx.msk [tilespmem:v32+s12+$0x0], $0xffff;
	v32 =	vor.u32 v2, v9;
	v2 =	vadd.s32 v4, v58  }
0x3b3: {  	v39 =	vld.idx.msk [tilespmem:v18+s17+$0x0], $0xffff  }
0x3b4: {  	v31 =	vmul.f32 v31, v17;
	v18 =	vld [tilespmem:$0x1F520]  }
0x3b5: {  	v30 =	vld.idx.msk [tilespmem:v47+s12+$0x0], $0xffff  }
0x3b6: {  	v47 =	vadd.f32 v31, v49;
	v49 =	vld [tilespmem:$0x1F500]  }
0x3b7: {  	v11 =	vadd.f32 v16, v11;
	v16 =	vmul.f32 v40, v23;
	v2 =	vld.idx.msk [tilespmem:v2+s3+$0x0], $0xffff  }
0x3b8: {  	v12 =	vadd.f32 v12, v0;
	v40 =	vld.idx.msk [tilespmem:v22+s12+$0x0], $0xffff  }
0x3b9: {  	v0 =	vmul.f32 v37, v17;
	v22 =	vor.u32 v4, v6;
	v16 =	vadd.f32 v16, v11;
	v11 =	vld [tilespmem:$0x1FCA0]  }
0x3ba: {  	v37 =	vld.idx.msk [tilespmem:v1+s12+$0x0], $0xffff  }
0x3bb: {  	v0 =	vadd.f32 v0, v3;
	v1 =	vor.u32 v4, v9;
	v3 =	vor.u32 v4, v10;
	v62 =	vld.idx.msk [tilespmem:v32+s12+$0x0], $0xffff  }
0x3bc: {  	v32 =	vor.u32 v4, v7;
	[tilespmem:$0x1F690] =	vst v2;
	v2 =	vor.u32 v4, v8;
	v4 =	vmul.f32 v49, v20;
	v49 =	vld [tilespmem:$0x1F510]  }
0x3bd: {  	v48 =	vmul.f32 v48, v19;
	v12 =	vmul.f32 v12, v18;
	v18 =	vld [tilespmem:$0x1F530]  }
0x3be: {  	v31 =	vld.idx.msk [tilespmem:v22+s17+$0x0], $0xffff;
	v22 =	vadd.s32 v11, v58  }
0x3bf: {  	v21 =	vmul.f32 v21, v19;
	v0 =	vadd.f32 v48, v0  }
0x3c0: {  	v29 =	vmul.f32 v29, v20  }
0x3c1: {  	v21 =	vadd.f32 v21, v47;
	v0 =	vadd.f32 v4, v0;
	v49 =	vmul.f32 v49, v23;
	v2 =	vld.idx.msk [tilespmem:v2+s12+$0x0], $0xffff  }
0x3c2: {  	v59 =	vmul.f32 v59, v23;
	v47 =	vld.idx.msk [tilespmem:v1+s12+$0x0], $0xffff  }
0x3c3: {  	v1 =	vadd.f32 v29, v21;
	v0 =	vadd.f32 v49, v0;
	v49 =	vmul.f32 v16, v18;
	v16 =	vld.idx.msk [tilespmem:v22+s3+$0x0], $0xffff  }
0x3c4: {  	v48 =	vld.idx.msk [tilespmem:v32+s12+$0x0], $0xffff  }
0x3c5: {  	v32 =	vor.u32 v11, v6;
	v29 =	vld.idx.msk [tilespmem:v3+s12+$0x0], $0xffff;
	v3 =	vor.u32 v11, v9;
	v1 =	vadd.f32 v59, v1  }
0x3c6: {  	v59 =	vor.u32 v11, v8;
	v4 =	vor.u32 v11, v7;
	[tilespmem:$0x1F670] =	vst v2;
	v2 =	vor.u32 v11, v10;
	v11 =	vld [tilespmem:$0x1F540];
	_ =	sdelay $0x1  }
0x3c7: {  	[tilespmem:$0x1F6A0] =	vst v16;
	v16 =	vld [tilespmem:$0x1FCB0];
	_ =	sdelay $0x2  }
0x3c8: {  	v0 =	vmul.f32 v0, v11;
	v11 =	vld [tilespmem:$0x1F550];
	_ =	sdelay $0x1  }
0x3c9: {  	v12 =	vadd.f32 v12, v44;
	v44 =	vadd.s32 v16, v58;
	_ =	sdelay $0x2  }
0x3ca: {  	v1 =	vmul.f32 v1, v11;
	v11 =	vadd.f32 v0, v13;
	v13 =	vmul.f32 v35, v17;
	v35 =	vld [tilespmem:$0x1F560]  }
0x3cb: {  	v26 =	vld.idx.msk [tilespmem:v24+s12+$0x0], $0xffff  }
0x3cc: {  	v15 =	vadd.f32 v1, v15;
	v1 =	vadd.f32 v13, v41;
	v13 =	vld.idx.msk [tilespmem:v44+s3+$0x0], $0xffff  }
0x3cd: {  	v57 =	vmul.f32 v57, v17;
	v24 =	vld.idx.msk [tilespmem:v32+s17+$0x0], $0xffff  }
0x3ce: {  	v32 =	vld.idx.msk [tilespmem:v4+s12+$0x0], $0xffff  }
0x3cf: {  	v14 =	vadd.f32 v49, v14;
	v49 =	vadd.f32 v57, v35;
	v57 =	vld [tilespmem:$0x1F570]  }
0x3d0: {  	v41 =	vmul.f32 v33, v19;
	v33 =	vld [tilespmem:$0x1F580]  }
0x3d1: {  	v4 =	vor.u32 v16, v6;
	[tilespmem:$0x1F6B0] =	vst v13;
	v13 =	vld [tilespmem:$0x1FCC0];
	_ =	sdelay $0x1  }
0x3d2: {  	v22 =	vld.idx.msk [tilespmem:v3+s12+$0x0], $0xffff  }
0x3d3: {  	v21 =	vld.idx.msk [tilespmem:v2+s12+$0x0], $0xffff;
	v2 =	vor.u32 v16, v8;
	v57 =	vmul.f32 v57, v19  }
0x3d4: {  	v35 =	vld.idx.msk [tilespmem:v59+s12+$0x0], $0xffff  }
0x3d5: {  	v44 =	vadd.f32 v57, v49;
	v49 =	vmul.f32 v33, v20;
	v33 =	vld.idx.msk [tilespmem:v4+s17+$0x0], $0xffff;
	v4 =	vadd.s32 v13, v58  }
0x3d6: {  	v3 =	vor.u32 v16, v7;
	v0 =	vor.u32 v16, v9;
	v59 =	vor.u32 v16, v10;
	v16 =	vld [tilespmem:$0x1F590];
	_ =	sdelay $0x1  }
0x3d7: {  	v27 =	vmul.f32 v27, v20;
	v2 =	vld.idx.msk [tilespmem:v2+s12+$0x0], $0xffff;
	v1 =	vadd.f32 v41, v1;
	_ =	sdelay $0x1  }
0x3d8: {  	v1 =	vadd.f32 v27, v1;
	v4 =	vld.idx.msk [tilespmem:v4+s3+$0x0], $0xffff  }
0x3d9: {  	v27 =	vmul.f32 v26, v23;
	v26 =	vld.idx.msk [tilespmem:v59+s12+$0x0], $0xffff;
	v41 =	vadd.f32 v49, v44;
	v44 =	vmul.f32 v16, v23  }
0x3da: {  	v57 =	vld.idx.msk [tilespmem:v3+s12+$0x0], $0xffff  }
0x3db: {  	[tilespmem:$0x1F680] =	vst v2;
	v27 =	vadd.f32 v27, v1;
	v44 =	vadd.f32 v44, v41;
	v41 =	vld [tilespmem:$0x1F5A0]  }
0x3dc: {  	v1 =	vmul.f32 v55, v17;
	v3 =	vor.u32 v13, v6;
	v59 =	vor.u32 v13, v9;
	v49 =	vld.idx.msk [tilespmem:v0+s12+$0x0], $0xffff  }
0x3dd: {  	v2 =	vor.u32 v13, v10;
	v0 =	vor.u32 v13, v7;
	[tilespmem:$0x1F6C0] =	vst v4;
	v4 =	vor.u32 v13, v8;
	v13 =	vld [tilespmem:$0x1FCD0]  }
0x3de: {  	v34 =	vmul.f32 v34, v17;
	v1 =	vadd.f32 v1, v25;
	v25 =	vmul.f32 v53, v19  }
0x3df: {  	v63 =	vld.idx.msk [tilespmem:v63+s3+$0x0], $0xffff  }
0x3e0: {  	v25 =	vadd.f32 v25, v1;
	v1 =	vld [tilespmem:$0x1FCE0];
	v34 =	vadd.f32 v34, v41;
	v41 =	vmul.f32 v60, v19  }
0x3e1: {  	v55 =	vld.idx.msk [tilespmem:v3+s17+$0x0], $0xffff  }
0x3e2: {  	v51 =	vmul.f32 v51, v20;
	v53 =	vld.idx.msk [tilespmem:v2+s12+$0x0], $0xffff;
	v34 =	vadd.f32 v41, v34;
	v3 =	vadd.s32 v13, v58  }
0x3e3: {  	v60 =	vld.idx.msk [tilespmem:v0+s12+$0x0], $0xffff  }
0x3e4: {  	v34 =	vadd.f32 v51, v34;
	v51 =	vld [tilespmem:$0x1F5B0];
	v0 =	vor.u32 v13, v6  }
0x3e5: {  	v43 =	vmul.f32 v43, v20;
	v41 =	vld.idx.msk [tilespmem:v59+s12+$0x0], $0xffff  }
0x3e6: {  	v54 =	vmul.f32 v54, v17;
	v18 =	vld.idx.msk [tilespmem:v4+s12+$0x0], $0xffff  }
0x3e7: {  	v25 =	vadd.f32 v43, v25;
	v43 =	vmul.f32 v5, v23;
	v59 =	vor.u32 v13, v7;
	v5 =	vld.idx.msk [tilespmem:v3+s3+$0x0], $0xffff  }
0x3e8: {  	v2 =	vor.u32 v13, v9;
	v4 =	vor.u32 v13, v10;
	v3 =	vor.u32 v13, v8;
	v13 =	vld [tilespmem:$0x1F5D0]  }
0x3e9: {  	v44 =	vmul.f32 v44, v63;
	v51 =	vmul.f32 v51, v23;
	v63 =	vld.idx.msk [tilespmem:v0+s17+$0x0], $0xffff;
	v0 =	vadd.s32 v1, v58  }
0x3ea: {  	v50 =	vmul.f32 v50, v19;
	v54 =	vadd.f32 v54, v42  }
0x3eb: {  	v34 =	vadd.f32 v51, v34;
	v51 =	vld [tilespmem:$0x1F5C0]  }
0x3ec: {  	v50 =	vadd.f32 v50, v54;
	v52 =	vmul.f32 v52, v20  }
0x3ed: {  	v44 =	vadd.f32 v44, v12;
	v12 =	vmul.f32 v34, v13;
	v34 =	vld [tilespmem:$0x1F5E0]  }
0x3ee: {  	v38 =	vmul.f32 v38, v23;
	v52 =	vadd.f32 v52, v50;
	v0 =	vld.idx.msk [tilespmem:v0+s3+$0x0], $0xffff  }
0x3ef: {  	v36 =	vld.idx.msk [tilespmem:v36+s12+$0x0], $0xffff  }
0x3f0: {  	v38 =	vadd.f32 v38, v52;
	v52 =	vld [tilespmem:$0x1F640];
	v25 =	vadd.f32 v43, v25;
	v27 =	vmul.f32 v27, v51  }
0x3f1: {  	v43 =	vld.idx.msk [tilespmem:v2+s12+$0x0], $0xffff  }
0x3f2: {  	v27 =	vadd.f32 v27, v14;
	v13 =	vadd.f32 v12, v11;
	v12 =	vld [tilespmem:$0x1F5F0];
	v14 =	vmul.f32 v25, v34  }
0x3f3: {  	v11 =	vld [tilespmem:$0x1FCF0];
	[tilespmem:$0x1F6E0] =	vst v0;
	v0 =	vor.u32 v1, v8  }
0x3f4: {  	v15 =	vadd.f32 v14, v15;
	v14 =	vmul.f32 v56, v17;
	v56 =	vld [tilespmem:$0x1F600]  }
0x3f5: {  	v51 =	vld.idx.msk [tilespmem:v59+s12+$0x0], $0xffff  }
0x3f6: {  	v25 =	vld.idx.msk [tilespmem:v3+s12+$0x0], $0xffff;
	v3 =	vor.u32 v1, v10  }
0x3f7: {  	v59 =	vor.u32 v1, v6;
	v34 =	vld.idx.msk [tilespmem:v4+s12+$0x0], $0xffff;
	v12 =	vmul.f32 v12, v17  }
0x3f8: {  	v28 =	vmul.f32 v28, v19;
	v2 =	vor.u32 v1, v7;
	v4 =	vor.u32 v1, v9;
	v16 =	vld.idx.msk [tilespmem:v0+s12+$0x0], $0xffff  }
0x3f9: {  	[tilespmem:$0x1F6D0] =	vst v5;
	v1 =	vadd.s32 v11, v58;
	v14 =	vadd.f32 v14, v39;
	v5 =	vadd.f32 v12, v56;
	v56 =	vld [tilespmem:$0x1F610]  }
0x3fa: {  	v36 =	vmul.f32 v36, v19;
	v0 =	vld [tilespmem:$0x1FD00]  }
0x3fb: {  	v14 =	vadd.f32 v28, v14;
	v28 =	vmul.f32 v45, v20;
	v45 =	vld.idx.msk [tilespmem:v3+s12+$0x0], $0xffff;
	v3 =	vor.u32 v11, v9  }
0x3fc: {  	v46 =	vmul.f32 v46, v23;
	v12 =	vld.idx.msk [tilespmem:v59+s17+$0x0], $0xffff  }
0x3fd: {  	v59 =	vld.idx.msk [tilespmem:v2+s12+$0x0], $0xffff;
	v28 =	vadd.f32 v28, v14;
	v36 =	vadd.f32 v36, v5;
	v5 =	vor.u32 v11, v10  }
0x3fe: {  	v2 =	vor.u32 v11, v6;
	v14 =	vld.idx.msk [tilespmem:v1+s3+$0x0], $0xffff;
	v1 =	vor.u32 v11, v8;
	v39 =	vmul.f32 v56, v20  }
0x3ff: {  	v56 =	vld.idx.msk [tilespmem:v4+s12+$0x0], $0xffff;
	v4 =	vor.u32 v11, v7;
	v11 =	vadd.f32 v46, v28;
	v28 =	vmul.f32 v40, v17  }
0x400: {  	v42 =	vld.idx.msk [tilespmem:v3+s12+$0x0], $0xffff  }
0x401: {  	v62 =	vmul.f32 v62, v19;
	v36 =	vadd.f32 v39, v36;
	v39 =	vld [tilespmem:$0x1F620];
	v61 =	vadd.f32 v28, v61  }
0x402: {  	v3 =	vor.u32 v0, v7;
	v40 =	vld.idx.msk [tilespmem:v5+s12+$0x0], $0xffff  }
0x403: {  	v54 =	vadd.f32 v62, v61;
	v62 =	vld [tilespmem:$0x1FD10]  }
0x404: {  	v37 =	vmul.f32 v37, v20;
	v46 =	vld.idx.msk [tilespmem:v4+s12+$0x0], $0xffff;
	v4 =	vor.u32 v0, v6  }
0x405: {  	v28 =	vld.idx.msk [tilespmem:v1+s12+$0x0], $0xffff  }
0x406: {  	v30 =	vmul.f32 v30, v23;
	v5 =	vor.u32 v0, v9;
	v37 =	vadd.f32 v37, v54;
	v54 =	vld [tilespmem:$0x1F630]  }
0x407: {  	v61 =	vld.idx.msk [tilespmem:v3+s12+$0x0], $0xffff;
	v39 =	vmul.f32 v39, v23  }
0x408: {  	v30 =	vadd.f32 v30, v37;
	v37 =	vld [tilespmem:$0x1F650]  }
0x409: {  	v39 =	vadd.f32 v39, v36;
	v50 =	vld.idx.msk [tilespmem:v4+s17+$0x0], $0xffff;
	v4 =	vadd.s32 v62, v58  }
0x40a: {  	v36 =	vld.idx.msk [tilespmem:v2+s17+$0x0], $0xffff  }
0x40b: {  	v1 =	vor.u32 v0, v10;
	v39 =	vmul.f32 v39, v54;
	v54 =	vld.idx.msk [tilespmem:v5+s12+$0x0], $0xffff  }
0x40c: {  	v2 =	vor.u32 v0, v8;
	v5 =	vld [tilespmem:$0x1FD20]  }
0x40d: {  	v39 =	vadd.f32 v39, v44;
	v44 =	vld [tilespmem:$0x1F660]  }
0x40e: {  	v11 =	vmul.f32 v11, v52;
	v3 =	vor.u32 v62, v6;
	v4 =	vld.idx.msk [tilespmem:v4+s3+$0x0], $0xffff  }
0x40f: {  	[tilespmem:$0x1F6F0] =	vst v14  }
0x410: {  	v14 =	vadd.s32 v0, v58;
	v27 =	vadd.f32 v11, v27;
	v52 =	vld.idx.msk [tilespmem:v1+s12+$0x0], $0xffff;
	v0 =	vor.u32 v62, v7  }
0x411: {  	v1 =	vor.u32 v62, v9;
	v37 =	vmul.f32 v38, v37;
	v38 =	vld.idx.msk [tilespmem:v2+s12+$0x0], $0xffff;
	v2 =	vor.u32 v62, v10  }
0x412: {  	v11 =	vmul.f32 v30, v44;
	v30 =	vor.u32 v62, v8;
	v62 =	vmul.f32 v48, v17  }
0x413: {  	[tilespmem:$0x1F700] =	vst v4;
	v4 =	vadd.f32 v37, v13;
	v37 =	vld.idx.msk [tilespmem:v3+s17+$0x0], $0xffff;
	v3 =	vadd.s32 v5, v58  }
0x414: {  	v48 =	vmul.f32 v47, v19  }
0x415: {  	v15 =	vadd.f32 v11, v15;
	v11 =	vmul.f32 v32, v17;
	v32 =	vld.idx.msk [tilespmem:v0+s12+$0x0], $0xffff;
	v0 =	vadd.f32 v62, v31;
	_ =	sdelay $0x1  }
0x416: {  	v13 =	vadd.f32 v48, v0;
	v0 =	vld [tilespmem:$0x1FD30]  }
0x417: {  	v44 =	vor.u32 v5, v6;
	v47 =	vld.idx.msk [tilespmem:v3+s3+$0x0], $0xffff  }
0x418: {  	v48 =	vld [tilespmem:$0x1F670]  }
0x419: {  	v31 =	vld.idx.msk [tilespmem:v1+s12+$0x0], $0xffff;
	v1 =	vor.u32 v5, v7  }
0x41a: {  	v62 =	vmul.f32 v22, v19;
	v24 =	vadd.f32 v11, v24  }
0x41b: {  	v29 =	vmul.f32 v29, v20;
	v21 =	vmul.f32 v21, v20;
	v22 =	vld.idx.msk [tilespmem:v2+s12+$0x0], $0xffff;
	v2 =	vor.u32 v5, v9  }
0x41c: {  	v24 =	vadd.f32 v62, v24;
	[tilespmem:$0x1F710] =	vst v47;
	v47 =	vld.idx.msk [tilespmem:v44+s17+$0x0], $0xffff;
	v44 =	vadd.s32 v0, v58  }
0x41d: {  	v11 =	vld.idx.msk [tilespmem:v30+s12+$0x0], $0xffff;
	v30 =	vor.u32 v5, v10;
	v13 =	vadd.f32 v29, v13;
	v29 =	vmul.f32 v48, v23  }
0x41e: {  	v3 =	vor.u32 v5, v8;
	v62 =	vld.idx.msk [tilespmem:v1+s12+$0x0], $0xffff;
	v21 =	vadd.f32 v21, v24;
	v24 =	vmul.f32 v35, v23  }
0x41f: {  	v5 =	vld [tilespmem:$0x1FD60];
	v1 =	vor.u32 v0, v6;
	v13 =	vadd.f32 v29, v13;
	v29 =	vmul.f32 v57, v17  }
0x420: {  	v48 =	vld.idx.msk [tilespmem:v2+s12+$0x0], $0xffff;
	v24 =	vadd.f32 v24, v21;
	v21 =	vmul.f32 v60, v17  }
0x421: {  	v60 =	vmul.f32 v49, v19;
	v33 =	vadd.f32 v29, v33;
	v49 =	vld.idx.msk [tilespmem:v44+s3+$0x0], $0xffff;
	v44 =	vor.u32 v0, v8  }
0x422: {  	v41 =	vmul.f32 v41, v19;
	v35 =	vld.idx.msk [tilespmem:v30+s12+$0x0], $0xffff;
	v55 =	vadd.f32 v21, v55  }
0x423: {  	v26 =	vmul.f32 v26, v20;
	v29 =	vld.idx.msk [tilespmem:v3+s12+$0x0], $0xffff;
	v33 =	vadd.f32 v60, v33  }
0x424: {  	v53 =	vmul.f32 v53, v20;
	v21 =	vld.idx.msk [tilespmem:v1+s17+$0x0], $0xffff;
	v1 =	vadd.f32 v41, v55  }
0x425: {  	v55 =	vadd.f32 v26, v33;
	v33 =	vld [tilespmem:$0x1F680]  }
0x426: {  	v30 =	vor.u32 v0, v9;
	v53 =	vadd.f32 v53, v1;
	v1 =	vld.idx.msk [tilespmem:v44+s12+$0x0], $0xffff  }
0x427: {  	v44 =	vld [tilespmem:$0x1F6A0]  }
0x428: {  	v2 =	vor.u32 v0, v7;
	v57 =	vadd.s32 v5, v58;
	v3 =	vor.u32 v0, v10;
	v0 =	vld [tilespmem:$0x1F690];
	_ =	sdelay $0x2  }
0x429: {  	v60 =	vmul.f32 v33, v23;
	v33 =	vld.idx.msk [tilespmem:v30+s12+$0x0], $0xffff  }
0x42a: {  	v24 =	vmul.f32 v24, v44;
	v44 =	vld [tilespmem:$0x1F6B0]  }
0x42b: {  	v0 =	vmul.f32 v13, v0;
	v13 =	vld.idx.msk [tilespmem:v57+s3+$0x0], $0xffff  }
0x42c: {  	v30 =	vor.u32 v5, v7;
	v57 =	vld [tilespmem:$0x1F6C0]  }
0x42d: {  	v18 =	vmul.f32 v18, v23;
	v55 =	vadd.f32 v60, v55  }
0x42e: {  	v41 =	vld.idx.msk [tilespmem:v2+s12+$0x0], $0xffff;
	v2 =	vor.u32 v5, v6  }
0x42f: {  	v18 =	vadd.f32 v18, v53;
	v0 =	vadd.f32 v0, v39;
	v39 =	vmul.f32 v55, v44;
	v55 =	vld [tilespmem:$0x1FF00]  }
0x430: {  	v26 =	vld.idx.msk [tilespmem:v3+s12+$0x0], $0xffff  }
0x431: {  	v18 =	vmul.f32 v18, v57;
	v57 =	vld.idx.msk [tilespmem:v30+s12+$0x0], $0xffff  }
0x432: {  	v30 =	vld [tilespmem:$0x1FF00]  }
0x433: {  	v3 =	vor.u32 v5, v9;
	v60 =	vor.u32 v5, v10;
	v44 =	vld.idx.msk [tilespmem:v2+s17+$0x0], $0xffff;
	v4 =	vadd.f32 v39, v4  }
0x434: {  	v39 =	vld [tilespmem:$0x1FF00];
	v2 =	vadd.s32 v55, v58;
	v55 =	vadd.f32 v24, v27;
	v27 =	vmul.f32 v51, v17  }
0x435: {  	v53 =	vor.u32 v5, v8;
	v5 =	vld [tilespmem:$0x1FE40];
	v15 =	vadd.f32 v18, v15;
	v18 =	vmul.f32 v59, v17  }
0x436: {  	v27 =	vadd.f32 v27, v63;
	v63 =	vld [tilespmem:$0x1FF00]  }
0x437: {  	v56 =	vmul.f32 v56, v19;
	v18 =	vadd.f32 v18, v12  }
0x438: {  	v59 =	vld.idx.msk [tilespmem:v60+s12+$0x0], $0xffff;
	v60 =	vmul.f32 v43, v19;
	v30 =	vor.u32 v30, v9  }
0x439: {  	v45 =	vmul.f32 v45, v20;
	v18 =	vadd.f32 v56, v18;
	v51 =	vld.idx.msk [tilespmem:v3+s12+$0x0], $0xffff;
	v3 =	vor.u32 v39, v7  }
0x43a: {  	v16 =	vmul.f32 v16, v23;
	v27 =	vadd.f32 v60, v27;
	v60 =	vadd.s32 v5, v58  }
0x43b: {  	v43 =	vld.idx.msk [tilespmem:v53+s12+$0x0], $0xffff;
	v18 =	vadd.f32 v45, v18;
	v39 =	vmul.f32 v34, v20;
	v53 =	vor.u32 v63, v10  }
0x43c: {  	v12 =	vld.idx.msk [tilespmem:v2+s3+$0x0], $0xffff  }
0x43d: {  	v18 =	vadd.f32 v16, v18;
	v16 =	vmul.f32 v61, v17;
	v39 =	vadd.f32 v39, v27;
	v27 =	vld.idx.msk [tilespmem:v30+s12+$0x0], $0xffff  }
0x43e: {  	v2 =	vor.u32 v63, v8;
	v34 =	vld.idx.msk [tilespmem:v3+s12+$0x0], $0xffff;
	v63 =	vmul.f32 v25, v23  }
0x43f: {  	v61 =	vmul.f32 v54, v19;
	v16 =	vadd.f32 v16, v50;
	v30 =	vor.u32 v5, v7;
	v45 =	vld.idx.msk [tilespmem:v60+s3+$0x0], $0xffff  }
0x440: {  	v3 =	vor.u32 v5, v6;
	v56 =	vadd.f32 v63, v39;
	v39 =	vmul.f32 v46, v17;
	v25 =	vld.idx.msk [tilespmem:v53+s12+$0x0], $0xffff  }
0x441: {  	v46 =	vor.u32 v5, v10;
	v60 =	vor.u32 v5, v8;
	v53 =	vor.u32 v5, v9;
	v5 =	vld [tilespmem:$0x1FE50]  }
0x442: {  	v16 =	vadd.f32 v61, v16;
	v61 =	vld [tilespmem:$0x1F6D0];
	_ =	sdelay $0x2  }
0x443: {  	v63 =	vmul.f32 v42, v19;
	v36 =	vadd.f32 v39, v36  }
0x444: {  	v54 =	vld.idx.msk [tilespmem:v30+s12+$0x0], $0xffff;
	v30 =	vor.u32 v5, v6  }
0x445: {  	v14 =	vld.idx.msk [tilespmem:v14+s3+$0x0], $0xffff;
	v56 =	vmul.f32 v56, v61;
	v36 =	vadd.f32 v63, v36;
	v63 =	vmul.f32 v40, v20  }
0x446: {  	v42 =	vld.idx.msk [tilespmem:v3+s17+$0x0], $0xffff  }
0x447: {  	v28 =	vmul.f32 v28, v23;
	v0 =	vadd.f32 v56, v0;
	v56 =	vld [tilespmem:$0x1F6F0];
	v36 =	vadd.f32 v63, v36  }
0x448: {  	v39 =	vld.idx.msk [tilespmem:v60+s12+$0x0], $0xffff  }
0x449: {  	v3 =	vadd.s32 v5, v58;
	v28 =	vadd.f32 v28, v36;
	v36 =	vld.idx.msk [tilespmem:v30+s17+$0x0], $0xffff  }
0x44a: {  	v30 =	vld [tilespmem:$0x1FFA0]  }
0x44b: {  	v40 =	vld.idx.msk [tilespmem:v53+s12+$0x0], $0xffff;
	v53 =	vor.u32 v5, v7  }
0x44c: {  	v50 =	vmul.f32 v52, v20;
	v63 =	vld [tilespmem:$0x1F6E0]  }
0x44d: {  	v28 =	vmul.f32 v28, v56;
	v56 =	vld [tilespmem:$0x1FFA0]  }
0x44e: {  	v38 =	vmul.f32 v38, v23;
	v50 =	vadd.f32 v50, v16;
	v16 =	vld.idx.msk [tilespmem:v3+s3+$0x0], $0xffff;
	v3 =	vor.u32 v5, v8  }
0x44f: {  	v52 =	vor.u32 v5, v9;
	v60 =	vor.u32 v5, v10;
	v5 =	vld [tilespmem:$0x1FFA0];
	v61 =	vadd.s32 v30, v58  }
0x450: {  	v30 =	vadd.f32 v38, v50;
	v38 =	vld.idx.msk [tilespmem:v53+s12+$0x0], $0xffff  }
0x451: {  	v53 =	vld [tilespmem:$0x1FFA0]  }
0x452: {  	v18 =	vmul.f32 v18, v63;
	v63 =	vld [tilespmem:$0x1FFA0]  }
0x453: {  	v4 =	vadd.f32 v28, v4;
	v28 =	vld.idx.msk [tilespmem:v3+s12+$0x0], $0xffff  }
0x454: {  	v14 =	vmul.f32 v30, v14;
	v3 =	vld.idx.msk [tilespmem:v61+s3+$0x0], $0xffff  }
0x455: {  	v18 =	vadd.f32 v18, v55;
	v55 =	vor.u32 v5, v9;
	v61 =	vld [tilespmem:$0x1FFA0]  }
0x456: {  	v5 =	vadd.f32 v14, v15;
	v14 =	vmul.f32 v62, v17;
	v62 =	vld [tilespmem:$0x1FFB0];
	v50 =	vor.u32 v53, v6  }
0x457: {  	v56 =	vor.u32 v56, v10  }
0x458: {  	v24 =	vld [tilespmem:$0x1FF00];
	v53 =	vor.u32 v63, v7  }
0x459: {  	v32 =	vmul.f32 v32, v17;
	v30 =	vld.idx.msk [tilespmem:v60+s12+$0x0], $0xffff  }
0x45a: {  	v60 =	vmul.f32 v48, v19;
	v63 =	vld [tilespmem:$0x1FE60];
	v14 =	vadd.f32 v14, v47;
	v15 =	vor.u32 v61, v8  }
0x45b: {  	v31 =	vmul.f32 v31, v19;
	v32 =	vadd.f32 v32, v37;
	v37 =	vld.idx.msk [tilespmem:v50+s17+$0x0], $0xffff;
	v50 =	vadd.s32 v62, v58  }
0x45c: {  	v35 =	vmul.f32 v35, v20;
	v47 =	vld.idx.msk [tilespmem:v56+s12+$0x0], $0xffff;
	v14 =	vadd.f32 v60, v14;
	v56 =	vor.u32 v62, v9  }
0x45d: {  	v22 =	vmul.f32 v22, v20;
	v31 =	vadd.f32 v31, v32;
	v48 =	vld.idx.msk [tilespmem:v53+s12+$0x0], $0xffff;
	v53 =	vor.u32 v62, v6  }
0x45e: {  	v41 =	vmul.f32 v41, v17;
	v32 =	vld.idx.msk [tilespmem:v55+s12+$0x0], $0xffff;
	v14 =	vadd.f32 v35, v14;
	v35 =	vor.u32 v62, v8  }
0x45f: {  	v22 =	vadd.f32 v22, v31;
	v31 =	vmul.f32 v11, v23;
	v60 =	vld.idx.msk [tilespmem:v15+s12+$0x0], $0xffff;
	v15 =	vor.u32 v62, v10  }
0x460: {  	v21 =	vadd.f32 v41, v21;
	v33 =	vmul.f32 v33, v19;
	v11 =	vld.idx.msk [tilespmem:v50+s3+$0x0], $0xffff;
	v50 =	vadd.s32 v63, v58  }
0x461: {  	v31 =	vadd.f32 v31, v22;
	v29 =	vmul.f32 v29, v23;
	v61 =	vmul.f32 v57, v17;
	v41 =	vld.idx.msk [tilespmem:v56+s12+$0x0], $0xffff  }
0x462: {  	v33 =	vadd.f32 v33, v21;
	v55 =	vor.u32 v62, v7;
	v22 =	vld.idx.msk [tilespmem:v53+s17+$0x0], $0xffff;
	v62 =	vor.u32 v63, v6  }
0x463: {  	v51 =	vmul.f32 v51, v19;
	v53 =	vadd.f32 v29, v14;
	v14 =	vadd.f32 v61, v44;
	v21 =	vld.idx.msk [tilespmem:v35+s12+$0x0], $0xffff  }
0x464: {  	v24 =	vor.u32 v24, v6;
	v29 =	vld.idx.msk [tilespmem:v15+s12+$0x0], $0xffff  }
0x465: {  	v26 =	vmul.f32 v26, v20;
	v56 =	vor.u32 v63, v7;
	v44 =	vadd.f32 v51, v14;
	v14 =	vld.idx.msk [tilespmem:v50+s3+$0x0], $0xffff  }
0x466: {  	v35 =	vor.u32 v63, v10;
	v15 =	vor.u32 v63, v9;
	v50 =	vor.u32 v63, v8;
	v63 =	vld [tilespmem:$0x1FE70]  }
0x467: {  	v26 =	vadd.f32 v26, v33;
	v33 =	vld.idx.msk [tilespmem:v62+s17+$0x0], $0xffff  }
0x468: {  	v62 =	vld [tilespmem:$0x1F700]  }
0x469: {  	v1 =	vmul.f32 v1, v23;
	v24 =	vld.idx.msk [tilespmem:v24+s17+$0x0], $0xffff  }
0x46a: {  	v2 =	vld.idx.msk [tilespmem:v2+s12+$0x0], $0xffff  }
0x46b: {  	v1 =	vadd.f32 v1, v26;
	v61 =	vor.u32 v63, v6;
	v26 =	vld.idx.msk [tilespmem:v15+s12+$0x0], $0xffff  }
0x46c: {  	v51 =	vmul.f32 v59, v20;
	v59 =	vor.u32 v63, v7;
	v15 =	vld [tilespmem:$0x1F710]  }
0x46d: {  	v43 =	vmul.f32 v43, v23;
	v46 =	vld.idx.msk [tilespmem:v46+s12+$0x0], $0xffff;
	v31 =	vmul.f32 v31, v62  }
0x46e: {  	v1 =	vmul.f32 v1, v49;
	v52 =	vld.idx.msk [tilespmem:v52+s12+$0x0], $0xffff;
	v44 =	vadd.f32 v51, v44;
	v57 =	vadd.s32 v63, v58  }
0x46f: {  	v0 =	vadd.f32 v31, v0;
	v31 =	vld.idx.msk [tilespmem:v50+s12+$0x0], $0xffff  }
0x470: {  	v1 =	vadd.f32 v1, v4;
	v4 =	vmul.f32 v34, v17;
	v43 =	vadd.f32 v43, v44;
	v34 =	vld.idx.msk [tilespmem:v61+s17+$0x0], $0xffff  }
0x471: {  	v15 =	vmul.f32 v53, v15;
	v61 =	vmul.f32 v54, v17;
	v54 =	vld.idx.msk [tilespmem:v59+s12+$0x0], $0xffff  }
0x472: {  	v13 =	vmul.f32 v43, v13;
	v59 =	vld [tilespmem:$0x1FFD0]  }
0x473: {  	v40 =	vmul.f32 v40, v19;
	v50 =	vadd.f32 v15, v18;
	v15 =	vld.idx.msk [tilespmem:v57+s3+$0x0], $0xffff  }
0x474: {  	v44 =	vor.u32 v63, v9;
	v53 =	vadd.f32 v13, v5;
	v57 =	vld [tilespmem:$0x1FFC0];
	v13 =	vadd.f32 v61, v42  }
0x475: {  	v49 =	vor.u32 v63, v10;
	v18 =	vor.u32 v63, v8;
	v63 =	vld [tilespmem:$0x1FFC0]  }
0x476: {  	v55 =	vld.idx.msk [tilespmem:v55+s12+$0x0], $0xffff;
	v61 =	vmul.f32 v46, v20;
	v13 =	vadd.f32 v40, v13  }
0x477: {  	v51 =	vld.idx.msk [tilespmem:v56+s12+$0x0], $0xffff;
	v46 =	vadd.s32 v59, v58  }
0x478: {  	v35 =	vld.idx.msk [tilespmem:v35+s12+$0x0], $0xffff;
	v13 =	vadd.f32 v61, v13;
	v61 =	vmul.f32 v52, v19;
	v52 =	vor.u32 v59, v10  }
0x479: {  	v4 =	vadd.f32 v4, v24;
	v24 =	vmul.f32 v27, v19;
	v27 =	vld.idx.msk [tilespmem:v44+s12+$0x0], $0xffff;
	v43 =	vadd.s32 v57, v58  }
0x47a: {  	v39 =	vmul.f32 v39, v23;
	v42 =	vld.idx.msk [tilespmem:v49+s12+$0x0], $0xffff;
	v56 =	vor.u32 v63, v6  }
0x47b: {  	v4 =	vadd.f32 v24, v4;
	v24 =	vmul.f32 v25, v20;
	v62 =	vor.u32 v63, v7;
	v25 =	vld.idx.msk [tilespmem:v18+s12+$0x0], $0xffff  }
0x47c: {  	v49 =	vor.u32 v63, v9;
	v39 =	vadd.f32 v39, v13;
	v13 =	vld.idx.msk [tilespmem:v46+s3+$0x0], $0xffff  }
0x47d: {  	v57 =	vor.u32 v63, v10;
	v52 =	vld.idx.msk [tilespmem:v52+s12+$0x0], $0xffff  }
0x47e: {  	v44 =	vor.u32 v59, v6;
	v18 =	vld.idx.msk [tilespmem:v43+s3+$0x0], $0xffff  }
0x47f: {  	v4 =	vadd.f32 v24, v4;
	v24 =	vld.idx.msk [tilespmem:v56+s17+$0x0], $0xffff  }
0x480: {  	v40 =	vld.idx.msk [tilespmem:v62+s12+$0x0], $0xffff  }
0x481: {  	v2 =	vmul.f32 v2, v23;
	v62 =	vmul.f32 v38, v17;
	v38 =	vld.idx.msk [tilespmem:v49+s12+$0x0], $0xffff  }
0x482: {  	v43 =	vor.u32 v63, v8;
	v63 =	vmul.f32 v48, v17;
	v48 =	vld.idx.msk [tilespmem:v57+s12+$0x0], $0xffff  }
0x483: {  	v2 =	vadd.f32 v2, v4;
	v49 =	vor.u32 v59, v7;
	v4 =	vadd.f32 v62, v36;
	v36 =	vld.idx.msk [tilespmem:v44+s17+$0x0], $0xffff  }
0x484: {  	v32 =	vmul.f32 v32, v19;
	v56 =	vor.u32 v59, v9;
	v37 =	vadd.f32 v63, v37;
	v62 =	vld [tilespmem:$0x1FFE0]  }
0x485: {  	v4 =	vadd.f32 v61, v4;
	v61 =	vld [tilespmem:$0x1FFE0]  }
0x486: {  	v46 =	vor.u32 v59, v8;
	v32 =	vadd.f32 v32, v37;
	v37 =	vmul.f32 v60, v23;
	v60 =	vld [tilespmem:$0x1FFE0]  }
0x487: {  	v30 =	vmul.f32 v30, v20;
	v43 =	vld.idx.msk [tilespmem:v43+s12+$0x0], $0xffff  }
0x488: {  	v63 =	vmul.f32 v47, v20;
	v47 =	vld.idx.msk [tilespmem:v49+s12+$0x0], $0xffff  }
0x489: {  	v28 =	vmul.f32 v28, v23;
	v4 =	vadd.f32 v30, v4;
	v30 =	vld.idx.msk [tilespmem:v56+s12+$0x0], $0xffff;
	v44 =	vadd.s32 v62, v58  }
0x48a: {  	v32 =	vadd.f32 v63, v32;
	v62 =	vld [tilespmem:$0x1FFE0]  }
0x48b: {  	v4 =	vadd.f32 v28, v4;
	v28 =	vld.idx.msk [tilespmem:v46+s12+$0x0], $0xffff  }
0x48c: {  	v32 =	vadd.f32 v37, v32;
	v49 =	vor.u32 v61, v6;
	v63 =	vor.u32 v60, v9;
	v61 =	vld [tilespmem:$0x1FFF0]  }
0x48d: {  	v46 =	vor.u32 v60, v10;
	v37 =	vor.u32 v60, v8;
	v60 =	vmul.f32 v4, v16;
	v16 =	vld [tilespmem:$0x1FFF0]  }
0x48e: {  	v2 =	vmul.f32 v2, v12;
	v3 =	vmul.f32 v32, v3;
	v12 =	vld.idx.msk [tilespmem:v44+s3+$0x0], $0xffff  }
0x48f: {  	v56 =	vor.u32 v62, v7;
	v62 =	vmul.f32 v55, v17;
	v55 =	vld [tilespmem:$0x1FF10]  }
0x490: {  	v3 =	vadd.f32 v3, v53;
	v53 =	vld [tilespmem:$0x1FF30]  }
0x491: {  	v0 =	vadd.f32 v2, v0;
	v4 =	vld.idx.msk [tilespmem:v49+s17+$0x0], $0xffff  }
0x492: {  	v39 =	vmul.f32 v39, v45;
	v2 =	vadd.f32 v60, v1;
	v60 =	vmul.f32 v51, v17;
	v45 =	vld.idx.msk [tilespmem:v63+s12+$0x0], $0xffff  }
0x493: {  	v63 =	vld [tilespmem:$0x1FFF0]  }
0x494: {  	v26 =	vmul.f32 v26, v19;
	v44 =	vor.u32 v61, v6;
	v46 =	vld.idx.msk [tilespmem:v46+s12+$0x0], $0xffff;
	v33 =	vadd.f32 v60, v33  }
0x495: {  	v37 =	vld.idx.msk [tilespmem:v37+s12+$0x0], $0xffff;
	v16 =	vadd.s32 v16, v58  }
0x496: {  	v57 =	vmul.f32 v35, v20;
	v49 =	vld [tilespmem:$0x1F730];
	v26 =	vadd.f32 v26, v33;
	v5 =	vadd.s32 v55, v58  }
0x497: {  	v1 =	vadd.f32 v62, v22;
	v22 =	vmul.f32 v41, v19;
	v32 =	vld.idx.msk [tilespmem:v56+s12+$0x0], $0xffff;
	v60 =	vor.u32 v55, v7  }
0x498: {  	v31 =	vmul.f32 v31, v23;
	v56 =	vld [tilespmem:$0x1FF20];
	v26 =	vadd.f32 v57, v26;
	v59 =	vor.u32 v63, v7  }
0x499: {  	v1 =	vadd.f32 v22, v1;
	v22 =	vmul.f32 v29, v20;
	v61 =	vor.u32 v63, v9;
	v29 =	vld.idx.msk [tilespmem:v44+s17+$0x0], $0xffff  }
0x49a: {  	v62 =	vor.u32 v63, v10;
	v16 =	vld.idx.msk [tilespmem:v16+s3+$0x0], $0xffff;
	v26 =	vadd.f32 v31, v26;
	v31 =	vmul.f32 v40, v17  }
0x49b: {  	v63 =	vor.u32 v63, v8;
	v40 =	vld.idx.msk [tilespmem:v5+s3+$0x0], $0xffff  }
0x49c: {  	v24 =	vadd.f32 v31, v24;
	v31 =	vmul.f32 v38, v19;
	v38 =	vld.idx.msk [tilespmem:v60+s12+$0x0], $0xffff  }
0x49d: {  	v5 =	vor.u32 v55, v8;
	v35 =	vld.idx.msk [tilespmem:v59+s12+$0x0], $0xffff  }
0x49e: {  	v1 =	vadd.f32 v22, v1;
	v59 =	vor.u32 v55, v6;
	v22 =	vld.idx.msk [tilespmem:v61+s12+$0x0], $0xffff  }
0x49f: {  	v21 =	vmul.f32 v21, v23;
	v33 =	vld.idx.msk [tilespmem:v62+s12+$0x0], $0xffff;
	v61 =	vor.u32 v55, v9;
	v62 =	vmul.f32 v54, v17  }
0x4a0: {  	v39 =	vadd.f32 v39, v50;
	v57 =	vadd.s32 v56, v58;
	v50 =	vld.idx.msk [tilespmem:v63+s12+$0x0], $0xffff  }
0x4a1: {  	v27 =	vmul.f32 v27, v19;
	v21 =	vadd.f32 v21, v1;
	v54 =	vld [tilespmem:$0x1F760];
	v1 =	vadd.f32 v62, v34  }
0x4a2: {  	v63 =	vor.u32 v55, v10;
	v44 =	vld.idx.msk [tilespmem:v5+s12+$0x0], $0xffff  }
0x4a3: {  	v60 =	vor.u32 v56, v7;
	v1 =	vadd.f32 v27, v1;
	v27 =	vmul.f32 v42, v20;
	v34 =	vld.idx.msk [tilespmem:v59+s17+$0x0], $0xffff  }
0x4a4: {  	v24 =	vadd.f32 v31, v24;
	v31 =	vmul.f32 v48, v20;
	v59 =	vor.u32 v56, v6;
	v41 =	vld.idx.msk [tilespmem:v61+s12+$0x0], $0xffff  }
0x4a5: {  	v25 =	vmul.f32 v25, v23;
	v61 =	vor.u32 v56, v9;
	v27 =	vadd.f32 v27, v1;
	v1 =	vld.idx.msk [tilespmem:v57+s3+$0x0], $0xffff  }
0x4a6: {  	v62 =	vor.u32 v56, v10;
	v24 =	vadd.f32 v31, v24;
	v31 =	vmul.f32 v43, v23;
	v57 =	vld [tilespmem:$0x1F720]  }
0x4a7: {  	v11 =	vmul.f32 v21, v11;
	v48 =	vld.idx.msk [tilespmem:v63+s12+$0x0], $0xffff;
	v63 =	vor.u32 v56, v8;
	v21 =	vadd.f32 v25, v27  }
0x4a8: {  	v14 =	vmul.f32 v26, v14;
	v26 =	vld.idx.msk [tilespmem:v60+s12+$0x0], $0xffff;
	v24 =	vadd.f32 v31, v24  }
0x4a9: {  	v0 =	vadd.f32 v11, v0;
	v5 =	vor.u32 v49, v6;
	v25 =	vld.idx.msk [tilespmem:v59+s17+$0x0], $0xffff;
	v11 =	vmul.f32 v21, v15  }
0x4aa: {  	v15 =	vld.idx.msk [tilespmem:v61+s12+$0x0], $0xffff;
	v59 =	vmul.f32 v24, v18;
	v61 =	vadd.s32 v53, v58  }
0x4ab: {  	v18 =	vld.idx.msk [tilespmem:v62+s12+$0x0], $0xffff;
	v27 =	vadd.s32 v57, v58;
	v2 =	vadd.f32 v11, v2;
	v11 =	vmul.f32 v47, v17  }
0x4ac: {  	v30 =	vmul.f32 v30, v19;
	v32 =	vmul.f32 v32, v17;
	v42 =	vld.idx.msk [tilespmem:v63+s12+$0x0], $0xffff;
	v31 =	vor.u32 v57, v6  }
0x4ad: {  	v55 =	vmul.f32 v41, v19;
	v41 =	vld [tilespmem:$0x1FF60];
	v21 =	vor.u32 v57, v7;
	v11 =	vadd.f32 v11, v36  }
0x4ae: {  	v4 =	vadd.f32 v32, v4;
	v62 =	vmul.f32 v45, v19;
	v24 =	vor.u32 v57, v9;
	v47 =	vld.idx.msk [tilespmem:v5+s17+$0x0], $0xffff  }
0x4af: {  	v60 =	vor.u32 v57, v10;
	v36 =	vld.idx.msk [tilespmem:v61+s3+$0x0], $0xffff;
	v11 =	vadd.f32 v30, v11;
	v30 =	vmul.f32 v52, v20  }
0x4b0: {  	v39 =	vadd.f32 v14, v39;
	v4 =	vadd.f32 v62, v4;
	v62 =	vadd.s32 v49, v58;
	v14 =	vld.idx.msk [tilespmem:v27+s3+$0x0], $0xffff  }
0x4b1: {  	v28 =	vmul.f32 v28, v23;
	v63 =	vor.u32 v53, v6;
	v31 =	vld.idx.msk [tilespmem:v31+s17+$0x0], $0xffff;
	v11 =	vadd.f32 v30, v11  }
0x4b2: {  	v61 =	vor.u32 v53, v8;
	v21 =	vld.idx.msk [tilespmem:v21+s12+$0x0], $0xffff  }
0x4b3: {  	v24 =	vld.idx.msk [tilespmem:v24+s12+$0x0], $0xffff;
	v11 =	vadd.f32 v28, v11;
	v28 =	vmul.f32 v35, v17  }
0x4b4: {  	v56 =	vor.u32 v53, v7;
	v43 =	vld.idx.msk [tilespmem:v60+s12+$0x0], $0xffff  }
0x4b5: {  	v22 =	vmul.f32 v22, v19;
	v27 =	vor.u32 v57, v8;
	v45 =	vld.idx.msk [tilespmem:v62+s3+$0x0], $0xffff;
	v28 =	vadd.f32 v28, v29  }
0x4b6: {  	v3 =	vadd.f32 v59, v3;
	v59 =	vor.u32 v53, v9;
	v57 =	vmul.f32 v46, v20;
	v35 =	vld.idx.msk [tilespmem:v63+s17+$0x0], $0xffff  }
0x4b7: {  	v30 =	vor.u32 v53, v10;
	v22 =	vadd.f32 v22, v28;
	v28 =	vmul.f32 v33, v20;
	v33 =	vld.idx.msk [tilespmem:v61+s12+$0x0], $0xffff  }
0x4b8: {  	v53 =	vor.u32 v49, v7;
	v63 =	vmul.f32 v38, v17;
	v61 =	vld [tilespmem:$0x1F740]  }
0x4b9: {  	v60 =	vmul.f32 v37, v23;
	v4 =	vadd.f32 v57, v4;
	v38 =	vld.idx.msk [tilespmem:v56+s12+$0x0], $0xffff  }
0x4ba: {  	v56 =	vor.u32 v49, v9;
	v27 =	vld.idx.msk [tilespmem:v27+s12+$0x0], $0xffff;
	v32 =	vadd.f32 v63, v34  }
0x4bb: {  	v57 =	vor.u32 v49, v10;
	v4 =	vadd.f32 v60, v4;
	v60 =	vor.u32 v49, v8;
	v29 =	vld.idx.msk [tilespmem:v59+s12+$0x0], $0xffff  }
0x4bc: {  	v59 =	vmul.f32 v48, v20;
	v63 =	vmul.f32 v44, v23;
	v30 =	vld.idx.msk [tilespmem:v30+s12+$0x0], $0xffff;
	v32 =	vadd.f32 v55, v32  }
0x4bd: {  	v44 =	vld.idx.msk [tilespmem:v53+s12+$0x0], $0xffff;
	v22 =	vadd.f32 v28, v22;
	v28 =	vmul.f32 v50, v23;
	v62 =	vadd.s32 v61, v58  }
0x4be: {  	v32 =	vadd.f32 v59, v32;
	v59 =	vld [tilespmem:$0x1F750];
	v52 =	vor.u32 v61, v6  }
0x4bf: {  	v53 =	vadd.f32 v28, v22;
	v22 =	vld.idx.msk [tilespmem:v56+s12+$0x0], $0xffff;
	v28 =	vor.u32 v61, v7  }
0x4c0: {  	v11 =	vmul.f32 v11, v13;
	v55 =	vadd.f32 v63, v32;
	v32 =	vld.idx.msk [tilespmem:v57+s12+$0x0], $0xffff;
	v56 =	vor.u32 v61, v9  }
0x4c1: {  	v57 =	vor.u32 v61, v10;
	v13 =	vmul.f32 v53, v16;
	v16 =	vld.idx.msk [tilespmem:v60+s12+$0x0], $0xffff  }
0x4c2: {  	v15 =	vmul.f32 v15, v19;
	v24 =	vmul.f32 v24, v19;
	v0 =	vadd.f32 v11, v0;
	v11 =	vld.idx.msk [tilespmem:v62+s3+$0x0], $0xffff  }
0x4c3: {  	v4 =	vmul.f32 v4, v12;
	v60 =	vor.u32 v61, v8;
	v61 =	vmul.f32 v26, v17;
	v26 =	vld.idx.msk [tilespmem:v52+s17+$0x0], $0xffff  }
0x4c4: {  	v63 =	vmul.f32 v21, v17;
	v12 =	vmul.f32 v55, v40;
	v5 =	vor.u32 v59, v7;
	v21 =	vld.idx.msk [tilespmem:v28+s12+$0x0], $0xffff  }
0x4c5: {  	v46 =	vor.u32 v59, v9;
	v2 =	vadd.f32 v13, v2;
	v13 =	vadd.f32 v61, v25;
	v25 =	vld.idx.msk [tilespmem:v56+s12+$0x0], $0xffff  }
0x4c6: {  	v48 =	vor.u32 v59, v10;
	v3 =	vadd.f32 v12, v3;
	v12 =	vadd.f32 v63, v31;
	v31 =	vld.idx.msk [tilespmem:v57+s12+$0x0], $0xffff  }
0x4c7: {  	v50 =	vor.u32 v59, v8;
	v62 =	vadd.s32 v59, v58;
	v28 =	vor.u32 v59, v6;
	v59 =	vld [tilespmem:$0x1FF40]  }
0x4c8: {  	v12 =	vadd.f32 v24, v12;
	v24 =	vmul.f32 v43, v20;
	v43 =	vld [tilespmem:$0x1FF70]  }
0x4c9: {  	v13 =	vadd.f32 v15, v13;
	v15 =	vmul.f32 v18, v20;
	v18 =	vld.idx.msk [tilespmem:v60+s12+$0x0], $0xffff  }
0x4ca: {  	v52 =	vadd.s32 v54, v58;
	v12 =	vadd.f32 v24, v12;
	v24 =	vmul.f32 v27, v23;
	v27 =	vld.idx.msk [tilespmem:v5+s12+$0x0], $0xffff  }
0x4cb: {  	v37 =	vld.idx.msk [tilespmem:v46+s12+$0x0], $0xffff  }
0x4cc: {  	v4 =	vadd.f32 v4, v39;
	v13 =	vadd.f32 v15, v13;
	v15 =	vmul.f32 v42, v23;
	v39 =	vld.idx.msk [tilespmem:v48+s12+$0x0], $0xffff  }
0x4cd: {  	v53 =	vor.u32 v54, v6;
	v40 =	vld.idx.msk [tilespmem:v62+s3+$0x0], $0xffff  }
0x4ce: {  	v55 =	vor.u32 v54, v7;
	v13 =	vadd.f32 v15, v13;
	v15 =	vmul.f32 v38, v17;
	v28 =	vld.idx.msk [tilespmem:v28+s17+$0x0], $0xffff  }
0x4cf: {  	v56 =	vor.u32 v54, v9;
	v12 =	vadd.f32 v24, v12;
	v24 =	vmul.f32 v44, v17;
	v42 =	vld.idx.msk [tilespmem:v52+s3+$0x0], $0xffff  }
0x4d0: {  	v29 =	vmul.f32 v29, v19;
	v57 =	vor.u32 v54, v10;
	v15 =	vadd.f32 v15, v35;
	v35 =	vld.idx.msk [tilespmem:v50+s12+$0x0], $0xffff  }
0x4d1: {  	v22 =	vmul.f32 v22, v19;
	v62 =	vor.u32 v59, v6;
	v24 =	vadd.f32 v24, v47;
	v50 =	vld [tilespmem:$0x1FF50]  }
0x4d2: {  	v15 =	vadd.f32 v29, v15;
	v29 =	vmul.f32 v30, v20;
	v30 =	vld.idx.msk [tilespmem:v53+s17+$0x0], $0xffff  }
0x4d3: {  	v60 =	vor.u32 v54, v8;
	v22 =	vadd.f32 v22, v24;
	v24 =	vmul.f32 v32, v20;
	v32 =	vld.idx.msk [tilespmem:v55+s12+$0x0], $0xffff  }
0x4d4: {  	v61 =	vadd.s32 v59, v58;
	v15 =	vadd.f32 v29, v15;
	v29 =	vmul.f32 v33, v23;
	v33 =	vld.idx.msk [tilespmem:v56+s12+$0x0], $0xffff  }
0x4d5: {  	v63 =	vor.u32 v59, v7;
	v22 =	vadd.f32 v24, v22;
	v24 =	vld.idx.msk [tilespmem:v57+s12+$0x0], $0xffff  }
0x4d6: {  	v48 =	vor.u32 v59, v9;
	v54 =	vld.idx.msk [tilespmem:v62+s17+$0x0], $0xffff  }
0x4d7: {  	v16 =	vmul.f32 v16, v23;
	v57 =	vld [tilespmem:$0x1F770];
	v55 =	vadd.s32 v50, v58  }
0x4d8: {  	v62 =	vor.u32 v50, v7;
	v49 =	vadd.f32 v29, v15;
	v15 =	vld.idx.msk [tilespmem:v60+s12+$0x0], $0xffff  }
0x4d9: {  	v25 =	vmul.f32 v25, v19;
	v1 =	vmul.f32 v13, v1;
	v52 =	vadd.f32 v16, v22;
	v16 =	vld.idx.msk [tilespmem:v61+s3+$0x0], $0xffff  }
0x4da: {  	v12 =	vmul.f32 v12, v14;
	v29 =	vor.u32 v59, v10;
	v22 =	vor.u32 v59, v8;
	v59 =	vld.idx.msk [tilespmem:v63+s12+$0x0], $0xffff  }
0x4db: {  	v0 =	vadd.f32 v1, v0;
	v61 =	vmul.f32 v21, v17;
	v21 =	vld.idx.msk [tilespmem:v48+s12+$0x0], $0xffff;
	v63 =	vmul.f32 v27, v17  }
0x4dc: {  	v4 =	vadd.f32 v12, v4;
	v5 =	vor.u32 v50, v10;
	v60 =	vor.u32 v50, v6;
	v1 =	vld.idx.msk [tilespmem:v55+s3+$0x0], $0xffff  }
0x4dd: {  	v26 =	vadd.f32 v61, v26;
	v12 =	vadd.f32 v63, v28;
	v28 =	vmul.f32 v37, v19;
	v37 =	vld.idx.msk [tilespmem:v62+s12+$0x0], $0xffff  }
0x4de: {  	v18 =	vmul.f32 v18, v23;
	v44 =	vor.u32 v50, v8;
	v62 =	vld [tilespmem:$0x1FF90]  }
0x4df: {  	v46 =	vadd.s32 v57, v58;
	v25 =	vadd.f32 v25, v26;
	v26 =	vmul.f32 v31, v20;
	v27 =	vld.idx.msk [tilespmem:v29+s12+$0x0], $0xffff  }
0x4e0: {  	v47 =	vor.u32 v57, v6;
	v12 =	vadd.f32 v28, v12;
	v28 =	vmul.f32 v39, v20;
	v22 =	vld.idx.msk [tilespmem:v22+s12+$0x0], $0xffff  }
0x4e1: {  	v53 =	vmul.f32 v49, v36;
	v56 =	vmul.f32 v52, v45;
	v31 =	vld.idx.msk [tilespmem:v60+s17+$0x0], $0xffff;
	v25 =	vadd.f32 v26, v25  }
0x4e2: {  	v55 =	vor.u32 v41, v9;
	v12 =	vadd.f32 v28, v12;
	v28 =	vmul.f32 v35, v23;
	v35 =	vld.idx.msk [tilespmem:v5+s12+$0x0], $0xffff  }
0x4e3: {  	v29 =	vor.u32 v50, v9;
	v18 =	vadd.f32 v18, v25;
	v25 =	vmul.f32 v32, v17;
	v32 =	vld.idx.msk [tilespmem:v44+s12+$0x0], $0xffff  }
0x4e4: {  	v61 =	vor.u32 v43, v6;
	v49 =	vor.u32 v57, v10;
	v12 =	vadd.f32 v28, v12;
	v28 =	vld.idx.msk [tilespmem:v46+s3+$0x0], $0xffff  }
0x4e5: {  	v45 =	vor.u32 v43, v10;
	v2 =	vadd.f32 v53, v2;
	v53 =	vor.u32 v41, v6;
	v52 =	vld.idx.msk [tilespmem:v47+s17+$0x0], $0xffff  }
0x4e6: {  	v48 =	vor.u32 v57, v9;
	v14 =	vmul.f32 v59, v17;
	v59 =	vor.u32 v41, v8;
	v44 =	vld [tilespmem:$0x1FF80]  }
0x4e7: {  	v24 =	vmul.f32 v24, v20;
	v63 =	vld.idx.msk [tilespmem:v55+s12+$0x0], $0xffff;
	v25 =	vadd.f32 v25, v30;
	v30 =	vmul.f32 v33, v19  }
0x4e8: {  	v3 =	vadd.f32 v56, v3;
	v13 =	vadd.f32 v14, v54;
	v26 =	vld.idx.msk [tilespmem:v29+s12+$0x0], $0xffff;
	v29 =	vor.u32 v57, v7  }
0x4e9: {  	v54 =	vmul.f32 v21, v19;
	v56 =	vmul.f32 v27, v20;
	v27 =	vld.idx.msk [tilespmem:v49+s12+$0x0], $0xffff;
	v25 =	vadd.f32 v30, v25  }
0x4ea: {  	v50 =	vor.u32 v57, v8;
	v15 =	vmul.f32 v15, v23;
	v60 =	vmul.f32 v22, v23;
	v22 =	vld.idx.msk [tilespmem:v53+s17+$0x0], $0xffff  }
0x4eb: {  	v13 =	vadd.f32 v54, v13;
	v57 =	vor.u32 v41, v10;
	v47 =	vld.idx.msk [tilespmem:v59+s12+$0x0], $0xffff;
	v24 =	vadd.f32 v24, v25  }
0x4ec: {  	v11 =	vmul.f32 v18, v11;
	v30 =	vld.idx.msk [tilespmem:v48+s12+$0x0], $0xffff;
	v49 =	vor.u32 v44, v6;
	v6 =	vor.u32 v62, v6  }
0x4ed: {  	v12 =	vmul.f32 v12, v40;
	v21 =	vld.idx.msk [tilespmem:v29+s12+$0x0], $0xffff;
	v29 =	vor.u32 v41, v7;
	v15 =	vadd.f32 v15, v24  }
0x4ee: {  	v13 =	vadd.f32 v56, v13;
	v0 =	vadd.f32 v11, v0;
	v48 =	vld.idx.msk [tilespmem:v61+s17+$0x0], $0xffff;
	v24 =	vor.u32 v43, v7  }
0x4ef: {  	v53 =	vor.u32 v44, v10;
	v10 =	vor.u32 v62, v10;
	v25 =	vld.idx.msk [tilespmem:v50+s12+$0x0], $0xffff;
	v11 =	vmul.f32 v15, v42  }
0x4f0: {  	v4 =	vadd.f32 v12, v4;
	v15 =	vld.idx.msk [tilespmem:v57+s12+$0x0], $0xffff  }
0x4f1: {  	v13 =	vadd.f32 v60, v13;
	v6 =	vld.idx.msk [tilespmem:v6+s17+$0x0], $0xffff;
	v2 =	vadd.f32 v11, v2;
	v11 =	vmul.f32 v37, v17  }
0x4f2: {  	v14 =	vmul.f32 v63, v19;
	v18 =	vld.idx.msk [tilespmem:v29+s12+$0x0], $0xffff;
	v29 =	vor.u32 v43, v9;
	v50 =	vmul.f32 v21, v17  }
0x4f3: {  	v26 =	vmul.f32 v26, v19;
	v21 =	vld.idx.msk [tilespmem:v24+s12+$0x0], $0xffff;
	v24 =	vor.u32 v44, v7;
	v11 =	vadd.f32 v11, v31  }
0x4f4: {  	v30 =	vmul.f32 v30, v19;
	v10 =	vld.idx.msk [tilespmem:v10+s12+$0x0], $0xffff;
	v7 =	vor.u32 v62, v7;
	v12 =	vadd.f32 v50, v52  }
0x4f5: {  	v31 =	vor.u32 v44, v9;
	v52 =	vld.idx.msk [tilespmem:v45+s12+$0x0], $0xffff;
	v11 =	vadd.f32 v26, v11;
	v26 =	vmul.f32 v35, v20  }
0x4f6: {  	v27 =	vmul.f32 v27, v20;
	v9 =	vor.u32 v62, v9;
	v12 =	vadd.f32 v30, v12;
	v30 =	vld.idx.msk [tilespmem:v49+s17+$0x0], $0xffff  }
0x4f7: {  	v46 =	vmul.f32 v13, v16;
	v29 =	vld.idx.msk [tilespmem:v29+s12+$0x0], $0xffff;
	v11 =	vadd.f32 v26, v11;
	v26 =	vmul.f32 v32, v23  }
0x4f8: {  	v16 =	vor.u32 v43, v8;
	v25 =	vmul.f32 v25, v23;
	v18 =	vmul.f32 v18, v17;
	v24 =	vld.idx.msk [tilespmem:v24+s12+$0x0], $0xffff  }
0x4f9: {  	v12 =	vadd.f32 v27, v12;
	v7 =	vld.idx.msk [tilespmem:v7+s12+$0x0], $0xffff;
	v11 =	vadd.f32 v26, v11;
	v26 =	vor.u32 v44, v8  }
0x4fa: {  	v13 =	vmul.f32 v47, v23;
	v21 =	vmul.f32 v21, v17;
	v27 =	vld.idx.msk [tilespmem:v31+s12+$0x0], $0xffff;
	v8 =	vor.u32 v62, v8  }
0x4fb: {  	v18 =	vadd.f32 v18, v22;
	v22 =	vadd.s32 v41, v58;
	v9 =	vld.idx.msk [tilespmem:v9+s12+$0x0], $0xffff;
	v12 =	vadd.f32 v25, v12  }
0x4fc: {  	v31 =	vld.idx.msk [tilespmem:v53+s12+$0x0], $0xffff;
	v21 =	vadd.f32 v21, v48;
	v25 =	vadd.s32 v43, v58;
	v29 =	vmul.f32 v29, v19  }
0x4fd: {  	v16 =	vld.idx.msk [tilespmem:v16+s12+$0x0], $0xffff;
	v14 =	vadd.f32 v14, v18;
	v18 =	vadd.s32 v44, v58;
	v24 =	vmul.f32 v24, v17  }
0x4fe: {  	v54 =	vmul.f32 v7, v17;
	v21 =	vadd.f32 v29, v21;
	v29 =	vadd.s32 v62, v58;
	v55 =	vld.idx.msk [tilespmem:v26+s12+$0x0], $0xffff  }
0x4ff: {  	v15 =	vmul.f32 v15, v20;
	v24 =	vadd.f32 v24, v30;
	v26 =	vmul.f32 v27, v19;
	v8 =	vld.idx.msk [tilespmem:v8+s12+$0x0], $0xffff  }
0x500: {  	v17 =	vmul.f32 v52, v20;
	v56 =	vmul.f32 v9, v19;
	v9 =	vld.idx.msk [tilespmem:v22+s3+$0x0], $0xffff;
	v5 =	vadd.f32 v54, v6  }
0x501: {  	v14 =	vadd.f32 v15, v14;
	v22 =	vld.idx.msk [tilespmem:v25+s3+$0x0], $0xffff;
	v15 =	vadd.f32 v26, v24;
	v24 =	vmul.f32 v31, v20  }
0x502: {  	v3 =	vadd.f32 v46, v3;
	v57 =	vmul.f32 v10, v20;
	v10 =	vld.idx.msk [tilespmem:v18+s3+$0x0], $0xffff;
	v5 =	vadd.f32 v56, v5  }
0x503: {  	v16 =	vmul.f32 v16, v23;
	v17 =	vadd.f32 v17, v21;
	v15 =	vadd.f32 v24, v15;
	v18 =	vld.idx.msk [tilespmem:v29+s3+$0x0], $0xffff  }
0x504: {  	v5 =	vadd.f32 v57, v5;
	v58 =	vmul.f32 v55, v23;
	v59 =	vmul.f32 v8, v23  }
0x505: {  	v1 =	vmul.f32 v11, v1;
	v11 =	vadd.f32 v16, v17;
	v8 =	vadd.f32 v13, v14  }
0x506: {  	v12 =	vmul.f32 v12, v28;
	v6 =	vadd.f32 v58, v15;
	v5 =	vadd.f32 v59, v5  }
0x507: {  	v0 =	vadd.f32 v1, v0;
	v61 =	vmul.f32 v11, v22;
	v60 =	vmul.f32 v8, v9  }
0x508: {  	v4 =	vadd.f32 v12, v4;
	v6 =	vmul.f32 v6, v10;
	v5 =	vmul.f32 v5, v18  }
0x509: {  	v62 =	vadd.f32 v61, v3;
	v1 =	vadd.f32 v60, v2  }
0x50a: {  	v0 =	vadd.f32 v6, v0;
	v63 =	vadd.f32 v5, v4;
	_ =	sdelay $0x1  }
0x50b: {  	v1 =	vadd.f32 v62, v1;
	v0 =	vadd.f32 v63, v0;
	_ =	sdelay $0x1  }
0x50c: {  	v0 =	vadd.f32 v0, v1;
	_ =	sdelay $0x1  }
0x50d: {  	v0 =	vmul.f32 $-2.000000030e-01, v0;
	_ =	sdelay $0x1  }
0x50e: {  	v0 =	vadd.f32 $0.0e+00, v0;
	_ =	sdelay $0x1  }
0x50f: {  	v0 =	vmul.f32 $1.442695020e+00, v0;
	_ =	sdelay $0x1  }
0x510: {  	(erf) = vpow2.f32 v0;
	_ =	sdelay $0x8  }
0x511: {  	v0 =	vpop (erf)  }
0x512: {  	v0 =	vadd.f32 $1.000000000e+00, v0;
	_ =	sdelay $0x1  }
0x513: {  	(erf) = vrcp.f32 v0;
	_ =	sdelay $0x2  }
0x514: {  	v51 =	vld [tilespmem:$0x1FEF0]  }
0x515: {  	v34 =	vld [tilespmem:$0x1FED0]  }
0x516: {  	p0 =	sne.s32 s25, $0x30;
	v38 =	vld [tilespmem:$0x1FEE0]  }
.Ltmp1:
0x517: {  	v25 =	vld [tilespmem:$0x1FEB0];
	(pc) =	sbr.rel @p0 .LBB2_5-.Ltmp1, $4  }
0x518: {  	v21 =	vld [tilespmem:$0x1FEA0]  }
0x519: {  	v31 =	vld [tilespmem:$0x1FEC0]  }
0x51a: {  	v11 =	vld [tilespmem:$0x1FE80];
	v0 =	vpop (erf)  }
0x51b: {  	s29 =	sadd.s32 $0x10, s29;
	s25 =	sadd.s32 $0x10, s25;
	v16 =	vlaneseq.u32;
	v18 =	vld [tilespmem:$0x1FE90];
	[tilespmem:s31+$0x0] =	vst v0;
	s31 =	sadd.s32 $0x10, s31  }
0x51c: {  	s30 =	sadd.s32 $0x1, s30  }
0x51d: {  	p0 =	sne.s32 s30, $0x18  }
.Ltmp2:
0x51e: {  	_ = 	snop;
	(pc) =	sbr.rel @p0 .LBB2_2-.Ltmp2, $3  }
0x51f: {  	_ =	sdelay $0x1  }
0x520: {  	s1 =	sadd.s32 $0x80, s1  }
0x521: {  	s2 =	sadd.s32 $0x80, s2;
	s26 =	sadd.s32 $0x80, s26;
	s28 =	sadd.s32 $0x80, s28  }
0x522: {  	s24 =	sadd.s32 $0x1, s24  }
0x523: {  	p0 =	sne.s32 s24, s10  }
.Ltmp3:
0x524: {  	_ = 	snop;
	(pc) =	sbr.rel @p0 .LBB2_1-.Ltmp3, $4  }
0x525: {  	[hbm4b:s9+s3] =	stream.linear.scatter [tilespmem:s23], [sflag:$0x5], $0xC00, $0x38;
	[tilespmem:$0x1DE00] =	vst v63  }
0x526: {  	_ =	swait.ge [sflag:s11], $0xC00  }
0x527: {  	[sflag:s11] =	ssyncset.done $0x0  }
0x528: {  	[sflag:s11] =	ssyncadd.s32 $0xFFFFF400  }
0x529: {  	_ =	sfence.sel $0x180000  }
0x52a: {  	[bflag:$0x0] =	sbarrier.arrive $0xFFFF  }
0x52b: {  	_ =	strace $0x90000047  }
0x52c: {  	s0 =	stileid.u32;
	[bflag:$0x2] =	sbarrier.arrive $0xFFFF  }
0x52d: {  	p0 =	sne.s32 s0, $0x0;
	s0 =	rddreg [dreg:$0x4]  }
0x52e: {  	s0 =	sadd.s32 @!p0 $0x100000, s0  }
0x52f: {  	[sflag:s0] =	ssyncadd.tile.s32 @!p0 $0x1;
	_ =	shalt  }
.Lfunc_end2:
_tile_overlayer_lowered:
.L_overlay_start_2:
0x530: {  	(tag) =	ssettag $0x2  }
0x531: {  	s0 =	rddreg [dreg:$0x0];
	s2 =	stileid.u32  }
0x532: {  	s1 =	rddreg [dreg:$0x1];
	p0 =	sne.s32 s2, $0x0  }
0x533: {  	s3 =	rddreg [dreg:$0x2];
	[bflag:$0x3] =	sbarrier.arrive $0xFFFF;
	s2 =	simm.s32 @!p0 $0x1C05  }
0x534: {  	[timem:s3], [sflag:s2] =	dma.local @!p0 [hbm:s0], s1  }
0x535: {  	s0 =	simm.s32 @!p0 $0x5  }
0x536: {  	_ =	swait.ge @!p0 [sflag:s0], s1  }
0x537: {  	s1 =	ssub.s32 @!p0 $0x0, s1;
	[sflag:s0] =	ssyncset.done @!p0 $0x0  }
0x538: {  	[sflag:s0] =	ssyncadd.s32 @!p0 s1  }
0x539: {  	[bflag:$0x3] =	sbarrier.arrive $0xFFFF  }
0x53a: {  	_ =	shalt  }

</sc_bundles>
